<compile_context>
chip_gen: v7x
topology: tpu7x:2x2x1
jax: 0.10.2.dev20260603
libtpu: 0.0.44.dev20260713+nightly
codegen_flags: <defaults>
</compile_context>

<pallas_src>
import jax
import jax.numpy as jnp
from jax import lax
from jax.experimental import pallas as pl
from jax.experimental.pallas import tpu as pltpu
from jax.experimental.pallas import tpu_sc as plsc

_B = 16384
_D = 64
_C = 100000
_CPAD = 100096
_NC = 2
_NS = 16
_NW = _NC * _NS
_RW = _B // _NW
_GROUPS = _RW // 16
_HROWS = (_B // 128) // _NS
_ZCHUNK = _CPAD // _NS
_NPAIR = 57344


def _vsqrt16(x):
    i = plsc.bitcast(x, jnp.int32)
    y = plsc.bitcast(jnp.int32(0x5F3759DF) - (i >> 1), jnp.float32)
    h = 0.5 * x
    for _ in range(4):
        y = y * (1.5 - (h * y) * y)
    return x * y



def _hist_body(label_hbm, num_hbm, lbl_h, ones_v, zeros_v, numh,
               count_s, hsem):
    cid = lax.axis_index("c")
    sid = lax.axis_index("s")

    def _zbody(i, carry):
        zeros_v[pl.ds(i * 16, 16)] = jnp.zeros((16,), jnp.float32)
        return carry
    lax.fori_loop(0, _ZCHUNK // 16, _zbody, 0)
    for j in range(8):
        ones_v[pl.ds(j * 16, 16)] = jnp.ones((16,), jnp.float32)
    pltpu.sync_copy(zeros_v, count_s.at[pl.ds(sid * _ZCHUNK, _ZCHUNK)])
    plsc.subcore_barrier()

    pltpu.sync_copy(label_hbm.at[pl.ds(sid * _HROWS, _HROWS)], lbl_h)
    adds = [pltpu.async_copy(ones_v, count_s.at[lbl_h.at[j]], hsem, add=True)
            for j in range(_HROWS)]
    for cp in adds:
        cp.wait()
    plsc.subcore_barrier()

    base = cid * (_HROWS // 2)
    gets = [pltpu.async_copy(count_s.at[lbl_h.at[base + c]],
                             numh.at[c], hsem)
            for c in range(_HROWS // 2)]
    for cp in gets:
        cp.wait()
    pltpu.sync_copy(
        numh, num_hbm.at[pl.ds(sid * _HROWS + base, _HROWS // 2)])



def _dist_body(feat_hbm, label_hbm, centers_hbm, num_hbm, out_hbm,
               lbl_d, pidx, cent_v, feat_v, num_v,
               acc_v, sums_v, out_v, partials_s, sem):
    cid = lax.axis_index("c")
    sid = lax.axis_index("s")
    wid = sid * _NC + cid

    pltpu.sync_copy(label_hbm.at[pl.ds(wid * 4, 4)], lbl_d)
    for j in range(4):
        for k in range(8):
            v = lbl_d[j, pl.ds(k * 16, 16)]
            pidx[j, pl.ds(k * 16, 16)] = jnp.where(
                v >= _NPAIR, v - _NPAIR, v)

    copies = []
    for c in range(4):
        copies.append(pltpu.async_copy(
            centers_hbm.at[pidx.at[c]],
            cent_v.at[pl.ds(c * 128, 128)], sem))
    for tc in range(4):
        copies.append(pltpu.async_copy(
            feat_hbm.at[:, pl.ds((wid * 4 + tc) * 128, 128)],
            feat_v.at[tc], sem))
    copies.append(pltpu.async_copy(
        num_hbm.at[pl.ds(wid * 4, 4)], num_v, sem))
    for cp in copies:
        cp.wait()

    iota = lax.iota(jnp.int32, 16)

    def _gbody(g, acc):
        lblv = lbl_d[g // 8, pl.ds((g % 8) * 16, 16)]
        par64 = jnp.where(lblv >= _NPAIR, jnp.int32(64), jnp.int32(0))
        rows16 = g * 16 + iota
        d2 = jnp.zeros((16,), jnp.float32)
        for d in range(_D):
            fv = feat_v[g // 8, d, pl.ds((g % 8) * 16, 16)]
            cv = plsc.load_gather(cent_v, [rows16, par64 + d])
            t = fv - cv
            d2 = d2 + t * t
        num16 = num_v[g // 8, pl.ds((g % 8) * 16, 16)]
        return acc + _vsqrt16(d2) / num16

    acc = lax.fori_loop(0, _GROUPS, _gbody, jnp.zeros((16,), jnp.float32))

    acc_v[pl.ds(0, 16)] = acc
    for j in range(1, 8):
        acc_v[pl.ds(j * 16, 16)] = jnp.zeros((16,), jnp.float32)
    pltpu.sync_copy(acc_v, partials_s.at[sid])
    plsc.subcore_barrier()

    @pl.when(sid == 0)
    def _():
        pltpu.sync_copy(partials_s, sums_v)
        tot = jnp.zeros((16,), jnp.float32)
        for i in range(_NS):
            tot = tot + sums_v[i, pl.ds(0, 16)]
        total = jnp.sum(tot)
        for j in range(8):
            out_v[pl.ds(j * 16, 16)] = jnp.full((16,), total, jnp.float32)
        pltpu.sync_copy(out_v, out_hbm.at[cid])



def _pack_body(lo_ref, hi_ref, o_ref):
    eye = jnp.eye(_D, dtype=jnp.float32)
    dn = (((0,), (0,)), ((), ()))
    lo_t = jax.lax.dot_general(lo_ref[...], eye, dn,
                               preferred_element_type=jnp.float32)
    hi_t = jax.lax.dot_general(hi_ref[...], eye, dn,
                               preferred_element_type=jnp.float32)
    o_ref[...] = jnp.concatenate([lo_t, hi_t], axis=1)


def _pack_centers(centers_t):
    return pl.pallas_call(
        _pack_body,
        out_shape=jax.ShapeDtypeStruct((_NPAIR, 128), jnp.float32),
        grid=(_NPAIR // 8192,),
        in_specs=[
            pl.BlockSpec((_D, 8192), lambda k: (0, k)),
            pl.BlockSpec((_D, 8192),
                         lambda k: (0, jnp.minimum(k + _NPAIR // 8192,
                                                   (_C - 1) // 8192))),
        ],
        out_specs=pl.BlockSpec((8192, 128), lambda k: (k, 0)),
    )(centers_t, centers_t)


def _count_gather(label_r):
    mesh = plsc.VectorSubcoreMesh(core_axis_name="c", subcore_axis_name="s")
    f = pl.kernel(
        _hist_body,
        out_type=jax.ShapeDtypeStruct((_B // 128, 128), jnp.float32),
        mesh=mesh,
        scratch_types=[
            pltpu.VMEM((_HROWS, 128), jnp.int32),
            pltpu.VMEM((128,), jnp.float32),
            pltpu.VMEM((_ZCHUNK,), jnp.float32),
            pltpu.VMEM((_HROWS // 2, 128), jnp.float32),
            pltpu.VMEM_SHARED((_CPAD,), jnp.float32),
            pltpu.SemaphoreType.DMA,
        ],
        compiler_params=pltpu.CompilerParams(
            needs_layout_passes=False, use_tc_tiling_on_sc=True),
    )
    return f(label_r)


def _dist_loss(feat_t, label_r, centers_g, num):
    mesh = plsc.VectorSubcoreMesh(core_axis_name="c", subcore_axis_name="s")
    f = pl.kernel(
        _dist_body,
        out_type=jax.ShapeDtypeStruct((_NC, 128), jnp.float32),
        mesh=mesh,
        scratch_types=[
            pltpu.VMEM((4, 128), jnp.int32),
            pltpu.VMEM((4, 128), jnp.int32),
            pltpu.VMEM((_RW, 128), jnp.float32),
            pltpu.VMEM((4, _D, 128), jnp.float32),
            pltpu.VMEM((4, 128), jnp.float32),
            pltpu.VMEM((128,), jnp.float32),
            pltpu.VMEM((_NS, 128), jnp.float32),
            pltpu.VMEM((128,), jnp.float32),
            pltpu.VMEM_SHARED((_NS, 128), jnp.float32),
            pltpu.SemaphoreType.DMA,
        ],
        compiler_params=pltpu.CompilerParams(
            needs_layout_passes=False, use_tc_tiling_on_sc=True),
    )
    return f(feat_t, label_r, centers_g, num)


@jax.jit
def _center_loss(feat, label, centers):
    feat_t = feat.T
    label_r = label.reshape(_B // 128, 128)
    num = _count_gather(label_r)
    centers_g = _pack_centers(centers.T)
    out = _dist_loss(feat_t, label_r, centers_g, num)
    return (out[0, 0] + out[1, 0]) / jnp.float32(_B)


def kernel(feat, label, centers):
    return _center_loss(feat, label, centers)

# --- scband reference (transcript-rebuilt; emitter-appended) ---
"""Pipeline reference for scband-center-loss-81123342287605 (READ-ONLY COPY).

The authoritative reference and input builder live on the scoring server;
editing this copy changes nothing except your own understanding.
"""

import jax, jax.numpy as jnp
import numpy as np

NUM_CLASSES = 100000
FEATURE_DIM = 64
BATCH = 16384


def setup_inputs(seed: int = 0) -> dict:
    key = jax.random.key(seed)
    k1, k2, k3 = jax.random.split(key, 3)
    feat = jax.random.normal(k1, (BATCH, FEATURE_DIM), dtype=jnp.float32)
    label = jax.random.randint(k2, (BATCH,), 0, NUM_CLASSES, dtype=jnp.int64 if jax.config.jax_enable_x64 else jnp.int32).astype(jnp.int32)
    centers = jax.random.normal(k3, (NUM_CLASSES, FEATURE_DIM), dtype=jnp.float32)
    return {"feat": feat, "label": label, "centers": centers}


def reference(feat, label, centers):
    num_classes = centers.shape[0]
    # centers_exp = centers.index_select(0, label)
    centers_exp = jnp.take(centers, label, axis=0)
    # count = torch.histc(label.float(), bins=num_classes, min=0, max=num_classes)
    # with integer labels in [0, num_classes) and unit-width bins this equals bincount
    count = jnp.bincount(label, length=num_classes).astype(jnp.float32)
    # num = count.index_select(0, label)
    num = jnp.take(count, label, axis=0)
    diff = feat - centers_exp
    dist = jnp.sqrt(jnp.sum(diff ** 2, axis=1))
    loss = jnp.sum(dist / num) / label.shape[0]
    return loss

if __name__ == "__main__":
    import jax
    _d = setup_inputs()
    print(jax.jit(kernel)(*tuple(_d.values())))

</pallas_src>

<mosaic_0001>
#map = affine_map<(d0, d1) -> (0, 0)>
module attributes {stable_mosaic.version = 14 : i64} {
  func.func @_hist_body(%arg0: i32, %arg1: i32, %arg2: memref<128x128xi32, #tpu.memory_space<hbm>>, %arg3: memref<128x128xf32, #tpu.memory_space<hbm>>, %arg4: memref<8x128xi32, #tpu.memory_space<vmem>>, %arg5: memref<128xf32, #tpu.memory_space<vmem>>, %arg6: memref<6256xf32, #tpu.memory_space<vmem>>, %arg7: memref<4x128xf32, #tpu.memory_space<vmem>>, %arg8: memref<100096xf32, #tpu.memory_space<vmem_shared>>, %arg9: memref<!tpu.dma_semaphore, #tpu.memory_space<semaphore_mem>>) attributes {dimension_semantics = [#tpu.dimension_semantics<core_parallel>, #tpu.dimension_semantics<subcore_parallel>], iteration_bounds = array<i64: 2, 16>, scalar_prefetch = 0 : i64, scratch_operands = 6 : i64, tpu.core_type = #tpu.core_type<sc_vector_subcore>, window_params = [{transform_indices = #map}, {transform_indices = #map}]} {
    %scan3A = arith.constant 0 : i32
    %scan3A_0 = arith.constant 0 : i32
    %scan3A_1 = arith.constant 391 : i32
    %scan3A_2 = arith.addi %scan3A_0, %scan3A_1 : i32
    %scan3A_3 = arith.constant 1 : i32
    scf.for %scan3A_217 = %scan3A_0 to %scan3A_2 step %scan3A_3  : i32 {
      %broadcast_in_dim3A_218 = arith.constant 0.000000e+00 : f32
      %broadcast_in_dim3A_219 = vector.broadcast %broadcast_in_dim3A_218 : f32 to vector<16xf32>
      %mul3A_220 = arith.constant 16 : i32
      %mul3A_221 = arith.muli %scan3A_217, %mul3A_220 : i32
      %swap3A_222 = arith.index_cast %mul3A_221 : i32 to index
      %swap3A_223 = tpu.vector_load %arg6[%swap3A_222] {strides = array<i32>} : memref<6256xf32, #tpu.memory_space<vmem>>, vector<16xf32>,
      tpu.vector_store %arg6[%swap3A_222], %broadcast_in_dim3A_219 {strides = array<i32>} : memref<6256xf32, #tpu.memory_space<vmem>>, vector<16xf32>,
    }
    %scan3A_4 = arith.constant 391 : i32
    %broadcast_in_dim3A = arith.constant 1.000000e+00 : f32
    %broadcast_in_dim3A_5 = vector.broadcast %broadcast_in_dim3A : f32 to vector<16xf32>
    %swap3A = arith.constant 0 : index
    %swap3A_6 = tpu.vector_load %arg5[%swap3A] {strides = array<i32>} : memref<128xf32, #tpu.memory_space<vmem>>, vector<16xf32>,
    tpu.vector_store %arg5[%swap3A], %broadcast_in_dim3A_5 {strides = array<i32>} : memref<128xf32, #tpu.memory_space<vmem>>, vector<16xf32>,
    %broadcast_in_dim3A_7 = arith.constant 1.000000e+00 : f32
    %broadcast_in_dim3A_8 = vector.broadcast %broadcast_in_dim3A_7 : f32 to vector<16xf32>
    %swap3A_9 = arith.constant 16 : index
    %swap3A_10 = tpu.vector_load %arg5[%swap3A_9] {strides = array<i32>} : memref<128xf32, #tpu.memory_space<vmem>>, vector<16xf32>,
    tpu.vector_store %arg5[%swap3A_9], %broadcast_in_dim3A_8 {strides = array<i32>} : memref<128xf32, #tpu.memory_space<vmem>>, vector<16xf32>,
    %broadcast_in_dim3A_11 = arith.constant 1.000000e+00 : f32
    %broadcast_in_dim3A_12 = vector.broadcast %broadcast_in_dim3A_11 : f32 to vector<16xf32>
    %swap3A_13 = arith.constant 32 : index
    %swap3A_14 = tpu.vector_load %arg5[%swap3A_13] {strides = array<i32>} : memref<128xf32, #tpu.memory_space<vmem>>, vector<16xf32>,
    tpu.vector_store %arg5[%swap3A_13], %broadcast_in_dim3A_12 {strides = array<i32>} : memref<128xf32, #tpu.memory_space<vmem>>, vector<16xf32>,
    %broadcast_in_dim3A_15 = arith.constant 1.000000e+00 : f32
    %broadcast_in_dim3A_16 = vector.broadcast %broadcast_in_dim3A_15 : f32 to vector<16xf32>
    %swap3A_17 = arith.constant 48 : index
    %swap3A_18 = tpu.vector_load %arg5[%swap3A_17] {strides = array<i32>} : memref<128xf32, #tpu.memory_space<vmem>>, vector<16xf32>,
    tpu.vector_store %arg5[%swap3A_17], %broadcast_in_dim3A_16 {strides = array<i32>} : memref<128xf32, #tpu.memory_space<vmem>>, vector<16xf32>,
    %broadcast_in_dim3A_19 = arith.constant 1.000000e+00 : f32
    %broadcast_in_dim3A_20 = vector.broadcast %broadcast_in_dim3A_19 : f32 to vector<16xf32>
    %swap3A_21 = arith.constant 64 : index
    %swap3A_22 = tpu.vector_load %arg5[%swap3A_21] {strides = array<i32>} : memref<128xf32, #tpu.memory_space<vmem>>, vector<16xf32>,
    tpu.vector_store %arg5[%swap3A_21], %broadcast_in_dim3A_20 {strides = array<i32>} : memref<128xf32, #tpu.memory_space<vmem>>, vector<16xf32>,
    %broadcast_in_dim3A_23 = arith.constant 1.000000e+00 : f32
    %broadcast_in_dim3A_24 = vector.broadcast %broadcast_in_dim3A_23 : f32 to vector<16xf32>
    %swap3A_25 = arith.constant 80 : index
    %swap3A_26 = tpu.vector_load %arg5[%swap3A_25] {strides = array<i32>} : memref<128xf32, #tpu.memory_space<vmem>>, vector<16xf32>,
    tpu.vector_store %arg5[%swap3A_25], %broadcast_in_dim3A_24 {strides = array<i32>} : memref<128xf32, #tpu.memory_space<vmem>>, vector<16xf32>,
    %broadcast_in_dim3A_27 = arith.constant 1.000000e+00 : f32
    %broadcast_in_dim3A_28 = vector.broadcast %broadcast_in_dim3A_27 : f32 to vector<16xf32>
    %swap3A_29 = arith.constant 96 : index
    %swap3A_30 = tpu.vector_load %arg5[%swap3A_29] {strides = array<i32>} : memref<128xf32, #tpu.memory_space<vmem>>, vector<16xf32>,
    tpu.vector_store %arg5[%swap3A_29], %broadcast_in_dim3A_28 {strides = array<i32>} : memref<128xf32, #tpu.memory_space<vmem>>, vector<16xf32>,
    %broadcast_in_dim3A_31 = arith.constant 1.000000e+00 : f32
    %broadcast_in_dim3A_32 = vector.broadcast %broadcast_in_dim3A_31 : f32 to vector<16xf32>
    %swap3A_33 = arith.constant 112 : index
    %swap3A_34 = tpu.vector_load %arg5[%swap3A_33] {strides = array<i32>} : memref<128xf32, #tpu.memory_space<vmem>>, vector<16xf32>,
    tpu.vector_store %arg5[%swap3A_33], %broadcast_in_dim3A_32 {strides = array<i32>} : memref<128xf32, #tpu.memory_space<vmem>>, vector<16xf32>,
    %mul3A = arith.constant 6256 : i32
    %mul3A_35 = arith.muli %arg1, %mul3A : i32
    "tpu.region"() ({
      %run_scoped3A = tpu.sem_alloc : memref<!tpu.dma_semaphore, #tpu.memory_space<semaphore_mem>>
      %dma_start3A_217 = tpu.memref_slice %arg8[%mul3A_35] : memref<100096xf32, #tpu.memory_space<vmem_shared>> -> memref<6256xf32, #tpu.memory_space<vmem_shared>>
      %dma_start3A_218 = tpu.memref_slice %arg8[%mul3A_35] : memref<100096xf32, #tpu.memory_space<vmem_shared>> -> memref<6256xf32, #tpu.memory_space<vmem_shared>>
      tpu.enqueue_dma source(%arg6 : memref<6256xf32, #tpu.memory_space<vmem>>) target(%dma_start3A_218 : memref<6256xf32, #tpu.memory_space<vmem_shared>>) target_semaphore(%run_scoped3A : memref<!tpu.dma_semaphore, #tpu.memory_space<semaphore_mem>>)
      %dma_wait3A_219 = tpu.memref_slice %arg8[%mul3A_35] : memref<100096xf32, #tpu.memory_space<vmem_shared>> -> memref<6256xf32, #tpu.memory_space<vmem_shared>>
      %dma_wait3A_220 = tpu.memref_slice %arg8[%mul3A_35] : memref<100096xf32, #tpu.memory_space<vmem_shared>> -> memref<6256xf32, #tpu.memory_space<vmem_shared>>
      tpu.wait_dma2 semaphore(%run_scoped3A : memref<!tpu.dma_semaphore, #tpu.memory_space<semaphore_mem>>) src(%arg6 : memref<6256xf32, #tpu.memory_space<vmem>>) dst(%dma_wait3A_220 : memref<6256xf32, #tpu.memory_space<vmem_shared>>)
      tpu.yield
    }) : () -> ()
    %barrier3A = arith.constant 0 : index
    tpu.barrier barrier_id(%barrier3A)
    %mul3A_36 = arith.constant 8 : i32
    %mul3A_37 = arith.muli %arg1, %mul3A_36 : i32
    "tpu.region"() ({
      %run_scoped3A = tpu.sem_alloc : memref<!tpu.dma_semaphore, #tpu.memory_space<semaphore_mem>>
      %dma_start3A_217 = arith.constant 0 : i32
      %dma_start3A_218 = tpu.memref_slice %arg2[%mul3A_37, %dma_start3A_217] : memref<128x128xi32, #tpu.memory_space<hbm>> -> memref<8x128xi32, #tpu.memory_space<hbm>>
      %dma_start3A_219 = arith.constant 0 : i32
      %dma_start3A_220 = tpu.memref_slice %arg2[%mul3A_37, %dma_start3A_219] : memref<128x128xi32, #tpu.memory_space<hbm>> -> memref<8x128xi32, #tpu.memory_space<hbm>>
      tpu.enqueue_dma source(%dma_start3A_220 : memref<8x128xi32, #tpu.memory_space<hbm>>) target(%arg4 : memref<8x128xi32, #tpu.memory_space<vmem>>) target_semaphore(%run_scoped3A : memref<!tpu.dma_semaphore, #tpu.memory_space<semaphore_mem>>)
      %dma_wait3A_221 = arith.constant 0 : i32
      %dma_wait3A_222 = tpu.memref_slice %arg2[%mul3A_37, %dma_wait3A_221] : memref<128x128xi32, #tpu.memory_space<hbm>> -> memref<8x128xi32, #tpu.memory_space<hbm>>
      %dma_wait3A_223 = arith.constant 0 : i32
      %dma_wait3A_224 = tpu.memref_slice %arg2[%mul3A_37, %dma_wait3A_223] : memref<128x128xi32, #tpu.memory_space<hbm>> -> memref<8x128xi32, #tpu.memory_space<hbm>>
      tpu.wait_dma2 semaphore(%run_scoped3A : memref<!tpu.dma_semaphore, #tpu.memory_space<semaphore_mem>>) src(%dma_wait3A_224 : memref<8x128xi32, #tpu.memory_space<hbm>>) dst(%arg4 : memref<8x128xi32, #tpu.memory_space<vmem>>)
      tpu.yield
    }) : () -> ()
    %dma_start3A = arith.constant 0 : i32
    %dma_start3A_38 = arith.constant 0 : i32
    %dma_start3A_39 = tpu.memref_slice %arg4[%dma_start3A, %dma_start3A_38] : memref<8x128xi32, #tpu.memory_space<vmem>> -> memref<1x128xi32, #tpu.memory_space<vmem>>
    %dma_start3A_40 = tpu.memref_squeeze %dma_start3A_39 : memref<1x128xi32, #tpu.memory_space<vmem>> -> memref<128xi32, #tpu.memory_space<vmem>>
    %dma_start3A_41 = arith.constant 0 : i32
    %dma_start3A_42 = tpu.memref_slice %arg8[%dma_start3A_41] : memref<100096xf32, #tpu.memory_space<vmem_shared>> -> memref<100096xf32, #tpu.memory_space<vmem_shared>>
    tpu.enqueue_indirect_dma source(%arg5 : memref<128xf32, #tpu.memory_space<vmem>>) target(%dma_start3A_42 : memref<100096xf32, #tpu.memory_space<vmem_shared>>) offsets(%dma_start3A_40 : memref<128xi32, #tpu.memory_space<vmem>>) semaphore(%arg9 : memref<!tpu.dma_semaphore, #tpu.memory_space<semaphore_mem>>) {add = true}
    %dma_start3A_43 = arith.constant 1 : i32
    %dma_start3A_44 = arith.constant 0 : i32
    %dma_start3A_45 = tpu.memref_slice %arg4[%dma_start3A_43, %dma_start3A_44] : memref<8x128xi32, #tpu.memory_space<vmem>> -> memref<1x128xi32, #tpu.memory_space<vmem>>
    %dma_start3A_46 = tpu.memref_squeeze %dma_start3A_45 : memref<1x128xi32, #tpu.memory_space<vmem>> -> memref<128xi32, #tpu.memory_space<vmem>>
    %dma_start3A_47 = arith.constant 0 : i32
    %dma_start3A_48 = tpu.memref_slice %arg8[%dma_start3A_47] : memref<100096xf32, #tpu.memory_space<vmem_shared>> -> memref<100096xf32, #tpu.memory_space<vmem_shared>>
    tpu.enqueue_indirect_dma source(%arg5 : memref<128xf32, #tpu.memory_space<vmem>>) target(%dma_start3A_48 : memref<100096xf32, #tpu.memory_space<vmem_shared>>) offsets(%dma_start3A_46 : memref<128xi32, #tpu.memory_space<vmem>>) semaphore(%arg9 : memref<!tpu.dma_semaphore, #tpu.memory_space<semaphore_mem>>) {add = true}
    %dma_start3A_49 = arith.constant 2 : i32
    %dma_start3A_50 = arith.constant 0 : i32
    %dma_start3A_51 = tpu.memref_slice %arg4[%dma_start3A_49, %dma_start3A_50] : memref<8x128xi32, #tpu.memory_space<vmem>> -> memref<1x128xi32, #tpu.memory_space<vmem>>
    %dma_start3A_52 = tpu.memref_squeeze %dma_start3A_51 : memref<1x128xi32, #tpu.memory_space<vmem>> -> memref<128xi32, #tpu.memory_space<vmem>>
    %dma_start3A_53 = arith.constant 0 : i32
    %dma_start3A_54 = tpu.memref_slice %arg8[%dma_start3A_53] : memref<100096xf32, #tpu.memory_space<vmem_shared>> -> memref<100096xf32, #tpu.memory_space<vmem_shared>>
    tpu.enqueue_indirect_dma source(%arg5 : memref<128xf32, #tpu.memory_space<vmem>>) target(%dma_start3A_54 : memref<100096xf32, #tpu.memory_space<vmem_shared>>) offsets(%dma_start3A_52 : memref<128xi32, #tpu.memory_space<vmem>>) semaphore(%arg9 : memref<!tpu.dma_semaphore, #tpu.memory_space<semaphore_mem>>) {add = true}
    %dma_start3A_55 = arith.constant 3 : i32
    %dma_start3A_56 = arith.constant 0 : i32
    %dma_start3A_57 = tpu.memref_slice %arg4[%dma_start3A_55, %dma_start3A_56] : memref<8x128xi32, #tpu.memory_space<vmem>> -> memref<1x128xi32, #tpu.memory_space<vmem>>
    %dma_start3A_58 = tpu.memref_squeeze %dma_start3A_57 : memref<1x128xi32, #tpu.memory_space<vmem>> -> memref<128xi32, #tpu.memory_space<vmem>>
    %dma_start3A_59 = arith.constant 0 : i32
    %dma_start3A_60 = tpu.memref_slice %arg8[%dma_start3A_59] : memref<100096xf32, #tpu.memory_space<vmem_shared>> -> memref<100096xf32, #tpu.memory_space<vmem_shared>>
    tpu.enqueue_indirect_dma source(%arg5 : memref<128xf32, #tpu.memory_space<vmem>>) target(%dma_start3A_60 : memref<100096xf32, #tpu.memory_space<vmem_shared>>) offsets(%dma_start3A_58 : memref<128xi32, #tpu.memory_space<vmem>>) semaphore(%arg9 : memref<!tpu.dma_semaphore, #tpu.memory_space<semaphore_mem>>) {add = true}
    %dma_start3A_61 = arith.constant 4 : i32
    %dma_start3A_62 = arith.constant 0 : i32
    %dma_start3A_63 = tpu.memref_slice %arg4[%dma_start3A_61, %dma_start3A_62] : memref<8x128xi32, #tpu.memory_space<vmem>> -> memref<1x128xi32, #tpu.memory_space<vmem>>
    %dma_start3A_64 = tpu.memref_squeeze %dma_start3A_63 : memref<1x128xi32, #tpu.memory_space<vmem>> -> memref<128xi32, #tpu.memory_space<vmem>>
    %dma_start3A_65 = arith.constant 0 : i32
    %dma_start3A_66 = tpu.memref_slice %arg8[%dma_start3A_65] : memref<100096xf32, #tpu.memory_space<vmem_shared>> -> memref<100096xf32, #tpu.memory_space<vmem_shared>>
    tpu.enqueue_indirect_dma source(%arg5 : memref<128xf32, #tpu.memory_space<vmem>>) target(%dma_start3A_66 : memref<100096xf32, #tpu.memory_space<vmem_shared>>) offsets(%dma_start3A_64 : memref<128xi32, #tpu.memory_space<vmem>>) semaphore(%arg9 : memref<!tpu.dma_semaphore, #tpu.memory_space<semaphore_mem>>) {add = true}
    %dma_start3A_67 = arith.constant 5 : i32
    %dma_start3A_68 = arith.constant 0 : i32
    %dma_start3A_69 = tpu.memref_slice %arg4[%dma_start3A_67, %dma_start3A_68] : memref<8x128xi32, #tpu.memory_space<vmem>> -> memref<1x128xi32, #tpu.memory_space<vmem>>
    %dma_start3A_70 = tpu.memref_squeeze %dma_start3A_69 : memref<1x128xi32, #tpu.memory_space<vmem>> -> memref<128xi32, #tpu.memory_space<vmem>>
    %dma_start3A_71 = arith.constant 0 : i32
    %dma_start3A_72 = tpu.memref_slice %arg8[%dma_start3A_71] : memref<100096xf32, #tpu.memory_space<vmem_shared>> -> memref<100096xf32, #tpu.memory_space<vmem_shared>>
    tpu.enqueue_indirect_dma source(%arg5 : memref<128xf32, #tpu.memory_space<vmem>>) target(%dma_start3A_72 : memref<100096xf32, #tpu.memory_space<vmem_shared>>) offsets(%dma_start3A_70 : memref<128xi32, #tpu.memory_space<vmem>>) semaphore(%arg9 : memref<!tpu.dma_semaphore, #tpu.memory_space<semaphore_mem>>) {add = true}
    %dma_start3A_73 = arith.constant 6 : i32
    %dma_start3A_74 = arith.constant 0 : i32
    %dma_start3A_75 = tpu.memref_slice %arg4[%dma_start3A_73, %dma_start3A_74] : memref<8x128xi32, #tpu.memory_space<vmem>> -> memref<1x128xi32, #tpu.memory_space<vmem>>
    %dma_start3A_76 = tpu.memref_squeeze %dma_start3A_75 : memref<1x128xi32, #tpu.memory_space<vmem>> -> memref<128xi32, #tpu.memory_space<vmem>>
    %dma_start3A_77 = arith.constant 0 : i32
    %dma_start3A_78 = tpu.memref_slice %arg8[%dma_start3A_77] : memref<100096xf32, #tpu.memory_space<vmem_shared>> -> memref<100096xf32, #tpu.memory_space<vmem_shared>>
    tpu.enqueue_indirect_dma source(%arg5 : memref<128xf32, #tpu.memory_space<vmem>>) target(%dma_start3A_78 : memref<100096xf32, #tpu.memory_space<vmem_shared>>) offsets(%dma_start3A_76 : memref<128xi32, #tpu.memory_space<vmem>>) semaphore(%arg9 : memref<!tpu.dma_semaphore, #tpu.memory_space<semaphore_mem>>) {add = true}
    %dma_start3A_79 = arith.constant 7 : i32
    %dma_start3A_80 = arith.constant 0 : i32
    %dma_start3A_81 = tpu.memref_slice %arg4[%dma_start3A_79, %dma_start3A_80] : memref<8x128xi32, #tpu.memory_space<vmem>> -> memref<1x128xi32, #tpu.memory_space<vmem>>
    %dma_start3A_82 = tpu.memref_squeeze %dma_start3A_81 : memref<1x128xi32, #tpu.memory_space<vmem>> -> memref<128xi32, #tpu.memory_space<vmem>>
    %dma_start3A_83 = arith.constant 0 : i32
    %dma_start3A_84 = tpu.memref_slice %arg8[%dma_start3A_83] : memref<100096xf32, #tpu.memory_space<vmem_shared>> -> memref<100096xf32, #tpu.memory_space<vmem_shared>>
    tpu.enqueue_indirect_dma source(%arg5 : memref<128xf32, #tpu.memory_space<vmem>>) target(%dma_start3A_84 : memref<100096xf32, #tpu.memory_space<vmem_shared>>) offsets(%dma_start3A_82 : memref<128xi32, #tpu.memory_space<vmem>>) semaphore(%arg9 : memref<!tpu.dma_semaphore, #tpu.memory_space<semaphore_mem>>) {add = true}
    %dma_wait3A = arith.constant 0 : i32
    %dma_wait3A_85 = arith.constant 0 : i32
    %dma_wait3A_86 = tpu.memref_slice %arg4[%dma_wait3A, %dma_wait3A_85] : memref<8x128xi32, #tpu.memory_space<vmem>> -> memref<1x128xi32, #tpu.memory_space<vmem>>
    %dma_wait3A_87 = tpu.memref_squeeze %dma_wait3A_86 : memref<1x128xi32, #tpu.memory_space<vmem>> -> memref<128xi32, #tpu.memory_space<vmem>>
    %dma_wait3A_88 = arith.constant 0 : i32
    %dma_wait3A_89 = tpu.memref_slice %arg8[%dma_wait3A_88] : memref<100096xf32, #tpu.memory_space<vmem_shared>> -> memref<100096xf32, #tpu.memory_space<vmem_shared>>
    tpu.wait_indirect_dma semaphore(%arg9 : memref<!tpu.dma_semaphore, #tpu.memory_space<semaphore_mem>>) src(%arg5 : memref<128xf32, #tpu.memory_space<vmem>>) dst(%dma_wait3A_89 : memref<100096xf32, #tpu.memory_space<vmem_shared>>)
    %dma_wait3A_90 = arith.constant 1 : i32
    %dma_wait3A_91 = arith.constant 0 : i32
    %dma_wait3A_92 = tpu.memref_slice %arg4[%dma_wait3A_90, %dma_wait3A_91] : memref<8x128xi32, #tpu.memory_space<vmem>> -> memref<1x128xi32, #tpu.memory_space<vmem>>
    %dma_wait3A_93 = tpu.memref_squeeze %dma_wait3A_92 : memref<1x128xi32, #tpu.memory_space<vmem>> -> memref<128xi32, #tpu.memory_space<vmem>>
    %dma_wait3A_94 = arith.constant 0 : i32
    %dma_wait3A_95 = tpu.memref_slice %arg8[%dma_wait3A_94] : memref<100096xf32, #tpu.memory_space<vmem_shared>> -> memref<100096xf32, #tpu.memory_space<vmem_shared>>
    tpu.wait_indirect_dma semaphore(%arg9 : memref<!tpu.dma_semaphore, #tpu.memory_space<semaphore_mem>>) src(%arg5 : memref<128xf32, #tpu.memory_space<vmem>>) dst(%dma_wait3A_95 : memref<100096xf32, #tpu.memory_space<vmem_shared>>)
    %dma_wait3A_96 = arith.constant 2 : i32
    %dma_wait3A_97 = arith.constant 0 : i32
    %dma_wait3A_98 = tpu.memref_slice %arg4[%dma_wait3A_96, %dma_wait3A_97] : memref<8x128xi32, #tpu.memory_space<vmem>> -> memref<1x128xi32, #tpu.memory_space<vmem>>
    %dma_wait3A_99 = tpu.memref_squeeze %dma_wait3A_98 : memref<1x128xi32, #tpu.memory_space<vmem>> -> memref<128xi32, #tpu.memory_space<vmem>>
    %dma_wait3A_100 = arith.constant 0 : i32
    %dma_wait3A_101 = tpu.memref_slice %arg8[%dma_wait3A_100] : memref<100096xf32, #tpu.memory_space<vmem_shared>> -> memref<100096xf32, #tpu.memory_space<vmem_shared>>
    tpu.wait_indirect_dma semaphore(%arg9 : memref<!tpu.dma_semaphore, #tpu.memory_space<semaphore_mem>>) src(%arg5 : memref<128xf32, #tpu.memory_space<vmem>>) dst(%dma_wait3A_101 : memref<100096xf32, #tpu.memory_space<vmem_shared>>)
    %dma_wait3A_102 = arith.constant 3 : i32
    %dma_wait3A_103 = arith.constant 0 : i32
    %dma_wait3A_104 = tpu.memref_slice %arg4[%dma_wait3A_102, %dma_wait3A_103] : memref<8x128xi32, #tpu.memory_space<vmem>> -> memref<1x128xi32, #tpu.memory_space<vmem>>
    %dma_wait3A_105 = tpu.memref_squeeze %dma_wait3A_104 : memref<1x128xi32, #tpu.memory_space<vmem>> -> memref<128xi32, #tpu.memory_space<vmem>>
    %dma_wait3A_106 = arith.constant 0 : i32
    %dma_wait3A_107 = tpu.memref_slice %arg8[%dma_wait3A_106] : memref<100096xf32, #tpu.memory_space<vmem_shared>> -> memref<100096xf32, #tpu.memory_space<vmem_shared>>
    tpu.wait_indirect_dma semaphore(%arg9 : memref<!tpu.dma_semaphore, #tpu.memory_space<semaphore_mem>>) src(%arg5 : memref<128xf32, #tpu.memory_space<vmem>>) dst(%dma_wait3A_107 : memref<100096xf32, #tpu.memory_space<vmem_shared>>)
    %dma_wait3A_108 = arith.constant 4 : i32
    %dma_wait3A_109 = arith.constant 0 : i32
    %dma_wait3A_110 = tpu.memref_slice %arg4[%dma_wait3A_108, %dma_wait3A_109] : memref<8x128xi32, #tpu.memory_space<vmem>> -> memref<1x128xi32, #tpu.memory_space<vmem>>
    %dma_wait3A_111 = tpu.memref_squeeze %dma_wait3A_110 : memref<1x128xi32, #tpu.memory_space<vmem>> -> memref<128xi32, #tpu.memory_space<vmem>>
    %dma_wait3A_112 = arith.constant 0 : i32
    %dma_wait3A_113 = tpu.memref_slice %arg8[%dma_wait3A_112] : memref<100096xf32, #tpu.memory_space<vmem_shared>> -> memref<100096xf32, #tpu.memory_space<vmem_shared>>
    tpu.wait_indirect_dma semaphore(%arg9 : memref<!tpu.dma_semaphore, #tpu.memory_space<semaphore_mem>>) src(%arg5 : memref<128xf32, #tpu.memory_space<vmem>>) dst(%dma_wait3A_113 : memref<100096xf32, #tpu.memory_space<vmem_shared>>)
    %dma_wait3A_114 = arith.constant 5 : i32
    %dma_wait3A_115 = arith.constant 0 : i32
    %dma_wait3A_116 = tpu.memref_slice %arg4[%dma_wait3A_114, %dma_wait3A_115] : memref<8x128xi32, #tpu.memory_space<vmem>> -> memref<1x128xi32, #tpu.memory_space<vmem>>
    %dma_wait3A_117 = tpu.memref_squeeze %dma_wait3A_116 : memref<1x128xi32, #tpu.memory_space<vmem>> -> memref<128xi32, #tpu.memory_space<vmem>>
    %dma_wait3A_118 = arith.constant 0 : i32
    %dma_wait3A_119 = tpu.memref_slice %arg8[%dma_wait3A_118] : memref<100096xf32, #tpu.memory_space<vmem_shared>> -> memref<100096xf32, #tpu.memory_space<vmem_shared>>
    tpu.wait_indirect_dma semaphore(%arg9 : memref<!tpu.dma_semaphore, #tpu.memory_space<semaphore_mem>>) src(%arg5 : memref<128xf32, #tpu.memory_space<vmem>>) dst(%dma_wait3A_119 : memref<100096xf32, #tpu.memory_space<vmem_shared>>)
    %dma_wait3A_120 = arith.constant 6 : i32
    %dma_wait3A_121 = arith.constant 0 : i32
    %dma_wait3A_122 = tpu.memref_slice %arg4[%dma_wait3A_120, %dma_wait3A_121] : memref<8x128xi32, #tpu.memory_space<vmem>> -> memref<1x128xi32, #tpu.memory_space<vmem>>
    %dma_wait3A_123 = tpu.memref_squeeze %dma_wait3A_122 : memref<1x128xi32, #tpu.memory_space<vmem>> -> memref<128xi32, #tpu.memory_space<vmem>>
    %dma_wait3A_124 = arith.constant 0 : i32
    %dma_wait3A_125 = tpu.memref_slice %arg8[%dma_wait3A_124] : memref<100096xf32, #tpu.memory_space<vmem_shared>> -> memref<100096xf32, #tpu.memory_space<vmem_shared>>
    tpu.wait_indirect_dma semaphore(%arg9 : memref<!tpu.dma_semaphore, #tpu.memory_space<semaphore_mem>>) src(%arg5 : memref<128xf32, #tpu.memory_space<vmem>>) dst(%dma_wait3A_125 : memref<100096xf32, #tpu.memory_space<vmem_shared>>)
    %dma_wait3A_126 = arith.constant 7 : i32
    %dma_wait3A_127 = arith.constant 0 : i32
    %dma_wait3A_128 = tpu.memref_slice %arg4[%dma_wait3A_126, %dma_wait3A_127] : memref<8x128xi32, #tpu.memory_space<vmem>> -> memref<1x128xi32, #tpu.memory_space<vmem>>
    %dma_wait3A_129 = tpu.memref_squeeze %dma_wait3A_128 : memref<1x128xi32, #tpu.memory_space<vmem>> -> memref<128xi32, #tpu.memory_space<vmem>>
    %dma_wait3A_130 = arith.constant 0 : i32
    %dma_wait3A_131 = tpu.memref_slice %arg8[%dma_wait3A_130] : memref<100096xf32, #tpu.memory_space<vmem_shared>> -> memref<100096xf32, #tpu.memory_space<vmem_shared>>
    tpu.wait_indirect_dma semaphore(%arg9 : memref<!tpu.dma_semaphore, #tpu.memory_space<semaphore_mem>>) src(%arg5 : memref<128xf32, #tpu.memory_space<vmem>>) dst(%dma_wait3A_131 : memref<100096xf32, #tpu.memory_space<vmem_shared>>)
    %barrier3A_132 = arith.constant 0 : index
    tpu.barrier barrier_id(%barrier3A_132)
    %mul3A_133 = arith.constant 4 : i32
    %mul3A_134 = arith.muli %arg0, %mul3A_133 : i32
    %add3A = arith.constant 0 : i32
    %add3A_135 = arith.addi %mul3A_134, %add3A : i32
    %dma_start3A_136 = arith.constant 0 : i32
    %dma_start3A_137 = arith.constant 0 : i32
    %dma_start3A_138 = tpu.memref_slice %arg7[%dma_start3A_136, %dma_start3A_137] : memref<4x128xf32, #tpu.memory_space<vmem>> -> memref<1x128xf32, #tpu.memory_space<vmem>>
    %dma_start3A_139 = tpu.memref_squeeze %dma_start3A_138 : memref<1x128xf32, #tpu.memory_space<vmem>> -> memref<128xf32, #tpu.memory_space<vmem>>
    %dma_start3A_140 = arith.constant 0 : i32
    %dma_start3A_141 = tpu.memref_slice %arg4[%add3A_135, %dma_start3A_140] : memref<8x128xi32, #tpu.memory_space<vmem>> -> memref<1x128xi32, #tpu.memory_space<vmem>>
    %dma_start3A_142 = tpu.memref_squeeze %dma_start3A_141 : memref<1x128xi32, #tpu.memory_space<vmem>> -> memref<128xi32, #tpu.memory_space<vmem>>
    %dma_start3A_143 = arith.constant 0 : i32
    %dma_start3A_144 = tpu.memref_slice %arg8[%dma_start3A_143] : memref<100096xf32, #tpu.memory_space<vmem_shared>> -> memref<100096xf32, #tpu.memory_space<vmem_shared>>
    tpu.enqueue_indirect_dma source(%dma_start3A_144 : memref<100096xf32, #tpu.memory_space<vmem_shared>>) target(%dma_start3A_139 : memref<128xf32, #tpu.memory_space<vmem>>) offsets(%dma_start3A_142 : memref<128xi32, #tpu.memory_space<vmem>>) semaphore(%arg9 : memref<!tpu.dma_semaphore, #tpu.memory_space<semaphore_mem>>)
    %add3A_145 = arith.constant 1 : i32
    %add3A_146 = arith.addi %mul3A_134, %add3A_145 : i32
    %dma_start3A_147 = arith.constant 1 : i32
    %dma_start3A_148 = arith.constant 0 : i32
    %dma_start3A_149 = tpu.memref_slice %arg7[%dma_start3A_147, %dma_start3A_148] : memref<4x128xf32, #tpu.memory_space<vmem>> -> memref<1x128xf32, #tpu.memory_space<vmem>>
    %dma_start3A_150 = tpu.memref_squeeze %dma_start3A_149 : memref<1x128xf32, #tpu.memory_space<vmem>> -> memref<128xf32, #tpu.memory_space<vmem>>
    %dma_start3A_151 = arith.constant 0 : i32
    %dma_start3A_152 = tpu.memref_slice %arg4[%add3A_146, %dma_start3A_151] : memref<8x128xi32, #tpu.memory_space<vmem>> -> memref<1x128xi32, #tpu.memory_space<vmem>>
    %dma_start3A_153 = tpu.memref_squeeze %dma_start3A_152 : memref<1x128xi32, #tpu.memory_space<vmem>> -> memref<128xi32, #tpu.memory_space<vmem>>
    %dma_start3A_154 = arith.constant 0 : i32
    %dma_start3A_155 = tpu.memref_slice %arg8[%dma_start3A_154] : memref<100096xf32, #tpu.memory_space<vmem_shared>> -> memref<100096xf32, #tpu.memory_space<vmem_shared>>
    tpu.enqueue_indirect_dma source(%dma_start3A_155 : memref<100096xf32, #tpu.memory_space<vmem_shared>>) target(%dma_start3A_150 : memref<128xf32, #tpu.memory_space<vmem>>) offsets(%dma_start3A_153 : memref<128xi32, #tpu.memory_space<vmem>>) semaphore(%arg9 : memref<!tpu.dma_semaphore, #tpu.memory_space<semaphore_mem>>)
    %add3A_156 = arith.constant 2 : i32
    %add3A_157 = arith.addi %mul3A_134, %add3A_156 : i32
    %dma_start3A_158 = arith.constant 2 : i32
    %dma_start3A_159 = arith.constant 0 : i32
    %dma_start3A_160 = tpu.memref_slice %arg7[%dma_start3A_158, %dma_start3A_159] : memref<4x128xf32, #tpu.memory_space<vmem>> -> memref<1x128xf32, #tpu.memory_space<vmem>>
    %dma_start3A_161 = tpu.memref_squeeze %dma_start3A_160 : memref<1x128xf32, #tpu.memory_space<vmem>> -> memref<128xf32, #tpu.memory_space<vmem>>
    %dma_start3A_162 = arith.constant 0 : i32
    %dma_start3A_163 = tpu.memref_slice %arg4[%add3A_157, %dma_start3A_162] : memref<8x128xi32, #tpu.memory_space<vmem>> -> memref<1x128xi32, #tpu.memory_space<vmem>>
    %dma_start3A_164 = tpu.memref_squeeze %dma_start3A_163 : memref<1x128xi32, #tpu.memory_space<vmem>> -> memref<128xi32, #tpu.memory_space<vmem>>
    %dma_start3A_165 = arith.constant 0 : i32
    %dma_start3A_166 = tpu.memref_slice %arg8[%dma_start3A_165] : memref<100096xf32, #tpu.memory_space<vmem_shared>> -> memref<100096xf32, #tpu.memory_space<vmem_shared>>
    tpu.enqueue_indirect_dma source(%dma_start3A_166 : memref<100096xf32, #tpu.memory_space<vmem_shared>>) target(%dma_start3A_161 : memref<128xf32, #tpu.memory_space<vmem>>) offsets(%dma_start3A_164 : memref<128xi32, #tpu.memory_space<vmem>>) semaphore(%arg9 : memref<!tpu.dma_semaphore, #tpu.memory_space<semaphore_mem>>)
    %add3A_167 = arith.constant 3 : i32
    %add3A_168 = arith.addi %mul3A_134, %add3A_167 : i32
    %dma_start3A_169 = arith.constant 3 : i32
    %dma_start3A_170 = arith.constant 0 : i32
    %dma_start3A_171 = tpu.memref_slice %arg7[%dma_start3A_169, %dma_start3A_170] : memref<4x128xf32, #tpu.memory_space<vmem>> -> memref<1x128xf32, #tpu.memory_space<vmem>>
    %dma_start3A_172 = tpu.memref_squeeze %dma_start3A_171 : memref<1x128xf32, #tpu.memory_space<vmem>> -> memref<128xf32, #tpu.memory_space<vmem>>
    %dma_start3A_173 = arith.constant 0 : i32
    %dma_start3A_174 = tpu.memref_slice %arg4[%add3A_168, %dma_start3A_173] : memref<8x128xi32, #tpu.memory_space<vmem>> -> memref<1x128xi32, #tpu.memory_space<vmem>>
    %dma_start3A_175 = tpu.memref_squeeze %dma_start3A_174 : memref<1x128xi32, #tpu.memory_space<vmem>> -> memref<128xi32, #tpu.memory_space<vmem>>
    %dma_start3A_176 = arith.constant 0 : i32
    %dma_start3A_177 = tpu.memref_slice %arg8[%dma_start3A_176] : memref<100096xf32, #tpu.memory_space<vmem_shared>> -> memref<100096xf32, #tpu.memory_space<vmem_shared>>
    tpu.enqueue_indirect_dma source(%dma_start3A_177 : memref<100096xf32, #tpu.memory_space<vmem_shared>>) target(%dma_start3A_172 : memref<128xf32, #tpu.memory_space<vmem>>) offsets(%dma_start3A_175 : memref<128xi32, #tpu.memory_space<vmem>>) semaphore(%arg9 : memref<!tpu.dma_semaphore, #tpu.memory_space<semaphore_mem>>)
    %dma_wait3A_178 = arith.constant 0 : i32
    %dma_wait3A_179 = arith.constant 0 : i32
    %dma_wait3A_180 = tpu.memref_slice %arg7[%dma_wait3A_178, %dma_wait3A_179] : memref<4x128xf32, #tpu.memory_space<vmem>> -> memref<1x128xf32, #tpu.memory_space<vmem>>
    %dma_wait3A_181 = tpu.memref_squeeze %dma_wait3A_180 : memref<1x128xf32, #tpu.memory_space<vmem>> -> memref<128xf32, #tpu.memory_space<vmem>>
    %dma_wait3A_182 = arith.constant 0 : i32
    %dma_wait3A_183 = tpu.memref_slice %arg4[%add3A_135, %dma_wait3A_182] : memref<8x128xi32, #tpu.memory_space<vmem>> -> memref<1x128xi32, #tpu.memory_space<vmem>>
    %dma_wait3A_184 = tpu.memref_squeeze %dma_wait3A_183 : memref<1x128xi32, #tpu.memory_space<vmem>> -> memref<128xi32, #tpu.memory_space<vmem>>
    %dma_wait3A_185 = arith.constant 0 : i32
    %dma_wait3A_186 = tpu.memref_slice %arg8[%dma_wait3A_185] : memref<100096xf32, #tpu.memory_space<vmem_shared>> -> memref<100096xf32, #tpu.memory_space<vmem_shared>>
    tpu.wait_indirect_dma semaphore(%arg9 : memref<!tpu.dma_semaphore, #tpu.memory_space<semaphore_mem>>) src(%dma_wait3A_186 : memref<100096xf32, #tpu.memory_space<vmem_shared>>) dst(%dma_wait3A_181 : memref<128xf32, #tpu.memory_space<vmem>>)
    %dma_wait3A_187 = arith.constant 1 : i32
    %dma_wait3A_188 = arith.constant 0 : i32
    %dma_wait3A_189 = tpu.memref_slice %arg7[%dma_wait3A_187, %dma_wait3A_188] : memref<4x128xf32, #tpu.memory_space<vmem>> -> memref<1x128xf32, #tpu.memory_space<vmem>>
    %dma_wait3A_190 = tpu.memref_squeeze %dma_wait3A_189 : memref<1x128xf32, #tpu.memory_space<vmem>> -> memref<128xf32, #tpu.memory_space<vmem>>
    %dma_wait3A_191 = arith.constant 0 : i32
    %dma_wait3A_192 = tpu.memref_slice %arg4[%add3A_146, %dma_wait3A_191] : memref<8x128xi32, #tpu.memory_space<vmem>> -> memref<1x128xi32, #tpu.memory_space<vmem>>
    %dma_wait3A_193 = tpu.memref_squeeze %dma_wait3A_192 : memref<1x128xi32, #tpu.memory_space<vmem>> -> memref<128xi32, #tpu.memory_space<vmem>>
    %dma_wait3A_194 = arith.constant 0 : i32
    %dma_wait3A_195 = tpu.memref_slice %arg8[%dma_wait3A_194] : memref<100096xf32, #tpu.memory_space<vmem_shared>> -> memref<100096xf32, #tpu.memory_space<vmem_shared>>
    tpu.wait_indirect_dma semaphore(%arg9 : memref<!tpu.dma_semaphore, #tpu.memory_space<semaphore_mem>>) src(%dma_wait3A_195 : memref<100096xf32, #tpu.memory_space<vmem_shared>>) dst(%dma_wait3A_190 : memref<128xf32, #tpu.memory_space<vmem>>)
    %dma_wait3A_196 = arith.constant 2 : i32
    %dma_wait3A_197 = arith.constant 0 : i32
    %dma_wait3A_198 = tpu.memref_slice %arg7[%dma_wait3A_196, %dma_wait3A_197] : memref<4x128xf32, #tpu.memory_space<vmem>> -> memref<1x128xf32, #tpu.memory_space<vmem>>
    %dma_wait3A_199 = tpu.memref_squeeze %dma_wait3A_198 : memref<1x128xf32, #tpu.memory_space<vmem>> -> memref<128xf32, #tpu.memory_space<vmem>>
    %dma_wait3A_200 = arith.constant 0 : i32
    %dma_wait3A_201 = tpu.memref_slice %arg4[%add3A_157, %dma_wait3A_200] : memref<8x128xi32, #tpu.memory_space<vmem>> -> memref<1x128xi32, #tpu.memory_space<vmem>>
    %dma_wait3A_202 = tpu.memref_squeeze %dma_wait3A_201 : memref<1x128xi32, #tpu.memory_space<vmem>> -> memref<128xi32, #tpu.memory_space<vmem>>
    %dma_wait3A_203 = arith.constant 0 : i32
    %dma_wait3A_204 = tpu.memref_slice %arg8[%dma_wait3A_203] : memref<100096xf32, #tpu.memory_space<vmem_shared>> -> memref<100096xf32, #tpu.memory_space<vmem_shared>>
    tpu.wait_indirect_dma semaphore(%arg9 : memref<!tpu.dma_semaphore, #tpu.memory_space<semaphore_mem>>) src(%dma_wait3A_204 : memref<100096xf32, #tpu.memory_space<vmem_shared>>) dst(%dma_wait3A_199 : memref<128xf32, #tpu.memory_space<vmem>>)
    %dma_wait3A_205 = arith.constant 3 : i32
    %dma_wait3A_206 = arith.constant 0 : i32
    %dma_wait3A_207 = tpu.memref_slice %arg7[%dma_wait3A_205, %dma_wait3A_206] : memref<4x128xf32, #tpu.memory_space<vmem>> -> memref<1x128xf32, #tpu.memory_space<vmem>>
    %dma_wait3A_208 = tpu.memref_squeeze %dma_wait3A_207 : memref<1x128xf32, #tpu.memory_space<vmem>> -> memref<128xf32, #tpu.memory_space<vmem>>
    %dma_wait3A_209 = arith.constant 0 : i32
    %dma_wait3A_210 = tpu.memref_slice %arg4[%add3A_168, %dma_wait3A_209] : memref<8x128xi32, #tpu.memory_space<vmem>> -> memref<1x128xi32, #tpu.memory_space<vmem>>
    %dma_wait3A_211 = tpu.memref_squeeze %dma_wait3A_210 : memref<1x128xi32, #tpu.memory_space<vmem>> -> memref<128xi32, #tpu.memory_space<vmem>>
    %dma_wait3A_212 = arith.constant 0 : i32
    %dma_wait3A_213 = tpu.memref_slice %arg8[%dma_wait3A_212] : memref<100096xf32, #tpu.memory_space<vmem_shared>> -> memref<100096xf32, #tpu.memory_space<vmem_shared>>
    tpu.wait_indirect_dma semaphore(%arg9 : memref<!tpu.dma_semaphore, #tpu.memory_space<semaphore_mem>>) src(%dma_wait3A_213 : memref<100096xf32, #tpu.memory_space<vmem_shared>>) dst(%dma_wait3A_208 : memref<128xf32, #tpu.memory_space<vmem>>)
    %mul3A_214 = arith.constant 8 : i32
    %mul3A_215 = arith.muli %arg1, %mul3A_214 : i32
    %add3A_216 = arith.addi %mul3A_215, %mul3A_134 : i32
    "tpu.region"() ({
      %run_scoped3A = tpu.sem_alloc : memref<!tpu.dma_semaphore, #tpu.memory_space<semaphore_mem>>
      %dma_start3A_217 = arith.constant 0 : i32
      %dma_start3A_218 = tpu.memref_slice %arg3[%add3A_216, %dma_start3A_217] : memref<128x128xf32, #tpu.memory_space<hbm>> -> memref<4x128xf32, #tpu.memory_space<hbm>>
      %dma_start3A_219 = arith.constant 0 : i32
      %dma_start3A_220 = tpu.memref_slice %arg3[%add3A_216, %dma_start3A_219] : memref<128x128xf32, #tpu.memory_space<hbm>> -> memref<4x128xf32, #tpu.memory_space<hbm>>
      tpu.enqueue_dma source(%arg7 : memref<4x128xf32, #tpu.memory_space<vmem>>) target(%dma_start3A_220 : memref<4x128xf32, #tpu.memory_space<hbm>>) target_semaphore(%run_scoped3A : memref<!tpu.dma_semaphore, #tpu.memory_space<semaphore_mem>>)
      %dma_wait3A_221 = arith.constant 0 : i32
      %dma_wait3A_222 = tpu.memref_slice %arg3[%add3A_216, %dma_wait3A_221] : memref<128x128xf32, #tpu.memory_space<hbm>> -> memref<4x128xf32, #tpu.memory_space<hbm>>
      %dma_wait3A_223 = arith.constant 0 : i32
      %dma_wait3A_224 = tpu.memref_slice %arg3[%add3A_216, %dma_wait3A_223] : memref<128x128xf32, #tpu.memory_space<hbm>> -> memref<4x128xf32, #tpu.memory_space<hbm>>
      tpu.wait_dma2 semaphore(%run_scoped3A : memref<!tpu.dma_semaphore, #tpu.memory_space<semaphore_mem>>) src(%arg7 : memref<4x128xf32, #tpu.memory_space<vmem>>) dst(%dma_wait3A_224 : memref<4x128xf32, #tpu.memory_space<hbm>>)
      tpu.yield
    }) : () -> ()
    return
  }
}

#map = affine_map<(d0, d1) -> (0, 0)>
module attributes {stable_mosaic.version = 14 : i64} {
  func.func @_dist_body(%arg0: i32, %arg1: i32, %arg2: memref<64x16384xf32, #tpu.memory_space<hbm>>, %arg3: memref<128x128xi32, #tpu.memory_space<hbm>>, %arg4: memref<57344x128xf32, #tpu.memory_space<hbm>>, %arg5: memref<128x128xf32, #tpu.memory_space<hbm>>, %arg6: memref<2x128xf32, #tpu.memory_space<hbm>>, %arg7: memref<4x128xi32, #tpu.memory_space<vmem>>, %arg8: memref<4x128xi32, #tpu.memory_space<vmem>>, %arg9: memref<512x128xf32, #tpu.memory_space<vmem>>, %arg10: memref<4x64x128xf32, #tpu.memory_space<vmem>>, %arg11: memref<4x128xf32, #tpu.memory_space<vmem>>, %arg12: memref<128xf32, #tpu.memory_space<vmem>>, %arg13: memref<16x128xf32, #tpu.memory_space<vmem>>, %arg14: memref<128xf32, #tpu.memory_space<vmem>>, %arg15: memref<16x128xf32, #tpu.memory_space<vmem_shared>>, %arg16: memref<!tpu.dma_semaphore, #tpu.memory_space<semaphore_mem>>) attributes {dimension_semantics = [#tpu.dimension_semantics<core_parallel>, #tpu.dimension_semantics<subcore_parallel>], iteration_bounds = array<i64: 2, 16>, scalar_prefetch = 0 : i64, scratch_operands = 10 : i64, tpu.core_type = #tpu.core_type<sc_vector_subcore>, window_params = [{transform_indices = #map}, {transform_indices = #map}, {transform_indices = #map}, {transform_indices = #map}, {transform_indices = #map}]} {
    %mul3A = arith.constant 2 : i32
    %mul3A_0 = arith.muli %arg1, %mul3A : i32
    %add3A = arith.addi %mul3A_0, %arg0 : i32
    %mul3A_1 = arith.constant 4 : i32
    %mul3A_2 = arith.muli %add3A, %mul3A_1 : i32
    "tpu.region"() ({
      %run_scoped3A = tpu.sem_alloc : memref<!tpu.dma_semaphore, #tpu.memory_space<semaphore_mem>>
      %dma_start3A_732 = arith.constant 0 : i32
      %dma_start3A_733 = tpu.memref_slice %arg3[%mul3A_2, %dma_start3A_732] : memref<128x128xi32, #tpu.memory_space<hbm>> -> memref<4x128xi32, #tpu.memory_space<hbm>>
      %dma_start3A_734 = arith.constant 0 : i32
      %dma_start3A_735 = tpu.memref_slice %arg3[%mul3A_2, %dma_start3A_734] : memref<128x128xi32, #tpu.memory_space<hbm>> -> memref<4x128xi32, #tpu.memory_space<hbm>>
      tpu.enqueue_dma source(%dma_start3A_735 : memref<4x128xi32, #tpu.memory_space<hbm>>) target(%arg7 : memref<4x128xi32, #tpu.memory_space<vmem>>) target_semaphore(%run_scoped3A : memref<!tpu.dma_semaphore, #tpu.memory_space<semaphore_mem>>)
      %dma_wait3A_736 = arith.constant 0 : i32
      %dma_wait3A_737 = tpu.memref_slice %arg3[%mul3A_2, %dma_wait3A_736] : memref<128x128xi32, #tpu.memory_space<hbm>> -> memref<4x128xi32, #tpu.memory_space<hbm>>
      %dma_wait3A_738 = arith.constant 0 : i32
      %dma_wait3A_739 = tpu.memref_slice %arg3[%mul3A_2, %dma_wait3A_738] : memref<128x128xi32, #tpu.memory_space<hbm>> -> memref<4x128xi32, #tpu.memory_space<hbm>>
      tpu.wait_dma2 semaphore(%run_scoped3A : memref<!tpu.dma_semaphore, #tpu.memory_space<semaphore_mem>>) src(%dma_wait3A_739 : memref<4x128xi32, #tpu.memory_space<hbm>>) dst(%arg7 : memref<4x128xi32, #tpu.memory_space<vmem>>)
      tpu.yield
    }) : () -> ()
    %get3A = arith.constant 0 : i32
    %get3A_3 = arith.index_cast %get3A : i32 to index
    %get3A_4 = arith.constant 0 : index
    %get3A_5 = tpu.vector_load %arg7[%get3A_3, %get3A_4] {strides = array<i32>} : memref<4x128xi32, #tpu.memory_space<vmem>>, vector<16xi32>,
    %ge3A = arith.constant 57344 : i32
    %ge3A_6 = vector.broadcast %ge3A : i32 to vector<16xi32>
    %ge3A_7 = arith.cmpi sge, %get3A_5, %ge3A_6 : vector<16xi32>
    %sub3A = arith.constant 57344 : i32
    %sub3A_8 = vector.broadcast %sub3A : i32 to vector<16xi32>
    %sub3A_9 = arith.subi %get3A_5, %sub3A_8 : vector<16xi32>
    %select_n3A = arith.select %ge3A_7, %sub3A_9, %get3A_5 : vector<16xi1>, vector<16xi32>
    %swap3A = arith.constant 0 : i32
    %swap3A_10 = arith.index_cast %swap3A : i32 to index
    %swap3A_11 = arith.constant 0 : index
    %swap3A_12 = tpu.vector_load %arg8[%swap3A_10, %swap3A_11] {strides = array<i32>} : memref<4x128xi32, #tpu.memory_space<vmem>>, vector<16xi32>,
    tpu.vector_store %arg8[%swap3A_10, %swap3A_11], %select_n3A {strides = array<i32>} : memref<4x128xi32, #tpu.memory_space<vmem>>, vector<16xi32>,
    %get3A_13 = arith.constant 0 : i32
    %get3A_14 = arith.index_cast %get3A_13 : i32 to index
    %get3A_15 = arith.constant 16 : index
    %get3A_16 = tpu.vector_load %arg7[%get3A_14, %get3A_15] {strides = array<i32>} : memref<4x128xi32, #tpu.memory_space<vmem>>, vector<16xi32>,
    %ge3A_17 = arith.constant 57344 : i32
    %ge3A_18 = vector.broadcast %ge3A_17 : i32 to vector<16xi32>
    %ge3A_19 = arith.cmpi sge, %get3A_16, %ge3A_18 : vector<16xi32>
    %sub3A_20 = arith.constant 57344 : i32
    %sub3A_21 = vector.broadcast %sub3A_20 : i32 to vector<16xi32>
    %sub3A_22 = arith.subi %get3A_16, %sub3A_21 : vector<16xi32>
    %select_n3A_23 = arith.select %ge3A_19, %sub3A_22, %get3A_16 : vector<16xi1>, vector<16xi32>
    %swap3A_24 = arith.constant 0 : i32
    %swap3A_25 = arith.index_cast %swap3A_24 : i32 to index
    %swap3A_26 = arith.constant 16 : index
    %swap3A_27 = tpu.vector_load %arg8[%swap3A_25, %swap3A_26] {strides = array<i32>} : memref<4x128xi32, #tpu.memory_space<vmem>>, vector<16xi32>,
    tpu.vector_store %arg8[%swap3A_25, %swap3A_26], %select_n3A_23 {strides = array<i32>} : memref<4x128xi32, #tpu.memory_space<vmem>>, vector<16xi32>,
    %get3A_28 = arith.constant 0 : i32
    %get3A_29 = arith.index_cast %get3A_28 : i32 to index
    %get3A_30 = arith.constant 32 : index
    %get3A_31 = tpu.vector_load %arg7[%get3A_29, %get3A_30] {strides = array<i32>} : memref<4x128xi32, #tpu.memory_space<vmem>>, vector<16xi32>,
    %ge3A_32 = arith.constant 57344 : i32
    %ge3A_33 = vector.broadcast %ge3A_32 : i32 to vector<16xi32>
    %ge3A_34 = arith.cmpi sge, %get3A_31, %ge3A_33 : vector<16xi32>
    %sub3A_35 = arith.constant 57344 : i32
    %sub3A_36 = vector.broadcast %sub3A_35 : i32 to vector<16xi32>
    %sub3A_37 = arith.subi %get3A_31, %sub3A_36 : vector<16xi32>
    %select_n3A_38 = arith.select %ge3A_34, %sub3A_37, %get3A_31 : vector<16xi1>, vector<16xi32>
    %swap3A_39 = arith.constant 0 : i32
    %swap3A_40 = arith.index_cast %swap3A_39 : i32 to index
    %swap3A_41 = arith.constant 32 : index
    %swap3A_42 = tpu.vector_load %arg8[%swap3A_40, %swap3A_41] {strides = array<i32>} : memref<4x128xi32, #tpu.memory_space<vmem>>, vector<16xi32>,
    tpu.vector_store %arg8[%swap3A_40, %swap3A_41], %select_n3A_38 {strides = array<i32>} : memref<4x128xi32, #tpu.memory_space<vmem>>, vector<16xi32>,
    %get3A_43 = arith.constant 0 : i32
    %get3A_44 = arith.index_cast %get3A_43 : i32 to index
    %get3A_45 = arith.constant 48 : index
    %get3A_46 = tpu.vector_load %arg7[%get3A_44, %get3A_45] {strides = array<i32>} : memref<4x128xi32, #tpu.memory_space<vmem>>, vector<16xi32>,
    %ge3A_47 = arith.constant 57344 : i32
    %ge3A_48 = vector.broadcast %ge3A_47 : i32 to vector<16xi32>
    %ge3A_49 = arith.cmpi sge, %get3A_46, %ge3A_48 : vector<16xi32>
    %sub3A_50 = arith.constant 57344 : i32
    %sub3A_51 = vector.broadcast %sub3A_50 : i32 to vector<16xi32>
    %sub3A_52 = arith.subi %get3A_46, %sub3A_51 : vector<16xi32>
    %select_n3A_53 = arith.select %ge3A_49, %sub3A_52, %get3A_46 : vector<16xi1>, vector<16xi32>
    %swap3A_54 = arith.constant 0 : i32
    %swap3A_55 = arith.index_cast %swap3A_54 : i32 to index
    %swap3A_56 = arith.constant 48 : index
    %swap3A_57 = tpu.vector_load %arg8[%swap3A_55, %swap3A_56] {strides = array<i32>} : memref<4x128xi32, #tpu.memory_space<vmem>>, vector<16xi32>,
    tpu.vector_store %arg8[%swap3A_55, %swap3A_56], %select_n3A_53 {strides = array<i32>} : memref<4x128xi32, #tpu.memory_space<vmem>>, vector<16xi32>,
    %get3A_58 = arith.constant 0 : i32
    %get3A_59 = arith.index_cast %get3A_58 : i32 to index
    %get3A_60 = arith.constant 64 : index
    %get3A_61 = tpu.vector_load %arg7[%get3A_59, %get3A_60] {strides = array<i32>} : memref<4x128xi32, #tpu.memory_space<vmem>>, vector<16xi32>,
    %ge3A_62 = arith.constant 57344 : i32
    %ge3A_63 = vector.broadcast %ge3A_62 : i32 to vector<16xi32>
    %ge3A_64 = arith.cmpi sge, %get3A_61, %ge3A_63 : vector<16xi32>
    %sub3A_65 = arith.constant 57344 : i32
    %sub3A_66 = vector.broadcast %sub3A_65 : i32 to vector<16xi32>
    %sub3A_67 = arith.subi %get3A_61, %sub3A_66 : vector<16xi32>
    %select_n3A_68 = arith.select %ge3A_64, %sub3A_67, %get3A_61 : vector<16xi1>, vector<16xi32>
    %swap3A_69 = arith.constant 0 : i32
    %swap3A_70 = arith.index_cast %swap3A_69 : i32 to index
    %swap3A_71 = arith.constant 64 : index
    %swap3A_72 = tpu.vector_load %arg8[%swap3A_70, %swap3A_71] {strides = array<i32>} : memref<4x128xi32, #tpu.memory_space<vmem>>, vector<16xi32>,
    tpu.vector_store %arg8[%swap3A_70, %swap3A_71], %select_n3A_68 {strides = array<i32>} : memref<4x128xi32, #tpu.memory_space<vmem>>, vector<16xi32>,
    %get3A_73 = arith.constant 0 : i32
    %get3A_74 = arith.index_cast %get3A_73 : i32 to index
    %get3A_75 = arith.constant 80 : index
    %get3A_76 = tpu.vector_load %arg7[%get3A_74, %get3A_75] {strides = array<i32>} : memref<4x128xi32, #tpu.memory_space<vmem>>, vector<16xi32>,
    %ge3A_77 = arith.constant 57344 : i32
    %ge3A_78 = vector.broadcast %ge3A_77 : i32 to vector<16xi32>
    %ge3A_79 = arith.cmpi sge, %get3A_76, %ge3A_78 : vector<16xi32>
    %sub3A_80 = arith.constant 57344 : i32
    %sub3A_81 = vector.broadcast %sub3A_80 : i32 to vector<16xi32>
    %sub3A_82 = arith.subi %get3A_76, %sub3A_81 : vector<16xi32>
    %select_n3A_83 = arith.select %ge3A_79, %sub3A_82, %get3A_76 : vector<16xi1>, vector<16xi32>
    %swap3A_84 = arith.constant 0 : i32
    %swap3A_85 = arith.index_cast %swap3A_84 : i32 to index
    %swap3A_86 = arith.constant 80 : index
    %swap3A_87 = tpu.vector_load %arg8[%swap3A_85, %swap3A_86] {strides = array<i32>} : memref<4x128xi32, #tpu.memory_space<vmem>>, vector<16xi32>,
    tpu.vector_store %arg8[%swap3A_85, %swap3A_86], %select_n3A_83 {strides = array<i32>} : memref<4x128xi32, #tpu.memory_space<vmem>>, vector<16xi32>,
    %get3A_88 = arith.constant 0 : i32
    %get3A_89 = arith.index_cast %get3A_88 : i32 to index
    %get3A_90 = arith.constant 96 : index
    %get3A_91 = tpu.vector_load %arg7[%get3A_89, %get3A_90] {strides = array<i32>} : memref<4x128xi32, #tpu.memory_space<vmem>>, vector<16xi32>,
    %ge3A_92 = arith.constant 57344 : i32
    %ge3A_93 = vector.broadcast %ge3A_92 : i32 to vector<16xi32>
    %ge3A_94 = arith.cmpi sge, %get3A_91, %ge3A_93 : vector<16xi32>
    %sub3A_95 = arith.constant 57344 : i32
    %sub3A_96 = vector.broadcast %sub3A_95 : i32 to vector<16xi32>
    %sub3A_97 = arith.subi %get3A_91, %sub3A_96 : vector<16xi32>
    %select_n3A_98 = arith.select %ge3A_94, %sub3A_97, %get3A_91 : vector<16xi1>, vector<16xi32>
    %swap3A_99 = arith.constant 0 : i32
    %swap3A_100 = arith.index_cast %swap3A_99 : i32 to index
    %swap3A_101 = arith.constant 96 : index
    %swap3A_102 = tpu.vector_load %arg8[%swap3A_100, %swap3A_101] {strides = array<i32>} : memref<4x128xi32, #tpu.memory_space<vmem>>, vector<16xi32>,
    tpu.vector_store %arg8[%swap3A_100, %swap3A_101], %select_n3A_98 {strides = array<i32>} : memref<4x128xi32, #tpu.memory_space<vmem>>, vector<16xi32>,
    %get3A_103 = arith.constant 0 : i32
    %get3A_104 = arith.index_cast %get3A_103 : i32 to index
    %get3A_105 = arith.constant 112 : index
    %get3A_106 = tpu.vector_load %arg7[%get3A_104, %get3A_105] {strides = array<i32>} : memref<4x128xi32, #tpu.memory_space<vmem>>, vector<16xi32>,
    %ge3A_107 = arith.constant 57344 : i32
    %ge3A_108 = vector.broadcast %ge3A_107 : i32 to vector<16xi32>
    %ge3A_109 = arith.cmpi sge, %get3A_106, %ge3A_108 : vector<16xi32>
    %sub3A_110 = arith.constant 57344 : i32
    %sub3A_111 = vector.broadcast %sub3A_110 : i32 to vector<16xi32>
    %sub3A_112 = arith.subi %get3A_106, %sub3A_111 : vector<16xi32>
    %select_n3A_113 = arith.select %ge3A_109, %sub3A_112, %get3A_106 : vector<16xi1>, vector<16xi32>
    %swap3A_114 = arith.constant 0 : i32
    %swap3A_115 = arith.index_cast %swap3A_114 : i32 to index
    %swap3A_116 = arith.constant 112 : index
    %swap3A_117 = tpu.vector_load %arg8[%swap3A_115, %swap3A_116] {strides = array<i32>} : memref<4x128xi32, #tpu.memory_space<vmem>>, vector<16xi32>,
    tpu.vector_store %arg8[%swap3A_115, %swap3A_116], %select_n3A_113 {strides = array<i32>} : memref<4x128xi32, #tpu.memory_space<vmem>>, vector<16xi32>,
    %get3A_118 = arith.constant 1 : i32
    %get3A_119 = arith.index_cast %get3A_118 : i32 to index
    %get3A_120 = arith.constant 0 : index
    %get3A_121 = tpu.vector_load %arg7[%get3A_119, %get3A_120] {strides = array<i32>} : memref<4x128xi32, #tpu.memory_space<vmem>>, vector<16xi32>,
    %ge3A_122 = arith.constant 57344 : i32
    %ge3A_123 = vector.broadcast %ge3A_122 : i32 to vector<16xi32>
    %ge3A_124 = arith.cmpi sge, %get3A_121, %ge3A_123 : vector<16xi32>
    %sub3A_125 = arith.constant 57344 : i32
    %sub3A_126 = vector.broadcast %sub3A_125 : i32 to vector<16xi32>
    %sub3A_127 = arith.subi %get3A_121, %sub3A_126 : vector<16xi32>
    %select_n3A_128 = arith.select %ge3A_124, %sub3A_127, %get3A_121 : vector<16xi1>, vector<16xi32>
    %swap3A_129 = arith.constant 1 : i32
    %swap3A_130 = arith.index_cast %swap3A_129 : i32 to index
    %swap3A_131 = arith.constant 0 : index
    %swap3A_132 = tpu.vector_load %arg8[%swap3A_130, %swap3A_131] {strides = array<i32>} : memref<4x128xi32, #tpu.memory_space<vmem>>, vector<16xi32>,
    tpu.vector_store %arg8[%swap3A_130, %swap3A_131], %select_n3A_128 {strides = array<i32>} : memref<4x128xi32, #tpu.memory_space<vmem>>, vector<16xi32>,
    %get3A_133 = arith.constant 1 : i32
    %get3A_134 = arith.index_cast %get3A_133 : i32 to index
    %get3A_135 = arith.constant 16 : index
    %get3A_136 = tpu.vector_load %arg7[%get3A_134, %get3A_135] {strides = array<i32>} : memref<4x128xi32, #tpu.memory_space<vmem>>, vector<16xi32>,
    %ge3A_137 = arith.constant 57344 : i32
    %ge3A_138 = vector.broadcast %ge3A_137 : i32 to vector<16xi32>
    %ge3A_139 = arith.cmpi sge, %get3A_136, %ge3A_138 : vector<16xi32>
    %sub3A_140 = arith.constant 57344 : i32
    %sub3A_141 = vector.broadcast %sub3A_140 : i32 to vector<16xi32>
    %sub3A_142 = arith.subi %get3A_136, %sub3A_141 : vector<16xi32>
    %select_n3A_143 = arith.select %ge3A_139, %sub3A_142, %get3A_136 : vector<16xi1>, vector<16xi32>
    %swap3A_144 = arith.constant 1 : i32
    %swap3A_145 = arith.index_cast %swap3A_144 : i32 to index
    %swap3A_146 = arith.constant 16 : index
    %swap3A_147 = tpu.vector_load %arg8[%swap3A_145, %swap3A_146] {strides = array<i32>} : memref<4x128xi32, #tpu.memory_space<vmem>>, vector<16xi32>,
    tpu.vector_store %arg8[%swap3A_145, %swap3A_146], %select_n3A_143 {strides = array<i32>} : memref<4x128xi32, #tpu.memory_space<vmem>>, vector<16xi32>,
    %get3A_148 = arith.constant 1 : i32
    %get3A_149 = arith.index_cast %get3A_148 : i32 to index
    %get3A_150 = arith.constant 32 : index
    %get3A_151 = tpu.vector_load %arg7[%get3A_149, %get3A_150] {strides = array<i32>} : memref<4x128xi32, #tpu.memory_space<vmem>>, vector<16xi32>,
    %ge3A_152 = arith.constant 57344 : i32
    %ge3A_153 = vector.broadcast %ge3A_152 : i32 to vector<16xi32>
    %ge3A_154 = arith.cmpi sge, %get3A_151, %ge3A_153 : vector<16xi32>
    %sub3A_155 = arith.constant 57344 : i32
    %sub3A_156 = vector.broadcast %sub3A_155 : i32 to vector<16xi32>
    %sub3A_157 = arith.subi %get3A_151, %sub3A_156 : vector<16xi32>
    %select_n3A_158 = arith.select %ge3A_154, %sub3A_157, %get3A_151 : vector<16xi1>, vector<16xi32>
    %swap3A_159 = arith.constant 1 : i32
    %swap3A_160 = arith.index_cast %swap3A_159 : i32 to index
    %swap3A_161 = arith.constant 32 : index
    %swap3A_162 = tpu.vector_load %arg8[%swap3A_160, %swap3A_161] {strides = array<i32>} : memref<4x128xi32, #tpu.memory_space<vmem>>, vector<16xi32>,
    tpu.vector_store %arg8[%swap3A_160, %swap3A_161], %select_n3A_158 {strides = array<i32>} : memref<4x128xi32, #tpu.memory_space<vmem>>, vector<16xi32>,
    %get3A_163 = arith.constant 1 : i32
    %get3A_164 = arith.index_cast %get3A_163 : i32 to index
    %get3A_165 = arith.constant 48 : index
    %get3A_166 = tpu.vector_load %arg7[%get3A_164, %get3A_165] {strides = array<i32>} : memref<4x128xi32, #tpu.memory_space<vmem>>, vector<16xi32>,
    %ge3A_167 = arith.constant 57344 : i32
    %ge3A_168 = vector.broadcast %ge3A_167 : i32 to vector<16xi32>
    %ge3A_169 = arith.cmpi sge, %get3A_166, %ge3A_168 : vector<16xi32>
    %sub3A_170 = arith.constant 57344 : i32
    %sub3A_171 = vector.broadcast %sub3A_170 : i32 to vector<16xi32>
    %sub3A_172 = arith.subi %get3A_166, %sub3A_171 : vector<16xi32>
    %select_n3A_173 = arith.select %ge3A_169, %sub3A_172, %get3A_166 : vector<16xi1>, vector<16xi32>
    %swap3A_174 = arith.constant 1 : i32
    %swap3A_175 = arith.index_cast %swap3A_174 : i32 to index
    %swap3A_176 = arith.constant 48 : index
    %swap3A_177 = tpu.vector_load %arg8[%swap3A_175, %swap3A_176] {strides = array<i32>} : memref<4x128xi32, #tpu.memory_space<vmem>>, vector<16xi32>,
    tpu.vector_store %arg8[%swap3A_175, %swap3A_176], %select_n3A_173 {strides = array<i32>} : memref<4x128xi32, #tpu.memory_space<vmem>>, vector<16xi32>,
    %get3A_178 = arith.constant 1 : i32
    %get3A_179 = arith.index_cast %get3A_178 : i32 to index
    %get3A_180 = arith.constant 64 : index
    %get3A_181 = tpu.vector_load %arg7[%get3A_179, %get3A_180] {strides = array<i32>} : memref<4x128xi32, #tpu.memory_space<vmem>>, vector<16xi32>,
    %ge3A_182 = arith.constant 57344 : i32
    %ge3A_183 = vector.broadcast %ge3A_182 : i32 to vector<16xi32>
    %ge3A_184 = arith.cmpi sge, %get3A_181, %ge3A_183 : vector<16xi32>
    %sub3A_185 = arith.constant 57344 : i32
    %sub3A_186 = vector.broadcast %sub3A_185 : i32 to vector<16xi32>
    %sub3A_187 = arith.subi %get3A_181, %sub3A_186 : vector<16xi32>
    %select_n3A_188 = arith.select %ge3A_184, %sub3A_187, %get3A_181 : vector<16xi1>, vector<16xi32>
    %swap3A_189 = arith.constant 1 : i32
    %swap3A_190 = arith.index_cast %swap3A_189 : i32 to index
    %swap3A_191 = arith.constant 64 : index
    %swap3A_192 = tpu.vector_load %arg8[%swap3A_190, %swap3A_191] {strides = array<i32>} : memref<4x128xi32, #tpu.memory_space<vmem>>, vector<16xi32>,
    tpu.vector_store %arg8[%swap3A_190, %swap3A_191], %select_n3A_188 {strides = array<i32>} : memref<4x128xi32, #tpu.memory_space<vmem>>, vector<16xi32>,
    %get3A_193 = arith.constant 1 : i32
    %get3A_194 = arith.index_cast %get3A_193 : i32 to index
    %get3A_195 = arith.constant 80 : index
    %get3A_196 = tpu.vector_load %arg7[%get3A_194, %get3A_195] {strides = array<i32>} : memref<4x128xi32, #tpu.memory_space<vmem>>, vector<16xi32>,
    %ge3A_197 = arith.constant 57344 : i32
    %ge3A_198 = vector.broadcast %ge3A_197 : i32 to vector<16xi32>
    %ge3A_199 = arith.cmpi sge, %get3A_196, %ge3A_198 : vector<16xi32>
    %sub3A_200 = arith.constant 57344 : i32
    %sub3A_201 = vector.broadcast %sub3A_200 : i32 to vector<16xi32>
    %sub3A_202 = arith.subi %get3A_196, %sub3A_201 : vector<16xi32>
    %select_n3A_203 = arith.select %ge3A_199, %sub3A_202, %get3A_196 : vector<16xi1>, vector<16xi32>
    %swap3A_204 = arith.constant 1 : i32
    %swap3A_205 = arith.index_cast %swap3A_204 : i32 to index
    %swap3A_206 = arith.constant 80 : index
    %swap3A_207 = tpu.vector_load %arg8[%swap3A_205, %swap3A_206] {strides = array<i32>} : memref<4x128xi32, #tpu.memory_space<vmem>>, vector<16xi32>,
    tpu.vector_store %arg8[%swap3A_205, %swap3A_206], %select_n3A_203 {strides = array<i32>} : memref<4x128xi32, #tpu.memory_space<vmem>>, vector<16xi32>,
    %get3A_208 = arith.constant 1 : i32
    %get3A_209 = arith.index_cast %get3A_208 : i32 to index
    %get3A_210 = arith.constant 96 : index
    %get3A_211 = tpu.vector_load %arg7[%get3A_209, %get3A_210] {strides = array<i32>} : memref<4x128xi32, #tpu.memory_space<vmem>>, vector<16xi32>,
    %ge3A_212 = arith.constant 57344 : i32
    %ge3A_213 = vector.broadcast %ge3A_212 : i32 to vector<16xi32>
    %ge3A_214 = arith.cmpi sge, %get3A_211, %ge3A_213 : vector<16xi32>
    %sub3A_215 = arith.constant 57344 : i32
    %sub3A_216 = vector.broadcast %sub3A_215 : i32 to vector<16xi32>
    %sub3A_217 = arith.subi %get3A_211, %sub3A_216 : vector<16xi32>
    %select_n3A_218 = arith.select %ge3A_214, %sub3A_217, %get3A_211 : vector<16xi1>, vector<16xi32>
    %swap3A_219 = arith.constant 1 : i32
    %swap3A_220 = arith.index_cast %swap3A_219 : i32 to index
    %swap3A_221 = arith.constant 96 : index
    %swap3A_222 = tpu.vector_load %arg8[%swap3A_220, %swap3A_221] {strides = array<i32>} : memref<4x128xi32, #tpu.memory_space<vmem>>, vector<16xi32>,
    tpu.vector_store %arg8[%swap3A_220, %swap3A_221], %select_n3A_218 {strides = array<i32>} : memref<4x128xi32, #tpu.memory_space<vmem>>, vector<16xi32>,
    %get3A_223 = arith.constant 1 : i32
    %get3A_224 = arith.index_cast %get3A_223 : i32 to index
    %get3A_225 = arith.constant 112 : index
    %get3A_226 = tpu.vector_load %arg7[%get3A_224, %get3A_225] {strides = array<i32>} : memref<4x128xi32, #tpu.memory_space<vmem>>, vector<16xi32>,
    %ge3A_227 = arith.constant 57344 : i32
    %ge3A_228 = vector.broadcast %ge3A_227 : i32 to vector<16xi32>
    %ge3A_229 = arith.cmpi sge, %get3A_226, %ge3A_228 : vector<16xi32>
    %sub3A_230 = arith.constant 57344 : i32
    %sub3A_231 = vector.broadcast %sub3A_230 : i32 to vector<16xi32>
    %sub3A_232 = arith.subi %get3A_226, %sub3A_231 : vector<16xi32>
    %select_n3A_233 = arith.select %ge3A_229, %sub3A_232, %get3A_226 : vector<16xi1>, vector<16xi32>
    %swap3A_234 = arith.constant 1 : i32
    %swap3A_235 = arith.index_cast %swap3A_234 : i32 to index
    %swap3A_236 = arith.constant 112 : index
    %swap3A_237 = tpu.vector_load %arg8[%swap3A_235, %swap3A_236] {strides = array<i32>} : memref<4x128xi32, #tpu.memory_space<vmem>>, vector<16xi32>,
    tpu.vector_store %arg8[%swap3A_235, %swap3A_236], %select_n3A_233 {strides = array<i32>} : memref<4x128xi32, #tpu.memory_space<vmem>>, vector<16xi32>,
    %get3A_238 = arith.constant 2 : i32
    %get3A_239 = arith.index_cast %get3A_238 : i32 to index
    %get3A_240 = arith.constant 0 : index
    %get3A_241 = tpu.vector_load %arg7[%get3A_239, %get3A_240] {strides = array<i32>} : memref<4x128xi32, #tpu.memory_space<vmem>>, vector<16xi32>,
    %ge3A_242 = arith.constant 57344 : i32
    %ge3A_243 = vector.broadcast %ge3A_242 : i32 to vector<16xi32>
    %ge3A_244 = arith.cmpi sge, %get3A_241, %ge3A_243 : vector<16xi32>
    %sub3A_245 = arith.constant 57344 : i32
    %sub3A_246 = vector.broadcast %sub3A_245 : i32 to vector<16xi32>
    %sub3A_247 = arith.subi %get3A_241, %sub3A_246 : vector<16xi32>
    %select_n3A_248 = arith.select %ge3A_244, %sub3A_247, %get3A_241 : vector<16xi1>, vector<16xi32>
    %swap3A_249 = arith.constant 2 : i32
    %swap3A_250 = arith.index_cast %swap3A_249 : i32 to index
    %swap3A_251 = arith.constant 0 : index
    %swap3A_252 = tpu.vector_load %arg8[%swap3A_250, %swap3A_251] {strides = array<i32>} : memref<4x128xi32, #tpu.memory_space<vmem>>, vector<16xi32>,
    tpu.vector_store %arg8[%swap3A_250, %swap3A_251], %select_n3A_248 {strides = array<i32>} : memref<4x128xi32, #tpu.memory_space<vmem>>, vector<16xi32>,
    %get3A_253 = arith.constant 2 : i32
    %get3A_254 = arith.index_cast %get3A_253 : i32 to index
    %get3A_255 = arith.constant 16 : index
    %get3A_256 = tpu.vector_load %arg7[%get3A_254, %get3A_255] {strides = array<i32>} : memref<4x128xi32, #tpu.memory_space<vmem>>, vector<16xi32>,
    %ge3A_257 = arith.constant 57344 : i32
    %ge3A_258 = vector.broadcast %ge3A_257 : i32 to vector<16xi32>
    %ge3A_259 = arith.cmpi sge, %get3A_256, %ge3A_258 : vector<16xi32>
    %sub3A_260 = arith.constant 57344 : i32
    %sub3A_261 = vector.broadcast %sub3A_260 : i32 to vector<16xi32>
    %sub3A_262 = arith.subi %get3A_256, %sub3A_261 : vector<16xi32>
    %select_n3A_263 = arith.select %ge3A_259, %sub3A_262, %get3A_256 : vector<16xi1>, vector<16xi32>
    %swap3A_264 = arith.constant 2 : i32
    %swap3A_265 = arith.index_cast %swap3A_264 : i32 to index
    %swap3A_266 = arith.constant 16 : index
    %swap3A_267 = tpu.vector_load %arg8[%swap3A_265, %swap3A_266] {strides = array<i32>} : memref<4x128xi32, #tpu.memory_space<vmem>>, vector<16xi32>,
    tpu.vector_store %arg8[%swap3A_265, %swap3A_266], %select_n3A_263 {strides = array<i32>} : memref<4x128xi32, #tpu.memory_space<vmem>>, vector<16xi32>,
    %get3A_268 = arith.constant 2 : i32
    %get3A_269 = arith.index_cast %get3A_268 : i32 to index
    %get3A_270 = arith.constant 32 : index
    %get3A_271 = tpu.vector_load %arg7[%get3A_269, %get3A_270] {strides = array<i32>} : memref<4x128xi32, #tpu.memory_space<vmem>>, vector<16xi32>,
    %ge3A_272 = arith.constant 57344 : i32
    %ge3A_273 = vector.broadcast %ge3A_272 : i32 to vector<16xi32>
    %ge3A_274 = arith.cmpi sge, %get3A_271, %ge3A_273 : vector<16xi32>
    %sub3A_275 = arith.constant 57344 : i32
    %sub3A_276 = vector.broadcast %sub3A_275 : i32 to vector<16xi32>
    %sub3A_277 = arith.subi %get3A_271, %sub3A_276 : vector<16xi32>
    %select_n3A_278 = arith.select %ge3A_274, %sub3A_277, %get3A_271 : vector<16xi1>, vector<16xi32>
    %swap3A_279 = arith.constant 2 : i32
    %swap3A_280 = arith.index_cast %swap3A_279 : i32 to index
    %swap3A_281 = arith.constant 32 : index
    %swap3A_282 = tpu.vector_load %arg8[%swap3A_280, %swap3A_281] {strides = array<i32>} : memref<4x128xi32, #tpu.memory_space<vmem>>, vector<16xi32>,
    tpu.vector_store %arg8[%swap3A_280, %swap3A_281], %select_n3A_278 {strides = array<i32>} : memref<4x128xi32, #tpu.memory_space<vmem>>, vector<16xi32>,
    %get3A_283 = arith.constant 2 : i32
    %get3A_284 = arith.index_cast %get3A_283 : i32 to index
    %get3A_285 = arith.constant 48 : index
    %get3A_286 = tpu.vector_load %arg7[%get3A_284, %get3A_285] {strides = array<i32>} : memref<4x128xi32, #tpu.memory_space<vmem>>, vector<16xi32>,
    %ge3A_287 = arith.constant 57344 : i32
    %ge3A_288 = vector.broadcast %ge3A_287 : i32 to vector<16xi32>
    %ge3A_289 = arith.cmpi sge, %get3A_286, %ge3A_288 : vector<16xi32>
    %sub3A_290 = arith.constant 57344 : i32
    %sub3A_291 = vector.broadcast %sub3A_290 : i32 to vector<16xi32>
    %sub3A_292 = arith.subi %get3A_286, %sub3A_291 : vector<16xi32>
    %select_n3A_293 = arith.select %ge3A_289, %sub3A_292, %get3A_286 : vector<16xi1>, vector<16xi32>
    %swap3A_294 = arith.constant 2 : i32
    %swap3A_295 = arith.index_cast %swap3A_294 : i32 to index
    %swap3A_296 = arith.constant 48 : index
    %swap3A_297 = tpu.vector_load %arg8[%swap3A_295, %swap3A_296] {strides = array<i32>} : memref<4x128xi32, #tpu.memory_space<vmem>>, vector<16xi32>,
    tpu.vector_store %arg8[%swap3A_295, %swap3A_296], %select_n3A_293 {strides = array<i32>} : memref<4x128xi32, #tpu.memory_space<vmem>>, vector<16xi32>,
    %get3A_298 = arith.constant 2 : i32
    %get3A_299 = arith.index_cast %get3A_298 : i32 to index
    %get3A_300 = arith.constant 64 : index
    %get3A_301 = tpu.vector_load %arg7[%get3A_299, %get3A_300] {strides = array<i32>} : memref<4x128xi32, #tpu.memory_space<vmem>>, vector<16xi32>,
    %ge3A_302 = arith.constant 57344 : i32
    %ge3A_303 = vector.broadcast %ge3A_302 : i32 to vector<16xi32>
    %ge3A_304 = arith.cmpi sge, %get3A_301, %ge3A_303 : vector<16xi32>
    %sub3A_305 = arith.constant 57344 : i32
    %sub3A_306 = vector.broadcast %sub3A_305 : i32 to vector<16xi32>
    %sub3A_307 = arith.subi %get3A_301, %sub3A_306 : vector<16xi32>
    %select_n3A_308 = arith.select %ge3A_304, %sub3A_307, %get3A_301 : vector<16xi1>, vector<16xi32>
    %swap3A_309 = arith.constant 2 : i32
    %swap3A_310 = arith.index_cast %swap3A_309 : i32 to index
    %swap3A_311 = arith.constant 64 : index
    %swap3A_312 = tpu.vector_load %arg8[%swap3A_310, %swap3A_311] {strides = array<i32>} : memref<4x128xi32, #tpu.memory_space<vmem>>, vector<16xi32>,
    tpu.vector_store %arg8[%swap3A_310, %swap3A_311], %select_n3A_308 {strides = array<i32>} : memref<4x128xi32, #tpu.memory_space<vmem>>, vector<16xi32>,
    %get3A_313 = arith.constant 2 : i32
    %get3A_314 = arith.index_cast %get3A_313 : i32 to index
    %get3A_315 = arith.constant 80 : index
    %get3A_316 = tpu.vector_load %arg7[%get3A_314, %get3A_315] {strides = array<i32>} : memref<4x128xi32, #tpu.memory_space<vmem>>, vector<16xi32>,
    %ge3A_317 = arith.constant 57344 : i32
    %ge3A_318 = vector.broadcast %ge3A_317 : i32 to vector<16xi32>
    %ge3A_319 = arith.cmpi sge, %get3A_316, %ge3A_318 : vector<16xi32>
    %sub3A_320 = arith.constant 57344 : i32
    %sub3A_321 = vector.broadcast %sub3A_320 : i32 to vector<16xi32>
    %sub3A_322 = arith.subi %get3A_316, %sub3A_321 : vector<16xi32>
    %select_n3A_323 = arith.select %ge3A_319, %sub3A_322, %get3A_316 : vector<16xi1>, vector<16xi32>
    %swap3A_324 = arith.constant 2 : i32
    %swap3A_325 = arith.index_cast %swap3A_324 : i32 to index
    %swap3A_326 = arith.constant 80 : index
    %swap3A_327 = tpu.vector_load %arg8[%swap3A_325, %swap3A_326] {strides = array<i32>} : memref<4x128xi32, #tpu.memory_space<vmem>>, vector<16xi32>,
    tpu.vector_store %arg8[%swap3A_325, %swap3A_326], %select_n3A_323 {strides = array<i32>} : memref<4x128xi32, #tpu.memory_space<vmem>>, vector<16xi32>,
    %get3A_328 = arith.constant 2 : i32
    %get3A_329 = arith.index_cast %get3A_328 : i32 to index
    %get3A_330 = arith.constant 96 : index
    %get3A_331 = tpu.vector_load %arg7[%get3A_329, %get3A_330] {strides = array<i32>} : memref<4x128xi32, #tpu.memory_space<vmem>>, vector<16xi32>,
    %ge3A_332 = arith.constant 57344 : i32
    %ge3A_333 = vector.broadcast %ge3A_332 : i32 to vector<16xi32>
    %ge3A_334 = arith.cmpi sge, %get3A_331, %ge3A_333 : vector<16xi32>
    %sub3A_335 = arith.constant 57344 : i32
    %sub3A_336 = vector.broadcast %sub3A_335 : i32 to vector<16xi32>
    %sub3A_337 = arith.subi %get3A_331, %sub3A_336 : vector<16xi32>
    %select_n3A_338 = arith.select %ge3A_334, %sub3A_337, %get3A_331 : vector<16xi1>, vector<16xi32>
    %swap3A_339 = arith.constant 2 : i32
    %swap3A_340 = arith.index_cast %swap3A_339 : i32 to index
    %swap3A_341 = arith.constant 96 : index
    %swap3A_342 = tpu.vector_load %arg8[%swap3A_340, %swap3A_341] {strides = array<i32>} : memref<4x128xi32, #tpu.memory_space<vmem>>, vector<16xi32>,
    tpu.vector_store %arg8[%swap3A_340, %swap3A_341], %select_n3A_338 {strides = array<i32>} : memref<4x128xi32, #tpu.memory_space<vmem>>, vector<16xi32>,
    %get3A_343 = arith.constant 2 : i32
    %get3A_344 = arith.index_cast %get3A_343 : i32 to index
    %get3A_345 = arith.constant 112 : index
    %get3A_346 = tpu.vector_load %arg7[%get3A_344, %get3A_345] {strides = array<i32>} : memref<4x128xi32, #tpu.memory_space<vmem>>, vector<16xi32>,
    %ge3A_347 = arith.constant 57344 : i32
    %ge3A_348 = vector.broadcast %ge3A_347 : i32 to vector<16xi32>
    %ge3A_349 = arith.cmpi sge, %get3A_346, %ge3A_348 : vector<16xi32>
    %sub3A_350 = arith.constant 57344 : i32
    %sub3A_351 = vector.broadcast %sub3A_350 : i32 to vector<16xi32>
    %sub3A_352 = arith.subi %get3A_346, %sub3A_351 : vector<16xi32>
    %select_n3A_353 = arith.select %ge3A_349, %sub3A_352, %get3A_346 : vector<16xi1>, vector<16xi32>
    %swap3A_354 = arith.constant 2 : i32
    %swap3A_355 = arith.index_cast %swap3A_354 : i32 to index
    %swap3A_356 = arith.constant 112 : index
    %swap3A_357 = tpu.vector_load %arg8[%swap3A_355, %swap3A_356] {strides = array<i32>} : memref<4x128xi32, #tpu.memory_space<vmem>>, vector<16xi32>,
    tpu.vector_store %arg8[%swap3A_355, %swap3A_356], %select_n3A_353 {strides = array<i32>} : memref<4x128xi32, #tpu.memory_space<vmem>>, vector<16xi32>,
    %get3A_358 = arith.constant 3 : i32
    %get3A_359 = arith.index_cast %get3A_358 : i32 to index
    %get3A_360 = arith.constant 0 : index
    %get3A_361 = tpu.vector_load %arg7[%get3A_359, %get3A_360] {strides = array<i32>} : memref<4x128xi32, #tpu.memory_space<vmem>>, vector<16xi32>,
    %ge3A_362 = arith.constant 57344 : i32
    %ge3A_363 = vector.broadcast %ge3A_362 : i32 to vector<16xi32>
    %ge3A_364 = arith.cmpi sge, %get3A_361, %ge3A_363 : vector<16xi32>
    %sub3A_365 = arith.constant 57344 : i32
    %sub3A_366 = vector.broadcast %sub3A_365 : i32 to vector<16xi32>
    %sub3A_367 = arith.subi %get3A_361, %sub3A_366 : vector<16xi32>
    %select_n3A_368 = arith.select %ge3A_364, %sub3A_367, %get3A_361 : vector<16xi1>, vector<16xi32>
    %swap3A_369 = arith.constant 3 : i32
    %swap3A_370 = arith.index_cast %swap3A_369 : i32 to index
    %swap3A_371 = arith.constant 0 : index
    %swap3A_372 = tpu.vector_load %arg8[%swap3A_370, %swap3A_371] {strides = array<i32>} : memref<4x128xi32, #tpu.memory_space<vmem>>, vector<16xi32>,
    tpu.vector_store %arg8[%swap3A_370, %swap3A_371], %select_n3A_368 {strides = array<i32>} : memref<4x128xi32, #tpu.memory_space<vmem>>, vector<16xi32>,
    %get3A_373 = arith.constant 3 : i32
    %get3A_374 = arith.index_cast %get3A_373 : i32 to index
    %get3A_375 = arith.constant 16 : index
    %get3A_376 = tpu.vector_load %arg7[%get3A_374, %get3A_375] {strides = array<i32>} : memref<4x128xi32, #tpu.memory_space<vmem>>, vector<16xi32>,
    %ge3A_377 = arith.constant 57344 : i32
    %ge3A_378 = vector.broadcast %ge3A_377 : i32 to vector<16xi32>
    %ge3A_379 = arith.cmpi sge, %get3A_376, %ge3A_378 : vector<16xi32>
    %sub3A_380 = arith.constant 57344 : i32
    %sub3A_381 = vector.broadcast %sub3A_380 : i32 to vector<16xi32>
    %sub3A_382 = arith.subi %get3A_376, %sub3A_381 : vector<16xi32>
    %select_n3A_383 = arith.select %ge3A_379, %sub3A_382, %get3A_376 : vector<16xi1>, vector<16xi32>
    %swap3A_384 = arith.constant 3 : i32
    %swap3A_385 = arith.index_cast %swap3A_384 : i32 to index
    %swap3A_386 = arith.constant 16 : index
    %swap3A_387 = tpu.vector_load %arg8[%swap3A_385, %swap3A_386] {strides = array<i32>} : memref<4x128xi32, #tpu.memory_space<vmem>>, vector<16xi32>,
    tpu.vector_store %arg8[%swap3A_385, %swap3A_386], %select_n3A_383 {strides = array<i32>} : memref<4x128xi32, #tpu.memory_space<vmem>>, vector<16xi32>,
    %get3A_388 = arith.constant 3 : i32
    %get3A_389 = arith.index_cast %get3A_388 : i32 to index
    %get3A_390 = arith.constant 32 : index
    %get3A_391 = tpu.vector_load %arg7[%get3A_389, %get3A_390] {strides = array<i32>} : memref<4x128xi32, #tpu.memory_space<vmem>>, vector<16xi32>,
    %ge3A_392 = arith.constant 57344 : i32
    %ge3A_393 = vector.broadcast %ge3A_392 : i32 to vector<16xi32>
    %ge3A_394 = arith.cmpi sge, %get3A_391, %ge3A_393 : vector<16xi32>
    %sub3A_395 = arith.constant 57344 : i32
    %sub3A_396 = vector.broadcast %sub3A_395 : i32 to vector<16xi32>
    %sub3A_397 = arith.subi %get3A_391, %sub3A_396 : vector<16xi32>
    %select_n3A_398 = arith.select %ge3A_394, %sub3A_397, %get3A_391 : vector<16xi1>, vector<16xi32>
    %swap3A_399 = arith.constant 3 : i32
    %swap3A_400 = arith.index_cast %swap3A_399 : i32 to index
    %swap3A_401 = arith.constant 32 : index
    %swap3A_402 = tpu.vector_load %arg8[%swap3A_400, %swap3A_401] {strides = array<i32>} : memref<4x128xi32, #tpu.memory_space<vmem>>, vector<16xi32>,
    tpu.vector_store %arg8[%swap3A_400, %swap3A_401], %select_n3A_398 {strides = array<i32>} : memref<4x128xi32, #tpu.memory_space<vmem>>, vector<16xi32>,
    %get3A_403 = arith.constant 3 : i32
    %get3A_404 = arith.index_cast %get3A_403 : i32 to index
    %get3A_405 = arith.constant 48 : index
    %get3A_406 = tpu.vector_load %arg7[%get3A_404, %get3A_405] {strides = array<i32>} : memref<4x128xi32, #tpu.memory_space<vmem>>, vector<16xi32>,
    %ge3A_407 = arith.constant 57344 : i32
    %ge3A_408 = vector.broadcast %ge3A_407 : i32 to vector<16xi32>
    %ge3A_409 = arith.cmpi sge, %get3A_406, %ge3A_408 : vector<16xi32>
    %sub3A_410 = arith.constant 57344 : i32
    %sub3A_411 = vector.broadcast %sub3A_410 : i32 to vector<16xi32>
    %sub3A_412 = arith.subi %get3A_406, %sub3A_411 : vector<16xi32>
    %select_n3A_413 = arith.select %ge3A_409, %sub3A_412, %get3A_406 : vector<16xi1>, vector<16xi32>
    %swap3A_414 = arith.constant 3 : i32
    %swap3A_415 = arith.index_cast %swap3A_414 : i32 to index
    %swap3A_416 = arith.constant 48 : index
    %swap3A_417 = tpu.vector_load %arg8[%swap3A_415, %swap3A_416] {strides = array<i32>} : memref<4x128xi32, #tpu.memory_space<vmem>>, vector<16xi32>,
    tpu.vector_store %arg8[%swap3A_415, %swap3A_416], %select_n3A_413 {strides = array<i32>} : memref<4x128xi32, #tpu.memory_space<vmem>>, vector<16xi32>,
    %get3A_418 = arith.constant 3 : i32
    %get3A_419 = arith.index_cast %get3A_418 : i32 to index
    %get3A_420 = arith.constant 64 : index
    %get3A_421 = tpu.vector_load %arg7[%get3A_419, %get3A_420] {strides = array<i32>} : memref<4x128xi32, #tpu.memory_space<vmem>>, vector<16xi32>,
    %ge3A_422 = arith.constant 57344 : i32
    %ge3A_423 = vector.broadcast %ge3A_422 : i32 to vector<16xi32>
    %ge3A_424 = arith.cmpi sge, %get3A_421, %ge3A_423 : vector<16xi32>
    %sub3A_425 = arith.constant 57344 : i32
    %sub3A_426 = vector.broadcast %sub3A_425 : i32 to vector<16xi32>
    %sub3A_427 = arith.subi %get3A_421, %sub3A_426 : vector<16xi32>
    %select_n3A_428 = arith.select %ge3A_424, %sub3A_427, %get3A_421 : vector<16xi1>, vector<16xi32>
    %swap3A_429 = arith.constant 3 : i32
    %swap3A_430 = arith.index_cast %swap3A_429 : i32 to index
    %swap3A_431 = arith.constant 64 : index
    %swap3A_432 = tpu.vector_load %arg8[%swap3A_430, %swap3A_431] {strides = array<i32>} : memref<4x128xi32, #tpu.memory_space<vmem>>, vector<16xi32>,
    tpu.vector_store %arg8[%swap3A_430, %swap3A_431], %select_n3A_428 {strides = array<i32>} : memref<4x128xi32, #tpu.memory_space<vmem>>, vector<16xi32>,
    %get3A_433 = arith.constant 3 : i32
    %get3A_434 = arith.index_cast %get3A_433 : i32 to index
    %get3A_435 = arith.constant 80 : index
    %get3A_436 = tpu.vector_load %arg7[%get3A_434, %get3A_435] {strides = array<i32>} : memref<4x128xi32, #tpu.memory_space<vmem>>, vector<16xi32>,
    %ge3A_437 = arith.constant 57344 : i32
    %ge3A_438 = vector.broadcast %ge3A_437 : i32 to vector<16xi32>
    %ge3A_439 = arith.cmpi sge, %get3A_436, %ge3A_438 : vector<16xi32>
    %sub3A_440 = arith.constant 57344 : i32
    %sub3A_441 = vector.broadcast %sub3A_440 : i32 to vector<16xi32>
    %sub3A_442 = arith.subi %get3A_436, %sub3A_441 : vector<16xi32>
    %select_n3A_443 = arith.select %ge3A_439, %sub3A_442, %get3A_436 : vector<16xi1>, vector<16xi32>
    %swap3A_444 = arith.constant 3 : i32
    %swap3A_445 = arith.index_cast %swap3A_444 : i32 to index
    %swap3A_446 = arith.constant 80 : index
    %swap3A_447 = tpu.vector_load %arg8[%swap3A_445, %swap3A_446] {strides = array<i32>} : memref<4x128xi32, #tpu.memory_space<vmem>>, vector<16xi32>,
    tpu.vector_store %arg8[%swap3A_445, %swap3A_446], %select_n3A_443 {strides = array<i32>} : memref<4x128xi32, #tpu.memory_space<vmem>>, vector<16xi32>,
    %get3A_448 = arith.constant 3 : i32
    %get3A_449 = arith.index_cast %get3A_448 : i32 to index
    %get3A_450 = arith.constant 96 : index
    %get3A_451 = tpu.vector_load %arg7[%get3A_449, %get3A_450] {strides = array<i32>} : memref<4x128xi32, #tpu.memory_space<vmem>>, vector<16xi32>,
    %ge3A_452 = arith.constant 57344 : i32
    %ge3A_453 = vector.broadcast %ge3A_452 : i32 to vector<16xi32>
    %ge3A_454 = arith.cmpi sge, %get3A_451, %ge3A_453 : vector<16xi32>
    %sub3A_455 = arith.constant 57344 : i32
    %sub3A_456 = vector.broadcast %sub3A_455 : i32 to vector<16xi32>
    %sub3A_457 = arith.subi %get3A_451, %sub3A_456 : vector<16xi32>
    %select_n3A_458 = arith.select %ge3A_454, %sub3A_457, %get3A_451 : vector<16xi1>, vector<16xi32>
    %swap3A_459 = arith.constant 3 : i32
    %swap3A_460 = arith.index_cast %swap3A_459 : i32 to index
    %swap3A_461 = arith.constant 96 : index
    %swap3A_462 = tpu.vector_load %arg8[%swap3A_460, %swap3A_461] {strides = array<i32>} : memref<4x128xi32, #tpu.memory_space<vmem>>, vector<16xi32>,
    tpu.vector_store %arg8[%swap3A_460, %swap3A_461], %select_n3A_458 {strides = array<i32>} : memref<4x128xi32, #tpu.memory_space<vmem>>, vector<16xi32>,
    %get3A_463 = arith.constant 3 : i32
    %get3A_464 = arith.index_cast %get3A_463 : i32 to index
    %get3A_465 = arith.constant 112 : index
    %get3A_466 = tpu.vector_load %arg7[%get3A_464, %get3A_465] {strides = array<i32>} : memref<4x128xi32, #tpu.memory_space<vmem>>, vector<16xi32>,
    %ge3A_467 = arith.constant 57344 : i32
    %ge3A_468 = vector.broadcast %ge3A_467 : i32 to vector<16xi32>
    %ge3A_469 = arith.cmpi sge, %get3A_466, %ge3A_468 : vector<16xi32>
    %sub3A_470 = arith.constant 57344 : i32
    %sub3A_471 = vector.broadcast %sub3A_470 : i32 to vector<16xi32>
    %sub3A_472 = arith.subi %get3A_466, %sub3A_471 : vector<16xi32>
    %select_n3A_473 = arith.select %ge3A_469, %sub3A_472, %get3A_466 : vector<16xi1>, vector<16xi32>
    %swap3A_474 = arith.constant 3 : i32
    %swap3A_475 = arith.index_cast %swap3A_474 : i32 to index
    %swap3A_476 = arith.constant 112 : index
    %swap3A_477 = tpu.vector_load %arg8[%swap3A_475, %swap3A_476] {strides = array<i32>} : memref<4x128xi32, #tpu.memory_space<vmem>>, vector<16xi32>,
    tpu.vector_store %arg8[%swap3A_475, %swap3A_476], %select_n3A_473 {strides = array<i32>} : memref<4x128xi32, #tpu.memory_space<vmem>>, vector<16xi32>,
    %dma_start3A = arith.constant 0 : i32
    %dma_start3A_478 = arith.constant 0 : i32
    %dma_start3A_479 = arith.constant 0 : i32
    %dma_start3A_480 = tpu.memref_slice %arg9[%dma_start3A_478, %dma_start3A_479] : memref<512x128xf32, #tpu.memory_space<vmem>> -> memref<128x128xf32, #tpu.memory_space<vmem>>
    %dma_start3A_481 = arith.constant 0 : i32
    %dma_start3A_482 = tpu.memref_slice %arg8[%dma_start3A, %dma_start3A_481] : memref<4x128xi32, #tpu.memory_space<vmem>> -> memref<1x128xi32, #tpu.memory_space<vmem>>
    %dma_start3A_483 = tpu.memref_squeeze %dma_start3A_482 : memref<1x128xi32, #tpu.memory_space<vmem>> -> memref<128xi32, #tpu.memory_space<vmem>>
    %dma_start3A_484 = arith.constant 0 : i32
    %dma_start3A_485 = arith.constant 0 : i32
    %dma_start3A_486 = tpu.memref_slice %arg4[%dma_start3A_484, %dma_start3A_485] : memref<57344x128xf32, #tpu.memory_space<hbm>> -> memref<57344x128xf32, #tpu.memory_space<hbm>>
    tpu.enqueue_indirect_dma source(%dma_start3A_486 : memref<57344x128xf32, #tpu.memory_space<hbm>>) target(%dma_start3A_480 : memref<128x128xf32, #tpu.memory_space<vmem>>) offsets(%dma_start3A_483 : memref<128xi32, #tpu.memory_space<vmem>>) semaphore(%arg16 : memref<!tpu.dma_semaphore, #tpu.memory_space<semaphore_mem>>)
    %dma_start3A_487 = arith.constant 1 : i32
    %dma_start3A_488 = arith.constant 128 : i32
    %dma_start3A_489 = arith.constant 0 : i32
    %dma_start3A_490 = tpu.memref_slice %arg9[%dma_start3A_488, %dma_start3A_489] : memref<512x128xf32, #tpu.memory_space<vmem>> -> memref<128x128xf32, #tpu.memory_space<vmem>>
    %dma_start3A_491 = arith.constant 0 : i32
    %dma_start3A_492 = tpu.memref_slice %arg8[%dma_start3A_487, %dma_start3A_491] : memref<4x128xi32, #tpu.memory_space<vmem>> -> memref<1x128xi32, #tpu.memory_space<vmem>>
    %dma_start3A_493 = tpu.memref_squeeze %dma_start3A_492 : memref<1x128xi32, #tpu.memory_space<vmem>> -> memref<128xi32, #tpu.memory_space<vmem>>
    %dma_start3A_494 = arith.constant 0 : i32
    %dma_start3A_495 = arith.constant 0 : i32
    %dma_start3A_496 = tpu.memref_slice %arg4[%dma_start3A_494, %dma_start3A_495] : memref<57344x128xf32, #tpu.memory_space<hbm>> -> memref<57344x128xf32, #tpu.memory_space<hbm>>
    tpu.enqueue_indirect_dma source(%dma_start3A_496 : memref<57344x128xf32, #tpu.memory_space<hbm>>) target(%dma_start3A_490 : memref<128x128xf32, #tpu.memory_space<vmem>>) offsets(%dma_start3A_493 : memref<128xi32, #tpu.memory_space<vmem>>) semaphore(%arg16 : memref<!tpu.dma_semaphore, #tpu.memory_space<semaphore_mem>>)
    %dma_start3A_497 = arith.constant 2 : i32
    %dma_start3A_498 = arith.constant 256 : i32
    %dma_start3A_499 = arith.constant 0 : i32
    %dma_start3A_500 = tpu.memref_slice %arg9[%dma_start3A_498, %dma_start3A_499] : memref<512x128xf32, #tpu.memory_space<vmem>> -> memref<128x128xf32, #tpu.memory_space<vmem>>
    %dma_start3A_501 = arith.constant 0 : i32
    %dma_start3A_502 = tpu.memref_slice %arg8[%dma_start3A_497, %dma_start3A_501] : memref<4x128xi32, #tpu.memory_space<vmem>> -> memref<1x128xi32, #tpu.memory_space<vmem>>
    %dma_start3A_503 = tpu.memref_squeeze %dma_start3A_502 : memref<1x128xi32, #tpu.memory_space<vmem>> -> memref<128xi32, #tpu.memory_space<vmem>>
    %dma_start3A_504 = arith.constant 0 : i32
    %dma_start3A_505 = arith.constant 0 : i32
    %dma_start3A_506 = tpu.memref_slice %arg4[%dma_start3A_504, %dma_start3A_505] : memref<57344x128xf32, #tpu.memory_space<hbm>> -> memref<57344x128xf32, #tpu.memory_space<hbm>>
    tpu.enqueue_indirect_dma source(%dma_start3A_506 : memref<57344x128xf32, #tpu.memory_space<hbm>>) target(%dma_start3A_500 : memref<128x128xf32, #tpu.memory_space<vmem>>) offsets(%dma_start3A_503 : memref<128xi32, #tpu.memory_space<vmem>>) semaphore(%arg16 : memref<!tpu.dma_semaphore, #tpu.memory_space<semaphore_mem>>)
    %dma_start3A_507 = arith.constant 3 : i32
    %dma_start3A_508 = arith.constant 384 : i32
    %dma_start3A_509 = arith.constant 0 : i32
    %dma_start3A_510 = tpu.memref_slice %arg9[%dma_start3A_508, %dma_start3A_509] : memref<512x128xf32, #tpu.memory_space<vmem>> -> memref<128x128xf32, #tpu.memory_space<vmem>>
    %dma_start3A_511 = arith.constant 0 : i32
    %dma_start3A_512 = tpu.memref_slice %arg8[%dma_start3A_507, %dma_start3A_511] : memref<4x128xi32, #tpu.memory_space<vmem>> -> memref<1x128xi32, #tpu.memory_space<vmem>>
    %dma_start3A_513 = tpu.memref_squeeze %dma_start3A_512 : memref<1x128xi32, #tpu.memory_space<vmem>> -> memref<128xi32, #tpu.memory_space<vmem>>
    %dma_start3A_514 = arith.constant 0 : i32
    %dma_start3A_515 = arith.constant 0 : i32
    %dma_start3A_516 = tpu.memref_slice %arg4[%dma_start3A_514, %dma_start3A_515] : memref<57344x128xf32, #tpu.memory_space<hbm>> -> memref<57344x128xf32, #tpu.memory_space<hbm>>
    tpu.enqueue_indirect_dma source(%dma_start3A_516 : memref<57344x128xf32, #tpu.memory_space<hbm>>) target(%dma_start3A_510 : memref<128x128xf32, #tpu.memory_space<vmem>>) offsets(%dma_start3A_513 : memref<128xi32, #tpu.memory_space<vmem>>) semaphore(%arg16 : memref<!tpu.dma_semaphore, #tpu.memory_space<semaphore_mem>>)
    %mul3A_517 = arith.constant 4 : i32
    %mul3A_518 = arith.muli %add3A, %mul3A_517 : i32
    %add3A_519 = arith.constant 0 : i32
    %add3A_520 = arith.addi %mul3A_518, %add3A_519 : i32
    %mul3A_521 = arith.constant 128 : i32
    %mul3A_522 = arith.muli %add3A_520, %mul3A_521 : i32
    %dma_start3A_523 = arith.constant 0 : i32
    %dma_start3A_524 = arith.constant 0 : i32
    %dma_start3A_525 = arith.constant 0 : i32
    %dma_start3A_526 = tpu.memref_slice %arg10[%dma_start3A_523, %dma_start3A_524, %dma_start3A_525] : memref<4x64x128xf32, #tpu.memory_space<vmem>> -> memref<1x64x128xf32, #tpu.memory_space<vmem>>
    %dma_start3A_527 = tpu.memref_squeeze %dma_start3A_526 : memref<1x64x128xf32, #tpu.memory_space<vmem>> -> memref<64x128xf32, #tpu.memory_space<vmem>>
    %dma_start3A_528 = arith.constant 0 : i32
    %dma_start3A_529 = tpu.memref_slice %arg2[%dma_start3A_528, %mul3A_522] : memref<64x16384xf32, #tpu.memory_space<hbm>> -> memref<64x128xf32, #tpu.memory_space<hbm>>
    %dma_start3A_530 = arith.constant 0 : i32
    %dma_start3A_531 = arith.constant 0 : i32
    %dma_start3A_532 = tpu.memref_slice %arg10[%dma_start3A_523, %dma_start3A_530, %dma_start3A_531] : memref<4x64x128xf32, #tpu.memory_space<vmem>> -> memref<1x64x128xf32, #tpu.memory_space<vmem>>
    %dma_start3A_533 = tpu.memref_squeeze %dma_start3A_532 : memref<1x64x128xf32, #tpu.memory_space<vmem>> -> memref<64x128xf32, #tpu.memory_space<vmem>>
    %dma_start3A_534 = arith.constant 0 : i32
    %dma_start3A_535 = tpu.memref_slice %arg2[%dma_start3A_534, %mul3A_522] : memref<64x16384xf32, #tpu.memory_space<hbm>> -> memref<64x128xf32, #tpu.memory_space<hbm>>
    tpu.enqueue_dma source(%dma_start3A_535 : memref<64x128xf32, #tpu.memory_space<hbm>>) target(%dma_start3A_533 : memref<64x128xf32, #tpu.memory_space<vmem>>) target_semaphore(%arg16 : memref<!tpu.dma_semaphore, #tpu.memory_space<semaphore_mem>>)
    %mul3A_536 = arith.constant 4 : i32
    %mul3A_537 = arith.muli %add3A, %mul3A_536 : i32
    %add3A_538 = arith.constant 1 : i32
    %add3A_539 = arith.addi %mul3A_537, %add3A_538 : i32
    %mul3A_540 = arith.constant 128 : i32
    %mul3A_541 = arith.muli %add3A_539, %mul3A_540 : i32
    %dma_start3A_542 = arith.constant 1 : i32
    %dma_start3A_543 = arith.constant 0 : i32
    %dma_start3A_544 = arith.constant 0 : i32
    %dma_start3A_545 = tpu.memref_slice %arg10[%dma_start3A_542, %dma_start3A_543, %dma_start3A_544] : memref<4x64x128xf32, #tpu.memory_space<vmem>> -> memref<1x64x128xf32, #tpu.memory_space<vmem>>
    %dma_start3A_546 = tpu.memref_squeeze %dma_start3A_545 : memref<1x64x128xf32, #tpu.memory_space<vmem>> -> memref<64x128xf32, #tpu.memory_space<vmem>>
    %dma_start3A_547 = arith.constant 0 : i32
    %dma_start3A_548 = tpu.memref_slice %arg2[%dma_start3A_547, %mul3A_541] : memref<64x16384xf32, #tpu.memory_space<hbm>> -> memref<64x128xf32, #tpu.memory_space<hbm>>
    %dma_start3A_549 = arith.constant 0 : i32
    %dma_start3A_550 = arith.constant 0 : i32
    %dma_start3A_551 = tpu.memref_slice %arg10[%dma_start3A_542, %dma_start3A_549, %dma_start3A_550] : memref<4x64x128xf32, #tpu.memory_space<vmem>> -> memref<1x64x128xf32, #tpu.memory_space<vmem>>
    %dma_start3A_552 = tpu.memref_squeeze %dma_start3A_551 : memref<1x64x128xf32, #tpu.memory_space<vmem>> -> memref<64x128xf32, #tpu.memory_space<vmem>>
    %dma_start3A_553 = arith.constant 0 : i32
    %dma_start3A_554 = tpu.memref_slice %arg2[%dma_start3A_553, %mul3A_541] : memref<64x16384xf32, #tpu.memory_space<hbm>> -> memref<64x128xf32, #tpu.memory_space<hbm>>
    tpu.enqueue_dma source(%dma_start3A_554 : memref<64x128xf32, #tpu.memory_space<hbm>>) target(%dma_start3A_552 : memref<64x128xf32, #tpu.memory_space<vmem>>) target_semaphore(%arg16 : memref<!tpu.dma_semaphore, #tpu.memory_space<semaphore_mem>>)
    %mul3A_555 = arith.constant 4 : i32
    %mul3A_556 = arith.muli %add3A, %mul3A_555 : i32
    %add3A_557 = arith.constant 2 : i32
    %add3A_558 = arith.addi %mul3A_556, %add3A_557 : i32
    %mul3A_559 = arith.constant 128 : i32
    %mul3A_560 = arith.muli %add3A_558, %mul3A_559 : i32
    %dma_start3A_561 = arith.constant 2 : i32
    %dma_start3A_562 = arith.constant 0 : i32
    %dma_start3A_563 = arith.constant 0 : i32
    %dma_start3A_564 = tpu.memref_slice %arg10[%dma_start3A_561, %dma_start3A_562, %dma_start3A_563] : memref<4x64x128xf32, #tpu.memory_space<vmem>> -> memref<1x64x128xf32, #tpu.memory_space<vmem>>
    %dma_start3A_565 = tpu.memref_squeeze %dma_start3A_564 : memref<1x64x128xf32, #tpu.memory_space<vmem>> -> memref<64x128xf32, #tpu.memory_space<vmem>>
    %dma_start3A_566 = arith.constant 0 : i32
    %dma_start3A_567 = tpu.memref_slice %arg2[%dma_start3A_566, %mul3A_560] : memref<64x16384xf32, #tpu.memory_space<hbm>> -> memref<64x128xf32, #tpu.memory_space<hbm>>
    %dma_start3A_568 = arith.constant 0 : i32
    %dma_start3A_569 = arith.constant 0 : i32
    %dma_start3A_570 = tpu.memref_slice %arg10[%dma_start3A_561, %dma_start3A_568, %dma_start3A_569] : memref<4x64x128xf32, #tpu.memory_space<vmem>> -> memref<1x64x128xf32, #tpu.memory_space<vmem>>
    %dma_start3A_571 = tpu.memref_squeeze %dma_start3A_570 : memref<1x64x128xf32, #tpu.memory_space<vmem>> -> memref<64x128xf32, #tpu.memory_space<vmem>>
    %dma_start3A_572 = arith.constant 0 : i32
    %dma_start3A_573 = tpu.memref_slice %arg2[%dma_start3A_572, %mul3A_560] : memref<64x16384xf32, #tpu.memory_space<hbm>> -> memref<64x128xf32, #tpu.memory_space<hbm>>
    tpu.enqueue_dma source(%dma_start3A_573 : memref<64x128xf32, #tpu.memory_space<hbm>>) target(%dma_start3A_571 : memref<64x128xf32, #tpu.memory_space<vmem>>) target_semaphore(%arg16 : memref<!tpu.dma_semaphore, #tpu.memory_space<semaphore_mem>>)
    %mul3A_574 = arith.constant 4 : i32
    %mul3A_575 = arith.muli %add3A, %mul3A_574 : i32
    %add3A_576 = arith.constant 3 : i32
    %add3A_577 = arith.addi %mul3A_575, %add3A_576 : i32
    %mul3A_578 = arith.constant 128 : i32
    %mul3A_579 = arith.muli %add3A_577, %mul3A_578 : i32
    %dma_start3A_580 = arith.constant 3 : i32
    %dma_start3A_581 = arith.constant 0 : i32
    %dma_start3A_582 = arith.constant 0 : i32
    %dma_start3A_583 = tpu.memref_slice %arg10[%dma_start3A_580, %dma_start3A_581, %dma_start3A_582] : memref<4x64x128xf32, #tpu.memory_space<vmem>> -> memref<1x64x128xf32, #tpu.memory_space<vmem>>
    %dma_start3A_584 = tpu.memref_squeeze %dma_start3A_583 : memref<1x64x128xf32, #tpu.memory_space<vmem>> -> memref<64x128xf32, #tpu.memory_space<vmem>>
    %dma_start3A_585 = arith.constant 0 : i32
    %dma_start3A_586 = tpu.memref_slice %arg2[%dma_start3A_585, %mul3A_579] : memref<64x16384xf32, #tpu.memory_space<hbm>> -> memref<64x128xf32, #tpu.memory_space<hbm>>
    %dma_start3A_587 = arith.constant 0 : i32
    %dma_start3A_588 = arith.constant 0 : i32
    %dma_start3A_589 = tpu.memref_slice %arg10[%dma_start3A_580, %dma_start3A_587, %dma_start3A_588] : memref<4x64x128xf32, #tpu.memory_space<vmem>> -> memref<1x64x128xf32, #tpu.memory_space<vmem>>
    %dma_start3A_590 = tpu.memref_squeeze %dma_start3A_589 : memref<1x64x128xf32, #tpu.memory_space<vmem>> -> memref<64x128xf32, #tpu.memory_space<vmem>>
    %dma_start3A_591 = arith.constant 0 : i32
    %dma_start3A_592 = tpu.memref_slice %arg2[%dma_start3A_591, %mul3A_579] : memref<64x16384xf32, #tpu.memory_space<hbm>> -> memref<64x128xf32, #tpu.memory_space<hbm>>
    tpu.enqueue_dma source(%dma_start3A_592 : memref<64x128xf32, #tpu.memory_space<hbm>>) target(%dma_start3A_590 : memref<64x128xf32, #tpu.memory_space<vmem>>) target_semaphore(%arg16 : memref<!tpu.dma_semaphore, #tpu.memory_space<semaphore_mem>>)
    %mul3A_593 = arith.constant 4 : i32
    %mul3A_594 = arith.muli %add3A, %mul3A_593 : i32
    %dma_start3A_595 = arith.constant 0 : i32
    %dma_start3A_596 = tpu.memref_slice %arg5[%mul3A_594, %dma_start3A_595] : memref<128x128xf32, #tpu.memory_space<hbm>> -> memref<4x128xf32, #tpu.memory_space<hbm>>
    %dma_start3A_597 = arith.constant 0 : i32
    %dma_start3A_598 = tpu.memref_slice %arg5[%mul3A_594, %dma_start3A_597] : memref<128x128xf32, #tpu.memory_space<hbm>> -> memref<4x128xf32, #tpu.memory_space<hbm>>
    tpu.enqueue_dma source(%dma_start3A_598 : memref<4x128xf32, #tpu.memory_space<hbm>>) target(%arg11 : memref<4x128xf32, #tpu.memory_space<vmem>>) target_semaphore(%arg16 : memref<!tpu.dma_semaphore, #tpu.memory_space<semaphore_mem>>)
    %dma_wait3A = arith.constant 0 : i32
    %dma_wait3A_599 = arith.constant 0 : i32
    %dma_wait3A_600 = arith.constant 0 : i32
    %dma_wait3A_601 = tpu.memref_slice %arg9[%dma_wait3A_599, %dma_wait3A_600] : memref<512x128xf32, #tpu.memory_space<vmem>> -> memref<128x128xf32, #tpu.memory_space<vmem>>
    %dma_wait3A_602 = arith.constant 0 : i32
    %dma_wait3A_603 = tpu.memref_slice %arg8[%dma_wait3A, %dma_wait3A_602] : memref<4x128xi32, #tpu.memory_space<vmem>> -> memref<1x128xi32, #tpu.memory_space<vmem>>
    %dma_wait3A_604 = tpu.memref_squeeze %dma_wait3A_603 : memref<1x128xi32, #tpu.memory_space<vmem>> -> memref<128xi32, #tpu.memory_space<vmem>>
    %dma_wait3A_605 = arith.constant 0 : i32
    %dma_wait3A_606 = arith.constant 0 : i32
    %dma_wait3A_607 = tpu.memref_slice %arg4[%dma_wait3A_605, %dma_wait3A_606] : memref<57344x128xf32, #tpu.memory_space<hbm>> -> memref<57344x128xf32, #tpu.memory_space<hbm>>
    tpu.wait_indirect_dma semaphore(%arg16 : memref<!tpu.dma_semaphore, #tpu.memory_space<semaphore_mem>>) src(%dma_wait3A_607 : memref<57344x128xf32, #tpu.memory_space<hbm>>) dst(%dma_wait3A_601 : memref<128x128xf32, #tpu.memory_space<vmem>>)
    %dma_wait3A_608 = arith.constant 1 : i32
    %dma_wait3A_609 = arith.constant 128 : i32
    %dma_wait3A_610 = arith.constant 0 : i32
    %dma_wait3A_611 = tpu.memref_slice %arg9[%dma_wait3A_609, %dma_wait3A_610] : memref<512x128xf32, #tpu.memory_space<vmem>> -> memref<128x128xf32, #tpu.memory_space<vmem>>
    %dma_wait3A_612 = arith.constant 0 : i32
    %dma_wait3A_613 = tpu.memref_slice %arg8[%dma_wait3A_608, %dma_wait3A_612] : memref<4x128xi32, #tpu.memory_space<vmem>> -> memref<1x128xi32, #tpu.memory_space<vmem>>
    %dma_wait3A_614 = tpu.memref_squeeze %dma_wait3A_613 : memref<1x128xi32, #tpu.memory_space<vmem>> -> memref<128xi32, #tpu.memory_space<vmem>>
    %dma_wait3A_615 = arith.constant 0 : i32
    %dma_wait3A_616 = arith.constant 0 : i32
    %dma_wait3A_617 = tpu.memref_slice %arg4[%dma_wait3A_615, %dma_wait3A_616] : memref<57344x128xf32, #tpu.memory_space<hbm>> -> memref<57344x128xf32, #tpu.memory_space<hbm>>
    tpu.wait_indirect_dma semaphore(%arg16 : memref<!tpu.dma_semaphore, #tpu.memory_space<semaphore_mem>>) src(%dma_wait3A_617 : memref<57344x128xf32, #tpu.memory_space<hbm>>) dst(%dma_wait3A_611 : memref<128x128xf32, #tpu.memory_space<vmem>>)
    %dma_wait3A_618 = arith.constant 2 : i32
    %dma_wait3A_619 = arith.constant 256 : i32
    %dma_wait3A_620 = arith.constant 0 : i32
    %dma_wait3A_621 = tpu.memref_slice %arg9[%dma_wait3A_619, %dma_wait3A_620] : memref<512x128xf32, #tpu.memory_space<vmem>> -> memref<128x128xf32, #tpu.memory_space<vmem>>
    %dma_wait3A_622 = arith.constant 0 : i32
    %dma_wait3A_623 = tpu.memref_slice %arg8[%dma_wait3A_618, %dma_wait3A_622] : memref<4x128xi32, #tpu.memory_space<vmem>> -> memref<1x128xi32, #tpu.memory_space<vmem>>
    %dma_wait3A_624 = tpu.memref_squeeze %dma_wait3A_623 : memref<1x128xi32, #tpu.memory_space<vmem>> -> memref<128xi32, #tpu.memory_space<vmem>>
    %dma_wait3A_625 = arith.constant 0 : i32
    %dma_wait3A_626 = arith.constant 0 : i32
    %dma_wait3A_627 = tpu.memref_slice %arg4[%dma_wait3A_625, %dma_wait3A_626] : memref<57344x128xf32, #tpu.memory_space<hbm>> -> memref<57344x128xf32, #tpu.memory_space<hbm>>
    tpu.wait_indirect_dma semaphore(%arg16 : memref<!tpu.dma_semaphore, #tpu.memory_space<semaphore_mem>>) src(%dma_wait3A_627 : memref<57344x128xf32, #tpu.memory_space<hbm>>) dst(%dma_wait3A_621 : memref<128x128xf32, #tpu.memory_space<vmem>>)
    %dma_wait3A_628 = arith.constant 3 : i32
    %dma_wait3A_629 = arith.constant 384 : i32
    %dma_wait3A_630 = arith.constant 0 : i32
    %dma_wait3A_631 = tpu.memref_slice %arg9[%dma_wait3A_629, %dma_wait3A_630] : memref<512x128xf32, #tpu.memory_space<vmem>> -> memref<128x128xf32, #tpu.memory_space<vmem>>
    %dma_wait3A_632 = arith.constant 0 : i32
    %dma_wait3A_633 = tpu.memref_slice %arg8[%dma_wait3A_628, %dma_wait3A_632] : memref<4x128xi32, #tpu.memory_space<vmem>> -> memref<1x128xi32, #tpu.memory_space<vmem>>
    %dma_wait3A_634 = tpu.memref_squeeze %dma_wait3A_633 : memref<1x128xi32, #tpu.memory_space<vmem>> -> memref<128xi32, #tpu.memory_space<vmem>>
    %dma_wait3A_635 = arith.constant 0 : i32
    %dma_wait3A_636 = arith.constant 0 : i32
    %dma_wait3A_637 = tpu.memref_slice %arg4[%dma_wait3A_635, %dma_wait3A_636] : memref<57344x128xf32, #tpu.memory_space<hbm>> -> memref<57344x128xf32, #tpu.memory_space<hbm>>
    tpu.wait_indirect_dma semaphore(%arg16 : memref<!tpu.dma_semaphore, #tpu.memory_space<semaphore_mem>>) src(%dma_wait3A_637 : memref<57344x128xf32, #tpu.memory_space<hbm>>) dst(%dma_wait3A_631 : memref<128x128xf32, #tpu.memory_space<vmem>>)
    %dma_wait3A_638 = arith.constant 0 : i32
    %dma_wait3A_639 = arith.constant 0 : i32
    %dma_wait3A_640 = arith.constant 0 : i32
    %dma_wait3A_641 = tpu.memref_slice %arg10[%dma_wait3A_638, %dma_wait3A_639, %dma_wait3A_640] : memref<4x64x128xf32, #tpu.memory_space<vmem>> -> memref<1x64x128xf32, #tpu.memory_space<vmem>>
    %dma_wait3A_642 = tpu.memref_squeeze %dma_wait3A_641 : memref<1x64x128xf32, #tpu.memory_space<vmem>> -> memref<64x128xf32, #tpu.memory_space<vmem>>
    %dma_wait3A_643 = arith.constant 0 : i32
    %dma_wait3A_644 = tpu.memref_slice %arg2[%dma_wait3A_643, %mul3A_522] : memref<64x16384xf32, #tpu.memory_space<hbm>> -> memref<64x128xf32, #tpu.memory_space<hbm>>
    %dma_wait3A_645 = arith.constant 0 : i32
    %dma_wait3A_646 = arith.constant 0 : i32
    %dma_wait3A_647 = tpu.memref_slice %arg10[%dma_wait3A_638, %dma_wait3A_645, %dma_wait3A_646] : memref<4x64x128xf32, #tpu.memory_space<vmem>> -> memref<1x64x128xf32, #tpu.memory_space<vmem>>
    %dma_wait3A_648 = tpu.memref_squeeze %dma_wait3A_647 : memref<1x64x128xf32, #tpu.memory_space<vmem>> -> memref<64x128xf32, #tpu.memory_space<vmem>>
    %dma_wait3A_649 = arith.constant 0 : i32
    %dma_wait3A_650 = tpu.memref_slice %arg2[%dma_wait3A_649, %mul3A_522] : memref<64x16384xf32, #tpu.memory_space<hbm>> -> memref<64x128xf32, #tpu.memory_space<hbm>>
    tpu.wait_dma2 semaphore(%arg16 : memref<!tpu.dma_semaphore, #tpu.memory_space<semaphore_mem>>) src(%dma_wait3A_650 : memref<64x128xf32, #tpu.memory_space<hbm>>) dst(%dma_wait3A_648 : memref<64x128xf32, #tpu.memory_space<vmem>>)
    %dma_wait3A_651 = arith.constant 1 : i32
    %dma_wait3A_652 = arith.constant 0 : i32
    %dma_wait3A_653 = arith.constant 0 : i32
    %dma_wait3A_654 = tpu.memref_slice %arg10[%dma_wait3A_651, %dma_wait3A_652, %dma_wait3A_653] : memref<4x64x128xf32, #tpu.memory_space<vmem>> -> memref<1x64x128xf32, #tpu.memory_space<vmem>>
    %dma_wait3A_655 = tpu.memref_squeeze %dma_wait3A_654 : memref<1x64x128xf32, #tpu.memory_space<vmem>> -> memref<64x128xf32, #tpu.memory_space<vmem>>
    %dma_wait3A_656 = arith.constant 0 : i32
    %dma_wait3A_657 = tpu.memref_slice %arg2[%dma_wait3A_656, %mul3A_541] : memref<64x16384xf32, #tpu.memory_space<hbm>> -> memref<64x128xf32, #tpu.memory_space<hbm>>
    %dma_wait3A_658 = arith.constant 0 : i32
    %dma_wait3A_659 = arith.constant 0 : i32
    %dma_wait3A_660 = tpu.memref_slice %arg10[%dma_wait3A_651, %dma_wait3A_658, %dma_wait3A_659] : memref<4x64x128xf32, #tpu.memory_space<vmem>> -> memref<1x64x128xf32, #tpu.memory_space<vmem>>
    %dma_wait3A_661 = tpu.memref_squeeze %dma_wait3A_660 : memref<1x64x128xf32, #tpu.memory_space<vmem>> -> memref<64x128xf32, #tpu.memory_space<vmem>>
    %dma_wait3A_662 = arith.constant 0 : i32
    %dma_wait3A_663 = tpu.memref_slice %arg2[%dma_wait3A_662, %mul3A_541] : memref<64x16384xf32, #tpu.memory_space<hbm>> -> memref<64x128xf32, #tpu.memory_space<hbm>>
    tpu.wait_dma2 semaphore(%arg16 : memref<!tpu.dma_semaphore, #tpu.memory_space<semaphore_mem>>) src(%dma_wait3A_663 : memref<64x128xf32, #tpu.memory_space<hbm>>) dst(%dma_wait3A_661 : memref<64x128xf32, #tpu.memory_space<vmem>>)
    %dma_wait3A_664 = arith.constant 2 : i32
    %dma_wait3A_665 = arith.constant 0 : i32
    %dma_wait3A_666 = arith.constant 0 : i32
    %dma_wait3A_667 = tpu.memref_slice %arg10[%dma_wait3A_664, %dma_wait3A_665, %dma_wait3A_666] : memref<4x64x128xf32, #tpu.memory_space<vmem>> -> memref<1x64x128xf32, #tpu.memory_space<vmem>>
    %dma_wait3A_668 = tpu.memref_squeeze %dma_wait3A_667 : memref<1x64x128xf32, #tpu.memory_space<vmem>> -> memref<64x128xf32, #tpu.memory_space<vmem>>
    %dma_wait3A_669 = arith.constant 0 : i32
    %dma_wait3A_670 = tpu.memref_slice %arg2[%dma_wait3A_669, %mul3A_560] : memref<64x16384xf32, #tpu.memory_space<hbm>> -> memref<64x128xf32, #tpu.memory_space<hbm>>
    %dma_wait3A_671 = arith.constant 0 : i32
    %dma_wait3A_672 = arith.constant 0 : i32
    %dma_wait3A_673 = tpu.memref_slice %arg10[%dma_wait3A_664, %dma_wait3A_671, %dma_wait3A_672] : memref<4x64x128xf32, #tpu.memory_space<vmem>> -> memref<1x64x128xf32, #tpu.memory_space<vmem>>
    %dma_wait3A_674 = tpu.memref_squeeze %dma_wait3A_673 : memref<1x64x128xf32, #tpu.memory_space<vmem>> -> memref<64x128xf32, #tpu.memory_space<vmem>>
    %dma_wait3A_675 = arith.constant 0 : i32
    %dma_wait3A_676 = tpu.memref_slice %arg2[%dma_wait3A_675, %mul3A_560] : memref<64x16384xf32, #tpu.memory_space<hbm>> -> memref<64x128xf32, #tpu.memory_space<hbm>>
    tpu.wait_dma2 semaphore(%arg16 : memref<!tpu.dma_semaphore, #tpu.memory_space<semaphore_mem>>) src(%dma_wait3A_676 : memref<64x128xf32, #tpu.memory_space<hbm>>) dst(%dma_wait3A_674 : memref<64x128xf32, #tpu.memory_space<vmem>>)
    %dma_wait3A_677 = arith.constant 3 : i32
    %dma_wait3A_678 = arith.constant 0 : i32
    %dma_wait3A_679 = arith.constant 0 : i32
    %dma_wait3A_680 = tpu.memref_slice %arg10[%dma_wait3A_677, %dma_wait3A_678, %dma_wait3A_679] : memref<4x64x128xf32, #tpu.memory_space<vmem>> -> memref<1x64x128xf32, #tpu.memory_space<vmem>>
    %dma_wait3A_681 = tpu.memref_squeeze %dma_wait3A_680 : memref<1x64x128xf32, #tpu.memory_space<vmem>> -> memref<64x128xf32, #tpu.memory_space<vmem>>
    %dma_wait3A_682 = arith.constant 0 : i32
    %dma_wait3A_683 = tpu.memref_slice %arg2[%dma_wait3A_682, %mul3A_579] : memref<64x16384xf32, #tpu.memory_space<hbm>> -> memref<64x128xf32, #tpu.memory_space<hbm>>
    %dma_wait3A_684 = arith.constant 0 : i32
    %dma_wait3A_685 = arith.constant 0 : i32
    %dma_wait3A_686 = tpu.memref_slice %arg10[%dma_wait3A_677, %dma_wait3A_684, %dma_wait3A_685] : memref<4x64x128xf32, #tpu.memory_space<vmem>> -> memref<1x64x128xf32, #tpu.memory_space<vmem>>
    %dma_wait3A_687 = tpu.memref_squeeze %dma_wait3A_686 : memref<1x64x128xf32, #tpu.memory_space<vmem>> -> memref<64x128xf32, #tpu.memory_space<vmem>>
    %dma_wait3A_688 = arith.constant 0 : i32
    %dma_wait3A_689 = tpu.memref_slice %arg2[%dma_wait3A_688, %mul3A_579] : memref<64x16384xf32, #tpu.memory_space<hbm>> -> memref<64x128xf32, #tpu.memory_space<hbm>>
    tpu.wait_dma2 semaphore(%arg16 : memref<!tpu.dma_semaphore, #tpu.memory_space<semaphore_mem>>) src(%dma_wait3A_689 : memref<64x128xf32, #tpu.memory_space<hbm>>) dst(%dma_wait3A_687 : memref<64x128xf32, #tpu.memory_space<vmem>>)
    %dma_wait3A_690 = arith.constant 0 : i32
    %dma_wait3A_691 = tpu.memref_slice %arg5[%mul3A_594, %dma_wait3A_690] : memref<128x128xf32, #tpu.memory_space<hbm>> -> memref<4x128xf32, #tpu.memory_space<hbm>>
    %dma_wait3A_692 = arith.constant 0 : i32
    %dma_wait3A_693 = tpu.memref_slice %arg5[%mul3A_594, %dma_wait3A_692] : memref<128x128xf32, #tpu.memory_space<hbm>> -> memref<4x128xf32, #tpu.memory_space<hbm>>
    tpu.wait_dma2 semaphore(%arg16 : memref<!tpu.dma_semaphore, #tpu.memory_space<semaphore_mem>>) src(%dma_wait3A_693 : memref<4x128xf32, #tpu.memory_space<hbm>>) dst(%arg11 : memref<4x128xf32, #tpu.memory_space<vmem>>)
    %iota3A = tpu.iota {dimensions = array<i32: 0>} : vector<16xi32>
    %broadcast_in_dim3A = arith.constant 0.000000e+00 : f32
    %broadcast_in_dim3A_694 = vector.broadcast %broadcast_in_dim3A : f32 to vector<16xf32>
    %scan3A = arith.constant 0 : i32
    %scan3A_695 = arith.constant 32 : i32
    %scan3A_696 = arith.addi %scan3A, %scan3A_695 : i32
    %scan3A_697 = arith.constant 1 : i32
    %scan3A_698 = scf.for %scan3A_732 = %scan3A to %scan3A_696 step %scan3A_697 iter_args(%scan3A_733 = %broadcast_in_dim3A_694) -> (vector<16xf32>)  : i32 {
      %jit3A = arith.constant 8 : i32
      %div3A = arith.divsi %scan3A_732, %jit3A : i32
      %sign3A = arith.constant 0 : i32
      %sign3A_734 = arith.cmpi sgt, %scan3A_732, %sign3A : i32
      %sign3A_735 = arith.extui %sign3A_734 : i1 to i32
      %sign3A_736 = arith.constant 0 : i32
      %sign3A_737 = arith.cmpi slt, %scan3A_732, %sign3A_736 : i32
      %sign3A_738 = arith.extui %sign3A_737 : i1 to i32
      %sign3A_739 = arith.subi %sign3A_735, %sign3A_738 : i32
      %sign3A_740 = arith.constant 0 : i32
      %sign3A_741 = arith.cmpi sgt, %jit3A, %sign3A_740 : i32
      %sign3A_742 = arith.extui %sign3A_741 : i1 to i32
      %sign3A_743 = arith.constant 0 : i32
      %sign3A_744 = arith.cmpi slt, %jit3A, %sign3A_743 : i32
      %sign3A_745 = arith.extui %sign3A_744 : i1 to i32
      %sign3A_746 = arith.subi %sign3A_742, %sign3A_745 : i32
      %ne3A = arith.cmpi ne, %sign3A_739, %sign3A_746 : i32
      %rem3A = arith.remsi %scan3A_732, %jit3A : i32
      %ne3A_747 = arith.constant 0 : i32
      %ne3A_748 = arith.cmpi ne, %rem3A, %ne3A_747 : i32
      %and3A = arith.andi %ne3A, %ne3A_748 : i1
      %sub3A_749 = arith.constant 1 : i32
      %sub3A_750 = arith.subi %div3A, %sub3A_749 : i32
      %select_n3A_751 = arith.select %and3A, %sub3A_750, %div3A : i32
      %jit3A_752 = arith.constant 8 : i32
      %eq3A_753 = arith.constant 0 : i32
      %eq3A_754 = arith.cmpi eq, %jit3A_752, %eq3A_753 : i32
      %jit3A_755 = arith.constant 1 : i32
      %select_n3A_756 = arith.select %eq3A_754, %jit3A_755, %jit3A_752 : i32
      %rem3A_757 = arith.remsi %scan3A_732, %select_n3A_756 : i32
      %ne3A_758 = arith.constant 0 : i32
      %ne3A_759 = arith.cmpi ne, %rem3A_757, %ne3A_758 : i32
      %lt3A = arith.constant 0 : i32
      %lt3A_760 = arith.cmpi slt, %rem3A_757, %lt3A : i32
      %lt3A_761 = arith.constant 0 : i32
      %lt3A_762 = arith.cmpi slt, %select_n3A_756, %lt3A_761 : i32
      %ne3A_763 = arith.xori %lt3A_760, %lt3A_762 : i1
      %and3A_764 = arith.andi %ne3A_763, %ne3A_759 : i1
      %add3A_765 = arith.addi %rem3A_757, %select_n3A_756 : i32
      %select_n3A_766 = arith.select %and3A_764, %add3A_765, %rem3A_757 : i32
      %mul3A_767 = arith.constant 16 : i32
      %mul3A_768 = arith.muli %select_n3A_766, %mul3A_767 : i32
      %get3A_769 = arith.index_cast %select_n3A_751 : i32 to index
      %get3A_770 = arith.index_cast %mul3A_768 : i32 to index
      %get3A_771 = tpu.vector_load %arg7[%get3A_769, %get3A_770] {strides = array<i32>} : memref<4x128xi32, #tpu.memory_space<vmem>>, vector<16xi32>,
      %ge3A_772 = arith.constant 57344 : i32
      %ge3A_773 = vector.broadcast %ge3A_772 : i32 to vector<16xi32>
      %ge3A_774 = arith.cmpi sge, %get3A_771, %ge3A_773 : vector<16xi32>
      %jit3A_775 = arith.constant 64 : i32
      %jit3A_776 = arith.constant 0 : i32
      %broadcast_in_dim3A_777 = vector.broadcast %jit3A_775 : i32 to vector<16xi32>
      %broadcast_in_dim3A_778 = vector.broadcast %jit3A_776 : i32 to vector<16xi32>
      %select_n3A_779 = arith.select %ge3A_774, %broadcast_in_dim3A_777, %broadcast_in_dim3A_778 : vector<16xi1>, vector<16xi32>
      %mul3A_780 = arith.constant 16 : i32
      %mul3A_781 = arith.muli %scan3A_732, %mul3A_780 : i32
      %add3A_782 = vector.broadcast %mul3A_781 : i32 to vector<16xi32>
      %add3A_783 = arith.addi %add3A_782, %iota3A : vector<16xi32>
      %broadcast_in_dim3A_784 = arith.constant 0.000000e+00 : f32
      %broadcast_in_dim3A_785 = vector.broadcast %broadcast_in_dim3A_784 : f32 to vector<16xf32>
      %jit3A_786 = arith.constant 8 : i32
      %div3A_787 = arith.divsi %scan3A_732, %jit3A_786 : i32
      %sign3A_788 = arith.constant 0 : i32
      %sign3A_789 = arith.cmpi sgt, %scan3A_732, %sign3A_788 : i32
      %sign3A_790 = arith.extui %sign3A_789 : i1 to i32
      %sign3A_791 = arith.constant 0 : i32
      %sign3A_792 = arith.cmpi slt, %scan3A_732, %sign3A_791 : i32
      %sign3A_793 = arith.extui %sign3A_792 : i1 to i32
      %sign3A_794 = arith.subi %sign3A_790, %sign3A_793 : i32
      %sign3A_795 = arith.constant 0 : i32
      %sign3A_796 = arith.cmpi sgt, %jit3A_786, %sign3A_795 : i32
      %sign3A_797 = arith.extui %sign3A_796 : i1 to i32
      %sign3A_798 = arith.constant 0 : i32
      %sign3A_799 = arith.cmpi slt, %jit3A_786, %sign3A_798 : i32
      %sign3A_800 = arith.extui %sign3A_799 : i1 to i32
      %sign3A_801 = arith.subi %sign3A_797, %sign3A_800 : i32
      %ne3A_802 = arith.cmpi ne, %sign3A_794, %sign3A_801 : i32
      %rem3A_803 = arith.remsi %scan3A_732, %jit3A_786 : i32
      %ne3A_804 = arith.constant 0 : i32
      %ne3A_805 = arith.cmpi ne, %rem3A_803, %ne3A_804 : i32
      %and3A_806 = arith.andi %ne3A_802, %ne3A_805 : i1
      %sub3A_807 = arith.constant 1 : i32
      %sub3A_808 = arith.subi %div3A_787, %sub3A_807 : i32
      %select_n3A_809 = arith.select %and3A_806, %sub3A_808, %div3A_787 : i32
      %jit3A_810 = arith.constant 8 : i32
      %eq3A_811 = arith.constant 0 : i32
      %eq3A_812 = arith.cmpi eq, %jit3A_810, %eq3A_811 : i32
      %jit3A_813 = arith.constant 1 : i32
      %select_n3A_814 = arith.select %eq3A_812, %jit3A_813, %jit3A_810 : i32
      %rem3A_815 = arith.remsi %scan3A_732, %select_n3A_814 : i32
      %ne3A_816 = arith.constant 0 : i32
      %ne3A_817 = arith.cmpi ne, %rem3A_815, %ne3A_816 : i32
      %lt3A_818 = arith.constant 0 : i32
      %lt3A_819 = arith.cmpi slt, %rem3A_815, %lt3A_818 : i32
      %lt3A_820 = arith.constant 0 : i32
      %lt3A_821 = arith.cmpi slt, %select_n3A_814, %lt3A_820 : i32
      %ne3A_822 = arith.xori %lt3A_819, %lt3A_821 : i1
      %and3A_823 = arith.andi %ne3A_822, %ne3A_817 : i1
      %add3A_824 = arith.addi %rem3A_815, %select_n3A_814 : i32
      %select_n3A_825 = arith.select %and3A_823, %add3A_824, %rem3A_815 : i32
      %mul3A_826 = arith.constant 16 : i32
      %mul3A_827 = arith.muli %select_n3A_825, %mul3A_826 : i32
      %get3A_828 = arith.constant 0 : i32
      %get3A_829 = arith.index_cast %select_n3A_809 : i32 to index
      %get3A_830 = arith.index_cast %get3A_828 : i32 to index
      %get3A_831 = arith.index_cast %mul3A_827 : i32 to index
      %get3A_832 = tpu.vector_load %arg10[%get3A_829, %get3A_830, %get3A_831] {strides = array<i32>} : memref<4x64x128xf32, #tpu.memory_space<vmem>>, vector<16xf32>,
      %add3A_833 = arith.constant 0 : i32
      %add3A_834 = vector.broadcast %add3A_833 : i32 to vector<16xi32>
      %add3A_835 = arith.addi %select_n3A_779, %add3A_834 : vector<16xi32>
      %gather3A = tpu.vector_load_idx %arg9[%add3A_783, %add3A_835] : memref<512x128xf32, #tpu.memory_space<vmem>>[vector<16xi32>, vector<16xi32>], vector<16xf32>,
      %sub3A_836 = arith.subf %get3A_832, %gather3A : vector<16xf32>
      %mul3A_837 = arith.mulf %sub3A_836, %sub3A_836 : vector<16xf32>
      %add3A_838 = arith.addf %broadcast_in_dim3A_785, %mul3A_837 : vector<16xf32>
      %jit3A_839 = arith.constant 8 : i32
      %div3A_840 = arith.divsi %scan3A_732, %jit3A_839 : i32
      %sign3A_841 = arith.constant 0 : i32
      %sign3A_842 = arith.cmpi sgt, %scan3A_732, %sign3A_841 : i32
      %sign3A_843 = arith.extui %sign3A_842 : i1 to i32
      %sign3A_844 = arith.constant 0 : i32
      %sign3A_845 = arith.cmpi slt, %scan3A_732, %sign3A_844 : i32
      %sign3A_846 = arith.extui %sign3A_845 : i1 to i32
      %sign3A_847 = arith.subi %sign3A_843, %sign3A_846 : i32
      %sign3A_848 = arith.constant 0 : i32
      %sign3A_849 = arith.cmpi sgt, %jit3A_839, %sign3A_848 : i32
      %sign3A_850 = arith.extui %sign3A_849 : i1 to i32
      %sign3A_851 = arith.constant 0 : i32
      %sign3A_852 = arith.cmpi slt, %jit3A_839, %sign3A_851 : i32
      %sign3A_853 = arith.extui %sign3A_852 : i1 to i32
      %sign3A_854 = arith.subi %sign3A_850, %sign3A_853 : i32
      %ne3A_855 = arith.cmpi ne, %sign3A_847, %sign3A_854 : i32
      %rem3A_856 = arith.remsi %scan3A_732, %jit3A_839 : i32
      %ne3A_857 = arith.constant 0 : i32
      %ne3A_858 = arith.cmpi ne, %rem3A_856, %ne3A_857 : i32
      %and3A_859 = arith.andi %ne3A_855, %ne3A_858 : i1
      %sub3A_860 = arith.constant 1 : i32
      %sub3A_861 = arith.subi %div3A_840, %sub3A_860 : i32
      %select_n3A_862 = arith.select %and3A_859, %sub3A_861, %div3A_840 : i32
      %jit3A_863 = arith.constant 8 : i32
      %eq3A_864 = arith.constant 0 : i32
      %eq3A_865 = arith.cmpi eq, %jit3A_863, %eq3A_864 : i32
      %jit3A_866 = arith.constant 1 : i32
      %select_n3A_867 = arith.select %eq3A_865, %jit3A_866, %jit3A_863 : i32
      %rem3A_868 = arith.remsi %scan3A_732, %select_n3A_867 : i32
      %ne3A_869 = arith.constant 0 : i32
      %ne3A_870 = arith.cmpi ne, %rem3A_868, %ne3A_869 : i32
      %lt3A_871 = arith.constant 0 : i32
      %lt3A_872 = arith.cmpi slt, %rem3A_868, %lt3A_871 : i32
      %lt3A_873 = arith.constant 0 : i32
      %lt3A_874 = arith.cmpi slt, %select_n3A_867, %lt3A_873 : i32
      %ne3A_875 = arith.xori %lt3A_872, %lt3A_874 : i1
      %and3A_876 = arith.andi %ne3A_875, %ne3A_870 : i1
      %add3A_877 = arith.addi %rem3A_868, %select_n3A_867 : i32
      %select_n3A_878 = arith.select %and3A_876, %add3A_877, %rem3A_868 : i32
      %mul3A_879 = arith.constant 16 : i32
      %mul3A_880 = arith.muli %select_n3A_878, %mul3A_879 : i32
      %get3A_881 = arith.constant 1 : i32
      %get3A_882 = arith.index_cast %select_n3A_862 : i32 to index
      %get3A_883 = arith.index_cast %get3A_881 : i32 to index
      %get3A_884 = arith.index_cast %mul3A_880 : i32 to index
      %get3A_885 = tpu.vector_load %arg10[%get3A_882, %get3A_883, %get3A_884] {strides = array<i32>} : memref<4x64x128xf32, #tpu.memory_space<vmem>>, vector<16xf32>,
      %add3A_886 = arith.constant 1 : i32
      %add3A_887 = vector.broadcast %add3A_886 : i32 to vector<16xi32>
      %add3A_888 = arith.addi %select_n3A_779, %add3A_887 : vector<16xi32>
      %gather3A_889 = tpu.vector_load_idx %arg9[%add3A_783, %add3A_888] : memref<512x128xf32, #tpu.memory_space<vmem>>[vector<16xi32>, vector<16xi32>], vector<16xf32>,
      %sub3A_890 = arith.subf %get3A_885, %gather3A_889 : vector<16xf32>
      %mul3A_891 = arith.mulf %sub3A_890, %sub3A_890 : vector<16xf32>
      %add3A_892 = arith.addf %add3A_838, %mul3A_891 : vector<16xf32>
      %jit3A_893 = arith.constant 8 : i32
      %div3A_894 = arith.divsi %scan3A_732, %jit3A_893 : i32
      %sign3A_895 = arith.constant 0 : i32
      %sign3A_896 = arith.cmpi sgt, %scan3A_732, %sign3A_895 : i32
      %sign3A_897 = arith.extui %sign3A_896 : i1 to i32
      %sign3A_898 = arith.constant 0 : i32
      %sign3A_899 = arith.cmpi slt, %scan3A_732, %sign3A_898 : i32
      %sign3A_900 = arith.extui %sign3A_899 : i1 to i32
      %sign3A_901 = arith.subi %sign3A_897, %sign3A_900 : i32
      %sign3A_902 = arith.constant 0 : i32
      %sign3A_903 = arith.cmpi sgt, %jit3A_893, %sign3A_902 : i32
      %sign3A_904 = arith.extui %sign3A_903 : i1 to i32
      %sign3A_905 = arith.constant 0 : i32
      %sign3A_906 = arith.cmpi slt, %jit3A_893, %sign3A_905 : i32
      %sign3A_907 = arith.extui %sign3A_906 : i1 to i32
      %sign3A_908 = arith.subi %sign3A_904, %sign3A_907 : i32
      %ne3A_909 = arith.cmpi ne, %sign3A_901, %sign3A_908 : i32
      %rem3A_910 = arith.remsi %scan3A_732, %jit3A_893 : i32
      %ne3A_911 = arith.constant 0 : i32
      %ne3A_912 = arith.cmpi ne, %rem3A_910, %ne3A_911 : i32
      %and3A_913 = arith.andi %ne3A_909, %ne3A_912 : i1
      %sub3A_914 = arith.constant 1 : i32
      %sub3A_915 = arith.subi %div3A_894, %sub3A_914 : i32
      %select_n3A_916 = arith.select %and3A_913, %sub3A_915, %div3A_894 : i32
      %jit3A_917 = arith.constant 8 : i32
      %eq3A_918 = arith.constant 0 : i32
      %eq3A_919 = arith.cmpi eq, %jit3A_917, %eq3A_918 : i32
      %jit3A_920 = arith.constant 1 : i32
      %select_n3A_921 = arith.select %eq3A_919, %jit3A_920, %jit3A_917 : i32
      %rem3A_922 = arith.remsi %scan3A_732, %select_n3A_921 : i32
      %ne3A_923 = arith.constant 0 : i32
      %ne3A_924 = arith.cmpi ne, %rem3A_922, %ne3A_923 : i32
      %lt3A_925 = arith.constant 0 : i32
      %lt3A_926 = arith.cmpi slt, %rem3A_922, %lt3A_925 : i32
      %lt3A_927 = arith.constant 0 : i32
      %lt3A_928 = arith.cmpi slt, %select_n3A_921, %lt3A_927 : i32
      %ne3A_929 = arith.xori %lt3A_926, %lt3A_928 : i1
      %and3A_930 = arith.andi %ne3A_929, %ne3A_924 : i1
      %add3A_931 = arith.addi %rem3A_922, %select_n3A_921 : i32
      %select_n3A_932 = arith.select %and3A_930, %add3A_931, %rem3A_922 : i32
      %mul3A_933 = arith.constant 16 : i32
      %mul3A_934 = arith.muli %select_n3A_932, %mul3A_933 : i32
      %get3A_935 = arith.constant 2 : i32
      %get3A_936 = arith.index_cast %select_n3A_916 : i32 to index
      %get3A_937 = arith.index_cast %get3A_935 : i32 to index
      %get3A_938 = arith.index_cast %mul3A_934 : i32 to index
      %get3A_939 = tpu.vector_load %arg10[%get3A_936, %get3A_937, %get3A_938] {strides = array<i32>} : memref<4x64x128xf32, #tpu.memory_space<vmem>>, vector<16xf32>,
      %add3A_940 = arith.constant 2 : i32
      %add3A_941 = vector.broadcast %add3A_940 : i32 to vector<16xi32>
      %add3A_942 = arith.addi %select_n3A_779, %add3A_941 : vector<16xi32>
      %gather3A_943 = tpu.vector_load_idx %arg9[%add3A_783, %add3A_942] : memref<512x128xf32, #tpu.memory_space<vmem>>[vector<16xi32>, vector<16xi32>], vector<16xf32>,
      %sub3A_944 = arith.subf %get3A_939, %gather3A_943 : vector<16xf32>
      %mul3A_945 = arith.mulf %sub3A_944, %sub3A_944 : vector<16xf32>
      %add3A_946 = arith.addf %add3A_892, %mul3A_945 : vector<16xf32>
      %jit3A_947 = arith.constant 8 : i32
      %div3A_948 = arith.divsi %scan3A_732, %jit3A_947 : i32
      %sign3A_949 = arith.constant 0 : i32
      %sign3A_950 = arith.cmpi sgt, %scan3A_732, %sign3A_949 : i32
      %sign3A_951 = arith.extui %sign3A_950 : i1 to i32
      %sign3A_952 = arith.constant 0 : i32
      %sign3A_953 = arith.cmpi slt, %scan3A_732, %sign3A_952 : i32
      %sign3A_954 = arith.extui %sign3A_953 : i1 to i32
      %sign3A_955 = arith.subi %sign3A_951, %sign3A_954 : i32
      %sign3A_956 = arith.constant 0 : i32
      %sign3A_957 = arith.cmpi sgt, %jit3A_947, %sign3A_956 : i32
      %sign3A_958 = arith.extui %sign3A_957 : i1 to i32
      %sign3A_959 = arith.constant 0 : i32
      %sign3A_960 = arith.cmpi slt, %jit3A_947, %sign3A_959 : i32
      %sign3A_961 = arith.extui %sign3A_960 : i1 to i32
      %sign3A_962 = arith.subi %sign3A_958, %sign3A_961 : i32
      %ne3A_963 = arith.cmpi ne, %sign3A_955, %sign3A_962 : i32
      %rem3A_964 = arith.remsi %scan3A_732, %jit3A_947 : i32
      %ne3A_965 = arith.constant 0 : i32
      %ne3A_966 = arith.cmpi ne, %rem3A_964, %ne3A_965 : i32
      %and3A_967 = arith.andi %ne3A_963, %ne3A_966 : i1
      %sub3A_968 = arith.constant 1 : i32
      %sub3A_969 = arith.subi %div3A_948, %sub3A_968 : i32
      %select_n3A_970 = arith.select %and3A_967, %sub3A_969, %div3A_948 : i32
      %jit3A_971 = arith.constant 8 : i32
      %eq3A_972 = arith.constant 0 : i32
      %eq3A_973 = arith.cmpi eq, %jit3A_971, %eq3A_972 : i32
      %jit3A_974 = arith.constant 1 : i32
      %select_n3A_975 = arith.select %eq3A_973, %jit3A_974, %jit3A_971 : i32
      %rem3A_976 = arith.remsi %scan3A_732, %select_n3A_975 : i32
      %ne3A_977 = arith.constant 0 : i32
      %ne3A_978 = arith.cmpi ne, %rem3A_976, %ne3A_977 : i32
      %lt3A_979 = arith.constant 0 : i32
      %lt3A_980 = arith.cmpi slt, %rem3A_976, %lt3A_979 : i32
      %lt3A_981 = arith.constant 0 : i32
      %lt3A_982 = arith.cmpi slt, %select_n3A_975, %lt3A_981 : i32
      %ne3A_983 = arith.xori %lt3A_980, %lt3A_982 : i1
      %and3A_984 = arith.andi %ne3A_983, %ne3A_978 : i1
      %add3A_985 = arith.addi %rem3A_976, %select_n3A_975 : i32
      %select_n3A_986 = arith.select %and3A_984, %add3A_985, %rem3A_976 : i32
      %mul3A_987 = arith.constant 16 : i32
      %mul3A_988 = arith.muli %select_n3A_986, %mul3A_987 : i32
      %get3A_989 = arith.constant 3 : i32
      %get3A_990 = arith.index_cast %select_n3A_970 : i32 to index
      %get3A_991 = arith.index_cast %get3A_989 : i32 to index
      %get3A_992 = arith.index_cast %mul3A_988 : i32 to index
      %get3A_993 = tpu.vector_load %arg10[%get3A_990, %get3A_991, %get3A_992] {strides = array<i32>} : memref<4x64x128xf32, #tpu.memory_space<vmem>>, vector<16xf32>,
      %add3A_994 = arith.constant 3 : i32
      %add3A_995 = vector.broadcast %add3A_994 : i32 to vector<16xi32>
      %add3A_996 = arith.addi %select_n3A_779, %add3A_995 : vector<16xi32>
      %gather3A_997 = tpu.vector_load_idx %arg9[%add3A_783, %add3A_996] : memref<512x128xf32, #tpu.memory_space<vmem>>[vector<16xi32>, vector<16xi32>], vector<16xf32>,
      %sub3A_998 = arith.subf %get3A_993, %gather3A_997 : vector<16xf32>
      %mul3A_999 = arith.mulf %sub3A_998, %sub3A_998 : vector<16xf32>
      %add3A_1000 = arith.addf %add3A_946, %mul3A_999 : vector<16xf32>
      %jit3A_1001 = arith.constant 8 : i32
      %div3A_1002 = arith.divsi %scan3A_732, %jit3A_1001 : i32
      %sign3A_1003 = arith.constant 0 : i32
      %sign3A_1004 = arith.cmpi sgt, %scan3A_732, %sign3A_1003 : i32
      %sign3A_1005 = arith.extui %sign3A_1004 : i1 to i32
      %sign3A_1006 = arith.constant 0 : i32
      %sign3A_1007 = arith.cmpi slt, %scan3A_732, %sign3A_1006 : i32
      %sign3A_1008 = arith.extui %sign3A_1007 : i1 to i32
      %sign3A_1009 = arith.subi %sign3A_1005, %sign3A_1008 : i32
      %sign3A_1010 = arith.constant 0 : i32
      %sign3A_1011 = arith.cmpi sgt, %jit3A_1001, %sign3A_1010 : i32
      %sign3A_1012 = arith.extui %sign3A_1011 : i1 to i32
      %sign3A_1013 = arith.constant 0 : i32
      %sign3A_1014 = arith.cmpi slt, %jit3A_1001, %sign3A_1013 : i32
      %sign3A_1015 = arith.extui %sign3A_1014 : i1 to i32
      %sign3A_1016 = arith.subi %sign3A_1012, %sign3A_1015 : i32
      %ne3A_1017 = arith.cmpi ne, %sign3A_1009, %sign3A_1016 : i32
      %rem3A_1018 = arith.remsi %scan3A_732, %jit3A_1001 : i32
      %ne3A_1019 = arith.constant 0 : i32
      %ne3A_1020 = arith.cmpi ne, %rem3A_1018, %ne3A_1019 : i32
      %and3A_1021 = arith.andi %ne3A_1017, %ne3A_1020 : i1
      %sub3A_1022 = arith.constant 1 : i32
      %sub3A_1023 = arith.subi %div3A_1002, %sub3A_1022 : i32
      %select_n3A_1024 = arith.select %and3A_1021, %sub3A_1023, %div3A_1002 : i32
      %jit3A_1025 = arith.constant 8 : i32
      %eq3A_1026 = arith.constant 0 : i32
      %eq3A_1027 = arith.cmpi eq, %jit3A_1025, %eq3A_1026 : i32
      %jit3A_1028 = arith.constant 1 : i32
      %select_n3A_1029 = arith.select %eq3A_1027, %jit3A_1028, %jit3A_1025 : i32
      %rem3A_1030 = arith.remsi %scan3A_732, %select_n3A_1029 : i32
      %ne3A_1031 = arith.constant 0 : i32
      %ne3A_1032 = arith.cmpi ne, %rem3A_1030, %ne3A_1031 : i32
      %lt3A_1033 = arith.constant 0 : i32
      %lt3A_1034 = arith.cmpi slt, %rem3A_1030, %lt3A_1033 : i32
      %lt3A_1035 = arith.constant 0 : i32
      %lt3A_1036 = arith.cmpi slt, %select_n3A_1029, %lt3A_1035 : i32
      %ne3A_1037 = arith.xori %lt3A_1034, %lt3A_1036 : i1
      %and3A_1038 = arith.andi %ne3A_1037, %ne3A_1032 : i1
      %add3A_1039 = arith.addi %rem3A_1030, %select_n3A_1029 : i32
      %select_n3A_1040 = arith.select %and3A_1038, %add3A_1039, %rem3A_1030 : i32
      %mul3A_1041 = arith.constant 16 : i32
      %mul3A_1042 = arith.muli %select_n3A_1040, %mul3A_1041 : i32
      %get3A_1043 = arith.constant 4 : i32
      %get3A_1044 = arith.index_cast %select_n3A_1024 : i32 to index
      %get3A_1045 = arith.index_cast %get3A_1043 : i32 to index
      %get3A_1046 = arith.index_cast %mul3A_1042 : i32 to index
      %get3A_1047 = tpu.vector_load %arg10[%get3A_1044, %get3A_1045, %get3A_1046] {strides = array<i32>} : memref<4x64x128xf32, #tpu.memory_space<vmem>>, vector<16xf32>,
      %add3A_1048 = arith.constant 4 : i32
      %add3A_1049 = vector.broadcast %add3A_1048 : i32 to vector<16xi32>
      %add3A_1050 = arith.addi %select_n3A_779, %add3A_1049 : vector<16xi32>
      %gather3A_1051 = tpu.vector_load_idx %arg9[%add3A_783, %add3A_1050] : memref<512x128xf32, #tpu.memory_space<vmem>>[vector<16xi32>, vector<16xi32>], vector<16xf32>,
      %sub3A_1052 = arith.subf %get3A_1047, %gather3A_1051 : vector<16xf32>
      %mul3A_1053 = arith.mulf %sub3A_1052, %sub3A_1052 : vector<16xf32>
      %add3A_1054 = arith.addf %add3A_1000, %mul3A_1053 : vector<16xf32>
      %jit3A_1055 = arith.constant 8 : i32
      %div3A_1056 = arith.divsi %scan3A_732, %jit3A_1055 : i32
      %sign3A_1057 = arith.constant 0 : i32
      %sign3A_1058 = arith.cmpi sgt, %scan3A_732, %sign3A_1057 : i32
      %sign3A_1059 = arith.extui %sign3A_1058 : i1 to i32
      %sign3A_1060 = arith.constant 0 : i32
      %sign3A_1061 = arith.cmpi slt, %scan3A_732, %sign3A_1060 : i32
      %sign3A_1062 = arith.extui %sign3A_1061 : i1 to i32
      %sign3A_1063 = arith.subi %sign3A_1059, %sign3A_1062 : i32
      %sign3A_1064 = arith.constant 0 : i32
      %sign3A_1065 = arith.cmpi sgt, %jit3A_1055, %sign3A_1064 : i32
      %sign3A_1066 = arith.extui %sign3A_1065 : i1 to i32
      %sign3A_1067 = arith.constant 0 : i32
      %sign3A_1068 = arith.cmpi slt, %jit3A_1055, %sign3A_1067 : i32
      %sign3A_1069 = arith.extui %sign3A_1068 : i1 to i32
      %sign3A_1070 = arith.subi %sign3A_1066, %sign3A_1069 : i32
      %ne3A_1071 = arith.cmpi ne, %sign3A_1063, %sign3A_1070 : i32
      %rem3A_1072 = arith.remsi %scan3A_732, %jit3A_1055 : i32
      %ne3A_1073 = arith.constant 0 : i32
      %ne3A_1074 = arith.cmpi ne, %rem3A_1072, %ne3A_1073 : i32
      %and3A_1075 = arith.andi %ne3A_1071, %ne3A_1074 : i1
      %sub3A_1076 = arith.constant 1 : i32
      %sub3A_1077 = arith.subi %div3A_1056, %sub3A_1076 : i32
      %select_n3A_1078 = arith.select %and3A_1075, %sub3A_1077, %div3A_1056 : i32
      %jit3A_1079 = arith.constant 8 : i32
      %eq3A_1080 = arith.constant 0 : i32
      %eq3A_1081 = arith.cmpi eq, %jit3A_1079, %eq3A_1080 : i32
      %jit3A_1082 = arith.constant 1 : i32
      %select_n3A_1083 = arith.select %eq3A_1081, %jit3A_1082, %jit3A_1079 : i32
      %rem3A_1084 = arith.remsi %scan3A_732, %select_n3A_1083 : i32
      %ne3A_1085 = arith.constant 0 : i32
      %ne3A_1086 = arith.cmpi ne, %rem3A_1084, %ne3A_1085 : i32
      %lt3A_1087 = arith.constant 0 : i32
      %lt3A_1088 = arith.cmpi slt, %rem3A_1084, %lt3A_1087 : i32
      %lt3A_1089 = arith.constant 0 : i32
      %lt3A_1090 = arith.cmpi slt, %select_n3A_1083, %lt3A_1089 : i32
      %ne3A_1091 = arith.xori %lt3A_1088, %lt3A_1090 : i1
      %and3A_1092 = arith.andi %ne3A_1091, %ne3A_1086 : i1
      %add3A_1093 = arith.addi %rem3A_1084, %select_n3A_1083 : i32
      %select_n3A_1094 = arith.select %and3A_1092, %add3A_1093, %rem3A_1084 : i32
      %mul3A_1095 = arith.constant 16 : i32
      %mul3A_1096 = arith.muli %select_n3A_1094, %mul3A_1095 : i32
      %get3A_1097 = arith.constant 5 : i32
      %get3A_1098 = arith.index_cast %select_n3A_1078 : i32 to index
      %get3A_1099 = arith.index_cast %get3A_1097 : i32 to index
      %get3A_1100 = arith.index_cast %mul3A_1096 : i32 to index
      %get3A_1101 = tpu.vector_load %arg10[%get3A_1098, %get3A_1099, %get3A_1100] {strides = array<i32>} : memref<4x64x128xf32, #tpu.memory_space<vmem>>, vector<16xf32>,
      %add3A_1102 = arith.constant 5 : i32
      %add3A_1103 = vector.broadcast %add3A_1102 : i32 to vector<16xi32>
      %add3A_1104 = arith.addi %select_n3A_779, %add3A_1103 : vector<16xi32>
      %gather3A_1105 = tpu.vector_load_idx %arg9[%add3A_783, %add3A_1104] : memref<512x128xf32, #tpu.memory_space<vmem>>[vector<16xi32>, vector<16xi32>], vector<16xf32>,
      %sub3A_1106 = arith.subf %get3A_1101, %gather3A_1105 : vector<16xf32>
      %mul3A_1107 = arith.mulf %sub3A_1106, %sub3A_1106 : vector<16xf32>
      %add3A_1108 = arith.addf %add3A_1054, %mul3A_1107 : vector<16xf32>
      %jit3A_1109 = arith.constant 8 : i32
      %div3A_1110 = arith.divsi %scan3A_732, %jit3A_1109 : i32
      %sign3A_1111 = arith.constant 0 : i32
      %sign3A_1112 = arith.cmpi sgt, %scan3A_732, %sign3A_1111 : i32
      %sign3A_1113 = arith.extui %sign3A_1112 : i1 to i32
      %sign3A_1114 = arith.constant 0 : i32
      %sign3A_1115 = arith.cmpi slt, %scan3A_732, %sign3A_1114 : i32
      %sign3A_1116 = arith.extui %sign3A_1115 : i1 to i32
      %sign3A_1117 = arith.subi %sign3A_1113, %sign3A_1116 : i32
      %sign3A_1118 = arith.constant 0 : i32
      %sign3A_1119 = arith.cmpi sgt, %jit3A_1109, %sign3A_1118 : i32
      %sign3A_1120 = arith.extui %sign3A_1119 : i1 to i32
      %sign3A_1121 = arith.constant 0 : i32
      %sign3A_1122 = arith.cmpi slt, %jit3A_1109, %sign3A_1121 : i32
      %sign3A_1123 = arith.extui %sign3A_1122 : i1 to i32
      %sign3A_1124 = arith.subi %sign3A_1120, %sign3A_1123 : i32
      %ne3A_1125 = arith.cmpi ne, %sign3A_1117, %sign3A_1124 : i32
      %rem3A_1126 = arith.remsi %scan3A_732, %jit3A_1109 : i32
      %ne3A_1127 = arith.constant 0 : i32
      %ne3A_1128 = arith.cmpi ne, %rem3A_1126, %ne3A_1127 : i32
      %and3A_1129 = arith.andi %ne3A_1125, %ne3A_1128 : i1
      %sub3A_1130 = arith.constant 1 : i32
      %sub3A_1131 = arith.subi %div3A_1110, %sub3A_1130 : i32
      %select_n3A_1132 = arith.select %and3A_1129, %sub3A_1131, %div3A_1110 : i32
      %jit3A_1133 = arith.constant 8 : i32
      %eq3A_1134 = arith.constant 0 : i32
      %eq3A_1135 = arith.cmpi eq, %jit3A_1133, %eq3A_1134 : i32
      %jit3A_1136 = arith.constant 1 : i32
      %select_n3A_1137 = arith.select %eq3A_1135, %jit3A_1136, %jit3A_1133 : i32
      %rem3A_1138 = arith.remsi %scan3A_732, %select_n3A_1137 : i32
      %ne3A_1139 = arith.constant 0 : i32
      %ne3A_1140 = arith.cmpi ne, %rem3A_1138, %ne3A_1139 : i32
      %lt3A_1141 = arith.constant 0 : i32
      %lt3A_1142 = arith.cmpi slt, %rem3A_1138, %lt3A_1141 : i32
      %lt3A_1143 = arith.constant 0 : i32
      %lt3A_1144 = arith.cmpi slt, %select_n3A_1137, %lt3A_1143 : i32
      %ne3A_1145 = arith.xori %lt3A_1142, %lt3A_1144 : i1
      %and3A_1146 = arith.andi %ne3A_1145, %ne3A_1140 : i1
      %add3A_1147 = arith.addi %rem3A_1138, %select_n3A_1137 : i32
      %select_n3A_1148 = arith.select %and3A_1146, %add3A_1147, %rem3A_1138 : i32
      %mul3A_1149 = arith.constant 16 : i32
      %mul3A_1150 = arith.muli %select_n3A_1148, %mul3A_1149 : i32
      %get3A_1151 = arith.constant 6 : i32
      %get3A_1152 = arith.index_cast %select_n3A_1132 : i32 to index
      %get3A_1153 = arith.index_cast %get3A_1151 : i32 to index
      %get3A_1154 = arith.index_cast %mul3A_1150 : i32 to index
      %get3A_1155 = tpu.vector_load %arg10[%get3A_1152, %get3A_1153, %get3A_1154] {strides = array<i32>} : memref<4x64x128xf32, #tpu.memory_space<vmem>>, vector<16xf32>,
      %add3A_1156 = arith.constant 6 : i32
      %add3A_1157 = vector.broadcast %add3A_1156 : i32 to vector<16xi32>
      %add3A_1158 = arith.addi %select_n3A_779, %add3A_1157 : vector<16xi32>
      %gather3A_1159 = tpu.vector_load_idx %arg9[%add3A_783, %add3A_1158] : memref<512x128xf32, #tpu.memory_space<vmem>>[vector<16xi32>, vector<16xi32>], vector<16xf32>,
      %sub3A_1160 = arith.subf %get3A_1155, %gather3A_1159 : vector<16xf32>
      %mul3A_1161 = arith.mulf %sub3A_1160, %sub3A_1160 : vector<16xf32>
      %add3A_1162 = arith.addf %add3A_1108, %mul3A_1161 : vector<16xf32>
      %jit3A_1163 = arith.constant 8 : i32
      %div3A_1164 = arith.divsi %scan3A_732, %jit3A_1163 : i32
      %sign3A_1165 = arith.constant 0 : i32
      %sign3A_1166 = arith.cmpi sgt, %scan3A_732, %sign3A_1165 : i32
      %sign3A_1167 = arith.extui %sign3A_1166 : i1 to i32
      %sign3A_1168 = arith.constant 0 : i32
      %sign3A_1169 = arith.cmpi slt, %scan3A_732, %sign3A_1168 : i32
      %sign3A_1170 = arith.extui %sign3A_1169 : i1 to i32
      %sign3A_1171 = arith.subi %sign3A_1167, %sign3A_1170 : i32
      %sign3A_1172 = arith.constant 0 : i32
      %sign3A_1173 = arith.cmpi sgt, %jit3A_1163, %sign3A_1172 : i32
      %sign3A_1174 = arith.extui %sign3A_1173 : i1 to i32
      %sign3A_1175 = arith.constant 0 : i32
      %sign3A_1176 = arith.cmpi slt, %jit3A_1163, %sign3A_1175 : i32
      %sign3A_1177 = arith.extui %sign3A_1176 : i1 to i32
      %sign3A_1178 = arith.subi %sign3A_1174, %sign3A_1177 : i32
      %ne3A_1179 = arith.cmpi ne, %sign3A_1171, %sign3A_1178 : i32
      %rem3A_1180 = arith.remsi %scan3A_732, %jit3A_1163 : i32
      %ne3A_1181 = arith.constant 0 : i32
      %ne3A_1182 = arith.cmpi ne, %rem3A_1180, %ne3A_1181 : i32
      %and3A_1183 = arith.andi %ne3A_1179, %ne3A_1182 : i1
      %sub3A_1184 = arith.constant 1 : i32
      %sub3A_1185 = arith.subi %div3A_1164, %sub3A_1184 : i32
      %select_n3A_1186 = arith.select %and3A_1183, %sub3A_1185, %div3A_1164 : i32
      %jit3A_1187 = arith.constant 8 : i32
      %eq3A_1188 = arith.constant 0 : i32
      %eq3A_1189 = arith.cmpi eq, %jit3A_1187, %eq3A_1188 : i32
      %jit3A_1190 = arith.constant 1 : i32
      %select_n3A_1191 = arith.select %eq3A_1189, %jit3A_1190, %jit3A_1187 : i32
      %rem3A_1192 = arith.remsi %scan3A_732, %select_n3A_1191 : i32
      %ne3A_1193 = arith.constant 0 : i32
      %ne3A_1194 = arith.cmpi ne, %rem3A_1192, %ne3A_1193 : i32
      %lt3A_1195 = arith.constant 0 : i32
      %lt3A_1196 = arith.cmpi slt, %rem3A_1192, %lt3A_1195 : i32
      %lt3A_1197 = arith.constant 0 : i32
      %lt3A_1198 = arith.cmpi slt, %select_n3A_1191, %lt3A_1197 : i32
      %ne3A_1199 = arith.xori %lt3A_1196, %lt3A_1198 : i1
      %and3A_1200 = arith.andi %ne3A_1199, %ne3A_1194 : i1
      %add3A_1201 = arith.addi %rem3A_1192, %select_n3A_1191 : i32
      %select_n3A_1202 = arith.select %and3A_1200, %add3A_1201, %rem3A_1192 : i32
      %mul3A_1203 = arith.constant 16 : i32
      %mul3A_1204 = arith.muli %select_n3A_1202, %mul3A_1203 : i32
      %get3A_1205 = arith.constant 7 : i32
      %get3A_1206 = arith.index_cast %select_n3A_1186 : i32 to index
      %get3A_1207 = arith.index_cast %get3A_1205 : i32 to index
      %get3A_1208 = arith.index_cast %mul3A_1204 : i32 to index
      %get3A_1209 = tpu.vector_load %arg10[%get3A_1206, %get3A_1207, %get3A_1208] {strides = array<i32>} : memref<4x64x128xf32, #tpu.memory_space<vmem>>, vector<16xf32>,
      %add3A_1210 = arith.constant 7 : i32
      %add3A_1211 = vector.broadcast %add3A_1210 : i32 to vector<16xi32>
      %add3A_1212 = arith.addi %select_n3A_779, %add3A_1211 : vector<16xi32>
      %gather3A_1213 = tpu.vector_load_idx %arg9[%add3A_783, %add3A_1212] : memref<512x128xf32, #tpu.memory_space<vmem>>[vector<16xi32>, vector<16xi32>], vector<16xf32>,
      %sub3A_1214 = arith.subf %get3A_1209, %gather3A_1213 : vector<16xf32>
      %mul3A_1215 = arith.mulf %sub3A_1214, %sub3A_1214 : vector<16xf32>
      %add3A_1216 = arith.addf %add3A_1162, %mul3A_1215 : vector<16xf32>
      %jit3A_1217 = arith.constant 8 : i32
      %div3A_1218 = arith.divsi %scan3A_732, %jit3A_1217 : i32
      %sign3A_1219 = arith.constant 0 : i32
      %sign3A_1220 = arith.cmpi sgt, %scan3A_732, %sign3A_1219 : i32
      %sign3A_1221 = arith.extui %sign3A_1220 : i1 to i32
      %sign3A_1222 = arith.constant 0 : i32
      %sign3A_1223 = arith.cmpi slt, %scan3A_732, %sign3A_1222 : i32
      %sign3A_1224 = arith.extui %sign3A_1223 : i1 to i32
      %sign3A_1225 = arith.subi %sign3A_1221, %sign3A_1224 : i32
      %sign3A_1226 = arith.constant 0 : i32
      %sign3A_1227 = arith.cmpi sgt, %jit3A_1217, %sign3A_1226 : i32
      %sign3A_1228 = arith.extui %sign3A_1227 : i1 to i32
      %sign3A_1229 = arith.constant 0 : i32
      %sign3A_1230 = arith.cmpi slt, %jit3A_1217, %sign3A_1229 : i32
      %sign3A_1231 = arith.extui %sign3A_1230 : i1 to i32
      %sign3A_1232 = arith.subi %sign3A_1228, %sign3A_1231 : i32
      %ne3A_1233 = arith.cmpi ne, %sign3A_1225, %sign3A_1232 : i32
      %rem3A_1234 = arith.remsi %scan3A_732, %jit3A_1217 : i32
      %ne3A_1235 = arith.constant 0 : i32
      %ne3A_1236 = arith.cmpi ne, %rem3A_1234, %ne3A_1235 : i32
      %and3A_1237 = arith.andi %ne3A_1233, %ne3A_1236 : i1
      %sub3A_1238 = arith.constant 1 : i32
      %sub3A_1239 = arith.subi %div3A_1218, %sub3A_1238 : i32
      %select_n3A_1240 = arith.select %and3A_1237, %sub3A_1239, %div3A_1218 : i32
      %jit3A_1241 = arith.constant 8 : i32
      %eq3A_1242 = arith.constant 0 : i32
      %eq3A_1243 = arith.cmpi eq, %jit3A_1241, %eq3A_1242 : i32
      %jit3A_1244 = arith.constant 1 : i32
      %select_n3A_1245 = arith.select %eq3A_1243, %jit3A_1244, %jit3A_1241 : i32
      %rem3A_1246 = arith.remsi %scan3A_732, %select_n3A_1245 : i32
      %ne3A_1247 = arith.constant 0 : i32
      %ne3A_1248 = arith.cmpi ne, %rem3A_1246, %ne3A_1247 : i32
      %lt3A_1249 = arith.constant 0 : i32
      %lt3A_1250 = arith.cmpi slt, %rem3A_1246, %lt3A_1249 : i32
      %lt3A_1251 = arith.constant 0 : i32
      %lt3A_1252 = arith.cmpi slt, %select_n3A_1245, %lt3A_1251 : i32
      %ne3A_1253 = arith.xori %lt3A_1250, %lt3A_1252 : i1
      %and3A_1254 = arith.andi %ne3A_1253, %ne3A_1248 : i1
      %add3A_1255 = arith.addi %rem3A_1246, %select_n3A_1245 : i32
      %select_n3A_1256 = arith.select %and3A_1254, %add3A_1255, %rem3A_1246 : i32
      %mul3A_1257 = arith.constant 16 : i32
      %mul3A_1258 = arith.muli %select_n3A_1256, %mul3A_1257 : i32
      %get3A_1259 = arith.constant 8 : i32
      %get3A_1260 = arith.index_cast %select_n3A_1240 : i32 to index
      %get3A_1261 = arith.index_cast %get3A_1259 : i32 to index
      %get3A_1262 = arith.index_cast %mul3A_1258 : i32 to index
      %get3A_1263 = tpu.vector_load %arg10[%get3A_1260, %get3A_1261, %get3A_1262] {strides = array<i32>} : memref<4x64x128xf32, #tpu.memory_space<vmem>>, vector<16xf32>,
      %add3A_1264 = arith.constant 8 : i32
      %add3A_1265 = vector.broadcast %add3A_1264 : i32 to vector<16xi32>
      %add3A_1266 = arith.addi %select_n3A_779, %add3A_1265 : vector<16xi32>
      %gather3A_1267 = tpu.vector_load_idx %arg9[%add3A_783, %add3A_1266] : memref<512x128xf32, #tpu.memory_space<vmem>>[vector<16xi32>, vector<16xi32>], vector<16xf32>,
      %sub3A_1268 = arith.subf %get3A_1263, %gather3A_1267 : vector<16xf32>
      %mul3A_1269 = arith.mulf %sub3A_1268, %sub3A_1268 : vector<16xf32>
      %add3A_1270 = arith.addf %add3A_1216, %mul3A_1269 : vector<16xf32>
      %jit3A_1271 = arith.constant 8 : i32
      %div3A_1272 = arith.divsi %scan3A_732, %jit3A_1271 : i32
      %sign3A_1273 = arith.constant 0 : i32
      %sign3A_1274 = arith.cmpi sgt, %scan3A_732, %sign3A_1273 : i32
      %sign3A_1275 = arith.extui %sign3A_1274 : i1 to i32
      %sign3A_1276 = arith.constant 0 : i32
      %sign3A_1277 = arith.cmpi slt, %scan3A_732, %sign3A_1276 : i32
      %sign3A_1278 = arith.extui %sign3A_1277 : i1 to i32
      %sign3A_1279 = arith.subi %sign3A_1275, %sign3A_1278 : i32
      %sign3A_1280 = arith.constant 0 : i32
      %sign3A_1281 = arith.cmpi sgt, %jit3A_1271, %sign3A_1280 : i32
      %sign3A_1282 = arith.extui %sign3A_1281 : i1 to i32
      %sign3A_1283 = arith.constant 0 : i32
      %sign3A_1284 = arith.cmpi slt, %jit3A_1271, %sign3A_1283 : i32
      %sign3A_1285 = arith.extui %sign3A_1284 : i1 to i32
      %sign3A_1286 = arith.subi %sign3A_1282, %sign3A_1285 : i32
      %ne3A_1287 = arith.cmpi ne, %sign3A_1279, %sign3A_1286 : i32
      %rem3A_1288 = arith.remsi %scan3A_732, %jit3A_1271 : i32
      %ne3A_1289 = arith.constant 0 : i32
      %ne3A_1290 = arith.cmpi ne, %rem3A_1288, %ne3A_1289 : i32
      %and3A_1291 = arith.andi %ne3A_1287, %ne3A_1290 : i1
      %sub3A_1292 = arith.constant 1 : i32
      %sub3A_1293 = arith.subi %div3A_1272, %sub3A_1292 : i32
      %select_n3A_1294 = arith.select %and3A_1291, %sub3A_1293, %div3A_1272 : i32
      %jit3A_1295 = arith.constant 8 : i32
      %eq3A_1296 = arith.constant 0 : i32
      %eq3A_1297 = arith.cmpi eq, %jit3A_1295, %eq3A_1296 : i32
      %jit3A_1298 = arith.constant 1 : i32
      %select_n3A_1299 = arith.select %eq3A_1297, %jit3A_1298, %jit3A_1295 : i32
      %rem3A_1300 = arith.remsi %scan3A_732, %select_n3A_1299 : i32
      %ne3A_1301 = arith.constant 0 : i32
      %ne3A_1302 = arith.cmpi ne, %rem3A_1300, %ne3A_1301 : i32
      %lt3A_1303 = arith.constant 0 : i32
      %lt3A_1304 = arith.cmpi slt, %rem3A_1300, %lt3A_1303 : i32
      %lt3A_1305 = arith.constant 0 : i32
      %lt3A_1306 = arith.cmpi slt, %select_n3A_1299, %lt3A_1305 : i32
      %ne3A_1307 = arith.xori %lt3A_1304, %lt3A_1306 : i1
      %and3A_1308 = arith.andi %ne3A_1307, %ne3A_1302 : i1
      %add3A_1309 = arith.addi %rem3A_1300, %select_n3A_1299 : i32
      %select_n3A_1310 = arith.select %and3A_1308, %add3A_1309, %rem3A_1300 : i32
      %mul3A_1311 = arith.constant 16 : i32
      %mul3A_1312 = arith.muli %select_n3A_1310, %mul3A_1311 : i32
      %get3A_1313 = arith.constant 9 : i32
      %get3A_1314 = arith.index_cast %select_n3A_1294 : i32 to index
      %get3A_1315 = arith.index_cast %get3A_1313 : i32 to index
      %get3A_1316 = arith.index_cast %mul3A_1312 : i32 to index
      %get3A_1317 = tpu.vector_load %arg10[%get3A_1314, %get3A_1315, %get3A_1316] {strides = array<i32>} : memref<4x64x128xf32, #tpu.memory_space<vmem>>, vector<16xf32>,
      %add3A_1318 = arith.constant 9 : i32
      %add3A_1319 = vector.broadcast %add3A_1318 : i32 to vector<16xi32>
      %add3A_1320 = arith.addi %select_n3A_779, %add3A_1319 : vector<16xi32>
      %gather3A_1321 = tpu.vector_load_idx %arg9[%add3A_783, %add3A_1320] : memref<512x128xf32, #tpu.memory_space<vmem>>[vector<16xi32>, vector<16xi32>], vector<16xf32>,
      %sub3A_1322 = arith.subf %get3A_1317, %gather3A_1321 : vector<16xf32>
      %mul3A_1323 = arith.mulf %sub3A_1322, %sub3A_1322 : vector<16xf32>
      %add3A_1324 = arith.addf %add3A_1270, %mul3A_1323 : vector<16xf32>
      %jit3A_1325 = arith.constant 8 : i32
      %div3A_1326 = arith.divsi %scan3A_732, %jit3A_1325 : i32
      %sign3A_1327 = arith.constant 0 : i32
      %sign3A_1328 = arith.cmpi sgt, %scan3A_732, %sign3A_1327 : i32
      %sign3A_1329 = arith.extui %sign3A_1328 : i1 to i32
      %sign3A_1330 = arith.constant 0 : i32
      %sign3A_1331 = arith.cmpi slt, %scan3A_732, %sign3A_1330 : i32
      %sign3A_1332 = arith.extui %sign3A_1331 : i1 to i32
      %sign3A_1333 = arith.subi %sign3A_1329, %sign3A_1332 : i32
      %sign3A_1334 = arith.constant 0 : i32
      %sign3A_1335 = arith.cmpi sgt, %jit3A_1325, %sign3A_1334 : i32
      %sign3A_1336 = arith.extui %sign3A_1335 : i1 to i32
      %sign3A_1337 = arith.constant 0 : i32
      %sign3A_1338 = arith.cmpi slt, %jit3A_1325, %sign3A_1337 : i32
      %sign3A_1339 = arith.extui %sign3A_1338 : i1 to i32
      %sign3A_1340 = arith.subi %sign3A_1336, %sign3A_1339 : i32
      %ne3A_1341 = arith.cmpi ne, %sign3A_1333, %sign3A_1340 : i32
      %rem3A_1342 = arith.remsi %scan3A_732, %jit3A_1325 : i32
      %ne3A_1343 = arith.constant 0 : i32
      %ne3A_1344 = arith.cmpi ne, %rem3A_1342, %ne3A_1343 : i32
      %and3A_1345 = arith.andi %ne3A_1341, %ne3A_1344 : i1
      %sub3A_1346 = arith.constant 1 : i32
      %sub3A_1347 = arith.subi %div3A_1326, %sub3A_1346 : i32
      %select_n3A_1348 = arith.select %and3A_1345, %sub3A_1347, %div3A_1326 : i32
      %jit3A_1349 = arith.constant 8 : i32
      %eq3A_1350 = arith.constant 0 : i32
      %eq3A_1351 = arith.cmpi eq, %jit3A_1349, %eq3A_1350 : i32
      %jit3A_1352 = arith.constant 1 : i32
      %select_n3A_1353 = arith.select %eq3A_1351, %jit3A_1352, %jit3A_1349 : i32
      %rem3A_1354 = arith.remsi %scan3A_732, %select_n3A_1353 : i32
      %ne3A_1355 = arith.constant 0 : i32
      %ne3A_1356 = arith.cmpi ne, %rem3A_1354, %ne3A_1355 : i32
      %lt3A_1357 = arith.constant 0 : i32
      %lt3A_1358 = arith.cmpi slt, %rem3A_1354, %lt3A_1357 : i32
      %lt3A_1359 = arith.constant 0 : i32
      %lt3A_1360 = arith.cmpi slt, %select_n3A_1353, %lt3A_1359 : i32
      %ne3A_1361 = arith.xori %lt3A_1358, %lt3A_1360 : i1
      %and3A_1362 = arith.andi %ne3A_1361, %ne3A_1356 : i1
      %add3A_1363 = arith.addi %rem3A_1354, %select_n3A_1353 : i32
      %select_n3A_1364 = arith.select %and3A_1362, %add3A_1363, %rem3A_1354 : i32
      %mul3A_1365 = arith.constant 16 : i32
      %mul3A_1366 = arith.muli %select_n3A_1364, %mul3A_1365 : i32
      %get3A_1367 = arith.constant 10 : i32
      %get3A_1368 = arith.index_cast %select_n3A_1348 : i32 to index
      %get3A_1369 = arith.index_cast %get3A_1367 : i32 to index
      %get3A_1370 = arith.index_cast %mul3A_1366 : i32 to index
      %get3A_1371 = tpu.vector_load %arg10[%get3A_1368, %get3A_1369, %get3A_1370] {strides = array<i32>} : memref<4x64x128xf32, #tpu.memory_space<vmem>>, vector<16xf32>,
      %add3A_1372 = arith.constant 10 : i32
      %add3A_1373 = vector.broadcast %add3A_1372 : i32 to vector<16xi32>
      %add3A_1374 = arith.addi %select_n3A_779, %add3A_1373 : vector<16xi32>
      %gather3A_1375 = tpu.vector_load_idx %arg9[%add3A_783, %add3A_1374] : memref<512x128xf32, #tpu.memory_space<vmem>>[vector<16xi32>, vector<16xi32>], vector<16xf32>,
      %sub3A_1376 = arith.subf %get3A_1371, %gather3A_1375 : vector<16xf32>
      %mul3A_1377 = arith.mulf %sub3A_1376, %sub3A_1376 : vector<16xf32>
      %add3A_1378 = arith.addf %add3A_1324, %mul3A_1377 : vector<16xf32>
      %jit3A_1379 = arith.constant 8 : i32
      %div3A_1380 = arith.divsi %scan3A_732, %jit3A_1379 : i32
      %sign3A_1381 = arith.constant 0 : i32
      %sign3A_1382 = arith.cmpi sgt, %scan3A_732, %sign3A_1381 : i32
      %sign3A_1383 = arith.extui %sign3A_1382 : i1 to i32
      %sign3A_1384 = arith.constant 0 : i32
      %sign3A_1385 = arith.cmpi slt, %scan3A_732, %sign3A_1384 : i32
      %sign3A_1386 = arith.extui %sign3A_1385 : i1 to i32
      %sign3A_1387 = arith.subi %sign3A_1383, %sign3A_1386 : i32
      %sign3A_1388 = arith.constant 0 : i32
      %sign3A_1389 = arith.cmpi sgt, %jit3A_1379, %sign3A_1388 : i32
      %sign3A_1390 = arith.extui %sign3A_1389 : i1 to i32
      %sign3A_1391 = arith.constant 0 : i32
      %sign3A_1392 = arith.cmpi slt, %jit3A_1379, %sign3A_1391 : i32
      %sign3A_1393 = arith.extui %sign3A_1392 : i1 to i32
      %sign3A_1394 = arith.subi %sign3A_1390, %sign3A_1393 : i32
      %ne3A_1395 = arith.cmpi ne, %sign3A_1387, %sign3A_1394 : i32
      %rem3A_1396 = arith.remsi %scan3A_732, %jit3A_1379 : i32
      %ne3A_1397 = arith.constant 0 : i32
      %ne3A_1398 = arith.cmpi ne, %rem3A_1396, %ne3A_1397 : i32
      %and3A_1399 = arith.andi %ne3A_1395, %ne3A_1398 : i1
      %sub3A_1400 = arith.constant 1 : i32
      %sub3A_1401 = arith.subi %div3A_1380, %sub3A_1400 : i32
      %select_n3A_1402 = arith.select %and3A_1399, %sub3A_1401, %div3A_1380 : i32
      %jit3A_1403 = arith.constant 8 : i32
      %eq3A_1404 = arith.constant 0 : i32
      %eq3A_1405 = arith.cmpi eq, %jit3A_1403, %eq3A_1404 : i32
      %jit3A_1406 = arith.constant 1 : i32
      %select_n3A_1407 = arith.select %eq3A_1405, %jit3A_1406, %jit3A_1403 : i32
      %rem3A_1408 = arith.remsi %scan3A_732, %select_n3A_1407 : i32
      %ne3A_1409 = arith.constant 0 : i32
      %ne3A_1410 = arith.cmpi ne, %rem3A_1408, %ne3A_1409 : i32
      %lt3A_1411 = arith.constant 0 : i32
      %lt3A_1412 = arith.cmpi slt, %rem3A_1408, %lt3A_1411 : i32
      %lt3A_1413 = arith.constant 0 : i32
      %lt3A_1414 = arith.cmpi slt, %select_n3A_1407, %lt3A_1413 : i32
      %ne3A_1415 = arith.xori %lt3A_1412, %lt3A_1414 : i1
      %and3A_1416 = arith.andi %ne3A_1415, %ne3A_1410 : i1
      %add3A_1417 = arith.addi %rem3A_1408, %select_n3A_1407 : i32
      %select_n3A_1418 = arith.select %and3A_1416, %add3A_1417, %rem3A_1408 : i32
      %mul3A_1419 = arith.constant 16 : i32
      %mul3A_1420 = arith.muli %select_n3A_1418, %mul3A_1419 : i32
      %get3A_1421 = arith.constant 11 : i32
      %get3A_1422 = arith.index_cast %select_n3A_1402 : i32 to index
      %get3A_1423 = arith.index_cast %get3A_1421 : i32 to index
      %get3A_1424 = arith.index_cast %mul3A_1420 : i32 to index
      %get3A_1425 = tpu.vector_load %arg10[%get3A_1422, %get3A_1423, %get3A_1424] {strides = array<i32>} : memref<4x64x128xf32, #tpu.memory_space<vmem>>, vector<16xf32>,
      %add3A_1426 = arith.constant 11 : i32
      %add3A_1427 = vector.broadcast %add3A_1426 : i32 to vector<16xi32>
      %add3A_1428 = arith.addi %select_n3A_779, %add3A_1427 : vector<16xi32>
      %gather3A_1429 = tpu.vector_load_idx %arg9[%add3A_783, %add3A_1428] : memref<512x128xf32, #tpu.memory_space<vmem>>[vector<16xi32>, vector<16xi32>], vector<16xf32>,
      %sub3A_1430 = arith.subf %get3A_1425, %gather3A_1429 : vector<16xf32>
      %mul3A_1431 = arith.mulf %sub3A_1430, %sub3A_1430 : vector<16xf32>
      %add3A_1432 = arith.addf %add3A_1378, %mul3A_1431 : vector<16xf32>
      %jit3A_1433 = arith.constant 8 : i32
      %div3A_1434 = arith.divsi %scan3A_732, %jit3A_1433 : i32
      %sign3A_1435 = arith.constant 0 : i32
      %sign3A_1436 = arith.cmpi sgt, %scan3A_732, %sign3A_1435 : i32
      %sign3A_1437 = arith.extui %sign3A_1436 : i1 to i32
      %sign3A_1438 = arith.constant 0 : i32
      %sign3A_1439 = arith.cmpi slt, %scan3A_732, %sign3A_1438 : i32
      %sign3A_1440 = arith.extui %sign3A_1439 : i1 to i32
      %sign3A_1441 = arith.subi %sign3A_1437, %sign3A_1440 : i32
      %sign3A_1442 = arith.constant 0 : i32
      %sign3A_1443 = arith.cmpi sgt, %jit3A_1433, %sign3A_1442 : i32
      %sign3A_1444 = arith.extui %sign3A_1443 : i1 to i32
      %sign3A_1445 = arith.constant 0 : i32
      %sign3A_1446 = arith.cmpi slt, %jit3A_1433, %sign3A_1445 : i32
      %sign3A_1447 = arith.extui %sign3A_1446 : i1 to i32
      %sign3A_1448 = arith.subi %sign3A_1444, %sign3A_1447 : i32
      %ne3A_1449 = arith.cmpi ne, %sign3A_1441, %sign3A_1448 : i32
      %rem3A_1450 = arith.remsi %scan3A_732, %jit3A_1433 : i32
      %ne3A_1451 = arith.constant 0 : i32
      %ne3A_1452 = arith.cmpi ne, %rem3A_1450, %ne3A_1451 : i32
      %and3A_1453 = arith.andi %ne3A_1449, %ne3A_1452 : i1
      %sub3A_1454 = arith.constant 1 : i32
      %sub3A_1455 = arith.subi %div3A_1434, %sub3A_1454 : i32
      %select_n3A_1456 = arith.select %and3A_1453, %sub3A_1455, %div3A_1434 : i32
      %jit3A_1457 = arith.constant 8 : i32
      %eq3A_1458 = arith.constant 0 : i32
      %eq3A_1459 = arith.cmpi eq, %jit3A_1457, %eq3A_1458 : i32
      %jit3A_1460 = arith.constant 1 : i32
      %select_n3A_1461 = arith.select %eq3A_1459, %jit3A_1460, %jit3A_1457 : i32
      %rem3A_1462 = arith.remsi %scan3A_732, %select_n3A_1461 : i32
      %ne3A_1463 = arith.constant 0 : i32
      %ne3A_1464 = arith.cmpi ne, %rem3A_1462, %ne3A_1463 : i32
      %lt3A_1465 = arith.constant 0 : i32
      %lt3A_1466 = arith.cmpi slt, %rem3A_1462, %lt3A_1465 : i32
      %lt3A_1467 = arith.constant 0 : i32
      %lt3A_1468 = arith.cmpi slt, %select_n3A_1461, %lt3A_1467 : i32
      %ne3A_1469 = arith.xori %lt3A_1466, %lt3A_1468 : i1
      %and3A_1470 = arith.andi %ne3A_1469, %ne3A_1464 : i1
      %add3A_1471 = arith.addi %rem3A_1462, %select_n3A_1461 : i32
      %select_n3A_1472 = arith.select %and3A_1470, %add3A_1471, %rem3A_1462 : i32
      %mul3A_1473 = arith.constant 16 : i32
      %mul3A_1474 = arith.muli %select_n3A_1472, %mul3A_1473 : i32
      %get3A_1475 = arith.constant 12 : i32
      %get3A_1476 = arith.index_cast %select_n3A_1456 : i32 to index
      %get3A_1477 = arith.index_cast %get3A_1475 : i32 to index
      %get3A_1478 = arith.index_cast %mul3A_1474 : i32 to index
      %get3A_1479 = tpu.vector_load %arg10[%get3A_1476, %get3A_1477, %get3A_1478] {strides = array<i32>} : memref<4x64x128xf32, #tpu.memory_space<vmem>>, vector<16xf32>,
      %add3A_1480 = arith.constant 12 : i32
      %add3A_1481 = vector.broadcast %add3A_1480 : i32 to vector<16xi32>
      %add3A_1482 = arith.addi %select_n3A_779, %add3A_1481 : vector<16xi32>
      %gather3A_1483 = tpu.vector_load_idx %arg9[%add3A_783, %add3A_1482] : memref<512x128xf32, #tpu.memory_space<vmem>>[vector<16xi32>, vector<16xi32>], vector<16xf32>,
      %sub3A_1484 = arith.subf %get3A_1479, %gather3A_1483 : vector<16xf32>
      %mul3A_1485 = arith.mulf %sub3A_1484, %sub3A_1484 : vector<16xf32>
      %add3A_1486 = arith.addf %add3A_1432, %mul3A_1485 : vector<16xf32>
      %jit3A_1487 = arith.constant 8 : i32
      %div3A_1488 = arith.divsi %scan3A_732, %jit3A_1487 : i32
      %sign3A_1489 = arith.constant 0 : i32
      %sign3A_1490 = arith.cmpi sgt, %scan3A_732, %sign3A_1489 : i32
      %sign3A_1491 = arith.extui %sign3A_1490 : i1 to i32
      %sign3A_1492 = arith.constant 0 : i32
      %sign3A_1493 = arith.cmpi slt, %scan3A_732, %sign3A_1492 : i32
      %sign3A_1494 = arith.extui %sign3A_1493 : i1 to i32
      %sign3A_1495 = arith.subi %sign3A_1491, %sign3A_1494 : i32
      %sign3A_1496 = arith.constant 0 : i32
      %sign3A_1497 = arith.cmpi sgt, %jit3A_1487, %sign3A_1496 : i32
      %sign3A_1498 = arith.extui %sign3A_1497 : i1 to i32
      %sign3A_1499 = arith.constant 0 : i32
      %sign3A_1500 = arith.cmpi slt, %jit3A_1487, %sign3A_1499 : i32
      %sign3A_1501 = arith.extui %sign3A_1500 : i1 to i32
      %sign3A_1502 = arith.subi %sign3A_1498, %sign3A_1501 : i32
      %ne3A_1503 = arith.cmpi ne, %sign3A_1495, %sign3A_1502 : i32
      %rem3A_1504 = arith.remsi %scan3A_732, %jit3A_1487 : i32
      %ne3A_1505 = arith.constant 0 : i32
      %ne3A_1506 = arith.cmpi ne, %rem3A_1504, %ne3A_1505 : i32
      %and3A_1507 = arith.andi %ne3A_1503, %ne3A_1506 : i1
      %sub3A_1508 = arith.constant 1 : i32
      %sub3A_1509 = arith.subi %div3A_1488, %sub3A_1508 : i32
      %select_n3A_1510 = arith.select %and3A_1507, %sub3A_1509, %div3A_1488 : i32
      %jit3A_1511 = arith.constant 8 : i32
      %eq3A_1512 = arith.constant 0 : i32
      %eq3A_1513 = arith.cmpi eq, %jit3A_1511, %eq3A_1512 : i32
      %jit3A_1514 = arith.constant 1 : i32
      %select_n3A_1515 = arith.select %eq3A_1513, %jit3A_1514, %jit3A_1511 : i32
      %rem3A_1516 = arith.remsi %scan3A_732, %select_n3A_1515 : i32
      %ne3A_1517 = arith.constant 0 : i32
      %ne3A_1518 = arith.cmpi ne, %rem3A_1516, %ne3A_1517 : i32
      %lt3A_1519 = arith.constant 0 : i32
      %lt3A_1520 = arith.cmpi slt, %rem3A_1516, %lt3A_1519 : i32
      %lt3A_1521 = arith.constant 0 : i32
      %lt3A_1522 = arith.cmpi slt, %select_n3A_1515, %lt3A_1521 : i32
      %ne3A_1523 = arith.xori %lt3A_1520, %lt3A_1522 : i1
      %and3A_1524 = arith.andi %ne3A_1523, %ne3A_1518 : i1
      %add3A_1525 = arith.addi %rem3A_1516, %select_n3A_1515 : i32
      %select_n3A_1526 = arith.select %and3A_1524, %add3A_1525, %rem3A_1516 : i32
      %mul3A_1527 = arith.constant 16 : i32
      %mul3A_1528 = arith.muli %select_n3A_1526, %mul3A_1527 : i32
      %get3A_1529 = arith.constant 13 : i32
      %get3A_1530 = arith.index_cast %select_n3A_1510 : i32 to index
      %get3A_1531 = arith.index_cast %get3A_1529 : i32 to index
      %get3A_1532 = arith.index_cast %mul3A_1528 : i32 to index
      %get3A_1533 = tpu.vector_load %arg10[%get3A_1530, %get3A_1531, %get3A_1532] {strides = array<i32>} : memref<4x64x128xf32, #tpu.memory_space<vmem>>, vector<16xf32>,
      %add3A_1534 = arith.constant 13 : i32
      %add3A_1535 = vector.broadcast %add3A_1534 : i32 to vector<16xi32>
      %add3A_1536 = arith.addi %select_n3A_779, %add3A_1535 : vector<16xi32>
      %gather3A_1537 = tpu.vector_load_idx %arg9[%add3A_783, %add3A_1536] : memref<512x128xf32, #tpu.memory_space<vmem>>[vector<16xi32>, vector<16xi32>], vector<16xf32>,
      %sub3A_1538 = arith.subf %get3A_1533, %gather3A_1537 : vector<16xf32>
      %mul3A_1539 = arith.mulf %sub3A_1538, %sub3A_1538 : vector<16xf32>
      %add3A_1540 = arith.addf %add3A_1486, %mul3A_1539 : vector<16xf32>
      %jit3A_1541 = arith.constant 8 : i32
      %div3A_1542 = arith.divsi %scan3A_732, %jit3A_1541 : i32
      %sign3A_1543 = arith.constant 0 : i32
      %sign3A_1544 = arith.cmpi sgt, %scan3A_732, %sign3A_1543 : i32
      %sign3A_1545 = arith.extui %sign3A_1544 : i1 to i32
      %sign3A_1546 = arith.constant 0 : i32
      %sign3A_1547 = arith.cmpi slt, %scan3A_732, %sign3A_1546 : i32
      %sign3A_1548 = arith.extui %sign3A_1547 : i1 to i32
      %sign3A_1549 = arith.subi %sign3A_1545, %sign3A_1548 : i32
      %sign3A_1550 = arith.constant 0 : i32
      %sign3A_1551 = arith.cmpi sgt, %jit3A_1541, %sign3A_1550 : i32
      %sign3A_1552 = arith.extui %sign3A_1551 : i1 to i32
      %sign3A_1553 = arith.constant 0 : i32
      %sign3A_1554 = arith.cmpi slt, %jit3A_1541, %sign3A_1553 : i32
      %sign3A_1555 = arith.extui %sign3A_1554 : i1 to i32
      %sign3A_1556 = arith.subi %sign3A_1552, %sign3A_1555 : i32
      %ne3A_1557 = arith.cmpi ne, %sign3A_1549, %sign3A_1556 : i32
      %rem3A_1558 = arith.remsi %scan3A_732, %jit3A_1541 : i32
      %ne3A_1559 = arith.constant 0 : i32
      %ne3A_1560 = arith.cmpi ne, %rem3A_1558, %ne3A_1559 : i32
      %and3A_1561 = arith.andi %ne3A_1557, %ne3A_1560 : i1
      %sub3A_1562 = arith.constant 1 : i32
      %sub3A_1563 = arith.subi %div3A_1542, %sub3A_1562 : i32
      %select_n3A_1564 = arith.select %and3A_1561, %sub3A_1563, %div3A_1542 : i32
      %jit3A_1565 = arith.constant 8 : i32
      %eq3A_1566 = arith.constant 0 : i32
      %eq3A_1567 = arith.cmpi eq, %jit3A_1565, %eq3A_1566 : i32
      %jit3A_1568 = arith.constant 1 : i32
      %select_n3A_1569 = arith.select %eq3A_1567, %jit3A_1568, %jit3A_1565 : i32
      %rem3A_1570 = arith.remsi %scan3A_732, %select_n3A_1569 : i32
      %ne3A_1571 = arith.constant 0 : i32
      %ne3A_1572 = arith.cmpi ne, %rem3A_1570, %ne3A_1571 : i32
      %lt3A_1573 = arith.constant 0 : i32
      %lt3A_1574 = arith.cmpi slt, %rem3A_1570, %lt3A_1573 : i32
      %lt3A_1575 = arith.constant 0 : i32
      %lt3A_1576 = arith.cmpi slt, %select_n3A_1569, %lt3A_1575 : i32
      %ne3A_1577 = arith.xori %lt3A_1574, %lt3A_1576 : i1
      %and3A_1578 = arith.andi %ne3A_1577, %ne3A_1572 : i1
      %add3A_1579 = arith.addi %rem3A_1570, %select_n3A_1569 : i32
      %select_n3A_1580 = arith.select %and3A_1578, %add3A_1579, %rem3A_1570 : i32
      %mul3A_1581 = arith.constant 16 : i32
      %mul3A_1582 = arith.muli %select_n3A_1580, %mul3A_1581 : i32
      %get3A_1583 = arith.constant 14 : i32
      %get3A_1584 = arith.index_cast %select_n3A_1564 : i32 to index
      %get3A_1585 = arith.index_cast %get3A_1583 : i32 to index
      %get3A_1586 = arith.index_cast %mul3A_1582 : i32 to index
      %get3A_1587 = tpu.vector_load %arg10[%get3A_1584, %get3A_1585, %get3A_1586] {strides = array<i32>} : memref<4x64x128xf32, #tpu.memory_space<vmem>>, vector<16xf32>,
      %add3A_1588 = arith.constant 14 : i32
      %add3A_1589 = vector.broadcast %add3A_1588 : i32 to vector<16xi32>
      %add3A_1590 = arith.addi %select_n3A_779, %add3A_1589 : vector<16xi32>
      %gather3A_1591 = tpu.vector_load_idx %arg9[%add3A_783, %add3A_1590] : memref<512x128xf32, #tpu.memory_space<vmem>>[vector<16xi32>, vector<16xi32>], vector<16xf32>,
      %sub3A_1592 = arith.subf %get3A_1587, %gather3A_1591 : vector<16xf32>
      %mul3A_1593 = arith.mulf %sub3A_1592, %sub3A_1592 : vector<16xf32>
      %add3A_1594 = arith.addf %add3A_1540, %mul3A_1593 : vector<16xf32>
      %jit3A_1595 = arith.constant 8 : i32
      %div3A_1596 = arith.divsi %scan3A_732, %jit3A_1595 : i32
      %sign3A_1597 = arith.constant 0 : i32
      %sign3A_1598 = arith.cmpi sgt, %scan3A_732, %sign3A_1597 : i32
      %sign3A_1599 = arith.extui %sign3A_1598 : i1 to i32
      %sign3A_1600 = arith.constant 0 : i32
      %sign3A_1601 = arith.cmpi slt, %scan3A_732, %sign3A_1600 : i32
      %sign3A_1602 = arith.extui %sign3A_1601 : i1 to i32
      %sign3A_1603 = arith.subi %sign3A_1599, %sign3A_1602 : i32
      %sign3A_1604 = arith.constant 0 : i32
      %sign3A_1605 = arith.cmpi sgt, %jit3A_1595, %sign3A_1604 : i32
      %sign3A_1606 = arith.extui %sign3A_1605 : i1 to i32
      %sign3A_1607 = arith.constant 0 : i32
      %sign3A_1608 = arith.cmpi slt, %jit3A_1595, %sign3A_1607 : i32
      %sign3A_1609 = arith.extui %sign3A_1608 : i1 to i32
      %sign3A_1610 = arith.subi %sign3A_1606, %sign3A_1609 : i32
      %ne3A_1611 = arith.cmpi ne, %sign3A_1603, %sign3A_1610 : i32
      %rem3A_1612 = arith.remsi %scan3A_732, %jit3A_1595 : i32
      %ne3A_1613 = arith.constant 0 : i32
      %ne3A_1614 = arith.cmpi ne, %rem3A_1612, %ne3A_1613 : i32
      %and3A_1615 = arith.andi %ne3A_1611, %ne3A_1614 : i1
      %sub3A_1616 = arith.constant 1 : i32
      %sub3A_1617 = arith.subi %div3A_1596, %sub3A_1616 : i32
      %select_n3A_1618 = arith.select %and3A_1615, %sub3A_1617, %div3A_1596 : i32
      %jit3A_1619 = arith.constant 8 : i32
      %eq3A_1620 = arith.constant 0 : i32
      %eq3A_1621 = arith.cmpi eq, %jit3A_1619, %eq3A_1620 : i32
      %jit3A_1622 = arith.constant 1 : i32
      %select_n3A_1623 = arith.select %eq3A_1621, %jit3A_1622, %jit3A_1619 : i32
      %rem3A_1624 = arith.remsi %scan3A_732, %select_n3A_1623 : i32
      %ne3A_1625 = arith.constant 0 : i32
      %ne3A_1626 = arith.cmpi ne, %rem3A_1624, %ne3A_1625 : i32
      %lt3A_1627 = arith.constant 0 : i32
      %lt3A_1628 = arith.cmpi slt, %rem3A_1624, %lt3A_1627 : i32
      %lt3A_1629 = arith.constant 0 : i32
      %lt3A_1630 = arith.cmpi slt, %select_n3A_1623, %lt3A_1629 : i32
      %ne3A_1631 = arith.xori %lt3A_1628, %lt3A_1630 : i1
      %and3A_1632 = arith.andi %ne3A_1631, %ne3A_1626 : i1
      %add3A_1633 = arith.addi %rem3A_1624, %select_n3A_1623 : i32
      %select_n3A_1634 = arith.select %and3A_1632, %add3A_1633, %rem3A_1624 : i32
      %mul3A_1635 = arith.constant 16 : i32
      %mul3A_1636 = arith.muli %select_n3A_1634, %mul3A_1635 : i32
      %get3A_1637 = arith.constant 15 : i32
      %get3A_1638 = arith.index_cast %select_n3A_1618 : i32 to index
      %get3A_1639 = arith.index_cast %get3A_1637 : i32 to index
      %get3A_1640 = arith.index_cast %mul3A_1636 : i32 to index
      %get3A_1641 = tpu.vector_load %arg10[%get3A_1638, %get3A_1639, %get3A_1640] {strides = array<i32>} : memref<4x64x128xf32, #tpu.memory_space<vmem>>, vector<16xf32>,
      %add3A_1642 = arith.constant 15 : i32
      %add3A_1643 = vector.broadcast %add3A_1642 : i32 to vector<16xi32>
      %add3A_1644 = arith.addi %select_n3A_779, %add3A_1643 : vector<16xi32>
      %gather3A_1645 = tpu.vector_load_idx %arg9[%add3A_783, %add3A_1644] : memref<512x128xf32, #tpu.memory_space<vmem>>[vector<16xi32>, vector<16xi32>], vector<16xf32>,
      %sub3A_1646 = arith.subf %get3A_1641, %gather3A_1645 : vector<16xf32>
      %mul3A_1647 = arith.mulf %sub3A_1646, %sub3A_1646 : vector<16xf32>
      %add3A_1648 = arith.addf %add3A_1594, %mul3A_1647 : vector<16xf32>
      %jit3A_1649 = arith.constant 8 : i32
      %div3A_1650 = arith.divsi %scan3A_732, %jit3A_1649 : i32
      %sign3A_1651 = arith.constant 0 : i32
      %sign3A_1652 = arith.cmpi sgt, %scan3A_732, %sign3A_1651 : i32
      %sign3A_1653 = arith.extui %sign3A_1652 : i1 to i32
      %sign3A_1654 = arith.constant 0 : i32
      %sign3A_1655 = arith.cmpi slt, %scan3A_732, %sign3A_1654 : i32
      %sign3A_1656 = arith.extui %sign3A_1655 : i1 to i32
      %sign3A_1657 = arith.subi %sign3A_1653, %sign3A_1656 : i32
      %sign3A_1658 = arith.constant 0 : i32
      %sign3A_1659 = arith.cmpi sgt, %jit3A_1649, %sign3A_1658 : i32
      %sign3A_1660 = arith.extui %sign3A_1659 : i1 to i32
      %sign3A_1661 = arith.constant 0 : i32
      %sign3A_1662 = arith.cmpi slt, %jit3A_1649, %sign3A_1661 : i32
      %sign3A_1663 = arith.extui %sign3A_1662 : i1 to i32
      %sign3A_1664 = arith.subi %sign3A_1660, %sign3A_1663 : i32
      %ne3A_1665 = arith.cmpi ne, %sign3A_1657, %sign3A_1664 : i32
      %rem3A_1666 = arith.remsi %scan3A_732, %jit3A_1649 : i32
      %ne3A_1667 = arith.constant 0 : i32
      %ne3A_1668 = arith.cmpi ne, %rem3A_1666, %ne3A_1667 : i32
      %and3A_1669 = arith.andi %ne3A_1665, %ne3A_1668 : i1
      %sub3A_1670 = arith.constant 1 : i32
      %sub3A_1671 = arith.subi %div3A_1650, %sub3A_1670 : i32
      %select_n3A_1672 = arith.select %and3A_1669, %sub3A_1671, %div3A_1650 : i32
      %jit3A_1673 = arith.constant 8 : i32
      %eq3A_1674 = arith.constant 0 : i32
      %eq3A_1675 = arith.cmpi eq, %jit3A_1673, %eq3A_1674 : i32
      %jit3A_1676 = arith.constant 1 : i32
      %select_n3A_1677 = arith.select %eq3A_1675, %jit3A_1676, %jit3A_1673 : i32
      %rem3A_1678 = arith.remsi %scan3A_732, %select_n3A_1677 : i32
      %ne3A_1679 = arith.constant 0 : i32
      %ne3A_1680 = arith.cmpi ne, %rem3A_1678, %ne3A_1679 : i32
      %lt3A_1681 = arith.constant 0 : i32
      %lt3A_1682 = arith.cmpi slt, %rem3A_1678, %lt3A_1681 : i32
      %lt3A_1683 = arith.constant 0 : i32
      %lt3A_1684 = arith.cmpi slt, %select_n3A_1677, %lt3A_1683 : i32
      %ne3A_1685 = arith.xori %lt3A_1682, %lt3A_1684 : i1
      %and3A_1686 = arith.andi %ne3A_1685, %ne3A_1680 : i1
      %add3A_1687 = arith.addi %rem3A_1678, %select_n3A_1677 : i32
      %select_n3A_1688 = arith.select %and3A_1686, %add3A_1687, %rem3A_1678 : i32
      %mul3A_1689 = arith.constant 16 : i32
      %mul3A_1690 = arith.muli %select_n3A_1688, %mul3A_1689 : i32
      %get3A_1691 = arith.constant 16 : i32
      %get3A_1692 = arith.index_cast %select_n3A_1672 : i32 to index
      %get3A_1693 = arith.index_cast %get3A_1691 : i32 to index
      %get3A_1694 = arith.index_cast %mul3A_1690 : i32 to index
      %get3A_1695 = tpu.vector_load %arg10[%get3A_1692, %get3A_1693, %get3A_1694] {strides = array<i32>} : memref<4x64x128xf32, #tpu.memory_space<vmem>>, vector<16xf32>,
      %add3A_1696 = arith.constant 16 : i32
      %add3A_1697 = vector.broadcast %add3A_1696 : i32 to vector<16xi32>
      %add3A_1698 = arith.addi %select_n3A_779, %add3A_1697 : vector<16xi32>
      %gather3A_1699 = tpu.vector_load_idx %arg9[%add3A_783, %add3A_1698] : memref<512x128xf32, #tpu.memory_space<vmem>>[vector<16xi32>, vector<16xi32>], vector<16xf32>,
      %sub3A_1700 = arith.subf %get3A_1695, %gather3A_1699 : vector<16xf32>
      %mul3A_1701 = arith.mulf %sub3A_1700, %sub3A_1700 : vector<16xf32>
      %add3A_1702 = arith.addf %add3A_1648, %mul3A_1701 : vector<16xf32>
      %jit3A_1703 = arith.constant 8 : i32
      %div3A_1704 = arith.divsi %scan3A_732, %jit3A_1703 : i32
      %sign3A_1705 = arith.constant 0 : i32
      %sign3A_1706 = arith.cmpi sgt, %scan3A_732, %sign3A_1705 : i32
      %sign3A_1707 = arith.extui %sign3A_1706 : i1 to i32
      %sign3A_1708 = arith.constant 0 : i32
      %sign3A_1709 = arith.cmpi slt, %scan3A_732, %sign3A_1708 : i32
      %sign3A_1710 = arith.extui %sign3A_1709 : i1 to i32
      %sign3A_1711 = arith.subi %sign3A_1707, %sign3A_1710 : i32
      %sign3A_1712 = arith.constant 0 : i32
      %sign3A_1713 = arith.cmpi sgt, %jit3A_1703, %sign3A_1712 : i32
      %sign3A_1714 = arith.extui %sign3A_1713 : i1 to i32
      %sign3A_1715 = arith.constant 0 : i32
      %sign3A_1716 = arith.cmpi slt, %jit3A_1703, %sign3A_1715 : i32
      %sign3A_1717 = arith.extui %sign3A_1716 : i1 to i32
      %sign3A_1718 = arith.subi %sign3A_1714, %sign3A_1717 : i32
      %ne3A_1719 = arith.cmpi ne, %sign3A_1711, %sign3A_1718 : i32
      %rem3A_1720 = arith.remsi %scan3A_732, %jit3A_1703 : i32
      %ne3A_1721 = arith.constant 0 : i32
      %ne3A_1722 = arith.cmpi ne, %rem3A_1720, %ne3A_1721 : i32
      %and3A_1723 = arith.andi %ne3A_1719, %ne3A_1722 : i1
      %sub3A_1724 = arith.constant 1 : i32
      %sub3A_1725 = arith.subi %div3A_1704, %sub3A_1724 : i32
      %select_n3A_1726 = arith.select %and3A_1723, %sub3A_1725, %div3A_1704 : i32
      %jit3A_1727 = arith.constant 8 : i32
      %eq3A_1728 = arith.constant 0 : i32
      %eq3A_1729 = arith.cmpi eq, %jit3A_1727, %eq3A_1728 : i32
      %jit3A_1730 = arith.constant 1 : i32
      %select_n3A_1731 = arith.select %eq3A_1729, %jit3A_1730, %jit3A_1727 : i32
      %rem3A_1732 = arith.remsi %scan3A_732, %select_n3A_1731 : i32
      %ne3A_1733 = arith.constant 0 : i32
      %ne3A_1734 = arith.cmpi ne, %rem3A_1732, %ne3A_1733 : i32
      %lt3A_1735 = arith.constant 0 : i32
      %lt3A_1736 = arith.cmpi slt, %rem3A_1732, %lt3A_1735 : i32
      %lt3A_1737 = arith.constant 0 : i32
      %lt3A_1738 = arith.cmpi slt, %select_n3A_1731, %lt3A_1737 : i32
      %ne3A_1739 = arith.xori %lt3A_1736, %lt3A_1738 : i1
      %and3A_1740 = arith.andi %ne3A_1739, %ne3A_1734 : i1
      %add3A_1741 = arith.addi %rem3A_1732, %select_n3A_1731 : i32
      %select_n3A_1742 = arith.select %and3A_1740, %add3A_1741, %rem3A_1732 : i32
      %mul3A_1743 = arith.constant 16 : i32
      %mul3A_1744 = arith.muli %select_n3A_1742, %mul3A_1743 : i32
      %get3A_1745 = arith.constant 17 : i32
      %get3A_1746 = arith.index_cast %select_n3A_1726 : i32 to index
      %get3A_1747 = arith.index_cast %get3A_1745 : i32 to index
      %get3A_1748 = arith.index_cast %mul3A_1744 : i32 to index
      %get3A_1749 = tpu.vector_load %arg10[%get3A_1746, %get3A_1747, %get3A_1748] {strides = array<i32>} : memref<4x64x128xf32, #tpu.memory_space<vmem>>, vector<16xf32>,
      %add3A_1750 = arith.constant 17 : i32
      %add3A_1751 = vector.broadcast %add3A_1750 : i32 to vector<16xi32>
      %add3A_1752 = arith.addi %select_n3A_779, %add3A_1751 : vector<16xi32>
      %gather3A_1753 = tpu.vector_load_idx %arg9[%add3A_783, %add3A_1752] : memref<512x128xf32, #tpu.memory_space<vmem>>[vector<16xi32>, vector<16xi32>], vector<16xf32>,
      %sub3A_1754 = arith.subf %get3A_1749, %gather3A_1753 : vector<16xf32>
      %mul3A_1755 = arith.mulf %sub3A_1754, %sub3A_1754 : vector<16xf32>
      %add3A_1756 = arith.addf %add3A_1702, %mul3A_1755 : vector<16xf32>
      %jit3A_1757 = arith.constant 8 : i32
      %div3A_1758 = arith.divsi %scan3A_732, %jit3A_1757 : i32
      %sign3A_1759 = arith.constant 0 : i32
      %sign3A_1760 = arith.cmpi sgt, %scan3A_732, %sign3A_1759 : i32
      %sign3A_1761 = arith.extui %sign3A_1760 : i1 to i32
      %sign3A_1762 = arith.constant 0 : i32
      %sign3A_1763 = arith.cmpi slt, %scan3A_732, %sign3A_1762 : i32
      %sign3A_1764 = arith.extui %sign3A_1763 : i1 to i32
      %sign3A_1765 = arith.subi %sign3A_1761, %sign3A_1764 : i32
      %sign3A_1766 = arith.constant 0 : i32
      %sign3A_1767 = arith.cmpi sgt, %jit3A_1757, %sign3A_1766 : i32
      %sign3A_1768 = arith.extui %sign3A_1767 : i1 to i32
      %sign3A_1769 = arith.constant 0 : i32
      %sign3A_1770 = arith.cmpi slt, %jit3A_1757, %sign3A_1769 : i32
      %sign3A_1771 = arith.extui %sign3A_1770 : i1 to i32
      %sign3A_1772 = arith.subi %sign3A_1768, %sign3A_1771 : i32
      %ne3A_1773 = arith.cmpi ne, %sign3A_1765, %sign3A_1772 : i32
      %rem3A_1774 = arith.remsi %scan3A_732, %jit3A_1757 : i32
      %ne3A_1775 = arith.constant 0 : i32
      %ne3A_1776 = arith.cmpi ne, %rem3A_1774, %ne3A_1775 : i32
      %and3A_1777 = arith.andi %ne3A_1773, %ne3A_1776 : i1
      %sub3A_1778 = arith.constant 1 : i32
      %sub3A_1779 = arith.subi %div3A_1758, %sub3A_1778 : i32
      %select_n3A_1780 = arith.select %and3A_1777, %sub3A_1779, %div3A_1758 : i32
      %jit3A_1781 = arith.constant 8 : i32
      %eq3A_1782 = arith.constant 0 : i32
      %eq3A_1783 = arith.cmpi eq, %jit3A_1781, %eq3A_1782 : i32
      %jit3A_1784 = arith.constant 1 : i32
      %select_n3A_1785 = arith.select %eq3A_1783, %jit3A_1784, %jit3A_1781 : i32
      %rem3A_1786 = arith.remsi %scan3A_732, %select_n3A_1785 : i32
      %ne3A_1787 = arith.constant 0 : i32
      %ne3A_1788 = arith.cmpi ne, %rem3A_1786, %ne3A_1787 : i32
      %lt3A_1789 = arith.constant 0 : i32
      %lt3A_1790 = arith.cmpi slt, %rem3A_1786, %lt3A_1789 : i32
      %lt3A_1791 = arith.constant 0 : i32
      %lt3A_1792 = arith.cmpi slt, %select_n3A_1785, %lt3A_1791 : i32
      %ne3A_1793 = arith.xori %lt3A_1790, %lt3A_1792 : i1
      %and3A_1794 = arith.andi %ne3A_1793, %ne3A_1788 : i1
      %add3A_1795 = arith.addi %rem3A_1786, %select_n3A_1785 : i32
      %select_n3A_1796 = arith.select %and3A_1794, %add3A_1795, %rem3A_1786 : i32
      %mul3A_1797 = arith.constant 16 : i32
      %mul3A_1798 = arith.muli %select_n3A_1796, %mul3A_1797 : i32
      %get3A_1799 = arith.constant 18 : i32
      %get3A_1800 = arith.index_cast %select_n3A_1780 : i32 to index
      %get3A_1801 = arith.index_cast %get3A_1799 : i32 to index
      %get3A_1802 = arith.index_cast %mul3A_1798 : i32 to index
      %get3A_1803 = tpu.vector_load %arg10[%get3A_1800, %get3A_1801, %get3A_1802] {strides = array<i32>} : memref<4x64x128xf32, #tpu.memory_space<vmem>>, vector<16xf32>,
      %add3A_1804 = arith.constant 18 : i32
      %add3A_1805 = vector.broadcast %add3A_1804 : i32 to vector<16xi32>
      %add3A_1806 = arith.addi %select_n3A_779, %add3A_1805 : vector<16xi32>
      %gather3A_1807 = tpu.vector_load_idx %arg9[%add3A_783, %add3A_1806] : memref<512x128xf32, #tpu.memory_space<vmem>>[vector<16xi32>, vector<16xi32>], vector<16xf32>,
      %sub3A_1808 = arith.subf %get3A_1803, %gather3A_1807 : vector<16xf32>
      %mul3A_1809 = arith.mulf %sub3A_1808, %sub3A_1808 : vector<16xf32>
      %add3A_1810 = arith.addf %add3A_1756, %mul3A_1809 : vector<16xf32>
      %jit3A_1811 = arith.constant 8 : i32
      %div3A_1812 = arith.divsi %scan3A_732, %jit3A_1811 : i32
      %sign3A_1813 = arith.constant 0 : i32
      %sign3A_1814 = arith.cmpi sgt, %scan3A_732, %sign3A_1813 : i32
      %sign3A_1815 = arith.extui %sign3A_1814 : i1 to i32
      %sign3A_1816 = arith.constant 0 : i32
      %sign3A_1817 = arith.cmpi slt, %scan3A_732, %sign3A_1816 : i32
      %sign3A_1818 = arith.extui %sign3A_1817 : i1 to i32
      %sign3A_1819 = arith.subi %sign3A_1815, %sign3A_1818 : i32
      %sign3A_1820 = arith.constant 0 : i32
      %sign3A_1821 = arith.cmpi sgt, %jit3A_1811, %sign3A_1820 : i32
      %sign3A_1822 = arith.extui %sign3A_1821 : i1 to i32
      %sign3A_1823 = arith.constant 0 : i32
      %sign3A_1824 = arith.cmpi slt, %jit3A_1811, %sign3A_1823 : i32
      %sign3A_1825 = arith.extui %sign3A_1824 : i1 to i32
      %sign3A_1826 = arith.subi %sign3A_1822, %sign3A_1825 : i32
      %ne3A_1827 = arith.cmpi ne, %sign3A_1819, %sign3A_1826 : i32
      %rem3A_1828 = arith.remsi %scan3A_732, %jit3A_1811 : i32
      %ne3A_1829 = arith.constant 0 : i32
      %ne3A_1830 = arith.cmpi ne, %rem3A_1828, %ne3A_1829 : i32
      %and3A_1831 = arith.andi %ne3A_1827, %ne3A_1830 : i1
      %sub3A_1832 = arith.constant 1 : i32
      %sub3A_1833 = arith.subi %div3A_1812, %sub3A_1832 : i32
      %select_n3A_1834 = arith.select %and3A_1831, %sub3A_1833, %div3A_1812 : i32
      %jit3A_1835 = arith.constant 8 : i32
      %eq3A_1836 = arith.constant 0 : i32
      %eq3A_1837 = arith.cmpi eq, %jit3A_1835, %eq3A_1836 : i32
      %jit3A_1838 = arith.constant 1 : i32
      %select_n3A_1839 = arith.select %eq3A_1837, %jit3A_1838, %jit3A_1835 : i32
      %rem3A_1840 = arith.remsi %scan3A_732, %select_n3A_1839 : i32
      %ne3A_1841 = arith.constant 0 : i32
      %ne3A_1842 = arith.cmpi ne, %rem3A_1840, %ne3A_1841 : i32
      %lt3A_1843 = arith.constant 0 : i32
      %lt3A_1844 = arith.cmpi slt, %rem3A_1840, %lt3A_1843 : i32
      %lt3A_1845 = arith.constant 0 : i32
      %lt3A_1846 = arith.cmpi slt, %select_n3A_1839, %lt3A_1845 : i32
      %ne3A_1847 = arith.xori %lt3A_1844, %lt3A_1846 : i1
      %and3A_1848 = arith.andi %ne3A_1847, %ne3A_1842 : i1
      %add3A_1849 = arith.addi %rem3A_1840, %select_n3A_1839 : i32
      %select_n3A_1850 = arith.select %and3A_1848, %add3A_1849, %rem3A_1840 : i32
      %mul3A_1851 = arith.constant 16 : i32
      %mul3A_1852 = arith.muli %select_n3A_1850, %mul3A_1851 : i32
      %get3A_1853 = arith.constant 19 : i32
      %get3A_1854 = arith.index_cast %select_n3A_1834 : i32 to index
      %get3A_1855 = arith.index_cast %get3A_1853 : i32 to index
      %get3A_1856 = arith.index_cast %mul3A_1852 : i32 to index
      %get3A_1857 = tpu.vector_load %arg10[%get3A_1854, %get3A_1855, %get3A_1856] {strides = array<i32>} : memref<4x64x128xf32, #tpu.memory_space<vmem>>, vector<16xf32>,
      %add3A_1858 = arith.constant 19 : i32
      %add3A_1859 = vector.broadcast %add3A_1858 : i32 to vector<16xi32>
      %add3A_1860 = arith.addi %select_n3A_779, %add3A_1859 : vector<16xi32>
      %gather3A_1861 = tpu.vector_load_idx %arg9[%add3A_783, %add3A_1860] : memref<512x128xf32, #tpu.memory_space<vmem>>[vector<16xi32>, vector<16xi32>], vector<16xf32>,
      %sub3A_1862 = arith.subf %get3A_1857, %gather3A_1861 : vector<16xf32>
      %mul3A_1863 = arith.mulf %sub3A_1862, %sub3A_1862 : vector<16xf32>
      %add3A_1864 = arith.addf %add3A_1810, %mul3A_1863 : vector<16xf32>
      %jit3A_1865 = arith.constant 8 : i32
      %div3A_1866 = arith.divsi %scan3A_732, %jit3A_1865 : i32
      %sign3A_1867 = arith.constant 0 : i32
      %sign3A_1868 = arith.cmpi sgt, %scan3A_732, %sign3A_1867 : i32
      %sign3A_1869 = arith.extui %sign3A_1868 : i1 to i32
      %sign3A_1870 = arith.constant 0 : i32
      %sign3A_1871 = arith.cmpi slt, %scan3A_732, %sign3A_1870 : i32
      %sign3A_1872 = arith.extui %sign3A_1871 : i1 to i32
      %sign3A_1873 = arith.subi %sign3A_1869, %sign3A_1872 : i32
      %sign3A_1874 = arith.constant 0 : i32
      %sign3A_1875 = arith.cmpi sgt, %jit3A_1865, %sign3A_1874 : i32
      %sign3A_1876 = arith.extui %sign3A_1875 : i1 to i32
      %sign3A_1877 = arith.constant 0 : i32
      %sign3A_1878 = arith.cmpi slt, %jit3A_1865, %sign3A_1877 : i32
      %sign3A_1879 = arith.extui %sign3A_1878 : i1 to i32
      %sign3A_1880 = arith.subi %sign3A_1876, %sign3A_1879 : i32
      %ne3A_1881 = arith.cmpi ne, %sign3A_1873, %sign3A_1880 : i32
      %rem3A_1882 = arith.remsi %scan3A_732, %jit3A_1865 : i32
      %ne3A_1883 = arith.constant 0 : i32
      %ne3A_1884 = arith.cmpi ne, %rem3A_1882, %ne3A_1883 : i32
      %and3A_1885 = arith.andi %ne3A_1881, %ne3A_1884 : i1
      %sub3A_1886 = arith.constant 1 : i32
      %sub3A_1887 = arith.subi %div3A_1866, %sub3A_1886 : i32
      %select_n3A_1888 = arith.select %and3A_1885, %sub3A_1887, %div3A_1866 : i32
      %jit3A_1889 = arith.constant 8 : i32
      %eq3A_1890 = arith.constant 0 : i32
      %eq3A_1891 = arith.cmpi eq, %jit3A_1889, %eq3A_1890 : i32
      %jit3A_1892 = arith.constant 1 : i32
      %select_n3A_1893 = arith.select %eq3A_1891, %jit3A_1892, %jit3A_1889 : i32
      %rem3A_1894 = arith.remsi %scan3A_732, %select_n3A_1893 : i32
      %ne3A_1895 = arith.constant 0 : i32
      %ne3A_1896 = arith.cmpi ne, %rem3A_1894, %ne3A_1895 : i32
      %lt3A_1897 = arith.constant 0 : i32
      %lt3A_1898 = arith.cmpi slt, %rem3A_1894, %lt3A_1897 : i32
      %lt3A_1899 = arith.constant 0 : i32
      %lt3A_1900 = arith.cmpi slt, %select_n3A_1893, %lt3A_1899 : i32
      %ne3A_1901 = arith.xori %lt3A_1898, %lt3A_1900 : i1
      %and3A_1902 = arith.andi %ne3A_1901, %ne3A_1896 : i1
      %add3A_1903 = arith.addi %rem3A_1894, %select_n3A_1893 : i32
      %select_n3A_1904 = arith.select %and3A_1902, %add3A_1903, %rem3A_1894 : i32
      %mul3A_1905 = arith.constant 16 : i32
      %mul3A_1906 = arith.muli %select_n3A_1904, %mul3A_1905 : i32
      %get3A_1907 = arith.constant 20 : i32
      %get3A_1908 = arith.index_cast %select_n3A_1888 : i32 to index
      %get3A_1909 = arith.index_cast %get3A_1907 : i32 to index
      %get3A_1910 = arith.index_cast %mul3A_1906 : i32 to index
      %get3A_1911 = tpu.vector_load %arg10[%get3A_1908, %get3A_1909, %get3A_1910] {strides = array<i32>} : memref<4x64x128xf32, #tpu.memory_space<vmem>>, vector<16xf32>,
      %add3A_1912 = arith.constant 20 : i32
      %add3A_1913 = vector.broadcast %add3A_1912 : i32 to vector<16xi32>
      %add3A_1914 = arith.addi %select_n3A_779, %add3A_1913 : vector<16xi32>
      %gather3A_1915 = tpu.vector_load_idx %arg9[%add3A_783, %add3A_1914] : memref<512x128xf32, #tpu.memory_space<vmem>>[vector<16xi32>, vector<16xi32>], vector<16xf32>,
      %sub3A_1916 = arith.subf %get3A_1911, %gather3A_1915 : vector<16xf32>
      %mul3A_1917 = arith.mulf %sub3A_1916, %sub3A_1916 : vector<16xf32>
      %add3A_1918 = arith.addf %add3A_1864, %mul3A_1917 : vector<16xf32>
      %jit3A_1919 = arith.constant 8 : i32
      %div3A_1920 = arith.divsi %scan3A_732, %jit3A_1919 : i32
      %sign3A_1921 = arith.constant 0 : i32
      %sign3A_1922 = arith.cmpi sgt, %scan3A_732, %sign3A_1921 : i32
      %sign3A_1923 = arith.extui %sign3A_1922 : i1 to i32
      %sign3A_1924 = arith.constant 0 : i32
      %sign3A_1925 = arith.cmpi slt, %scan3A_732, %sign3A_1924 : i32
      %sign3A_1926 = arith.extui %sign3A_1925 : i1 to i32
      %sign3A_1927 = arith.subi %sign3A_1923, %sign3A_1926 : i32
      %sign3A_1928 = arith.constant 0 : i32
      %sign3A_1929 = arith.cmpi sgt, %jit3A_1919, %sign3A_1928 : i32
      %sign3A_1930 = arith.extui %sign3A_1929 : i1 to i32
      %sign3A_1931 = arith.constant 0 : i32
      %sign3A_1932 = arith.cmpi slt, %jit3A_1919, %sign3A_1931 : i32
      %sign3A_1933 = arith.extui %sign3A_1932 : i1 to i32
      %sign3A_1934 = arith.subi %sign3A_1930, %sign3A_1933 : i32
      %ne3A_1935 = arith.cmpi ne, %sign3A_1927, %sign3A_1934 : i32
      %rem3A_1936 = arith.remsi %scan3A_732, %jit3A_1919 : i32
      %ne3A_1937 = arith.constant 0 : i32
      %ne3A_1938 = arith.cmpi ne, %rem3A_1936, %ne3A_1937 : i32
      %and3A_1939 = arith.andi %ne3A_1935, %ne3A_1938 : i1
      %sub3A_1940 = arith.constant 1 : i32
      %sub3A_1941 = arith.subi %div3A_1920, %sub3A_1940 : i32
      %select_n3A_1942 = arith.select %and3A_1939, %sub3A_1941, %div3A_1920 : i32
      %jit3A_1943 = arith.constant 8 : i32
      %eq3A_1944 = arith.constant 0 : i32
      %eq3A_1945 = arith.cmpi eq, %jit3A_1943, %eq3A_1944 : i32
      %jit3A_1946 = arith.constant 1 : i32
      %select_n3A_1947 = arith.select %eq3A_1945, %jit3A_1946, %jit3A_1943 : i32
      %rem3A_1948 = arith.remsi %scan3A_732, %select_n3A_1947 : i32
      %ne3A_1949 = arith.constant 0 : i32
      %ne3A_1950 = arith.cmpi ne, %rem3A_1948, %ne3A_1949 : i32
      %lt3A_1951 = arith.constant 0 : i32
      %lt3A_1952 = arith.cmpi slt, %rem3A_1948, %lt3A_1951 : i32
      %lt3A_1953 = arith.constant 0 : i32
      %lt3A_1954 = arith.cmpi slt, %select_n3A_1947, %lt3A_1953 : i32
      %ne3A_1955 = arith.xori %lt3A_1952, %lt3A_1954 : i1
      %and3A_1956 = arith.andi %ne3A_1955, %ne3A_1950 : i1
      %add3A_1957 = arith.addi %rem3A_1948, %select_n3A_1947 : i32
      %select_n3A_1958 = arith.select %and3A_1956, %add3A_1957, %rem3A_1948 : i32
      %mul3A_1959 = arith.constant 16 : i32
      %mul3A_1960 = arith.muli %select_n3A_1958, %mul3A_1959 : i32
      %get3A_1961 = arith.constant 21 : i32
      %get3A_1962 = arith.index_cast %select_n3A_1942 : i32 to index
      %get3A_1963 = arith.index_cast %get3A_1961 : i32 to index
      %get3A_1964 = arith.index_cast %mul3A_1960 : i32 to index
      %get3A_1965 = tpu.vector_load %arg10[%get3A_1962, %get3A_1963, %get3A_1964] {strides = array<i32>} : memref<4x64x128xf32, #tpu.memory_space<vmem>>, vector<16xf32>,
      %add3A_1966 = arith.constant 21 : i32
      %add3A_1967 = vector.broadcast %add3A_1966 : i32 to vector<16xi32>
      %add3A_1968 = arith.addi %select_n3A_779, %add3A_1967 : vector<16xi32>
      %gather3A_1969 = tpu.vector_load_idx %arg9[%add3A_783, %add3A_1968] : memref<512x128xf32, #tpu.memory_space<vmem>>[vector<16xi32>, vector<16xi32>], vector<16xf32>,
      %sub3A_1970 = arith.subf %get3A_1965, %gather3A_1969 : vector<16xf32>
      %mul3A_1971 = arith.mulf %sub3A_1970, %sub3A_1970 : vector<16xf32>
      %add3A_1972 = arith.addf %add3A_1918, %mul3A_1971 : vector<16xf32>
      %jit3A_1973 = arith.constant 8 : i32
      %div3A_1974 = arith.divsi %scan3A_732, %jit3A_1973 : i32
      %sign3A_1975 = arith.constant 0 : i32
      %sign3A_1976 = arith.cmpi sgt, %scan3A_732, %sign3A_1975 : i32
      %sign3A_1977 = arith.extui %sign3A_1976 : i1 to i32
      %sign3A_1978 = arith.constant 0 : i32
      %sign3A_1979 = arith.cmpi slt, %scan3A_732, %sign3A_1978 : i32
      %sign3A_1980 = arith.extui %sign3A_1979 : i1 to i32
      %sign3A_1981 = arith.subi %sign3A_1977, %sign3A_1980 : i32
      %sign3A_1982 = arith.constant 0 : i32
      %sign3A_1983 = arith.cmpi sgt, %jit3A_1973, %sign3A_1982 : i32
      %sign3A_1984 = arith.extui %sign3A_1983 : i1 to i32
      %sign3A_1985 = arith.constant 0 : i32
      %sign3A_1986 = arith.cmpi slt, %jit3A_1973, %sign3A_1985 : i32
      %sign3A_1987 = arith.extui %sign3A_1986 : i1 to i32
      %sign3A_1988 = arith.subi %sign3A_1984, %sign3A_1987 : i32
      %ne3A_1989 = arith.cmpi ne, %sign3A_1981, %sign3A_1988 : i32
      %rem3A_1990 = arith.remsi %scan3A_732, %jit3A_1973 : i32
      %ne3A_1991 = arith.constant 0 : i32
      %ne3A_1992 = arith.cmpi ne, %rem3A_1990, %ne3A_1991 : i32
      %and3A_1993 = arith.andi %ne3A_1989, %ne3A_1992 : i1
      %sub3A_1994 = arith.constant 1 : i32
      %sub3A_1995 = arith.subi %div3A_1974, %sub3A_1994 : i32
      %select_n3A_1996 = arith.select %and3A_1993, %sub3A_1995, %div3A_1974 : i32
      %jit3A_1997 = arith.constant 8 : i32
      %eq3A_1998 = arith.constant 0 : i32
      %eq3A_1999 = arith.cmpi eq, %jit3A_1997, %eq3A_1998 : i32
      %jit3A_2000 = arith.constant 1 : i32
      %select_n3A_2001 = arith.select %eq3A_1999, %jit3A_2000, %jit3A_1997 : i32
      %rem3A_2002 = arith.remsi %scan3A_732, %select_n3A_2001 : i32
      %ne3A_2003 = arith.constant 0 : i32
      %ne3A_2004 = arith.cmpi ne, %rem3A_2002, %ne3A_2003 : i32
      %lt3A_2005 = arith.constant 0 : i32
      %lt3A_2006 = arith.cmpi slt, %rem3A_2002, %lt3A_2005 : i32
      %lt3A_2007 = arith.constant 0 : i32
      %lt3A_2008 = arith.cmpi slt, %select_n3A_2001, %lt3A_2007 : i32
      %ne3A_2009 = arith.xori %lt3A_2006, %lt3A_2008 : i1
      %and3A_2010 = arith.andi %ne3A_2009, %ne3A_2004 : i1
      %add3A_2011 = arith.addi %rem3A_2002, %select_n3A_2001 : i32
      %select_n3A_2012 = arith.select %and3A_2010, %add3A_2011, %rem3A_2002 : i32
      %mul3A_2013 = arith.constant 16 : i32
      %mul3A_2014 = arith.muli %select_n3A_2012, %mul3A_2013 : i32
      %get3A_2015 = arith.constant 22 : i32
      %get3A_2016 = arith.index_cast %select_n3A_1996 : i32 to index
      %get3A_2017 = arith.index_cast %get3A_2015 : i32 to index
      %get3A_2018 = arith.index_cast %mul3A_2014 : i32 to index
      %get3A_2019 = tpu.vector_load %arg10[%get3A_2016, %get3A_2017, %get3A_2018] {strides = array<i32>} : memref<4x64x128xf32, #tpu.memory_space<vmem>>, vector<16xf32>,
      %add3A_2020 = arith.constant 22 : i32
      %add3A_2021 = vector.broadcast %add3A_2020 : i32 to vector<16xi32>
      %add3A_2022 = arith.addi %select_n3A_779, %add3A_2021 : vector<16xi32>
      %gather3A_2023 = tpu.vector_load_idx %arg9[%add3A_783, %add3A_2022] : memref<512x128xf32, #tpu.memory_space<vmem>>[vector<16xi32>, vector<16xi32>], vector<16xf32>,
      %sub3A_2024 = arith.subf %get3A_2019, %gather3A_2023 : vector<16xf32>
      %mul3A_2025 = arith.mulf %sub3A_2024, %sub3A_2024 : vector<16xf32>
      %add3A_2026 = arith.addf %add3A_1972, %mul3A_2025 : vector<16xf32>
      %jit3A_2027 = arith.constant 8 : i32
      %div3A_2028 = arith.divsi %scan3A_732, %jit3A_2027 : i32
      %sign3A_2029 = arith.constant 0 : i32
      %sign3A_2030 = arith.cmpi sgt, %scan3A_732, %sign3A_2029 : i32
      %sign3A_2031 = arith.extui %sign3A_2030 : i1 to i32
      %sign3A_2032 = arith.constant 0 : i32
      %sign3A_2033 = arith.cmpi slt, %scan3A_732, %sign3A_2032 : i32
      %sign3A_2034 = arith.extui %sign3A_2033 : i1 to i32
      %sign3A_2035 = arith.subi %sign3A_2031, %sign3A_2034 : i32
      %sign3A_2036 = arith.constant 0 : i32
      %sign3A_2037 = arith.cmpi sgt, %jit3A_2027, %sign3A_2036 : i32
      %sign3A_2038 = arith.extui %sign3A_2037 : i1 to i32
      %sign3A_2039 = arith.constant 0 : i32
      %sign3A_2040 = arith.cmpi slt, %jit3A_2027, %sign3A_2039 : i32
      %sign3A_2041 = arith.extui %sign3A_2040 : i1 to i32
      %sign3A_2042 = arith.subi %sign3A_2038, %sign3A_2041 : i32
      %ne3A_2043 = arith.cmpi ne, %sign3A_2035, %sign3A_2042 : i32
      %rem3A_2044 = arith.remsi %scan3A_732, %jit3A_2027 : i32
      %ne3A_2045 = arith.constant 0 : i32
      %ne3A_2046 = arith.cmpi ne, %rem3A_2044, %ne3A_2045 : i32
      %and3A_2047 = arith.andi %ne3A_2043, %ne3A_2046 : i1
      %sub3A_2048 = arith.constant 1 : i32
      %sub3A_2049 = arith.subi %div3A_2028, %sub3A_2048 : i32
      %select_n3A_2050 = arith.select %and3A_2047, %sub3A_2049, %div3A_2028 : i32
      %jit3A_2051 = arith.constant 8 : i32
      %eq3A_2052 = arith.constant 0 : i32
      %eq3A_2053 = arith.cmpi eq, %jit3A_2051, %eq3A_2052 : i32
      %jit3A_2054 = arith.constant 1 : i32
      %select_n3A_2055 = arith.select %eq3A_2053, %jit3A_2054, %jit3A_2051 : i32
      %rem3A_2056 = arith.remsi %scan3A_732, %select_n3A_2055 : i32
      %ne3A_2057 = arith.constant 0 : i32
      %ne3A_2058 = arith.cmpi ne, %rem3A_2056, %ne3A_2057 : i32
      %lt3A_2059 = arith.constant 0 : i32
      %lt3A_2060 = arith.cmpi slt, %rem3A_2056, %lt3A_2059 : i32
      %lt3A_2061 = arith.constant 0 : i32
      %lt3A_2062 = arith.cmpi slt, %select_n3A_2055, %lt3A_2061 : i32
      %ne3A_2063 = arith.xori %lt3A_2060, %lt3A_2062 : i1
      %and3A_2064 = arith.andi %ne3A_2063, %ne3A_2058 : i1
      %add3A_2065 = arith.addi %rem3A_2056, %select_n3A_2055 : i32
      %select_n3A_2066 = arith.select %and3A_2064, %add3A_2065, %rem3A_2056 : i32
      %mul3A_2067 = arith.constant 16 : i32
      %mul3A_2068 = arith.muli %select_n3A_2066, %mul3A_2067 : i32
      %get3A_2069 = arith.constant 23 : i32
      %get3A_2070 = arith.index_cast %select_n3A_2050 : i32 to index
      %get3A_2071 = arith.index_cast %get3A_2069 : i32 to index
      %get3A_2072 = arith.index_cast %mul3A_2068 : i32 to index
      %get3A_2073 = tpu.vector_load %arg10[%get3A_2070, %get3A_2071, %get3A_2072] {strides = array<i32>} : memref<4x64x128xf32, #tpu.memory_space<vmem>>, vector<16xf32>,
      %add3A_2074 = arith.constant 23 : i32
      %add3A_2075 = vector.broadcast %add3A_2074 : i32 to vector<16xi32>
      %add3A_2076 = arith.addi %select_n3A_779, %add3A_2075 : vector<16xi32>
      %gather3A_2077 = tpu.vector_load_idx %arg9[%add3A_783, %add3A_2076] : memref<512x128xf32, #tpu.memory_space<vmem>>[vector<16xi32>, vector<16xi32>], vector<16xf32>,
      %sub3A_2078 = arith.subf %get3A_2073, %gather3A_2077 : vector<16xf32>
      %mul3A_2079 = arith.mulf %sub3A_2078, %sub3A_2078 : vector<16xf32>
      %add3A_2080 = arith.addf %add3A_2026, %mul3A_2079 : vector<16xf32>
      %jit3A_2081 = arith.constant 8 : i32
      %div3A_2082 = arith.divsi %scan3A_732, %jit3A_2081 : i32
      %sign3A_2083 = arith.constant 0 : i32
      %sign3A_2084 = arith.cmpi sgt, %scan3A_732, %sign3A_2083 : i32
      %sign3A_2085 = arith.extui %sign3A_2084 : i1 to i32
      %sign3A_2086 = arith.constant 0 : i32
      %sign3A_2087 = arith.cmpi slt, %scan3A_732, %sign3A_2086 : i32
      %sign3A_2088 = arith.extui %sign3A_2087 : i1 to i32
      %sign3A_2089 = arith.subi %sign3A_2085, %sign3A_2088 : i32
      %sign3A_2090 = arith.constant 0 : i32
      %sign3A_2091 = arith.cmpi sgt, %jit3A_2081, %sign3A_2090 : i32
      %sign3A_2092 = arith.extui %sign3A_2091 : i1 to i32
      %sign3A_2093 = arith.constant 0 : i32
      %sign3A_2094 = arith.cmpi slt, %jit3A_2081, %sign3A_2093 : i32
      %sign3A_2095 = arith.extui %sign3A_2094 : i1 to i32
      %sign3A_2096 = arith.subi %sign3A_2092, %sign3A_2095 : i32
      %ne3A_2097 = arith.cmpi ne, %sign3A_2089, %sign3A_2096 : i32
      %rem3A_2098 = arith.remsi %scan3A_732, %jit3A_2081 : i32
      %ne3A_2099 = arith.constant 0 : i32
      %ne3A_2100 = arith.cmpi ne, %rem3A_2098, %ne3A_2099 : i32
      %and3A_2101 = arith.andi %ne3A_2097, %ne3A_2100 : i1
      %sub3A_2102 = arith.constant 1 : i32
      %sub3A_2103 = arith.subi %div3A_2082, %sub3A_2102 : i32
      %select_n3A_2104 = arith.select %and3A_2101, %sub3A_2103, %div3A_2082 : i32
      %jit3A_2105 = arith.constant 8 : i32
      %eq3A_2106 = arith.constant 0 : i32
      %eq3A_2107 = arith.cmpi eq, %jit3A_2105, %eq3A_2106 : i32
      %jit3A_2108 = arith.constant 1 : i32
      %select_n3A_2109 = arith.select %eq3A_2107, %jit3A_2108, %jit3A_2105 : i32
      %rem3A_2110 = arith.remsi %scan3A_732, %select_n3A_2109 : i32
      %ne3A_2111 = arith.constant 0 : i32
      %ne3A_2112 = arith.cmpi ne, %rem3A_2110, %ne3A_2111 : i32
      %lt3A_2113 = arith.constant 0 : i32
      %lt3A_2114 = arith.cmpi slt, %rem3A_2110, %lt3A_2113 : i32
      %lt3A_2115 = arith.constant 0 : i32
      %lt3A_2116 = arith.cmpi slt, %select_n3A_2109, %lt3A_2115 : i32
      %ne3A_2117 = arith.xori %lt3A_2114, %lt3A_2116 : i1
      %and3A_2118 = arith.andi %ne3A_2117, %ne3A_2112 : i1
      %add3A_2119 = arith.addi %rem3A_2110, %select_n3A_2109 : i32
      %select_n3A_2120 = arith.select %and3A_2118, %add3A_2119, %rem3A_2110 : i32
      %mul3A_2121 = arith.constant 16 : i32
      %mul3A_2122 = arith.muli %select_n3A_2120, %mul3A_2121 : i32
      %get3A_2123 = arith.constant 24 : i32
      %get3A_2124 = arith.index_cast %select_n3A_2104 : i32 to index
      %get3A_2125 = arith.index_cast %get3A_2123 : i32 to index
      %get3A_2126 = arith.index_cast %mul3A_2122 : i32 to index
      %get3A_2127 = tpu.vector_load %arg10[%get3A_2124, %get3A_2125, %get3A_2126] {strides = array<i32>} : memref<4x64x128xf32, #tpu.memory_space<vmem>>, vector<16xf32>,
      %add3A_2128 = arith.constant 24 : i32
      %add3A_2129 = vector.broadcast %add3A_2128 : i32 to vector<16xi32>
      %add3A_2130 = arith.addi %select_n3A_779, %add3A_2129 : vector<16xi32>
      %gather3A_2131 = tpu.vector_load_idx %arg9[%add3A_783, %add3A_2130] : memref<512x128xf32, #tpu.memory_space<vmem>>[vector<16xi32>, vector<16xi32>], vector<16xf32>,
      %sub3A_2132 = arith.subf %get3A_2127, %gather3A_2131 : vector<16xf32>
      %mul3A_2133 = arith.mulf %sub3A_2132, %sub3A_2132 : vector<16xf32>
      %add3A_2134 = arith.addf %add3A_2080, %mul3A_2133 : vector<16xf32>
      %jit3A_2135 = arith.constant 8 : i32
      %div3A_2136 = arith.divsi %scan3A_732, %jit3A_2135 : i32
      %sign3A_2137 = arith.constant 0 : i32
      %sign3A_2138 = arith.cmpi sgt, %scan3A_732, %sign3A_2137 : i32
      %sign3A_2139 = arith.extui %sign3A_2138 : i1 to i32
      %sign3A_2140 = arith.constant 0 : i32
      %sign3A_2141 = arith.cmpi slt, %scan3A_732, %sign3A_2140 : i32
      %sign3A_2142 = arith.extui %sign3A_2141 : i1 to i32
      %sign3A_2143 = arith.subi %sign3A_2139, %sign3A_2142 : i32
      %sign3A_2144 = arith.constant 0 : i32
      %sign3A_2145 = arith.cmpi sgt, %jit3A_2135, %sign3A_2144 : i32
      %sign3A_2146 = arith.extui %sign3A_2145 : i1 to i32
      %sign3A_2147 = arith.constant 0 : i32
      %sign3A_2148 = arith.cmpi slt, %jit3A_2135, %sign3A_2147 : i32
      %sign3A_2149 = arith.extui %sign3A_2148 : i1 to i32
      %sign3A_2150 = arith.subi %sign3A_2146, %sign3A_2149 : i32
      %ne3A_2151 = arith.cmpi ne, %sign3A_2143, %sign3A_2150 : i32
      %rem3A_2152 = arith.remsi %scan3A_732, %jit3A_2135 : i32
      %ne3A_2153 = arith.constant 0 : i32
      %ne3A_2154 = arith.cmpi ne, %rem3A_2152, %ne3A_2153 : i32
      %and3A_2155 = arith.andi %ne3A_2151, %ne3A_2154 : i1
      %sub3A_2156 = arith.constant 1 : i32
      %sub3A_2157 = arith.subi %div3A_2136, %sub3A_2156 : i32
      %select_n3A_2158 = arith.select %and3A_2155, %sub3A_2157, %div3A_2136 : i32
      %jit3A_2159 = arith.constant 8 : i32
      %eq3A_2160 = arith.constant 0 : i32
      %eq3A_2161 = arith.cmpi eq, %jit3A_2159, %eq3A_2160 : i32
      %jit3A_2162 = arith.constant 1 : i32
      %select_n3A_2163 = arith.select %eq3A_2161, %jit3A_2162, %jit3A_2159 : i32
      %rem3A_2164 = arith.remsi %scan3A_732, %select_n3A_2163 : i32
      %ne3A_2165 = arith.constant 0 : i32
      %ne3A_2166 = arith.cmpi ne, %rem3A_2164, %ne3A_2165 : i32
      %lt3A_2167 = arith.constant 0 : i32
      %lt3A_2168 = arith.cmpi slt, %rem3A_2164, %lt3A_2167 : i32
      %lt3A_2169 = arith.constant 0 : i32
      %lt3A_2170 = arith.cmpi slt, %select_n3A_2163, %lt3A_2169 : i32
      %ne3A_2171 = arith.xori %lt3A_2168, %lt3A_2170 : i1
      %and3A_2172 = arith.andi %ne3A_2171, %ne3A_2166 : i1
      %add3A_2173 = arith.addi %rem3A_2164, %select_n3A_2163 : i32
      %select_n3A_2174 = arith.select %and3A_2172, %add3A_2173, %rem3A_2164 : i32
      %mul3A_2175 = arith.constant 16 : i32
      %mul3A_2176 = arith.muli %select_n3A_2174, %mul3A_2175 : i32
      %get3A_2177 = arith.constant 25 : i32
      %get3A_2178 = arith.index_cast %select_n3A_2158 : i32 to index
      %get3A_2179 = arith.index_cast %get3A_2177 : i32 to index
      %get3A_2180 = arith.index_cast %mul3A_2176 : i32 to index
      %get3A_2181 = tpu.vector_load %arg10[%get3A_2178, %get3A_2179, %get3A_2180] {strides = array<i32>} : memref<4x64x128xf32, #tpu.memory_space<vmem>>, vector<16xf32>,
      %add3A_2182 = arith.constant 25 : i32
      %add3A_2183 = vector.broadcast %add3A_2182 : i32 to vector<16xi32>
      %add3A_2184 = arith.addi %select_n3A_779, %add3A_2183 : vector<16xi32>
      %gather3A_2185 = tpu.vector_load_idx %arg9[%add3A_783, %add3A_2184] : memref<512x128xf32, #tpu.memory_space<vmem>>[vector<16xi32>, vector<16xi32>], vector<16xf32>,
      %sub3A_2186 = arith.subf %get3A_2181, %gather3A_2185 : vector<16xf32>
      %mul3A_2187 = arith.mulf %sub3A_2186, %sub3A_2186 : vector<16xf32>
      %add3A_2188 = arith.addf %add3A_2134, %mul3A_2187 : vector<16xf32>
      %jit3A_2189 = arith.constant 8 : i32
      %div3A_2190 = arith.divsi %scan3A_732, %jit3A_2189 : i32
      %sign3A_2191 = arith.constant 0 : i32
      %sign3A_2192 = arith.cmpi sgt, %scan3A_732, %sign3A_2191 : i32
      %sign3A_2193 = arith.extui %sign3A_2192 : i1 to i32
      %sign3A_2194 = arith.constant 0 : i32
      %sign3A_2195 = arith.cmpi slt, %scan3A_732, %sign3A_2194 : i32
      %sign3A_2196 = arith.extui %sign3A_2195 : i1 to i32
      %sign3A_2197 = arith.subi %sign3A_2193, %sign3A_2196 : i32
      %sign3A_2198 = arith.constant 0 : i32
      %sign3A_2199 = arith.cmpi sgt, %jit3A_2189, %sign3A_2198 : i32
      %sign3A_2200 = arith.extui %sign3A_2199 : i1 to i32
      %sign3A_2201 = arith.constant 0 : i32
      %sign3A_2202 = arith.cmpi slt, %jit3A_2189, %sign3A_2201 : i32
      %sign3A_2203 = arith.extui %sign3A_2202 : i1 to i32
      %sign3A_2204 = arith.subi %sign3A_2200, %sign3A_2203 : i32
      %ne3A_2205 = arith.cmpi ne, %sign3A_2197, %sign3A_2204 : i32
      %rem3A_2206 = arith.remsi %scan3A_732, %jit3A_2189 : i32
      %ne3A_2207 = arith.constant 0 : i32
      %ne3A_2208 = arith.cmpi ne, %rem3A_2206, %ne3A_2207 : i32
      %and3A_2209 = arith.andi %ne3A_2205, %ne3A_2208 : i1
      %sub3A_2210 = arith.constant 1 : i32
      %sub3A_2211 = arith.subi %div3A_2190, %sub3A_2210 : i32
      %select_n3A_2212 = arith.select %and3A_2209, %sub3A_2211, %div3A_2190 : i32
      %jit3A_2213 = arith.constant 8 : i32
      %eq3A_2214 = arith.constant 0 : i32
      %eq3A_2215 = arith.cmpi eq, %jit3A_2213, %eq3A_2214 : i32
      %jit3A_2216 = arith.constant 1 : i32
      %select_n3A_2217 = arith.select %eq3A_2215, %jit3A_2216, %jit3A_2213 : i32
      %rem3A_2218 = arith.remsi %scan3A_732, %select_n3A_2217 : i32
      %ne3A_2219 = arith.constant 0 : i32
      %ne3A_2220 = arith.cmpi ne, %rem3A_2218, %ne3A_2219 : i32
      %lt3A_2221 = arith.constant 0 : i32
      %lt3A_2222 = arith.cmpi slt, %rem3A_2218, %lt3A_2221 : i32
      %lt3A_2223 = arith.constant 0 : i32
      %lt3A_2224 = arith.cmpi slt, %select_n3A_2217, %lt3A_2223 : i32
      %ne3A_2225 = arith.xori %lt3A_2222, %lt3A_2224 : i1
      %and3A_2226 = arith.andi %ne3A_2225, %ne3A_2220 : i1
      %add3A_2227 = arith.addi %rem3A_2218, %select_n3A_2217 : i32
      %select_n3A_2228 = arith.select %and3A_2226, %add3A_2227, %rem3A_2218 : i32
      %mul3A_2229 = arith.constant 16 : i32
      %mul3A_2230 = arith.muli %select_n3A_2228, %mul3A_2229 : i32
      %get3A_2231 = arith.constant 26 : i32
      %get3A_2232 = arith.index_cast %select_n3A_2212 : i32 to index
      %get3A_2233 = arith.index_cast %get3A_2231 : i32 to index
      %get3A_2234 = arith.index_cast %mul3A_2230 : i32 to index
      %get3A_2235 = tpu.vector_load %arg10[%get3A_2232, %get3A_2233, %get3A_2234] {strides = array<i32>} : memref<4x64x128xf32, #tpu.memory_space<vmem>>, vector<16xf32>,
      %add3A_2236 = arith.constant 26 : i32
      %add3A_2237 = vector.broadcast %add3A_2236 : i32 to vector<16xi32>
      %add3A_2238 = arith.addi %select_n3A_779, %add3A_2237 : vector<16xi32>
      %gather3A_2239 = tpu.vector_load_idx %arg9[%add3A_783, %add3A_2238] : memref<512x128xf32, #tpu.memory_space<vmem>>[vector<16xi32>, vector<16xi32>], vector<16xf32>,
      %sub3A_2240 = arith.subf %get3A_2235, %gather3A_2239 : vector<16xf32>
      %mul3A_2241 = arith.mulf %sub3A_2240, %sub3A_2240 : vector<16xf32>
      %add3A_2242 = arith.addf %add3A_2188, %mul3A_2241 : vector<16xf32>
      %jit3A_2243 = arith.constant 8 : i32
      %div3A_2244 = arith.divsi %scan3A_732, %jit3A_2243 : i32
      %sign3A_2245 = arith.constant 0 : i32
      %sign3A_2246 = arith.cmpi sgt, %scan3A_732, %sign3A_2245 : i32
      %sign3A_2247 = arith.extui %sign3A_2246 : i1 to i32
      %sign3A_2248 = arith.constant 0 : i32
      %sign3A_2249 = arith.cmpi slt, %scan3A_732, %sign3A_2248 : i32
      %sign3A_2250 = arith.extui %sign3A_2249 : i1 to i32
      %sign3A_2251 = arith.subi %sign3A_2247, %sign3A_2250 : i32
      %sign3A_2252 = arith.constant 0 : i32
      %sign3A_2253 = arith.cmpi sgt, %jit3A_2243, %sign3A_2252 : i32
      %sign3A_2254 = arith.extui %sign3A_2253 : i1 to i32
      %sign3A_2255 = arith.constant 0 : i32
      %sign3A_2256 = arith.cmpi slt, %jit3A_2243, %sign3A_2255 : i32
      %sign3A_2257 = arith.extui %sign3A_2256 : i1 to i32
      %sign3A_2258 = arith.subi %sign3A_2254, %sign3A_2257 : i32
      %ne3A_2259 = arith.cmpi ne, %sign3A_2251, %sign3A_2258 : i32
      %rem3A_2260 = arith.remsi %scan3A_732, %jit3A_2243 : i32
      %ne3A_2261 = arith.constant 0 : i32
      %ne3A_2262 = arith.cmpi ne, %rem3A_2260, %ne3A_2261 : i32
      %and3A_2263 = arith.andi %ne3A_2259, %ne3A_2262 : i1
      %sub3A_2264 = arith.constant 1 : i32
      %sub3A_2265 = arith.subi %div3A_2244, %sub3A_2264 : i32
      %select_n3A_2266 = arith.select %and3A_2263, %sub3A_2265, %div3A_2244 : i32
      %jit3A_2267 = arith.constant 8 : i32
      %eq3A_2268 = arith.constant 0 : i32
      %eq3A_2269 = arith.cmpi eq, %jit3A_2267, %eq3A_2268 : i32
      %jit3A_2270 = arith.constant 1 : i32
      %select_n3A_2271 = arith.select %eq3A_2269, %jit3A_2270, %jit3A_2267 : i32
      %rem3A_2272 = arith.remsi %scan3A_732, %select_n3A_2271 : i32
      %ne3A_2273 = arith.constant 0 : i32
      %ne3A_2274 = arith.cmpi ne, %rem3A_2272, %ne3A_2273 : i32
      %lt3A_2275 = arith.constant 0 : i32
      %lt3A_2276 = arith.cmpi slt, %rem3A_2272, %lt3A_2275 : i32
      %lt3A_2277 = arith.constant 0 : i32
      %lt3A_2278 = arith.cmpi slt, %select_n3A_2271, %lt3A_2277 : i32
      %ne3A_2279 = arith.xori %lt3A_2276, %lt3A_2278 : i1
      %and3A_2280 = arith.andi %ne3A_2279, %ne3A_2274 : i1
      %add3A_2281 = arith.addi %rem3A_2272, %select_n3A_2271 : i32
      %select_n3A_2282 = arith.select %and3A_2280, %add3A_2281, %rem3A_2272 : i32
      %mul3A_2283 = arith.constant 16 : i32
      %mul3A_2284 = arith.muli %select_n3A_2282, %mul3A_2283 : i32
      %get3A_2285 = arith.constant 27 : i32
      %get3A_2286 = arith.index_cast %select_n3A_2266 : i32 to index
      %get3A_2287 = arith.index_cast %get3A_2285 : i32 to index
      %get3A_2288 = arith.index_cast %mul3A_2284 : i32 to index
      %get3A_2289 = tpu.vector_load %arg10[%get3A_2286, %get3A_2287, %get3A_2288] {strides = array<i32>} : memref<4x64x128xf32, #tpu.memory_space<vmem>>, vector<16xf32>,
      %add3A_2290 = arith.constant 27 : i32
      %add3A_2291 = vector.broadcast %add3A_2290 : i32 to vector<16xi32>
      %add3A_2292 = arith.addi %select_n3A_779, %add3A_2291 : vector<16xi32>
      %gather3A_2293 = tpu.vector_load_idx %arg9[%add3A_783, %add3A_2292] : memref<512x128xf32, #tpu.memory_space<vmem>>[vector<16xi32>, vector<16xi32>], vector<16xf32>,
      %sub3A_2294 = arith.subf %get3A_2289, %gather3A_2293 : vector<16xf32>
      %mul3A_2295 = arith.mulf %sub3A_2294, %sub3A_2294 : vector<16xf32>
      %add3A_2296 = arith.addf %add3A_2242, %mul3A_2295 : vector<16xf32>
      %jit3A_2297 = arith.constant 8 : i32
      %div3A_2298 = arith.divsi %scan3A_732, %jit3A_2297 : i32
      %sign3A_2299 = arith.constant 0 : i32
      %sign3A_2300 = arith.cmpi sgt, %scan3A_732, %sign3A_2299 : i32
      %sign3A_2301 = arith.extui %sign3A_2300 : i1 to i32
      %sign3A_2302 = arith.constant 0 : i32
      %sign3A_2303 = arith.cmpi slt, %scan3A_732, %sign3A_2302 : i32
      %sign3A_2304 = arith.extui %sign3A_2303 : i1 to i32
      %sign3A_2305 = arith.subi %sign3A_2301, %sign3A_2304 : i32
      %sign3A_2306 = arith.constant 0 : i32
      %sign3A_2307 = arith.cmpi sgt, %jit3A_2297, %sign3A_2306 : i32
      %sign3A_2308 = arith.extui %sign3A_2307 : i1 to i32
      %sign3A_2309 = arith.constant 0 : i32
      %sign3A_2310 = arith.cmpi slt, %jit3A_2297, %sign3A_2309 : i32
      %sign3A_2311 = arith.extui %sign3A_2310 : i1 to i32
      %sign3A_2312 = arith.subi %sign3A_2308, %sign3A_2311 : i32
      %ne3A_2313 = arith.cmpi ne, %sign3A_2305, %sign3A_2312 : i32
      %rem3A_2314 = arith.remsi %scan3A_732, %jit3A_2297 : i32
      %ne3A_2315 = arith.constant 0 : i32
      %ne3A_2316 = arith.cmpi ne, %rem3A_2314, %ne3A_2315 : i32
      %and3A_2317 = arith.andi %ne3A_2313, %ne3A_2316 : i1
      %sub3A_2318 = arith.constant 1 : i32
      %sub3A_2319 = arith.subi %div3A_2298, %sub3A_2318 : i32
      %select_n3A_2320 = arith.select %and3A_2317, %sub3A_2319, %div3A_2298 : i32
      %jit3A_2321 = arith.constant 8 : i32
      %eq3A_2322 = arith.constant 0 : i32
      %eq3A_2323 = arith.cmpi eq, %jit3A_2321, %eq3A_2322 : i32
      %jit3A_2324 = arith.constant 1 : i32
      %select_n3A_2325 = arith.select %eq3A_2323, %jit3A_2324, %jit3A_2321 : i32
      %rem3A_2326 = arith.remsi %scan3A_732, %select_n3A_2325 : i32
      %ne3A_2327 = arith.constant 0 : i32
      %ne3A_2328 = arith.cmpi ne, %rem3A_2326, %ne3A_2327 : i32
      %lt3A_2329 = arith.constant 0 : i32
      %lt3A_2330 = arith.cmpi slt, %rem3A_2326, %lt3A_2329 : i32
      %lt3A_2331 = arith.constant 0 : i32
      %lt3A_2332 = arith.cmpi slt, %select_n3A_2325, %lt3A_2331 : i32
      %ne3A_2333 = arith.xori %lt3A_2330, %lt3A_2332 : i1
      %and3A_2334 = arith.andi %ne3A_2333, %ne3A_2328 : i1
      %add3A_2335 = arith.addi %rem3A_2326, %select_n3A_2325 : i32
      %select_n3A_2336 = arith.select %and3A_2334, %add3A_2335, %rem3A_2326 : i32
      %mul3A_2337 = arith.constant 16 : i32
      %mul3A_2338 = arith.muli %select_n3A_2336, %mul3A_2337 : i32
      %get3A_2339 = arith.constant 28 : i32
      %get3A_2340 = arith.index_cast %select_n3A_2320 : i32 to index
      %get3A_2341 = arith.index_cast %get3A_2339 : i32 to index
      %get3A_2342 = arith.index_cast %mul3A_2338 : i32 to index
      %get3A_2343 = tpu.vector_load %arg10[%get3A_2340, %get3A_2341, %get3A_2342] {strides = array<i32>} : memref<4x64x128xf32, #tpu.memory_space<vmem>>, vector<16xf32>,
      %add3A_2344 = arith.constant 28 : i32
      %add3A_2345 = vector.broadcast %add3A_2344 : i32 to vector<16xi32>
      %add3A_2346 = arith.addi %select_n3A_779, %add3A_2345 : vector<16xi32>
      %gather3A_2347 = tpu.vector_load_idx %arg9[%add3A_783, %add3A_2346] : memref<512x128xf32, #tpu.memory_space<vmem>>[vector<16xi32>, vector<16xi32>], vector<16xf32>,
      %sub3A_2348 = arith.subf %get3A_2343, %gather3A_2347 : vector<16xf32>
      %mul3A_2349 = arith.mulf %sub3A_2348, %sub3A_2348 : vector<16xf32>
      %add3A_2350 = arith.addf %add3A_2296, %mul3A_2349 : vector<16xf32>
      %jit3A_2351 = arith.constant 8 : i32
      %div3A_2352 = arith.divsi %scan3A_732, %jit3A_2351 : i32
      %sign3A_2353 = arith.constant 0 : i32
      %sign3A_2354 = arith.cmpi sgt, %scan3A_732, %sign3A_2353 : i32
      %sign3A_2355 = arith.extui %sign3A_2354 : i1 to i32
      %sign3A_2356 = arith.constant 0 : i32
      %sign3A_2357 = arith.cmpi slt, %scan3A_732, %sign3A_2356 : i32
      %sign3A_2358 = arith.extui %sign3A_2357 : i1 to i32
      %sign3A_2359 = arith.subi %sign3A_2355, %sign3A_2358 : i32
      %sign3A_2360 = arith.constant 0 : i32
      %sign3A_2361 = arith.cmpi sgt, %jit3A_2351, %sign3A_2360 : i32
      %sign3A_2362 = arith.extui %sign3A_2361 : i1 to i32
      %sign3A_2363 = arith.constant 0 : i32
      %sign3A_2364 = arith.cmpi slt, %jit3A_2351, %sign3A_2363 : i32
      %sign3A_2365 = arith.extui %sign3A_2364 : i1 to i32
      %sign3A_2366 = arith.subi %sign3A_2362, %sign3A_2365 : i32
      %ne3A_2367 = arith.cmpi ne, %sign3A_2359, %sign3A_2366 : i32
      %rem3A_2368 = arith.remsi %scan3A_732, %jit3A_2351 : i32
      %ne3A_2369 = arith.constant 0 : i32
      %ne3A_2370 = arith.cmpi ne, %rem3A_2368, %ne3A_2369 : i32
      %and3A_2371 = arith.andi %ne3A_2367, %ne3A_2370 : i1
      %sub3A_2372 = arith.constant 1 : i32
      %sub3A_2373 = arith.subi %div3A_2352, %sub3A_2372 : i32
      %select_n3A_2374 = arith.select %and3A_2371, %sub3A_2373, %div3A_2352 : i32
      %jit3A_2375 = arith.constant 8 : i32
      %eq3A_2376 = arith.constant 0 : i32
      %eq3A_2377 = arith.cmpi eq, %jit3A_2375, %eq3A_2376 : i32
      %jit3A_2378 = arith.constant 1 : i32
      %select_n3A_2379 = arith.select %eq3A_2377, %jit3A_2378, %jit3A_2375 : i32
      %rem3A_2380 = arith.remsi %scan3A_732, %select_n3A_2379 : i32
      %ne3A_2381 = arith.constant 0 : i32
      %ne3A_2382 = arith.cmpi ne, %rem3A_2380, %ne3A_2381 : i32
      %lt3A_2383 = arith.constant 0 : i32
      %lt3A_2384 = arith.cmpi slt, %rem3A_2380, %lt3A_2383 : i32
      %lt3A_2385 = arith.constant 0 : i32
      %lt3A_2386 = arith.cmpi slt, %select_n3A_2379, %lt3A_2385 : i32
      %ne3A_2387 = arith.xori %lt3A_2384, %lt3A_2386 : i1
      %and3A_2388 = arith.andi %ne3A_2387, %ne3A_2382 : i1
      %add3A_2389 = arith.addi %rem3A_2380, %select_n3A_2379 : i32
      %select_n3A_2390 = arith.select %and3A_2388, %add3A_2389, %rem3A_2380 : i32
      %mul3A_2391 = arith.constant 16 : i32
      %mul3A_2392 = arith.muli %select_n3A_2390, %mul3A_2391 : i32
      %get3A_2393 = arith.constant 29 : i32
      %get3A_2394 = arith.index_cast %select_n3A_2374 : i32 to index
      %get3A_2395 = arith.index_cast %get3A_2393 : i32 to index
      %get3A_2396 = arith.index_cast %mul3A_2392 : i32 to index
      %get3A_2397 = tpu.vector_load %arg10[%get3A_2394, %get3A_2395, %get3A_2396] {strides = array<i32>} : memref<4x64x128xf32, #tpu.memory_space<vmem>>, vector<16xf32>,
      %add3A_2398 = arith.constant 29 : i32
      %add3A_2399 = vector.broadcast %add3A_2398 : i32 to vector<16xi32>
      %add3A_2400 = arith.addi %select_n3A_779, %add3A_2399 : vector<16xi32>
      %gather3A_2401 = tpu.vector_load_idx %arg9[%add3A_783, %add3A_2400] : memref<512x128xf32, #tpu.memory_space<vmem>>[vector<16xi32>, vector<16xi32>], vector<16xf32>,
      %sub3A_2402 = arith.subf %get3A_2397, %gather3A_2401 : vector<16xf32>
      %mul3A_2403 = arith.mulf %sub3A_2402, %sub3A_2402 : vector<16xf32>
      %add3A_2404 = arith.addf %add3A_2350, %mul3A_2403 : vector<16xf32>
      %jit3A_2405 = arith.constant 8 : i32
      %div3A_2406 = arith.divsi %scan3A_732, %jit3A_2405 : i32
      %sign3A_2407 = arith.constant 0 : i32
      %sign3A_2408 = arith.cmpi sgt, %scan3A_732, %sign3A_2407 : i32
      %sign3A_2409 = arith.extui %sign3A_2408 : i1 to i32
      %sign3A_2410 = arith.constant 0 : i32
      %sign3A_2411 = arith.cmpi slt, %scan3A_732, %sign3A_2410 : i32
      %sign3A_2412 = arith.extui %sign3A_2411 : i1 to i32
      %sign3A_2413 = arith.subi %sign3A_2409, %sign3A_2412 : i32
      %sign3A_2414 = arith.constant 0 : i32
      %sign3A_2415 = arith.cmpi sgt, %jit3A_2405, %sign3A_2414 : i32
      %sign3A_2416 = arith.extui %sign3A_2415 : i1 to i32
      %sign3A_2417 = arith.constant 0 : i32
      %sign3A_2418 = arith.cmpi slt, %jit3A_2405, %sign3A_2417 : i32
      %sign3A_2419 = arith.extui %sign3A_2418 : i1 to i32
      %sign3A_2420 = arith.subi %sign3A_2416, %sign3A_2419 : i32
      %ne3A_2421 = arith.cmpi ne, %sign3A_2413, %sign3A_2420 : i32
      %rem3A_2422 = arith.remsi %scan3A_732, %jit3A_2405 : i32
      %ne3A_2423 = arith.constant 0 : i32
      %ne3A_2424 = arith.cmpi ne, %rem3A_2422, %ne3A_2423 : i32
      %and3A_2425 = arith.andi %ne3A_2421, %ne3A_2424 : i1
      %sub3A_2426 = arith.constant 1 : i32
      %sub3A_2427 = arith.subi %div3A_2406, %sub3A_2426 : i32
      %select_n3A_2428 = arith.select %and3A_2425, %sub3A_2427, %div3A_2406 : i32
      %jit3A_2429 = arith.constant 8 : i32
      %eq3A_2430 = arith.constant 0 : i32
      %eq3A_2431 = arith.cmpi eq, %jit3A_2429, %eq3A_2430 : i32
      %jit3A_2432 = arith.constant 1 : i32
      %select_n3A_2433 = arith.select %eq3A_2431, %jit3A_2432, %jit3A_2429 : i32
      %rem3A_2434 = arith.remsi %scan3A_732, %select_n3A_2433 : i32
      %ne3A_2435 = arith.constant 0 : i32
      %ne3A_2436 = arith.cmpi ne, %rem3A_2434, %ne3A_2435 : i32
      %lt3A_2437 = arith.constant 0 : i32
      %lt3A_2438 = arith.cmpi slt, %rem3A_2434, %lt3A_2437 : i32
      %lt3A_2439 = arith.constant 0 : i32
      %lt3A_2440 = arith.cmpi slt, %select_n3A_2433, %lt3A_2439 : i32
      %ne3A_2441 = arith.xori %lt3A_2438, %lt3A_2440 : i1
      %and3A_2442 = arith.andi %ne3A_2441, %ne3A_2436 : i1
      %add3A_2443 = arith.addi %rem3A_2434, %select_n3A_2433 : i32
      %select_n3A_2444 = arith.select %and3A_2442, %add3A_2443, %rem3A_2434 : i32
      %mul3A_2445 = arith.constant 16 : i32
      %mul3A_2446 = arith.muli %select_n3A_2444, %mul3A_2445 : i32
      %get3A_2447 = arith.constant 30 : i32
      %get3A_2448 = arith.index_cast %select_n3A_2428 : i32 to index
      %get3A_2449 = arith.index_cast %get3A_2447 : i32 to index
      %get3A_2450 = arith.index_cast %mul3A_2446 : i32 to index
      %get3A_2451 = tpu.vector_load %arg10[%get3A_2448, %get3A_2449, %get3A_2450] {strides = array<i32>} : memref<4x64x128xf32, #tpu.memory_space<vmem>>, vector<16xf32>,
      %add3A_2452 = arith.constant 30 : i32
      %add3A_2453 = vector.broadcast %add3A_2452 : i32 to vector<16xi32>
      %add3A_2454 = arith.addi %select_n3A_779, %add3A_2453 : vector<16xi32>
      %gather3A_2455 = tpu.vector_load_idx %arg9[%add3A_783, %add3A_2454] : memref<512x128xf32, #tpu.memory_space<vmem>>[vector<16xi32>, vector<16xi32>], vector<16xf32>,
      %sub3A_2456 = arith.subf %get3A_2451, %gather3A_2455 : vector<16xf32>
      %mul3A_2457 = arith.mulf %sub3A_2456, %sub3A_2456 : vector<16xf32>
      %add3A_2458 = arith.addf %add3A_2404, %mul3A_2457 : vector<16xf32>
      %jit3A_2459 = arith.constant 8 : i32
      %div3A_2460 = arith.divsi %scan3A_732, %jit3A_2459 : i32
      %sign3A_2461 = arith.constant 0 : i32
      %sign3A_2462 = arith.cmpi sgt, %scan3A_732, %sign3A_2461 : i32
      %sign3A_2463 = arith.extui %sign3A_2462 : i1 to i32
      %sign3A_2464 = arith.constant 0 : i32
      %sign3A_2465 = arith.cmpi slt, %scan3A_732, %sign3A_2464 : i32
      %sign3A_2466 = arith.extui %sign3A_2465 : i1 to i32
      %sign3A_2467 = arith.subi %sign3A_2463, %sign3A_2466 : i32
      %sign3A_2468 = arith.constant 0 : i32
      %sign3A_2469 = arith.cmpi sgt, %jit3A_2459, %sign3A_2468 : i32
      %sign3A_2470 = arith.extui %sign3A_2469 : i1 to i32
      %sign3A_2471 = arith.constant 0 : i32
      %sign3A_2472 = arith.cmpi slt, %jit3A_2459, %sign3A_2471 : i32
      %sign3A_2473 = arith.extui %sign3A_2472 : i1 to i32
      %sign3A_2474 = arith.subi %sign3A_2470, %sign3A_2473 : i32
      %ne3A_2475 = arith.cmpi ne, %sign3A_2467, %sign3A_2474 : i32
      %rem3A_2476 = arith.remsi %scan3A_732, %jit3A_2459 : i32
      %ne3A_2477 = arith.constant 0 : i32
      %ne3A_2478 = arith.cmpi ne, %rem3A_2476, %ne3A_2477 : i32
      %and3A_2479 = arith.andi %ne3A_2475, %ne3A_2478 : i1
      %sub3A_2480 = arith.constant 1 : i32
      %sub3A_2481 = arith.subi %div3A_2460, %sub3A_2480 : i32
      %select_n3A_2482 = arith.select %and3A_2479, %sub3A_2481, %div3A_2460 : i32
      %jit3A_2483 = arith.constant 8 : i32
      %eq3A_2484 = arith.constant 0 : i32
      %eq3A_2485 = arith.cmpi eq, %jit3A_2483, %eq3A_2484 : i32
      %jit3A_2486 = arith.constant 1 : i32
      %select_n3A_2487 = arith.select %eq3A_2485, %jit3A_2486, %jit3A_2483 : i32
      %rem3A_2488 = arith.remsi %scan3A_732, %select_n3A_2487 : i32
      %ne3A_2489 = arith.constant 0 : i32
      %ne3A_2490 = arith.cmpi ne, %rem3A_2488, %ne3A_2489 : i32
      %lt3A_2491 = arith.constant 0 : i32
      %lt3A_2492 = arith.cmpi slt, %rem3A_2488, %lt3A_2491 : i32
      %lt3A_2493 = arith.constant 0 : i32
      %lt3A_2494 = arith.cmpi slt, %select_n3A_2487, %lt3A_2493 : i32
      %ne3A_2495 = arith.xori %lt3A_2492, %lt3A_2494 : i1
      %and3A_2496 = arith.andi %ne3A_2495, %ne3A_2490 : i1
      %add3A_2497 = arith.addi %rem3A_2488, %select_n3A_2487 : i32
      %select_n3A_2498 = arith.select %and3A_2496, %add3A_2497, %rem3A_2488 : i32
      %mul3A_2499 = arith.constant 16 : i32
      %mul3A_2500 = arith.muli %select_n3A_2498, %mul3A_2499 : i32
      %get3A_2501 = arith.constant 31 : i32
      %get3A_2502 = arith.index_cast %select_n3A_2482 : i32 to index
      %get3A_2503 = arith.index_cast %get3A_2501 : i32 to index
      %get3A_2504 = arith.index_cast %mul3A_2500 : i32 to index
      %get3A_2505 = tpu.vector_load %arg10[%get3A_2502, %get3A_2503, %get3A_2504] {strides = array<i32>} : memref<4x64x128xf32, #tpu.memory_space<vmem>>, vector<16xf32>,
      %add3A_2506 = arith.constant 31 : i32
      %add3A_2507 = vector.broadcast %add3A_2506 : i32 to vector<16xi32>
      %add3A_2508 = arith.addi %select_n3A_779, %add3A_2507 : vector<16xi32>
      %gather3A_2509 = tpu.vector_load_idx %arg9[%add3A_783, %add3A_2508] : memref<512x128xf32, #tpu.memory_space<vmem>>[vector<16xi32>, vector<16xi32>], vector<16xf32>,
      %sub3A_2510 = arith.subf %get3A_2505, %gather3A_2509 : vector<16xf32>
      %mul3A_2511 = arith.mulf %sub3A_2510, %sub3A_2510 : vector<16xf32>
      %add3A_2512 = arith.addf %add3A_2458, %mul3A_2511 : vector<16xf32>
      %jit3A_2513 = arith.constant 8 : i32
      %div3A_2514 = arith.divsi %scan3A_732, %jit3A_2513 : i32
      %sign3A_2515 = arith.constant 0 : i32
      %sign3A_2516 = arith.cmpi sgt, %scan3A_732, %sign3A_2515 : i32
      %sign3A_2517 = arith.extui %sign3A_2516 : i1 to i32
      %sign3A_2518 = arith.constant 0 : i32
      %sign3A_2519 = arith.cmpi slt, %scan3A_732, %sign3A_2518 : i32
      %sign3A_2520 = arith.extui %sign3A_2519 : i1 to i32
      %sign3A_2521 = arith.subi %sign3A_2517, %sign3A_2520 : i32
      %sign3A_2522 = arith.constant 0 : i32
      %sign3A_2523 = arith.cmpi sgt, %jit3A_2513, %sign3A_2522 : i32
      %sign3A_2524 = arith.extui %sign3A_2523 : i1 to i32
      %sign3A_2525 = arith.constant 0 : i32
      %sign3A_2526 = arith.cmpi slt, %jit3A_2513, %sign3A_2525 : i32
      %sign3A_2527 = arith.extui %sign3A_2526 : i1 to i32
      %sign3A_2528 = arith.subi %sign3A_2524, %sign3A_2527 : i32
      %ne3A_2529 = arith.cmpi ne, %sign3A_2521, %sign3A_2528 : i32
      %rem3A_2530 = arith.remsi %scan3A_732, %jit3A_2513 : i32
      %ne3A_2531 = arith.constant 0 : i32
      %ne3A_2532 = arith.cmpi ne, %rem3A_2530, %ne3A_2531 : i32
      %and3A_2533 = arith.andi %ne3A_2529, %ne3A_2532 : i1
      %sub3A_2534 = arith.constant 1 : i32
      %sub3A_2535 = arith.subi %div3A_2514, %sub3A_2534 : i32
      %select_n3A_2536 = arith.select %and3A_2533, %sub3A_2535, %div3A_2514 : i32
      %jit3A_2537 = arith.constant 8 : i32
      %eq3A_2538 = arith.constant 0 : i32
      %eq3A_2539 = arith.cmpi eq, %jit3A_2537, %eq3A_2538 : i32
      %jit3A_2540 = arith.constant 1 : i32
      %select_n3A_2541 = arith.select %eq3A_2539, %jit3A_2540, %jit3A_2537 : i32
      %rem3A_2542 = arith.remsi %scan3A_732, %select_n3A_2541 : i32
      %ne3A_2543 = arith.constant 0 : i32
      %ne3A_2544 = arith.cmpi ne, %rem3A_2542, %ne3A_2543 : i32
      %lt3A_2545 = arith.constant 0 : i32
      %lt3A_2546 = arith.cmpi slt, %rem3A_2542, %lt3A_2545 : i32
      %lt3A_2547 = arith.constant 0 : i32
      %lt3A_2548 = arith.cmpi slt, %select_n3A_2541, %lt3A_2547 : i32
      %ne3A_2549 = arith.xori %lt3A_2546, %lt3A_2548 : i1
      %and3A_2550 = arith.andi %ne3A_2549, %ne3A_2544 : i1
      %add3A_2551 = arith.addi %rem3A_2542, %select_n3A_2541 : i32
      %select_n3A_2552 = arith.select %and3A_2550, %add3A_2551, %rem3A_2542 : i32
      %mul3A_2553 = arith.constant 16 : i32
      %mul3A_2554 = arith.muli %select_n3A_2552, %mul3A_2553 : i32
      %get3A_2555 = arith.constant 32 : i32
      %get3A_2556 = arith.index_cast %select_n3A_2536 : i32 to index
      %get3A_2557 = arith.index_cast %get3A_2555 : i32 to index
      %get3A_2558 = arith.index_cast %mul3A_2554 : i32 to index
      %get3A_2559 = tpu.vector_load %arg10[%get3A_2556, %get3A_2557, %get3A_2558] {strides = array<i32>} : memref<4x64x128xf32, #tpu.memory_space<vmem>>, vector<16xf32>,
      %add3A_2560 = arith.constant 32 : i32
      %add3A_2561 = vector.broadcast %add3A_2560 : i32 to vector<16xi32>
      %add3A_2562 = arith.addi %select_n3A_779, %add3A_2561 : vector<16xi32>
      %gather3A_2563 = tpu.vector_load_idx %arg9[%add3A_783, %add3A_2562] : memref<512x128xf32, #tpu.memory_space<vmem>>[vector<16xi32>, vector<16xi32>], vector<16xf32>,
      %sub3A_2564 = arith.subf %get3A_2559, %gather3A_2563 : vector<16xf32>
      %mul3A_2565 = arith.mulf %sub3A_2564, %sub3A_2564 : vector<16xf32>
      %add3A_2566 = arith.addf %add3A_2512, %mul3A_2565 : vector<16xf32>
      %jit3A_2567 = arith.constant 8 : i32
      %div3A_2568 = arith.divsi %scan3A_732, %jit3A_2567 : i32
      %sign3A_2569 = arith.constant 0 : i32
      %sign3A_2570 = arith.cmpi sgt, %scan3A_732, %sign3A_2569 : i32
      %sign3A_2571 = arith.extui %sign3A_2570 : i1 to i32
      %sign3A_2572 = arith.constant 0 : i32
      %sign3A_2573 = arith.cmpi slt, %scan3A_732, %sign3A_2572 : i32
      %sign3A_2574 = arith.extui %sign3A_2573 : i1 to i32
      %sign3A_2575 = arith.subi %sign3A_2571, %sign3A_2574 : i32
      %sign3A_2576 = arith.constant 0 : i32
      %sign3A_2577 = arith.cmpi sgt, %jit3A_2567, %sign3A_2576 : i32
      %sign3A_2578 = arith.extui %sign3A_2577 : i1 to i32
      %sign3A_2579 = arith.constant 0 : i32
      %sign3A_2580 = arith.cmpi slt, %jit3A_2567, %sign3A_2579 : i32
      %sign3A_2581 = arith.extui %sign3A_2580 : i1 to i32
      %sign3A_2582 = arith.subi %sign3A_2578, %sign3A_2581 : i32
      %ne3A_2583 = arith.cmpi ne, %sign3A_2575, %sign3A_2582 : i32
      %rem3A_2584 = arith.remsi %scan3A_732, %jit3A_2567 : i32
      %ne3A_2585 = arith.constant 0 : i32
      %ne3A_2586 = arith.cmpi ne, %rem3A_2584, %ne3A_2585 : i32
      %and3A_2587 = arith.andi %ne3A_2583, %ne3A_2586 : i1
      %sub3A_2588 = arith.constant 1 : i32
      %sub3A_2589 = arith.subi %div3A_2568, %sub3A_2588 : i32
      %select_n3A_2590 = arith.select %and3A_2587, %sub3A_2589, %div3A_2568 : i32
      %jit3A_2591 = arith.constant 8 : i32
      %eq3A_2592 = arith.constant 0 : i32
      %eq3A_2593 = arith.cmpi eq, %jit3A_2591, %eq3A_2592 : i32
      %jit3A_2594 = arith.constant 1 : i32
      %select_n3A_2595 = arith.select %eq3A_2593, %jit3A_2594, %jit3A_2591 : i32
      %rem3A_2596 = arith.remsi %scan3A_732, %select_n3A_2595 : i32
      %ne3A_2597 = arith.constant 0 : i32
      %ne3A_2598 = arith.cmpi ne, %rem3A_2596, %ne3A_2597 : i32
      %lt3A_2599 = arith.constant 0 : i32
      %lt3A_2600 = arith.cmpi slt, %rem3A_2596, %lt3A_2599 : i32
      %lt3A_2601 = arith.constant 0 : i32
      %lt3A_2602 = arith.cmpi slt, %select_n3A_2595, %lt3A_2601 : i32
      %ne3A_2603 = arith.xori %lt3A_2600, %lt3A_2602 : i1
      %and3A_2604 = arith.andi %ne3A_2603, %ne3A_2598 : i1
      %add3A_2605 = arith.addi %rem3A_2596, %select_n3A_2595 : i32
      %select_n3A_2606 = arith.select %and3A_2604, %add3A_2605, %rem3A_2596 : i32
      %mul3A_2607 = arith.constant 16 : i32
      %mul3A_2608 = arith.muli %select_n3A_2606, %mul3A_2607 : i32
      %get3A_2609 = arith.constant 33 : i32
      %get3A_2610 = arith.index_cast %select_n3A_2590 : i32 to index
      %get3A_2611 = arith.index_cast %get3A_2609 : i32 to index
      %get3A_2612 = arith.index_cast %mul3A_2608 : i32 to index
      %get3A_2613 = tpu.vector_load %arg10[%get3A_2610, %get3A_2611, %get3A_2612] {strides = array<i32>} : memref<4x64x128xf32, #tpu.memory_space<vmem>>, vector<16xf32>,
      %add3A_2614 = arith.constant 33 : i32
      %add3A_2615 = vector.broadcast %add3A_2614 : i32 to vector<16xi32>
      %add3A_2616 = arith.addi %select_n3A_779, %add3A_2615 : vector<16xi32>
      %gather3A_2617 = tpu.vector_load_idx %arg9[%add3A_783, %add3A_2616] : memref<512x128xf32, #tpu.memory_space<vmem>>[vector<16xi32>, vector<16xi32>], vector<16xf32>,
      %sub3A_2618 = arith.subf %get3A_2613, %gather3A_2617 : vector<16xf32>
      %mul3A_2619 = arith.mulf %sub3A_2618, %sub3A_2618 : vector<16xf32>
      %add3A_2620 = arith.addf %add3A_2566, %mul3A_2619 : vector<16xf32>
      %jit3A_2621 = arith.constant 8 : i32
      %div3A_2622 = arith.divsi %scan3A_732, %jit3A_2621 : i32
      %sign3A_2623 = arith.constant 0 : i32
      %sign3A_2624 = arith.cmpi sgt, %scan3A_732, %sign3A_2623 : i32
      %sign3A_2625 = arith.extui %sign3A_2624 : i1 to i32
      %sign3A_2626 = arith.constant 0 : i32
      %sign3A_2627 = arith.cmpi slt, %scan3A_732, %sign3A_2626 : i32
      %sign3A_2628 = arith.extui %sign3A_2627 : i1 to i32
      %sign3A_2629 = arith.subi %sign3A_2625, %sign3A_2628 : i32
      %sign3A_2630 = arith.constant 0 : i32
      %sign3A_2631 = arith.cmpi sgt, %jit3A_2621, %sign3A_2630 : i32
      %sign3A_2632 = arith.extui %sign3A_2631 : i1 to i32
      %sign3A_2633 = arith.constant 0 : i32
      %sign3A_2634 = arith.cmpi slt, %jit3A_2621, %sign3A_2633 : i32
      %sign3A_2635 = arith.extui %sign3A_2634 : i1 to i32
      %sign3A_2636 = arith.subi %sign3A_2632, %sign3A_2635 : i32
      %ne3A_2637 = arith.cmpi ne, %sign3A_2629, %sign3A_2636 : i32
      %rem3A_2638 = arith.remsi %scan3A_732, %jit3A_2621 : i32
      %ne3A_2639 = arith.constant 0 : i32
      %ne3A_2640 = arith.cmpi ne, %rem3A_2638, %ne3A_2639 : i32
      %and3A_2641 = arith.andi %ne3A_2637, %ne3A_2640 : i1
      %sub3A_2642 = arith.constant 1 : i32
      %sub3A_2643 = arith.subi %div3A_2622, %sub3A_2642 : i32
      %select_n3A_2644 = arith.select %and3A_2641, %sub3A_2643, %div3A_2622 : i32
      %jit3A_2645 = arith.constant 8 : i32
      %eq3A_2646 = arith.constant 0 : i32
      %eq3A_2647 = arith.cmpi eq, %jit3A_2645, %eq3A_2646 : i32
      %jit3A_2648 = arith.constant 1 : i32
      %select_n3A_2649 = arith.select %eq3A_2647, %jit3A_2648, %jit3A_2645 : i32
      %rem3A_2650 = arith.remsi %scan3A_732, %select_n3A_2649 : i32
      %ne3A_2651 = arith.constant 0 : i32
      %ne3A_2652 = arith.cmpi ne, %rem3A_2650, %ne3A_2651 : i32
      %lt3A_2653 = arith.constant 0 : i32
      %lt3A_2654 = arith.cmpi slt, %rem3A_2650, %lt3A_2653 : i32
      %lt3A_2655 = arith.constant 0 : i32
      %lt3A_2656 = arith.cmpi slt, %select_n3A_2649, %lt3A_2655 : i32
      %ne3A_2657 = arith.xori %lt3A_2654, %lt3A_2656 : i1
      %and3A_2658 = arith.andi %ne3A_2657, %ne3A_2652 : i1
      %add3A_2659 = arith.addi %rem3A_2650, %select_n3A_2649 : i32
      %select_n3A_2660 = arith.select %and3A_2658, %add3A_2659, %rem3A_2650 : i32
      %mul3A_2661 = arith.constant 16 : i32
      %mul3A_2662 = arith.muli %select_n3A_2660, %mul3A_2661 : i32
      %get3A_2663 = arith.constant 34 : i32
      %get3A_2664 = arith.index_cast %select_n3A_2644 : i32 to index
      %get3A_2665 = arith.index_cast %get3A_2663 : i32 to index
      %get3A_2666 = arith.index_cast %mul3A_2662 : i32 to index
      %get3A_2667 = tpu.vector_load %arg10[%get3A_2664, %get3A_2665, %get3A_2666] {strides = array<i32>} : memref<4x64x128xf32, #tpu.memory_space<vmem>>, vector<16xf32>,
      %add3A_2668 = arith.constant 34 : i32
      %add3A_2669 = vector.broadcast %add3A_2668 : i32 to vector<16xi32>
      %add3A_2670 = arith.addi %select_n3A_779, %add3A_2669 : vector<16xi32>
      %gather3A_2671 = tpu.vector_load_idx %arg9[%add3A_783, %add3A_2670] : memref<512x128xf32, #tpu.memory_space<vmem>>[vector<16xi32>, vector<16xi32>], vector<16xf32>,
      %sub3A_2672 = arith.subf %get3A_2667, %gather3A_2671 : vector<16xf32>
      %mul3A_2673 = arith.mulf %sub3A_2672, %sub3A_2672 : vector<16xf32>
      %add3A_2674 = arith.addf %add3A_2620, %mul3A_2673 : vector<16xf32>
      %jit3A_2675 = arith.constant 8 : i32
      %div3A_2676 = arith.divsi %scan3A_732, %jit3A_2675 : i32
      %sign3A_2677 = arith.constant 0 : i32
      %sign3A_2678 = arith.cmpi sgt, %scan3A_732, %sign3A_2677 : i32
      %sign3A_2679 = arith.extui %sign3A_2678 : i1 to i32
      %sign3A_2680 = arith.constant 0 : i32
      %sign3A_2681 = arith.cmpi slt, %scan3A_732, %sign3A_2680 : i32
      %sign3A_2682 = arith.extui %sign3A_2681 : i1 to i32
      %sign3A_2683 = arith.subi %sign3A_2679, %sign3A_2682 : i32
      %sign3A_2684 = arith.constant 0 : i32
      %sign3A_2685 = arith.cmpi sgt, %jit3A_2675, %sign3A_2684 : i32
      %sign3A_2686 = arith.extui %sign3A_2685 : i1 to i32
      %sign3A_2687 = arith.constant 0 : i32
      %sign3A_2688 = arith.cmpi slt, %jit3A_2675, %sign3A_2687 : i32
      %sign3A_2689 = arith.extui %sign3A_2688 : i1 to i32
      %sign3A_2690 = arith.subi %sign3A_2686, %sign3A_2689 : i32
      %ne3A_2691 = arith.cmpi ne, %sign3A_2683, %sign3A_2690 : i32
      %rem3A_2692 = arith.remsi %scan3A_732, %jit3A_2675 : i32
      %ne3A_2693 = arith.constant 0 : i32
      %ne3A_2694 = arith.cmpi ne, %rem3A_2692, %ne3A_2693 : i32
      %and3A_2695 = arith.andi %ne3A_2691, %ne3A_2694 : i1
      %sub3A_2696 = arith.constant 1 : i32
      %sub3A_2697 = arith.subi %div3A_2676, %sub3A_2696 : i32
      %select_n3A_2698 = arith.select %and3A_2695, %sub3A_2697, %div3A_2676 : i32
      %jit3A_2699 = arith.constant 8 : i32
      %eq3A_2700 = arith.constant 0 : i32
      %eq3A_2701 = arith.cmpi eq, %jit3A_2699, %eq3A_2700 : i32
      %jit3A_2702 = arith.constant 1 : i32
      %select_n3A_2703 = arith.select %eq3A_2701, %jit3A_2702, %jit3A_2699 : i32
      %rem3A_2704 = arith.remsi %scan3A_732, %select_n3A_2703 : i32
      %ne3A_2705 = arith.constant 0 : i32
      %ne3A_2706 = arith.cmpi ne, %rem3A_2704, %ne3A_2705 : i32
      %lt3A_2707 = arith.constant 0 : i32
      %lt3A_2708 = arith.cmpi slt, %rem3A_2704, %lt3A_2707 : i32
      %lt3A_2709 = arith.constant 0 : i32
      %lt3A_2710 = arith.cmpi slt, %select_n3A_2703, %lt3A_2709 : i32
      %ne3A_2711 = arith.xori %lt3A_2708, %lt3A_2710 : i1
      %and3A_2712 = arith.andi %ne3A_2711, %ne3A_2706 : i1
      %add3A_2713 = arith.addi %rem3A_2704, %select_n3A_2703 : i32
      %select_n3A_2714 = arith.select %and3A_2712, %add3A_2713, %rem3A_2704 : i32
      %mul3A_2715 = arith.constant 16 : i32
      %mul3A_2716 = arith.muli %select_n3A_2714, %mul3A_2715 : i32
      %get3A_2717 = arith.constant 35 : i32
      %get3A_2718 = arith.index_cast %select_n3A_2698 : i32 to index
      %get3A_2719 = arith.index_cast %get3A_2717 : i32 to index
      %get3A_2720 = arith.index_cast %mul3A_2716 : i32 to index
      %get3A_2721 = tpu.vector_load %arg10[%get3A_2718, %get3A_2719, %get3A_2720] {strides = array<i32>} : memref<4x64x128xf32, #tpu.memory_space<vmem>>, vector<16xf32>,
      %add3A_2722 = arith.constant 35 : i32
      %add3A_2723 = vector.broadcast %add3A_2722 : i32 to vector<16xi32>
      %add3A_2724 = arith.addi %select_n3A_779, %add3A_2723 : vector<16xi32>
      %gather3A_2725 = tpu.vector_load_idx %arg9[%add3A_783, %add3A_2724] : memref<512x128xf32, #tpu.memory_space<vmem>>[vector<16xi32>, vector<16xi32>], vector<16xf32>,
      %sub3A_2726 = arith.subf %get3A_2721, %gather3A_2725 : vector<16xf32>
      %mul3A_2727 = arith.mulf %sub3A_2726, %sub3A_2726 : vector<16xf32>
      %add3A_2728 = arith.addf %add3A_2674, %mul3A_2727 : vector<16xf32>
      %jit3A_2729 = arith.constant 8 : i32
      %div3A_2730 = arith.divsi %scan3A_732, %jit3A_2729 : i32
      %sign3A_2731 = arith.constant 0 : i32
      %sign3A_2732 = arith.cmpi sgt, %scan3A_732, %sign3A_2731 : i32
      %sign3A_2733 = arith.extui %sign3A_2732 : i1 to i32
      %sign3A_2734 = arith.constant 0 : i32
      %sign3A_2735 = arith.cmpi slt, %scan3A_732, %sign3A_2734 : i32
      %sign3A_2736 = arith.extui %sign3A_2735 : i1 to i32
      %sign3A_2737 = arith.subi %sign3A_2733, %sign3A_2736 : i32
      %sign3A_2738 = arith.constant 0 : i32
      %sign3A_2739 = arith.cmpi sgt, %jit3A_2729, %sign3A_2738 : i32
      %sign3A_2740 = arith.extui %sign3A_2739 : i1 to i32
      %sign3A_2741 = arith.constant 0 : i32
      %sign3A_2742 = arith.cmpi slt, %jit3A_2729, %sign3A_2741 : i32
      %sign3A_2743 = arith.extui %sign3A_2742 : i1 to i32
      %sign3A_2744 = arith.subi %sign3A_2740, %sign3A_2743 : i32
      %ne3A_2745 = arith.cmpi ne, %sign3A_2737, %sign3A_2744 : i32
      %rem3A_2746 = arith.remsi %scan3A_732, %jit3A_2729 : i32
      %ne3A_2747 = arith.constant 0 : i32
      %ne3A_2748 = arith.cmpi ne, %rem3A_2746, %ne3A_2747 : i32
      %and3A_2749 = arith.andi %ne3A_2745, %ne3A_2748 : i1
      %sub3A_2750 = arith.constant 1 : i32
      %sub3A_2751 = arith.subi %div3A_2730, %sub3A_2750 : i32
      %select_n3A_2752 = arith.select %and3A_2749, %sub3A_2751, %div3A_2730 : i32
      %jit3A_2753 = arith.constant 8 : i32
      %eq3A_2754 = arith.constant 0 : i32
      %eq3A_2755 = arith.cmpi eq, %jit3A_2753, %eq3A_2754 : i32
      %jit3A_2756 = arith.constant 1 : i32
      %select_n3A_2757 = arith.select %eq3A_2755, %jit3A_2756, %jit3A_2753 : i32
      %rem3A_2758 = arith.remsi %scan3A_732, %select_n3A_2757 : i32
      %ne3A_2759 = arith.constant 0 : i32
      %ne3A_2760 = arith.cmpi ne, %rem3A_2758, %ne3A_2759 : i32
      %lt3A_2761 = arith.constant 0 : i32
      %lt3A_2762 = arith.cmpi slt, %rem3A_2758, %lt3A_2761 : i32
      %lt3A_2763 = arith.constant 0 : i32
      %lt3A_2764 = arith.cmpi slt, %select_n3A_2757, %lt3A_2763 : i32
      %ne3A_2765 = arith.xori %lt3A_2762, %lt3A_2764 : i1
      %and3A_2766 = arith.andi %ne3A_2765, %ne3A_2760 : i1
      %add3A_2767 = arith.addi %rem3A_2758, %select_n3A_2757 : i32
      %select_n3A_2768 = arith.select %and3A_2766, %add3A_2767, %rem3A_2758 : i32
      %mul3A_2769 = arith.constant 16 : i32
      %mul3A_2770 = arith.muli %select_n3A_2768, %mul3A_2769 : i32
      %get3A_2771 = arith.constant 36 : i32
      %get3A_2772 = arith.index_cast %select_n3A_2752 : i32 to index
      %get3A_2773 = arith.index_cast %get3A_2771 : i32 to index
      %get3A_2774 = arith.index_cast %mul3A_2770 : i32 to index
      %get3A_2775 = tpu.vector_load %arg10[%get3A_2772, %get3A_2773, %get3A_2774] {strides = array<i32>} : memref<4x64x128xf32, #tpu.memory_space<vmem>>, vector<16xf32>,
      %add3A_2776 = arith.constant 36 : i32
      %add3A_2777 = vector.broadcast %add3A_2776 : i32 to vector<16xi32>
      %add3A_2778 = arith.addi %select_n3A_779, %add3A_2777 : vector<16xi32>
      %gather3A_2779 = tpu.vector_load_idx %arg9[%add3A_783, %add3A_2778] : memref<512x128xf32, #tpu.memory_space<vmem>>[vector<16xi32>, vector<16xi32>], vector<16xf32>,
      %sub3A_2780 = arith.subf %get3A_2775, %gather3A_2779 : vector<16xf32>
      %mul3A_2781 = arith.mulf %sub3A_2780, %sub3A_2780 : vector<16xf32>
      %add3A_2782 = arith.addf %add3A_2728, %mul3A_2781 : vector<16xf32>
      %jit3A_2783 = arith.constant 8 : i32
      %div3A_2784 = arith.divsi %scan3A_732, %jit3A_2783 : i32
      %sign3A_2785 = arith.constant 0 : i32
      %sign3A_2786 = arith.cmpi sgt, %scan3A_732, %sign3A_2785 : i32
      %sign3A_2787 = arith.extui %sign3A_2786 : i1 to i32
      %sign3A_2788 = arith.constant 0 : i32
      %sign3A_2789 = arith.cmpi slt, %scan3A_732, %sign3A_2788 : i32
      %sign3A_2790 = arith.extui %sign3A_2789 : i1 to i32
      %sign3A_2791 = arith.subi %sign3A_2787, %sign3A_2790 : i32
      %sign3A_2792 = arith.constant 0 : i32
      %sign3A_2793 = arith.cmpi sgt, %jit3A_2783, %sign3A_2792 : i32
      %sign3A_2794 = arith.extui %sign3A_2793 : i1 to i32
      %sign3A_2795 = arith.constant 0 : i32
      %sign3A_2796 = arith.cmpi slt, %jit3A_2783, %sign3A_2795 : i32
      %sign3A_2797 = arith.extui %sign3A_2796 : i1 to i32
      %sign3A_2798 = arith.subi %sign3A_2794, %sign3A_2797 : i32
      %ne3A_2799 = arith.cmpi ne, %sign3A_2791, %sign3A_2798 : i32
      %rem3A_2800 = arith.remsi %scan3A_732, %jit3A_2783 : i32
      %ne3A_2801 = arith.constant 0 : i32
      %ne3A_2802 = arith.cmpi ne, %rem3A_2800, %ne3A_2801 : i32
      %and3A_2803 = arith.andi %ne3A_2799, %ne3A_2802 : i1
      %sub3A_2804 = arith.constant 1 : i32
      %sub3A_2805 = arith.subi %div3A_2784, %sub3A_2804 : i32
      %select_n3A_2806 = arith.select %and3A_2803, %sub3A_2805, %div3A_2784 : i32
      %jit3A_2807 = arith.constant 8 : i32
      %eq3A_2808 = arith.constant 0 : i32
      %eq3A_2809 = arith.cmpi eq, %jit3A_2807, %eq3A_2808 : i32
      %jit3A_2810 = arith.constant 1 : i32
      %select_n3A_2811 = arith.select %eq3A_2809, %jit3A_2810, %jit3A_2807 : i32
      %rem3A_2812 = arith.remsi %scan3A_732, %select_n3A_2811 : i32
      %ne3A_2813 = arith.constant 0 : i32
      %ne3A_2814 = arith.cmpi ne, %rem3A_2812, %ne3A_2813 : i32
      %lt3A_2815 = arith.constant 0 : i32
      %lt3A_2816 = arith.cmpi slt, %rem3A_2812, %lt3A_2815 : i32
      %lt3A_2817 = arith.constant 0 : i32
      %lt3A_2818 = arith.cmpi slt, %select_n3A_2811, %lt3A_2817 : i32
      %ne3A_2819 = arith.xori %lt3A_2816, %lt3A_2818 : i1
      %and3A_2820 = arith.andi %ne3A_2819, %ne3A_2814 : i1
      %add3A_2821 = arith.addi %rem3A_2812, %select_n3A_2811 : i32
      %select_n3A_2822 = arith.select %and3A_2820, %add3A_2821, %rem3A_2812 : i32
      %mul3A_2823 = arith.constant 16 : i32
      %mul3A_2824 = arith.muli %select_n3A_2822, %mul3A_2823 : i32
      %get3A_2825 = arith.constant 37 : i32
      %get3A_2826 = arith.index_cast %select_n3A_2806 : i32 to index
      %get3A_2827 = arith.index_cast %get3A_2825 : i32 to index
      %get3A_2828 = arith.index_cast %mul3A_2824 : i32 to index
      %get3A_2829 = tpu.vector_load %arg10[%get3A_2826, %get3A_2827, %get3A_2828] {strides = array<i32>} : memref<4x64x128xf32, #tpu.memory_space<vmem>>, vector<16xf32>,
      %add3A_2830 = arith.constant 37 : i32
      %add3A_2831 = vector.broadcast %add3A_2830 : i32 to vector<16xi32>
      %add3A_2832 = arith.addi %select_n3A_779, %add3A_2831 : vector<16xi32>
      %gather3A_2833 = tpu.vector_load_idx %arg9[%add3A_783, %add3A_2832] : memref<512x128xf32, #tpu.memory_space<vmem>>[vector<16xi32>, vector<16xi32>], vector<16xf32>,
      %sub3A_2834 = arith.subf %get3A_2829, %gather3A_2833 : vector<16xf32>
      %mul3A_2835 = arith.mulf %sub3A_2834, %sub3A_2834 : vector<16xf32>
      %add3A_2836 = arith.addf %add3A_2782, %mul3A_2835 : vector<16xf32>
      %jit3A_2837 = arith.constant 8 : i32
      %div3A_2838 = arith.divsi %scan3A_732, %jit3A_2837 : i32
      %sign3A_2839 = arith.constant 0 : i32
      %sign3A_2840 = arith.cmpi sgt, %scan3A_732, %sign3A_2839 : i32
      %sign3A_2841 = arith.extui %sign3A_2840 : i1 to i32
      %sign3A_2842 = arith.constant 0 : i32
      %sign3A_2843 = arith.cmpi slt, %scan3A_732, %sign3A_2842 : i32
      %sign3A_2844 = arith.extui %sign3A_2843 : i1 to i32
      %sign3A_2845 = arith.subi %sign3A_2841, %sign3A_2844 : i32
      %sign3A_2846 = arith.constant 0 : i32
      %sign3A_2847 = arith.cmpi sgt, %jit3A_2837, %sign3A_2846 : i32
      %sign3A_2848 = arith.extui %sign3A_2847 : i1 to i32
      %sign3A_2849 = arith.constant 0 : i32
      %sign3A_2850 = arith.cmpi slt, %jit3A_2837, %sign3A_2849 : i32
      %sign3A_2851 = arith.extui %sign3A_2850 : i1 to i32
      %sign3A_2852 = arith.subi %sign3A_2848, %sign3A_2851 : i32
      %ne3A_2853 = arith.cmpi ne, %sign3A_2845, %sign3A_2852 : i32
      %rem3A_2854 = arith.remsi %scan3A_732, %jit3A_2837 : i32
      %ne3A_2855 = arith.constant 0 : i32
      %ne3A_2856 = arith.cmpi ne, %rem3A_2854, %ne3A_2855 : i32
      %and3A_2857 = arith.andi %ne3A_2853, %ne3A_2856 : i1
      %sub3A_2858 = arith.constant 1 : i32
      %sub3A_2859 = arith.subi %div3A_2838, %sub3A_2858 : i32
      %select_n3A_2860 = arith.select %and3A_2857, %sub3A_2859, %div3A_2838 : i32
      %jit3A_2861 = arith.constant 8 : i32
      %eq3A_2862 = arith.constant 0 : i32
      %eq3A_2863 = arith.cmpi eq, %jit3A_2861, %eq3A_2862 : i32
      %jit3A_2864 = arith.constant 1 : i32
      %select_n3A_2865 = arith.select %eq3A_2863, %jit3A_2864, %jit3A_2861 : i32
      %rem3A_2866 = arith.remsi %scan3A_732, %select_n3A_2865 : i32
      %ne3A_2867 = arith.constant 0 : i32
      %ne3A_2868 = arith.cmpi ne, %rem3A_2866, %ne3A_2867 : i32
      %lt3A_2869 = arith.constant 0 : i32
      %lt3A_2870 = arith.cmpi slt, %rem3A_2866, %lt3A_2869 : i32
      %lt3A_2871 = arith.constant 0 : i32
      %lt3A_2872 = arith.cmpi slt, %select_n3A_2865, %lt3A_2871 : i32
      %ne3A_2873 = arith.xori %lt3A_2870, %lt3A_2872 : i1
      %and3A_2874 = arith.andi %ne3A_2873, %ne3A_2868 : i1
      %add3A_2875 = arith.addi %rem3A_2866, %select_n3A_2865 : i32
      %select_n3A_2876 = arith.select %and3A_2874, %add3A_2875, %rem3A_2866 : i32
      %mul3A_2877 = arith.constant 16 : i32
      %mul3A_2878 = arith.muli %select_n3A_2876, %mul3A_2877 : i32
      %get3A_2879 = arith.constant 38 : i32
      %get3A_2880 = arith.index_cast %select_n3A_2860 : i32 to index
      %get3A_2881 = arith.index_cast %get3A_2879 : i32 to index
      %get3A_2882 = arith.index_cast %mul3A_2878 : i32 to index
      %get3A_2883 = tpu.vector_load %arg10[%get3A_2880, %get3A_2881, %get3A_2882] {strides = array<i32>} : memref<4x64x128xf32, #tpu.memory_space<vmem>>, vector<16xf32>,
      %add3A_2884 = arith.constant 38 : i32
      %add3A_2885 = vector.broadcast %add3A_2884 : i32 to vector<16xi32>
      %add3A_2886 = arith.addi %select_n3A_779, %add3A_2885 : vector<16xi32>
      %gather3A_2887 = tpu.vector_load_idx %arg9[%add3A_783, %add3A_2886] : memref<512x128xf32, #tpu.memory_space<vmem>>[vector<16xi32>, vector<16xi32>], vector<16xf32>,
      %sub3A_2888 = arith.subf %get3A_2883, %gather3A_2887 : vector<16xf32>
      %mul3A_2889 = arith.mulf %sub3A_2888, %sub3A_2888 : vector<16xf32>
      %add3A_2890 = arith.addf %add3A_2836, %mul3A_2889 : vector<16xf32>
      %jit3A_2891 = arith.constant 8 : i32
      %div3A_2892 = arith.divsi %scan3A_732, %jit3A_2891 : i32
      %sign3A_2893 = arith.constant 0 : i32
      %sign3A_2894 = arith.cmpi sgt, %scan3A_732, %sign3A_2893 : i32
      %sign3A_2895 = arith.extui %sign3A_2894 : i1 to i32
      %sign3A_2896 = arith.constant 0 : i32
      %sign3A_2897 = arith.cmpi slt, %scan3A_732, %sign3A_2896 : i32
      %sign3A_2898 = arith.extui %sign3A_2897 : i1 to i32
      %sign3A_2899 = arith.subi %sign3A_2895, %sign3A_2898 : i32
      %sign3A_2900 = arith.constant 0 : i32
      %sign3A_2901 = arith.cmpi sgt, %jit3A_2891, %sign3A_2900 : i32
      %sign3A_2902 = arith.extui %sign3A_2901 : i1 to i32
      %sign3A_2903 = arith.constant 0 : i32
      %sign3A_2904 = arith.cmpi slt, %jit3A_2891, %sign3A_2903 : i32
      %sign3A_2905 = arith.extui %sign3A_2904 : i1 to i32
      %sign3A_2906 = arith.subi %sign3A_2902, %sign3A_2905 : i32
      %ne3A_2907 = arith.cmpi ne, %sign3A_2899, %sign3A_2906 : i32
      %rem3A_2908 = arith.remsi %scan3A_732, %jit3A_2891 : i32
      %ne3A_2909 = arith.constant 0 : i32
      %ne3A_2910 = arith.cmpi ne, %rem3A_2908, %ne3A_2909 : i32
      %and3A_2911 = arith.andi %ne3A_2907, %ne3A_2910 : i1
      %sub3A_2912 = arith.constant 1 : i32
      %sub3A_2913 = arith.subi %div3A_2892, %sub3A_2912 : i32
      %select_n3A_2914 = arith.select %and3A_2911, %sub3A_2913, %div3A_2892 : i32
      %jit3A_2915 = arith.constant 8 : i32
      %eq3A_2916 = arith.constant 0 : i32
      %eq3A_2917 = arith.cmpi eq, %jit3A_2915, %eq3A_2916 : i32
      %jit3A_2918 = arith.constant 1 : i32
      %select_n3A_2919 = arith.select %eq3A_2917, %jit3A_2918, %jit3A_2915 : i32
      %rem3A_2920 = arith.remsi %scan3A_732, %select_n3A_2919 : i32
      %ne3A_2921 = arith.constant 0 : i32
      %ne3A_2922 = arith.cmpi ne, %rem3A_2920, %ne3A_2921 : i32
      %lt3A_2923 = arith.constant 0 : i32
      %lt3A_2924 = arith.cmpi slt, %rem3A_2920, %lt3A_2923 : i32
      %lt3A_2925 = arith.constant 0 : i32
      %lt3A_2926 = arith.cmpi slt, %select_n3A_2919, %lt3A_2925 : i32
      %ne3A_2927 = arith.xori %lt3A_2924, %lt3A_2926 : i1
      %and3A_2928 = arith.andi %ne3A_2927, %ne3A_2922 : i1
      %add3A_2929 = arith.addi %rem3A_2920, %select_n3A_2919 : i32
      %select_n3A_2930 = arith.select %and3A_2928, %add3A_2929, %rem3A_2920 : i32
      %mul3A_2931 = arith.constant 16 : i32
      %mul3A_2932 = arith.muli %select_n3A_2930, %mul3A_2931 : i32
      %get3A_2933 = arith.constant 39 : i32
      %get3A_2934 = arith.index_cast %select_n3A_2914 : i32 to index
      %get3A_2935 = arith.index_cast %get3A_2933 : i32 to index
      %get3A_2936 = arith.index_cast %mul3A_2932 : i32 to index
      %get3A_2937 = tpu.vector_load %arg10[%get3A_2934, %get3A_2935, %get3A_2936] {strides = array<i32>} : memref<4x64x128xf32, #tpu.memory_space<vmem>>, vector<16xf32>,
      %add3A_2938 = arith.constant 39 : i32
      %add3A_2939 = vector.broadcast %add3A_2938 : i32 to vector<16xi32>
      %add3A_2940 = arith.addi %select_n3A_779, %add3A_2939 : vector<16xi32>
      %gather3A_2941 = tpu.vector_load_idx %arg9[%add3A_783, %add3A_2940] : memref<512x128xf32, #tpu.memory_space<vmem>>[vector<16xi32>, vector<16xi32>], vector<16xf32>,
      %sub3A_2942 = arith.subf %get3A_2937, %gather3A_2941 : vector<16xf32>
      %mul3A_2943 = arith.mulf %sub3A_2942, %sub3A_2942 : vector<16xf32>
      %add3A_2944 = arith.addf %add3A_2890, %mul3A_2943 : vector<16xf32>
      %jit3A_2945 = arith.constant 8 : i32
      %div3A_2946 = arith.divsi %scan3A_732, %jit3A_2945 : i32
      %sign3A_2947 = arith.constant 0 : i32
      %sign3A_2948 = arith.cmpi sgt, %scan3A_732, %sign3A_2947 : i32
      %sign3A_2949 = arith.extui %sign3A_2948 : i1 to i32
      %sign3A_2950 = arith.constant 0 : i32
      %sign3A_2951 = arith.cmpi slt, %scan3A_732, %sign3A_2950 : i32
      %sign3A_2952 = arith.extui %sign3A_2951 : i1 to i32
      %sign3A_2953 = arith.subi %sign3A_2949, %sign3A_2952 : i32
      %sign3A_2954 = arith.constant 0 : i32
      %sign3A_2955 = arith.cmpi sgt, %jit3A_2945, %sign3A_2954 : i32
      %sign3A_2956 = arith.extui %sign3A_2955 : i1 to i32
      %sign3A_2957 = arith.constant 0 : i32
      %sign3A_2958 = arith.cmpi slt, %jit3A_2945, %sign3A_2957 : i32
      %sign3A_2959 = arith.extui %sign3A_2958 : i1 to i32
      %sign3A_2960 = arith.subi %sign3A_2956, %sign3A_2959 : i32
      %ne3A_2961 = arith.cmpi ne, %sign3A_2953, %sign3A_2960 : i32
      %rem3A_2962 = arith.remsi %scan3A_732, %jit3A_2945 : i32
      %ne3A_2963 = arith.constant 0 : i32
      %ne3A_2964 = arith.cmpi ne, %rem3A_2962, %ne3A_2963 : i32
      %and3A_2965 = arith.andi %ne3A_2961, %ne3A_2964 : i1
      %sub3A_2966 = arith.constant 1 : i32
      %sub3A_2967 = arith.subi %div3A_2946, %sub3A_2966 : i32
      %select_n3A_2968 = arith.select %and3A_2965, %sub3A_2967, %div3A_2946 : i32
      %jit3A_2969 = arith.constant 8 : i32
      %eq3A_2970 = arith.constant 0 : i32
      %eq3A_2971 = arith.cmpi eq, %jit3A_2969, %eq3A_2970 : i32
      %jit3A_2972 = arith.constant 1 : i32
      %select_n3A_2973 = arith.select %eq3A_2971, %jit3A_2972, %jit3A_2969 : i32
      %rem3A_2974 = arith.remsi %scan3A_732, %select_n3A_2973 : i32
      %ne3A_2975 = arith.constant 0 : i32
      %ne3A_2976 = arith.cmpi ne, %rem3A_2974, %ne3A_2975 : i32
      %lt3A_2977 = arith.constant 0 : i32
      %lt3A_2978 = arith.cmpi slt, %rem3A_2974, %lt3A_2977 : i32
      %lt3A_2979 = arith.constant 0 : i32
      %lt3A_2980 = arith.cmpi slt, %select_n3A_2973, %lt3A_2979 : i32
      %ne3A_2981 = arith.xori %lt3A_2978, %lt3A_2980 : i1
      %and3A_2982 = arith.andi %ne3A_2981, %ne3A_2976 : i1
      %add3A_2983 = arith.addi %rem3A_2974, %select_n3A_2973 : i32
      %select_n3A_2984 = arith.select %and3A_2982, %add3A_2983, %rem3A_2974 : i32
      %mul3A_2985 = arith.constant 16 : i32
      %mul3A_2986 = arith.muli %select_n3A_2984, %mul3A_2985 : i32
      %get3A_2987 = arith.constant 40 : i32
      %get3A_2988 = arith.index_cast %select_n3A_2968 : i32 to index
      %get3A_2989 = arith.index_cast %get3A_2987 : i32 to index
      %get3A_2990 = arith.index_cast %mul3A_2986 : i32 to index
      %get3A_2991 = tpu.vector_load %arg10[%get3A_2988, %get3A_2989, %get3A_2990] {strides = array<i32>} : memref<4x64x128xf32, #tpu.memory_space<vmem>>, vector<16xf32>,
      %add3A_2992 = arith.constant 40 : i32
      %add3A_2993 = vector.broadcast %add3A_2992 : i32 to vector<16xi32>
      %add3A_2994 = arith.addi %select_n3A_779, %add3A_2993 : vector<16xi32>
      %gather3A_2995 = tpu.vector_load_idx %arg9[%add3A_783, %add3A_2994] : memref<512x128xf32, #tpu.memory_space<vmem>>[vector<16xi32>, vector<16xi32>], vector<16xf32>,
      %sub3A_2996 = arith.subf %get3A_2991, %gather3A_2995 : vector<16xf32>
      %mul3A_2997 = arith.mulf %sub3A_2996, %sub3A_2996 : vector<16xf32>
      %add3A_2998 = arith.addf %add3A_2944, %mul3A_2997 : vector<16xf32>
      %jit3A_2999 = arith.constant 8 : i32
      %div3A_3000 = arith.divsi %scan3A_732, %jit3A_2999 : i32
      %sign3A_3001 = arith.constant 0 : i32
      %sign3A_3002 = arith.cmpi sgt, %scan3A_732, %sign3A_3001 : i32
      %sign3A_3003 = arith.extui %sign3A_3002 : i1 to i32
      %sign3A_3004 = arith.constant 0 : i32
      %sign3A_3005 = arith.cmpi slt, %scan3A_732, %sign3A_3004 : i32
      %sign3A_3006 = arith.extui %sign3A_3005 : i1 to i32
      %sign3A_3007 = arith.subi %sign3A_3003, %sign3A_3006 : i32
      %sign3A_3008 = arith.constant 0 : i32
      %sign3A_3009 = arith.cmpi sgt, %jit3A_2999, %sign3A_3008 : i32
      %sign3A_3010 = arith.extui %sign3A_3009 : i1 to i32
      %sign3A_3011 = arith.constant 0 : i32
      %sign3A_3012 = arith.cmpi slt, %jit3A_2999, %sign3A_3011 : i32
      %sign3A_3013 = arith.extui %sign3A_3012 : i1 to i32
      %sign3A_3014 = arith.subi %sign3A_3010, %sign3A_3013 : i32
      %ne3A_3015 = arith.cmpi ne, %sign3A_3007, %sign3A_3014 : i32
      %rem3A_3016 = arith.remsi %scan3A_732, %jit3A_2999 : i32
      %ne3A_3017 = arith.constant 0 : i32
      %ne3A_3018 = arith.cmpi ne, %rem3A_3016, %ne3A_3017 : i32
      %and3A_3019 = arith.andi %ne3A_3015, %ne3A_3018 : i1
      %sub3A_3020 = arith.constant 1 : i32
      %sub3A_3021 = arith.subi %div3A_3000, %sub3A_3020 : i32
      %select_n3A_3022 = arith.select %and3A_3019, %sub3A_3021, %div3A_3000 : i32
      %jit3A_3023 = arith.constant 8 : i32
      %eq3A_3024 = arith.constant 0 : i32
      %eq3A_3025 = arith.cmpi eq, %jit3A_3023, %eq3A_3024 : i32
      %jit3A_3026 = arith.constant 1 : i32
      %select_n3A_3027 = arith.select %eq3A_3025, %jit3A_3026, %jit3A_3023 : i32
      %rem3A_3028 = arith.remsi %scan3A_732, %select_n3A_3027 : i32
      %ne3A_3029 = arith.constant 0 : i32
      %ne3A_3030 = arith.cmpi ne, %rem3A_3028, %ne3A_3029 : i32
      %lt3A_3031 = arith.constant 0 : i32
      %lt3A_3032 = arith.cmpi slt, %rem3A_3028, %lt3A_3031 : i32
      %lt3A_3033 = arith.constant 0 : i32
      %lt3A_3034 = arith.cmpi slt, %select_n3A_3027, %lt3A_3033 : i32
      %ne3A_3035 = arith.xori %lt3A_3032, %lt3A_3034 : i1
      %and3A_3036 = arith.andi %ne3A_3035, %ne3A_3030 : i1
      %add3A_3037 = arith.addi %rem3A_3028, %select_n3A_3027 : i32
      %select_n3A_3038 = arith.select %and3A_3036, %add3A_3037, %rem3A_3028 : i32
      %mul3A_3039 = arith.constant 16 : i32
      %mul3A_3040 = arith.muli %select_n3A_3038, %mul3A_3039 : i32
      %get3A_3041 = arith.constant 41 : i32
      %get3A_3042 = arith.index_cast %select_n3A_3022 : i32 to index
      %get3A_3043 = arith.index_cast %get3A_3041 : i32 to index
      %get3A_3044 = arith.index_cast %mul3A_3040 : i32 to index
      %get3A_3045 = tpu.vector_load %arg10[%get3A_3042, %get3A_3043, %get3A_3044] {strides = array<i32>} : memref<4x64x128xf32, #tpu.memory_space<vmem>>, vector<16xf32>,
      %add3A_3046 = arith.constant 41 : i32
      %add3A_3047 = vector.broadcast %add3A_3046 : i32 to vector<16xi32>
      %add3A_3048 = arith.addi %select_n3A_779, %add3A_3047 : vector<16xi32>
      %gather3A_3049 = tpu.vector_load_idx %arg9[%add3A_783, %add3A_3048] : memref<512x128xf32, #tpu.memory_space<vmem>>[vector<16xi32>, vector<16xi32>], vector<16xf32>,
      %sub3A_3050 = arith.subf %get3A_3045, %gather3A_3049 : vector<16xf32>
      %mul3A_3051 = arith.mulf %sub3A_3050, %sub3A_3050 : vector<16xf32>
      %add3A_3052 = arith.addf %add3A_2998, %mul3A_3051 : vector<16xf32>
      %jit3A_3053 = arith.constant 8 : i32
      %div3A_3054 = arith.divsi %scan3A_732, %jit3A_3053 : i32
      %sign3A_3055 = arith.constant 0 : i32
      %sign3A_3056 = arith.cmpi sgt, %scan3A_732, %sign3A_3055 : i32
      %sign3A_3057 = arith.extui %sign3A_3056 : i1 to i32
      %sign3A_3058 = arith.constant 0 : i32
      %sign3A_3059 = arith.cmpi slt, %scan3A_732, %sign3A_3058 : i32
      %sign3A_3060 = arith.extui %sign3A_3059 : i1 to i32
      %sign3A_3061 = arith.subi %sign3A_3057, %sign3A_3060 : i32
      %sign3A_3062 = arith.constant 0 : i32
      %sign3A_3063 = arith.cmpi sgt, %jit3A_3053, %sign3A_3062 : i32
      %sign3A_3064 = arith.extui %sign3A_3063 : i1 to i32
      %sign3A_3065 = arith.constant 0 : i32
      %sign3A_3066 = arith.cmpi slt, %jit3A_3053, %sign3A_3065 : i32
      %sign3A_3067 = arith.extui %sign3A_3066 : i1 to i32
      %sign3A_3068 = arith.subi %sign3A_3064, %sign3A_3067 : i32
      %ne3A_3069 = arith.cmpi ne, %sign3A_3061, %sign3A_3068 : i32
      %rem3A_3070 = arith.remsi %scan3A_732, %jit3A_3053 : i32
      %ne3A_3071 = arith.constant 0 : i32
      %ne3A_3072 = arith.cmpi ne, %rem3A_3070, %ne3A_3071 : i32
      %and3A_3073 = arith.andi %ne3A_3069, %ne3A_3072 : i1
      %sub3A_3074 = arith.constant 1 : i32
      %sub3A_3075 = arith.subi %div3A_3054, %sub3A_3074 : i32
      %select_n3A_3076 = arith.select %and3A_3073, %sub3A_3075, %div3A_3054 : i32
      %jit3A_3077 = arith.constant 8 : i32
      %eq3A_3078 = arith.constant 0 : i32
      %eq3A_3079 = arith.cmpi eq, %jit3A_3077, %eq3A_3078 : i32
      %jit3A_3080 = arith.constant 1 : i32
      %select_n3A_3081 = arith.select %eq3A_3079, %jit3A_3080, %jit3A_3077 : i32
      %rem3A_3082 = arith.remsi %scan3A_732, %select_n3A_3081 : i32
      %ne3A_3083 = arith.constant 0 : i32
      %ne3A_3084 = arith.cmpi ne, %rem3A_3082, %ne3A_3083 : i32
      %lt3A_3085 = arith.constant 0 : i32
      %lt3A_3086 = arith.cmpi slt, %rem3A_3082, %lt3A_3085 : i32
      %lt3A_3087 = arith.constant 0 : i32
      %lt3A_3088 = arith.cmpi slt, %select_n3A_3081, %lt3A_3087 : i32
      %ne3A_3089 = arith.xori %lt3A_3086, %lt3A_3088 : i1
      %and3A_3090 = arith.andi %ne3A_3089, %ne3A_3084 : i1
      %add3A_3091 = arith.addi %rem3A_3082, %select_n3A_3081 : i32
      %select_n3A_3092 = arith.select %and3A_3090, %add3A_3091, %rem3A_3082 : i32
      %mul3A_3093 = arith.constant 16 : i32
      %mul3A_3094 = arith.muli %select_n3A_3092, %mul3A_3093 : i32
      %get3A_3095 = arith.constant 42 : i32
      %get3A_3096 = arith.index_cast %select_n3A_3076 : i32 to index
      %get3A_3097 = arith.index_cast %get3A_3095 : i32 to index
      %get3A_3098 = arith.index_cast %mul3A_3094 : i32 to index
      %get3A_3099 = tpu.vector_load %arg10[%get3A_3096, %get3A_3097, %get3A_3098] {strides = array<i32>} : memref<4x64x128xf32, #tpu.memory_space<vmem>>, vector<16xf32>,
      %add3A_3100 = arith.constant 42 : i32
      %add3A_3101 = vector.broadcast %add3A_3100 : i32 to vector<16xi32>
      %add3A_3102 = arith.addi %select_n3A_779, %add3A_3101 : vector<16xi32>
      %gather3A_3103 = tpu.vector_load_idx %arg9[%add3A_783, %add3A_3102] : memref<512x128xf32, #tpu.memory_space<vmem>>[vector<16xi32>, vector<16xi32>], vector<16xf32>,
      %sub3A_3104 = arith.subf %get3A_3099, %gather3A_3103 : vector<16xf32>
      %mul3A_3105 = arith.mulf %sub3A_3104, %sub3A_3104 : vector<16xf32>
      %add3A_3106 = arith.addf %add3A_3052, %mul3A_3105 : vector<16xf32>
      %jit3A_3107 = arith.constant 8 : i32
      %div3A_3108 = arith.divsi %scan3A_732, %jit3A_3107 : i32
      %sign3A_3109 = arith.constant 0 : i32
      %sign3A_3110 = arith.cmpi sgt, %scan3A_732, %sign3A_3109 : i32
      %sign3A_3111 = arith.extui %sign3A_3110 : i1 to i32
      %sign3A_3112 = arith.constant 0 : i32
      %sign3A_3113 = arith.cmpi slt, %scan3A_732, %sign3A_3112 : i32
      %sign3A_3114 = arith.extui %sign3A_3113 : i1 to i32
      %sign3A_3115 = arith.subi %sign3A_3111, %sign3A_3114 : i32
      %sign3A_3116 = arith.constant 0 : i32
      %sign3A_3117 = arith.cmpi sgt, %jit3A_3107, %sign3A_3116 : i32
      %sign3A_3118 = arith.extui %sign3A_3117 : i1 to i32
      %sign3A_3119 = arith.constant 0 : i32
      %sign3A_3120 = arith.cmpi slt, %jit3A_3107, %sign3A_3119 : i32
      %sign3A_3121 = arith.extui %sign3A_3120 : i1 to i32
      %sign3A_3122 = arith.subi %sign3A_3118, %sign3A_3121 : i32
      %ne3A_3123 = arith.cmpi ne, %sign3A_3115, %sign3A_3122 : i32
      %rem3A_3124 = arith.remsi %scan3A_732, %jit3A_3107 : i32
      %ne3A_3125 = arith.constant 0 : i32
      %ne3A_3126 = arith.cmpi ne, %rem3A_3124, %ne3A_3125 : i32
      %and3A_3127 = arith.andi %ne3A_3123, %ne3A_3126 : i1
      %sub3A_3128 = arith.constant 1 : i32
      %sub3A_3129 = arith.subi %div3A_3108, %sub3A_3128 : i32
      %select_n3A_3130 = arith.select %and3A_3127, %sub3A_3129, %div3A_3108 : i32
      %jit3A_3131 = arith.constant 8 : i32
      %eq3A_3132 = arith.constant 0 : i32
      %eq3A_3133 = arith.cmpi eq, %jit3A_3131, %eq3A_3132 : i32
      %jit3A_3134 = arith.constant 1 : i32
      %select_n3A_3135 = arith.select %eq3A_3133, %jit3A_3134, %jit3A_3131 : i32
      %rem3A_3136 = arith.remsi %scan3A_732, %select_n3A_3135 : i32
      %ne3A_3137 = arith.constant 0 : i32
      %ne3A_3138 = arith.cmpi ne, %rem3A_3136, %ne3A_3137 : i32
      %lt3A_3139 = arith.constant 0 : i32
      %lt3A_3140 = arith.cmpi slt, %rem3A_3136, %lt3A_3139 : i32
      %lt3A_3141 = arith.constant 0 : i32
      %lt3A_3142 = arith.cmpi slt, %select_n3A_3135, %lt3A_3141 : i32
      %ne3A_3143 = arith.xori %lt3A_3140, %lt3A_3142 : i1
      %and3A_3144 = arith.andi %ne3A_3143, %ne3A_3138 : i1
      %add3A_3145 = arith.addi %rem3A_3136, %select_n3A_3135 : i32
      %select_n3A_3146 = arith.select %and3A_3144, %add3A_3145, %rem3A_3136 : i32
      %mul3A_3147 = arith.constant 16 : i32
      %mul3A_3148 = arith.muli %select_n3A_3146, %mul3A_3147 : i32
      %get3A_3149 = arith.constant 43 : i32
      %get3A_3150 = arith.index_cast %select_n3A_3130 : i32 to index
      %get3A_3151 = arith.index_cast %get3A_3149 : i32 to index
      %get3A_3152 = arith.index_cast %mul3A_3148 : i32 to index
      %get3A_3153 = tpu.vector_load %arg10[%get3A_3150, %get3A_3151, %get3A_3152] {strides = array<i32>} : memref<4x64x128xf32, #tpu.memory_space<vmem>>, vector<16xf32>,
      %add3A_3154 = arith.constant 43 : i32
      %add3A_3155 = vector.broadcast %add3A_3154 : i32 to vector<16xi32>
      %add3A_3156 = arith.addi %select_n3A_779, %add3A_3155 : vector<16xi32>
      %gather3A_3157 = tpu.vector_load_idx %arg9[%add3A_783, %add3A_3156] : memref<512x128xf32, #tpu.memory_space<vmem>>[vector<16xi32>, vector<16xi32>], vector<16xf32>,
      %sub3A_3158 = arith.subf %get3A_3153, %gather3A_3157 : vector<16xf32>
      %mul3A_3159 = arith.mulf %sub3A_3158, %sub3A_3158 : vector<16xf32>
      %add3A_3160 = arith.addf %add3A_3106, %mul3A_3159 : vector<16xf32>
      %jit3A_3161 = arith.constant 8 : i32
      %div3A_3162 = arith.divsi %scan3A_732, %jit3A_3161 : i32
      %sign3A_3163 = arith.constant 0 : i32
      %sign3A_3164 = arith.cmpi sgt, %scan3A_732, %sign3A_3163 : i32
      %sign3A_3165 = arith.extui %sign3A_3164 : i1 to i32
      %sign3A_3166 = arith.constant 0 : i32
      %sign3A_3167 = arith.cmpi slt, %scan3A_732, %sign3A_3166 : i32
      %sign3A_3168 = arith.extui %sign3A_3167 : i1 to i32
      %sign3A_3169 = arith.subi %sign3A_3165, %sign3A_3168 : i32
      %sign3A_3170 = arith.constant 0 : i32
      %sign3A_3171 = arith.cmpi sgt, %jit3A_3161, %sign3A_3170 : i32
      %sign3A_3172 = arith.extui %sign3A_3171 : i1 to i32
      %sign3A_3173 = arith.constant 0 : i32
      %sign3A_3174 = arith.cmpi slt, %jit3A_3161, %sign3A_3173 : i32
      %sign3A_3175 = arith.extui %sign3A_3174 : i1 to i32
      %sign3A_3176 = arith.subi %sign3A_3172, %sign3A_3175 : i32
      %ne3A_3177 = arith.cmpi ne, %sign3A_3169, %sign3A_3176 : i32
      %rem3A_3178 = arith.remsi %scan3A_732, %jit3A_3161 : i32
      %ne3A_3179 = arith.constant 0 : i32
      %ne3A_3180 = arith.cmpi ne, %rem3A_3178, %ne3A_3179 : i32
      %and3A_3181 = arith.andi %ne3A_3177, %ne3A_3180 : i1
      %sub3A_3182 = arith.constant 1 : i32
      %sub3A_3183 = arith.subi %div3A_3162, %sub3A_3182 : i32
      %select_n3A_3184 = arith.select %and3A_3181, %sub3A_3183, %div3A_3162 : i32
      %jit3A_3185 = arith.constant 8 : i32
      %eq3A_3186 = arith.constant 0 : i32
      %eq3A_3187 = arith.cmpi eq, %jit3A_3185, %eq3A_3186 : i32
      %jit3A_3188 = arith.constant 1 : i32
      %select_n3A_3189 = arith.select %eq3A_3187, %jit3A_3188, %jit3A_3185 : i32
      %rem3A_3190 = arith.remsi %scan3A_732, %select_n3A_3189 : i32
      %ne3A_3191 = arith.constant 0 : i32
      %ne3A_3192 = arith.cmpi ne, %rem3A_3190, %ne3A_3191 : i32
      %lt3A_3193 = arith.constant 0 : i32
      %lt3A_3194 = arith.cmpi slt, %rem3A_3190, %lt3A_3193 : i32
      %lt3A_3195 = arith.constant 0 : i32
      %lt3A_3196 = arith.cmpi slt, %select_n3A_3189, %lt3A_3195 : i32
      %ne3A_3197 = arith.xori %lt3A_3194, %lt3A_3196 : i1
      %and3A_3198 = arith.andi %ne3A_3197, %ne3A_3192 : i1
      %add3A_3199 = arith.addi %rem3A_3190, %select_n3A_3189 : i32
      %select_n3A_3200 = arith.select %and3A_3198, %add3A_3199, %rem3A_3190 : i32
      %mul3A_3201 = arith.constant 16 : i32
      %mul3A_3202 = arith.muli %select_n3A_3200, %mul3A_3201 : i32
      %get3A_3203 = arith.constant 44 : i32
      %get3A_3204 = arith.index_cast %select_n3A_3184 : i32 to index
      %get3A_3205 = arith.index_cast %get3A_3203 : i32 to index
      %get3A_3206 = arith.index_cast %mul3A_3202 : i32 to index
      %get3A_3207 = tpu.vector_load %arg10[%get3A_3204, %get3A_3205, %get3A_3206] {strides = array<i32>} : memref<4x64x128xf32, #tpu.memory_space<vmem>>, vector<16xf32>,
      %add3A_3208 = arith.constant 44 : i32
      %add3A_3209 = vector.broadcast %add3A_3208 : i32 to vector<16xi32>
      %add3A_3210 = arith.addi %select_n3A_779, %add3A_3209 : vector<16xi32>
      %gather3A_3211 = tpu.vector_load_idx %arg9[%add3A_783, %add3A_3210] : memref<512x128xf32, #tpu.memory_space<vmem>>[vector<16xi32>, vector<16xi32>], vector<16xf32>,
      %sub3A_3212 = arith.subf %get3A_3207, %gather3A_3211 : vector<16xf32>
      %mul3A_3213 = arith.mulf %sub3A_3212, %sub3A_3212 : vector<16xf32>
      %add3A_3214 = arith.addf %add3A_3160, %mul3A_3213 : vector<16xf32>
      %jit3A_3215 = arith.constant 8 : i32
      %div3A_3216 = arith.divsi %scan3A_732, %jit3A_3215 : i32
      %sign3A_3217 = arith.constant 0 : i32
      %sign3A_3218 = arith.cmpi sgt, %scan3A_732, %sign3A_3217 : i32
      %sign3A_3219 = arith.extui %sign3A_3218 : i1 to i32
      %sign3A_3220 = arith.constant 0 : i32
      %sign3A_3221 = arith.cmpi slt, %scan3A_732, %sign3A_3220 : i32
      %sign3A_3222 = arith.extui %sign3A_3221 : i1 to i32
      %sign3A_3223 = arith.subi %sign3A_3219, %sign3A_3222 : i32
      %sign3A_3224 = arith.constant 0 : i32
      %sign3A_3225 = arith.cmpi sgt, %jit3A_3215, %sign3A_3224 : i32
      %sign3A_3226 = arith.extui %sign3A_3225 : i1 to i32
      %sign3A_3227 = arith.constant 0 : i32
      %sign3A_3228 = arith.cmpi slt, %jit3A_3215, %sign3A_3227 : i32
      %sign3A_3229 = arith.extui %sign3A_3228 : i1 to i32
      %sign3A_3230 = arith.subi %sign3A_3226, %sign3A_3229 : i32
      %ne3A_3231 = arith.cmpi ne, %sign3A_3223, %sign3A_3230 : i32
      %rem3A_3232 = arith.remsi %scan3A_732, %jit3A_3215 : i32
      %ne3A_3233 = arith.constant 0 : i32
      %ne3A_3234 = arith.cmpi ne, %rem3A_3232, %ne3A_3233 : i32
      %and3A_3235 = arith.andi %ne3A_3231, %ne3A_3234 : i1
      %sub3A_3236 = arith.constant 1 : i32
      %sub3A_3237 = arith.subi %div3A_3216, %sub3A_3236 : i32
      %select_n3A_3238 = arith.select %and3A_3235, %sub3A_3237, %div3A_3216 : i32
      %jit3A_3239 = arith.constant 8 : i32
      %eq3A_3240 = arith.constant 0 : i32
      %eq3A_3241 = arith.cmpi eq, %jit3A_3239, %eq3A_3240 : i32
      %jit3A_3242 = arith.constant 1 : i32
      %select_n3A_3243 = arith.select %eq3A_3241, %jit3A_3242, %jit3A_3239 : i32
      %rem3A_3244 = arith.remsi %scan3A_732, %select_n3A_3243 : i32
      %ne3A_3245 = arith.constant 0 : i32
      %ne3A_3246 = arith.cmpi ne, %rem3A_3244, %ne3A_3245 : i32
      %lt3A_3247 = arith.constant 0 : i32
      %lt3A_3248 = arith.cmpi slt, %rem3A_3244, %lt3A_3247 : i32
      %lt3A_3249 = arith.constant 0 : i32
      %lt3A_3250 = arith.cmpi slt, %select_n3A_3243, %lt3A_3249 : i32
      %ne3A_3251 = arith.xori %lt3A_3248, %lt3A_3250 : i1
      %and3A_3252 = arith.andi %ne3A_3251, %ne3A_3246 : i1
      %add3A_3253 = arith.addi %rem3A_3244, %select_n3A_3243 : i32
      %select_n3A_3254 = arith.select %and3A_3252, %add3A_3253, %rem3A_3244 : i32
      %mul3A_3255 = arith.constant 16 : i32
      %mul3A_3256 = arith.muli %select_n3A_3254, %mul3A_3255 : i32
      %get3A_3257 = arith.constant 45 : i32
      %get3A_3258 = arith.index_cast %select_n3A_3238 : i32 to index
      %get3A_3259 = arith.index_cast %get3A_3257 : i32 to index
      %get3A_3260 = arith.index_cast %mul3A_3256 : i32 to index
      %get3A_3261 = tpu.vector_load %arg10[%get3A_3258, %get3A_3259, %get3A_3260] {strides = array<i32>} : memref<4x64x128xf32, #tpu.memory_space<vmem>>, vector<16xf32>,
      %add3A_3262 = arith.constant 45 : i32
      %add3A_3263 = vector.broadcast %add3A_3262 : i32 to vector<16xi32>
      %add3A_3264 = arith.addi %select_n3A_779, %add3A_3263 : vector<16xi32>
      %gather3A_3265 = tpu.vector_load_idx %arg9[%add3A_783, %add3A_3264] : memref<512x128xf32, #tpu.memory_space<vmem>>[vector<16xi32>, vector<16xi32>], vector<16xf32>,
      %sub3A_3266 = arith.subf %get3A_3261, %gather3A_3265 : vector<16xf32>
      %mul3A_3267 = arith.mulf %sub3A_3266, %sub3A_3266 : vector<16xf32>
      %add3A_3268 = arith.addf %add3A_3214, %mul3A_3267 : vector<16xf32>
      %jit3A_3269 = arith.constant 8 : i32
      %div3A_3270 = arith.divsi %scan3A_732, %jit3A_3269 : i32
      %sign3A_3271 = arith.constant 0 : i32
      %sign3A_3272 = arith.cmpi sgt, %scan3A_732, %sign3A_3271 : i32
      %sign3A_3273 = arith.extui %sign3A_3272 : i1 to i32
      %sign3A_3274 = arith.constant 0 : i32
      %sign3A_3275 = arith.cmpi slt, %scan3A_732, %sign3A_3274 : i32
      %sign3A_3276 = arith.extui %sign3A_3275 : i1 to i32
      %sign3A_3277 = arith.subi %sign3A_3273, %sign3A_3276 : i32
      %sign3A_3278 = arith.constant 0 : i32
      %sign3A_3279 = arith.cmpi sgt, %jit3A_3269, %sign3A_3278 : i32
      %sign3A_3280 = arith.extui %sign3A_3279 : i1 to i32
      %sign3A_3281 = arith.constant 0 : i32
      %sign3A_3282 = arith.cmpi slt, %jit3A_3269, %sign3A_3281 : i32
      %sign3A_3283 = arith.extui %sign3A_3282 : i1 to i32
      %sign3A_3284 = arith.subi %sign3A_3280, %sign3A_3283 : i32
      %ne3A_3285 = arith.cmpi ne, %sign3A_3277, %sign3A_3284 : i32
      %rem3A_3286 = arith.remsi %scan3A_732, %jit3A_3269 : i32
      %ne3A_3287 = arith.constant 0 : i32
      %ne3A_3288 = arith.cmpi ne, %rem3A_3286, %ne3A_3287 : i32
      %and3A_3289 = arith.andi %ne3A_3285, %ne3A_3288 : i1
      %sub3A_3290 = arith.constant 1 : i32
      %sub3A_3291 = arith.subi %div3A_3270, %sub3A_3290 : i32
      %select_n3A_3292 = arith.select %and3A_3289, %sub3A_3291, %div3A_3270 : i32
      %jit3A_3293 = arith.constant 8 : i32
      %eq3A_3294 = arith.constant 0 : i32
      %eq3A_3295 = arith.cmpi eq, %jit3A_3293, %eq3A_3294 : i32
      %jit3A_3296 = arith.constant 1 : i32
      %select_n3A_3297 = arith.select %eq3A_3295, %jit3A_3296, %jit3A_3293 : i32
      %rem3A_3298 = arith.remsi %scan3A_732, %select_n3A_3297 : i32
      %ne3A_3299 = arith.constant 0 : i32
      %ne3A_3300 = arith.cmpi ne, %rem3A_3298, %ne3A_3299 : i32
      %lt3A_3301 = arith.constant 0 : i32
      %lt3A_3302 = arith.cmpi slt, %rem3A_3298, %lt3A_3301 : i32
      %lt3A_3303 = arith.constant 0 : i32
      %lt3A_3304 = arith.cmpi slt, %select_n3A_3297, %lt3A_3303 : i32
      %ne3A_3305 = arith.xori %lt3A_3302, %lt3A_3304 : i1
      %and3A_3306 = arith.andi %ne3A_3305, %ne3A_3300 : i1
      %add3A_3307 = arith.addi %rem3A_3298, %select_n3A_3297 : i32
      %select_n3A_3308 = arith.select %and3A_3306, %add3A_3307, %rem3A_3298 : i32
      %mul3A_3309 = arith.constant 16 : i32
      %mul3A_3310 = arith.muli %select_n3A_3308, %mul3A_3309 : i32
      %get3A_3311 = arith.constant 46 : i32
      %get3A_3312 = arith.index_cast %select_n3A_3292 : i32 to index
      %get3A_3313 = arith.index_cast %get3A_3311 : i32 to index
      %get3A_3314 = arith.index_cast %mul3A_3310 : i32 to index
      %get3A_3315 = tpu.vector_load %arg10[%get3A_3312, %get3A_3313, %get3A_3314] {strides = array<i32>} : memref<4x64x128xf32, #tpu.memory_space<vmem>>, vector<16xf32>,
      %add3A_3316 = arith.constant 46 : i32
      %add3A_3317 = vector.broadcast %add3A_3316 : i32 to vector<16xi32>
      %add3A_3318 = arith.addi %select_n3A_779, %add3A_3317 : vector<16xi32>
      %gather3A_3319 = tpu.vector_load_idx %arg9[%add3A_783, %add3A_3318] : memref<512x128xf32, #tpu.memory_space<vmem>>[vector<16xi32>, vector<16xi32>], vector<16xf32>,
      %sub3A_3320 = arith.subf %get3A_3315, %gather3A_3319 : vector<16xf32>
      %mul3A_3321 = arith.mulf %sub3A_3320, %sub3A_3320 : vector<16xf32>
      %add3A_3322 = arith.addf %add3A_3268, %mul3A_3321 : vector<16xf32>
      %jit3A_3323 = arith.constant 8 : i32
      %div3A_3324 = arith.divsi %scan3A_732, %jit3A_3323 : i32
      %sign3A_3325 = arith.constant 0 : i32
      %sign3A_3326 = arith.cmpi sgt, %scan3A_732, %sign3A_3325 : i32
      %sign3A_3327 = arith.extui %sign3A_3326 : i1 to i32
      %sign3A_3328 = arith.constant 0 : i32
      %sign3A_3329 = arith.cmpi slt, %scan3A_732, %sign3A_3328 : i32
      %sign3A_3330 = arith.extui %sign3A_3329 : i1 to i32
      %sign3A_3331 = arith.subi %sign3A_3327, %sign3A_3330 : i32
      %sign3A_3332 = arith.constant 0 : i32
      %sign3A_3333 = arith.cmpi sgt, %jit3A_3323, %sign3A_3332 : i32
      %sign3A_3334 = arith.extui %sign3A_3333 : i1 to i32
      %sign3A_3335 = arith.constant 0 : i32
      %sign3A_3336 = arith.cmpi slt, %jit3A_3323, %sign3A_3335 : i32
      %sign3A_3337 = arith.extui %sign3A_3336 : i1 to i32
      %sign3A_3338 = arith.subi %sign3A_3334, %sign3A_3337 : i32
      %ne3A_3339 = arith.cmpi ne, %sign3A_3331, %sign3A_3338 : i32
      %rem3A_3340 = arith.remsi %scan3A_732, %jit3A_3323 : i32
      %ne3A_3341 = arith.constant 0 : i32
      %ne3A_3342 = arith.cmpi ne, %rem3A_3340, %ne3A_3341 : i32
      %and3A_3343 = arith.andi %ne3A_3339, %ne3A_3342 : i1
      %sub3A_3344 = arith.constant 1 : i32
      %sub3A_3345 = arith.subi %div3A_3324, %sub3A_3344 : i32
      %select_n3A_3346 = arith.select %and3A_3343, %sub3A_3345, %div3A_3324 : i32
      %jit3A_3347 = arith.constant 8 : i32
      %eq3A_3348 = arith.constant 0 : i32
      %eq3A_3349 = arith.cmpi eq, %jit3A_3347, %eq3A_3348 : i32
      %jit3A_3350 = arith.constant 1 : i32
      %select_n3A_3351 = arith.select %eq3A_3349, %jit3A_3350, %jit3A_3347 : i32
      %rem3A_3352 = arith.remsi %scan3A_732, %select_n3A_3351 : i32
      %ne3A_3353 = arith.constant 0 : i32
      %ne3A_3354 = arith.cmpi ne, %rem3A_3352, %ne3A_3353 : i32
      %lt3A_3355 = arith.constant 0 : i32
      %lt3A_3356 = arith.cmpi slt, %rem3A_3352, %lt3A_3355 : i32
      %lt3A_3357 = arith.constant 0 : i32
      %lt3A_3358 = arith.cmpi slt, %select_n3A_3351, %lt3A_3357 : i32
      %ne3A_3359 = arith.xori %lt3A_3356, %lt3A_3358 : i1
      %and3A_3360 = arith.andi %ne3A_3359, %ne3A_3354 : i1
      %add3A_3361 = arith.addi %rem3A_3352, %select_n3A_3351 : i32
      %select_n3A_3362 = arith.select %and3A_3360, %add3A_3361, %rem3A_3352 : i32
      %mul3A_3363 = arith.constant 16 : i32
      %mul3A_3364 = arith.muli %select_n3A_3362, %mul3A_3363 : i32
      %get3A_3365 = arith.constant 47 : i32
      %get3A_3366 = arith.index_cast %select_n3A_3346 : i32 to index
      %get3A_3367 = arith.index_cast %get3A_3365 : i32 to index
      %get3A_3368 = arith.index_cast %mul3A_3364 : i32 to index
      %get3A_3369 = tpu.vector_load %arg10[%get3A_3366, %get3A_3367, %get3A_3368] {strides = array<i32>} : memref<4x64x128xf32, #tpu.memory_space<vmem>>, vector<16xf32>,
      %add3A_3370 = arith.constant 47 : i32
      %add3A_3371 = vector.broadcast %add3A_3370 : i32 to vector<16xi32>
      %add3A_3372 = arith.addi %select_n3A_779, %add3A_3371 : vector<16xi32>
      %gather3A_3373 = tpu.vector_load_idx %arg9[%add3A_783, %add3A_3372] : memref<512x128xf32, #tpu.memory_space<vmem>>[vector<16xi32>, vector<16xi32>], vector<16xf32>,
      %sub3A_3374 = arith.subf %get3A_3369, %gather3A_3373 : vector<16xf32>
      %mul3A_3375 = arith.mulf %sub3A_3374, %sub3A_3374 : vector<16xf32>
      %add3A_3376 = arith.addf %add3A_3322, %mul3A_3375 : vector<16xf32>
      %jit3A_3377 = arith.constant 8 : i32
      %div3A_3378 = arith.divsi %scan3A_732, %jit3A_3377 : i32
      %sign3A_3379 = arith.constant 0 : i32
      %sign3A_3380 = arith.cmpi sgt, %scan3A_732, %sign3A_3379 : i32
      %sign3A_3381 = arith.extui %sign3A_3380 : i1 to i32
      %sign3A_3382 = arith.constant 0 : i32
      %sign3A_3383 = arith.cmpi slt, %scan3A_732, %sign3A_3382 : i32
      %sign3A_3384 = arith.extui %sign3A_3383 : i1 to i32
      %sign3A_3385 = arith.subi %sign3A_3381, %sign3A_3384 : i32
      %sign3A_3386 = arith.constant 0 : i32
      %sign3A_3387 = arith.cmpi sgt, %jit3A_3377, %sign3A_3386 : i32
      %sign3A_3388 = arith.extui %sign3A_3387 : i1 to i32
      %sign3A_3389 = arith.constant 0 : i32
      %sign3A_3390 = arith.cmpi slt, %jit3A_3377, %sign3A_3389 : i32
      %sign3A_3391 = arith.extui %sign3A_3390 : i1 to i32
      %sign3A_3392 = arith.subi %sign3A_3388, %sign3A_3391 : i32
      %ne3A_3393 = arith.cmpi ne, %sign3A_3385, %sign3A_3392 : i32
      %rem3A_3394 = arith.remsi %scan3A_732, %jit3A_3377 : i32
      %ne3A_3395 = arith.constant 0 : i32
      %ne3A_3396 = arith.cmpi ne, %rem3A_3394, %ne3A_3395 : i32
      %and3A_3397 = arith.andi %ne3A_3393, %ne3A_3396 : i1
      %sub3A_3398 = arith.constant 1 : i32
      %sub3A_3399 = arith.subi %div3A_3378, %sub3A_3398 : i32
      %select_n3A_3400 = arith.select %and3A_3397, %sub3A_3399, %div3A_3378 : i32
      %jit3A_3401 = arith.constant 8 : i32
      %eq3A_3402 = arith.constant 0 : i32
      %eq3A_3403 = arith.cmpi eq, %jit3A_3401, %eq3A_3402 : i32
      %jit3A_3404 = arith.constant 1 : i32
      %select_n3A_3405 = arith.select %eq3A_3403, %jit3A_3404, %jit3A_3401 : i32
      %rem3A_3406 = arith.remsi %scan3A_732, %select_n3A_3405 : i32
      %ne3A_3407 = arith.constant 0 : i32
      %ne3A_3408 = arith.cmpi ne, %rem3A_3406, %ne3A_3407 : i32
      %lt3A_3409 = arith.constant 0 : i32
      %lt3A_3410 = arith.cmpi slt, %rem3A_3406, %lt3A_3409 : i32
      %lt3A_3411 = arith.constant 0 : i32
      %lt3A_3412 = arith.cmpi slt, %select_n3A_3405, %lt3A_3411 : i32
      %ne3A_3413 = arith.xori %lt3A_3410, %lt3A_3412 : i1
      %and3A_3414 = arith.andi %ne3A_3413, %ne3A_3408 : i1
      %add3A_3415 = arith.addi %rem3A_3406, %select_n3A_3405 : i32
      %select_n3A_3416 = arith.select %and3A_3414, %add3A_3415, %rem3A_3406 : i32
      %mul3A_3417 = arith.constant 16 : i32
      %mul3A_3418 = arith.muli %select_n3A_3416, %mul3A_3417 : i32
      %get3A_3419 = arith.constant 48 : i32
      %get3A_3420 = arith.index_cast %select_n3A_3400 : i32 to index
      %get3A_3421 = arith.index_cast %get3A_3419 : i32 to index
      %get3A_3422 = arith.index_cast %mul3A_3418 : i32 to index
      %get3A_3423 = tpu.vector_load %arg10[%get3A_3420, %get3A_3421, %get3A_3422] {strides = array<i32>} : memref<4x64x128xf32, #tpu.memory_space<vmem>>, vector<16xf32>,
      %add3A_3424 = arith.constant 48 : i32
      %add3A_3425 = vector.broadcast %add3A_3424 : i32 to vector<16xi32>
      %add3A_3426 = arith.addi %select_n3A_779, %add3A_3425 : vector<16xi32>
      %gather3A_3427 = tpu.vector_load_idx %arg9[%add3A_783, %add3A_3426] : memref<512x128xf32, #tpu.memory_space<vmem>>[vector<16xi32>, vector<16xi32>], vector<16xf32>,
      %sub3A_3428 = arith.subf %get3A_3423, %gather3A_3427 : vector<16xf32>
      %mul3A_3429 = arith.mulf %sub3A_3428, %sub3A_3428 : vector<16xf32>
      %add3A_3430 = arith.addf %add3A_3376, %mul3A_3429 : vector<16xf32>
      %jit3A_3431 = arith.constant 8 : i32
      %div3A_3432 = arith.divsi %scan3A_732, %jit3A_3431 : i32
      %sign3A_3433 = arith.constant 0 : i32
      %sign3A_3434 = arith.cmpi sgt, %scan3A_732, %sign3A_3433 : i32
      %sign3A_3435 = arith.extui %sign3A_3434 : i1 to i32
      %sign3A_3436 = arith.constant 0 : i32
      %sign3A_3437 = arith.cmpi slt, %scan3A_732, %sign3A_3436 : i32
      %sign3A_3438 = arith.extui %sign3A_3437 : i1 to i32
      %sign3A_3439 = arith.subi %sign3A_3435, %sign3A_3438 : i32
      %sign3A_3440 = arith.constant 0 : i32
      %sign3A_3441 = arith.cmpi sgt, %jit3A_3431, %sign3A_3440 : i32
      %sign3A_3442 = arith.extui %sign3A_3441 : i1 to i32
      %sign3A_3443 = arith.constant 0 : i32
      %sign3A_3444 = arith.cmpi slt, %jit3A_3431, %sign3A_3443 : i32
      %sign3A_3445 = arith.extui %sign3A_3444 : i1 to i32
      %sign3A_3446 = arith.subi %sign3A_3442, %sign3A_3445 : i32
      %ne3A_3447 = arith.cmpi ne, %sign3A_3439, %sign3A_3446 : i32
      %rem3A_3448 = arith.remsi %scan3A_732, %jit3A_3431 : i32
      %ne3A_3449 = arith.constant 0 : i32
      %ne3A_3450 = arith.cmpi ne, %rem3A_3448, %ne3A_3449 : i32
      %and3A_3451 = arith.andi %ne3A_3447, %ne3A_3450 : i1
      %sub3A_3452 = arith.constant 1 : i32
      %sub3A_3453 = arith.subi %div3A_3432, %sub3A_3452 : i32
      %select_n3A_3454 = arith.select %and3A_3451, %sub3A_3453, %div3A_3432 : i32
      %jit3A_3455 = arith.constant 8 : i32
      %eq3A_3456 = arith.constant 0 : i32
      %eq3A_3457 = arith.cmpi eq, %jit3A_3455, %eq3A_3456 : i32
      %jit3A_3458 = arith.constant 1 : i32
      %select_n3A_3459 = arith.select %eq3A_3457, %jit3A_3458, %jit3A_3455 : i32
      %rem3A_3460 = arith.remsi %scan3A_732, %select_n3A_3459 : i32
      %ne3A_3461 = arith.constant 0 : i32
      %ne3A_3462 = arith.cmpi ne, %rem3A_3460, %ne3A_3461 : i32
      %lt3A_3463 = arith.constant 0 : i32
      %lt3A_3464 = arith.cmpi slt, %rem3A_3460, %lt3A_3463 : i32
      %lt3A_3465 = arith.constant 0 : i32
      %lt3A_3466 = arith.cmpi slt, %select_n3A_3459, %lt3A_3465 : i32
      %ne3A_3467 = arith.xori %lt3A_3464, %lt3A_3466 : i1
      %and3A_3468 = arith.andi %ne3A_3467, %ne3A_3462 : i1
      %add3A_3469 = arith.addi %rem3A_3460, %select_n3A_3459 : i32
      %select_n3A_3470 = arith.select %and3A_3468, %add3A_3469, %rem3A_3460 : i32
      %mul3A_3471 = arith.constant 16 : i32
      %mul3A_3472 = arith.muli %select_n3A_3470, %mul3A_3471 : i32
      %get3A_3473 = arith.constant 49 : i32
      %get3A_3474 = arith.index_cast %select_n3A_3454 : i32 to index
      %get3A_3475 = arith.index_cast %get3A_3473 : i32 to index
      %get3A_3476 = arith.index_cast %mul3A_3472 : i32 to index
      %get3A_3477 = tpu.vector_load %arg10[%get3A_3474, %get3A_3475, %get3A_3476] {strides = array<i32>} : memref<4x64x128xf32, #tpu.memory_space<vmem>>, vector<16xf32>,
      %add3A_3478 = arith.constant 49 : i32
      %add3A_3479 = vector.broadcast %add3A_3478 : i32 to vector<16xi32>
      %add3A_3480 = arith.addi %select_n3A_779, %add3A_3479 : vector<16xi32>
      %gather3A_3481 = tpu.vector_load_idx %arg9[%add3A_783, %add3A_3480] : memref<512x128xf32, #tpu.memory_space<vmem>>[vector<16xi32>, vector<16xi32>], vector<16xf32>,
      %sub3A_3482 = arith.subf %get3A_3477, %gather3A_3481 : vector<16xf32>
      %mul3A_3483 = arith.mulf %sub3A_3482, %sub3A_3482 : vector<16xf32>
      %add3A_3484 = arith.addf %add3A_3430, %mul3A_3483 : vector<16xf32>
      %jit3A_3485 = arith.constant 8 : i32
      %div3A_3486 = arith.divsi %scan3A_732, %jit3A_3485 : i32
      %sign3A_3487 = arith.constant 0 : i32
      %sign3A_3488 = arith.cmpi sgt, %scan3A_732, %sign3A_3487 : i32
      %sign3A_3489 = arith.extui %sign3A_3488 : i1 to i32
      %sign3A_3490 = arith.constant 0 : i32
      %sign3A_3491 = arith.cmpi slt, %scan3A_732, %sign3A_3490 : i32
      %sign3A_3492 = arith.extui %sign3A_3491 : i1 to i32
      %sign3A_3493 = arith.subi %sign3A_3489, %sign3A_3492 : i32
      %sign3A_3494 = arith.constant 0 : i32
      %sign3A_3495 = arith.cmpi sgt, %jit3A_3485, %sign3A_3494 : i32
      %sign3A_3496 = arith.extui %sign3A_3495 : i1 to i32
      %sign3A_3497 = arith.constant 0 : i32
      %sign3A_3498 = arith.cmpi slt, %jit3A_3485, %sign3A_3497 : i32
      %sign3A_3499 = arith.extui %sign3A_3498 : i1 to i32
      %sign3A_3500 = arith.subi %sign3A_3496, %sign3A_3499 : i32
      %ne3A_3501 = arith.cmpi ne, %sign3A_3493, %sign3A_3500 : i32
      %rem3A_3502 = arith.remsi %scan3A_732, %jit3A_3485 : i32
      %ne3A_3503 = arith.constant 0 : i32
      %ne3A_3504 = arith.cmpi ne, %rem3A_3502, %ne3A_3503 : i32
      %and3A_3505 = arith.andi %ne3A_3501, %ne3A_3504 : i1
      %sub3A_3506 = arith.constant 1 : i32
      %sub3A_3507 = arith.subi %div3A_3486, %sub3A_3506 : i32
      %select_n3A_3508 = arith.select %and3A_3505, %sub3A_3507, %div3A_3486 : i32
      %jit3A_3509 = arith.constant 8 : i32
      %eq3A_3510 = arith.constant 0 : i32
      %eq3A_3511 = arith.cmpi eq, %jit3A_3509, %eq3A_3510 : i32
      %jit3A_3512 = arith.constant 1 : i32
      %select_n3A_3513 = arith.select %eq3A_3511, %jit3A_3512, %jit3A_3509 : i32
      %rem3A_3514 = arith.remsi %scan3A_732, %select_n3A_3513 : i32
      %ne3A_3515 = arith.constant 0 : i32
      %ne3A_3516 = arith.cmpi ne, %rem3A_3514, %ne3A_3515 : i32
      %lt3A_3517 = arith.constant 0 : i32
      %lt3A_3518 = arith.cmpi slt, %rem3A_3514, %lt3A_3517 : i32
      %lt3A_3519 = arith.constant 0 : i32
      %lt3A_3520 = arith.cmpi slt, %select_n3A_3513, %lt3A_3519 : i32
      %ne3A_3521 = arith.xori %lt3A_3518, %lt3A_3520 : i1
      %and3A_3522 = arith.andi %ne3A_3521, %ne3A_3516 : i1
      %add3A_3523 = arith.addi %rem3A_3514, %select_n3A_3513 : i32
      %select_n3A_3524 = arith.select %and3A_3522, %add3A_3523, %rem3A_3514 : i32
      %mul3A_3525 = arith.constant 16 : i32
      %mul3A_3526 = arith.muli %select_n3A_3524, %mul3A_3525 : i32
      %get3A_3527 = arith.constant 50 : i32
      %get3A_3528 = arith.index_cast %select_n3A_3508 : i32 to index
      %get3A_3529 = arith.index_cast %get3A_3527 : i32 to index
      %get3A_3530 = arith.index_cast %mul3A_3526 : i32 to index
      %get3A_3531 = tpu.vector_load %arg10[%get3A_3528, %get3A_3529, %get3A_3530] {strides = array<i32>} : memref<4x64x128xf32, #tpu.memory_space<vmem>>, vector<16xf32>,
      %add3A_3532 = arith.constant 50 : i32
      %add3A_3533 = vector.broadcast %add3A_3532 : i32 to vector<16xi32>
      %add3A_3534 = arith.addi %select_n3A_779, %add3A_3533 : vector<16xi32>
      %gather3A_3535 = tpu.vector_load_idx %arg9[%add3A_783, %add3A_3534] : memref<512x128xf32, #tpu.memory_space<vmem>>[vector<16xi32>, vector<16xi32>], vector<16xf32>,
      %sub3A_3536 = arith.subf %get3A_3531, %gather3A_3535 : vector<16xf32>
      %mul3A_3537 = arith.mulf %sub3A_3536, %sub3A_3536 : vector<16xf32>
      %add3A_3538 = arith.addf %add3A_3484, %mul3A_3537 : vector<16xf32>
      %jit3A_3539 = arith.constant 8 : i32
      %div3A_3540 = arith.divsi %scan3A_732, %jit3A_3539 : i32
      %sign3A_3541 = arith.constant 0 : i32
      %sign3A_3542 = arith.cmpi sgt, %scan3A_732, %sign3A_3541 : i32
      %sign3A_3543 = arith.extui %sign3A_3542 : i1 to i32
      %sign3A_3544 = arith.constant 0 : i32
      %sign3A_3545 = arith.cmpi slt, %scan3A_732, %sign3A_3544 : i32
      %sign3A_3546 = arith.extui %sign3A_3545 : i1 to i32
      %sign3A_3547 = arith.subi %sign3A_3543, %sign3A_3546 : i32
      %sign3A_3548 = arith.constant 0 : i32
      %sign3A_3549 = arith.cmpi sgt, %jit3A_3539, %sign3A_3548 : i32
      %sign3A_3550 = arith.extui %sign3A_3549 : i1 to i32
      %sign3A_3551 = arith.constant 0 : i32
      %sign3A_3552 = arith.cmpi slt, %jit3A_3539, %sign3A_3551 : i32
      %sign3A_3553 = arith.extui %sign3A_3552 : i1 to i32
      %sign3A_3554 = arith.subi %sign3A_3550, %sign3A_3553 : i32
      %ne3A_3555 = arith.cmpi ne, %sign3A_3547, %sign3A_3554 : i32
      %rem3A_3556 = arith.remsi %scan3A_732, %jit3A_3539 : i32
      %ne3A_3557 = arith.constant 0 : i32
      %ne3A_3558 = arith.cmpi ne, %rem3A_3556, %ne3A_3557 : i32
      %and3A_3559 = arith.andi %ne3A_3555, %ne3A_3558 : i1
      %sub3A_3560 = arith.constant 1 : i32
      %sub3A_3561 = arith.subi %div3A_3540, %sub3A_3560 : i32
      %select_n3A_3562 = arith.select %and3A_3559, %sub3A_3561, %div3A_3540 : i32
      %jit3A_3563 = arith.constant 8 : i32
      %eq3A_3564 = arith.constant 0 : i32
      %eq3A_3565 = arith.cmpi eq, %jit3A_3563, %eq3A_3564 : i32
      %jit3A_3566 = arith.constant 1 : i32
      %select_n3A_3567 = arith.select %eq3A_3565, %jit3A_3566, %jit3A_3563 : i32
      %rem3A_3568 = arith.remsi %scan3A_732, %select_n3A_3567 : i32
      %ne3A_3569 = arith.constant 0 : i32
      %ne3A_3570 = arith.cmpi ne, %rem3A_3568, %ne3A_3569 : i32
      %lt3A_3571 = arith.constant 0 : i32
      %lt3A_3572 = arith.cmpi slt, %rem3A_3568, %lt3A_3571 : i32
      %lt3A_3573 = arith.constant 0 : i32
      %lt3A_3574 = arith.cmpi slt, %select_n3A_3567, %lt3A_3573 : i32
      %ne3A_3575 = arith.xori %lt3A_3572, %lt3A_3574 : i1
      %and3A_3576 = arith.andi %ne3A_3575, %ne3A_3570 : i1
      %add3A_3577 = arith.addi %rem3A_3568, %select_n3A_3567 : i32
      %select_n3A_3578 = arith.select %and3A_3576, %add3A_3577, %rem3A_3568 : i32
      %mul3A_3579 = arith.constant 16 : i32
      %mul3A_3580 = arith.muli %select_n3A_3578, %mul3A_3579 : i32
      %get3A_3581 = arith.constant 51 : i32
      %get3A_3582 = arith.index_cast %select_n3A_3562 : i32 to index
      %get3A_3583 = arith.index_cast %get3A_3581 : i32 to index
      %get3A_3584 = arith.index_cast %mul3A_3580 : i32 to index
      %get3A_3585 = tpu.vector_load %arg10[%get3A_3582, %get3A_3583, %get3A_3584] {strides = array<i32>} : memref<4x64x128xf32, #tpu.memory_space<vmem>>, vector<16xf32>,
      %add3A_3586 = arith.constant 51 : i32
      %add3A_3587 = vector.broadcast %add3A_3586 : i32 to vector<16xi32>
      %add3A_3588 = arith.addi %select_n3A_779, %add3A_3587 : vector<16xi32>
      %gather3A_3589 = tpu.vector_load_idx %arg9[%add3A_783, %add3A_3588] : memref<512x128xf32, #tpu.memory_space<vmem>>[vector<16xi32>, vector<16xi32>], vector<16xf32>,
      %sub3A_3590 = arith.subf %get3A_3585, %gather3A_3589 : vector<16xf32>
      %mul3A_3591 = arith.mulf %sub3A_3590, %sub3A_3590 : vector<16xf32>
      %add3A_3592 = arith.addf %add3A_3538, %mul3A_3591 : vector<16xf32>
      %jit3A_3593 = arith.constant 8 : i32
      %div3A_3594 = arith.divsi %scan3A_732, %jit3A_3593 : i32
      %sign3A_3595 = arith.constant 0 : i32
      %sign3A_3596 = arith.cmpi sgt, %scan3A_732, %sign3A_3595 : i32
      %sign3A_3597 = arith.extui %sign3A_3596 : i1 to i32
      %sign3A_3598 = arith.constant 0 : i32
      %sign3A_3599 = arith.cmpi slt, %scan3A_732, %sign3A_3598 : i32
      %sign3A_3600 = arith.extui %sign3A_3599 : i1 to i32
      %sign3A_3601 = arith.subi %sign3A_3597, %sign3A_3600 : i32
      %sign3A_3602 = arith.constant 0 : i32
      %sign3A_3603 = arith.cmpi sgt, %jit3A_3593, %sign3A_3602 : i32
      %sign3A_3604 = arith.extui %sign3A_3603 : i1 to i32
      %sign3A_3605 = arith.constant 0 : i32
      %sign3A_3606 = arith.cmpi slt, %jit3A_3593, %sign3A_3605 : i32
      %sign3A_3607 = arith.extui %sign3A_3606 : i1 to i32
      %sign3A_3608 = arith.subi %sign3A_3604, %sign3A_3607 : i32
      %ne3A_3609 = arith.cmpi ne, %sign3A_3601, %sign3A_3608 : i32
      %rem3A_3610 = arith.remsi %scan3A_732, %jit3A_3593 : i32
      %ne3A_3611 = arith.constant 0 : i32
      %ne3A_3612 = arith.cmpi ne, %rem3A_3610, %ne3A_3611 : i32
      %and3A_3613 = arith.andi %ne3A_3609, %ne3A_3612 : i1
      %sub3A_3614 = arith.constant 1 : i32
      %sub3A_3615 = arith.subi %div3A_3594, %sub3A_3614 : i32
      %select_n3A_3616 = arith.select %and3A_3613, %sub3A_3615, %div3A_3594 : i32
      %jit3A_3617 = arith.constant 8 : i32
      %eq3A_3618 = arith.constant 0 : i32
      %eq3A_3619 = arith.cmpi eq, %jit3A_3617, %eq3A_3618 : i32
      %jit3A_3620 = arith.constant 1 : i32
      %select_n3A_3621 = arith.select %eq3A_3619, %jit3A_3620, %jit3A_3617 : i32
      %rem3A_3622 = arith.remsi %scan3A_732, %select_n3A_3621 : i32
      %ne3A_3623 = arith.constant 0 : i32
      %ne3A_3624 = arith.cmpi ne, %rem3A_3622, %ne3A_3623 : i32
      %lt3A_3625 = arith.constant 0 : i32
      %lt3A_3626 = arith.cmpi slt, %rem3A_3622, %lt3A_3625 : i32
      %lt3A_3627 = arith.constant 0 : i32
      %lt3A_3628 = arith.cmpi slt, %select_n3A_3621, %lt3A_3627 : i32
      %ne3A_3629 = arith.xori %lt3A_3626, %lt3A_3628 : i1
      %and3A_3630 = arith.andi %ne3A_3629, %ne3A_3624 : i1
      %add3A_3631 = arith.addi %rem3A_3622, %select_n3A_3621 : i32
      %select_n3A_3632 = arith.select %and3A_3630, %add3A_3631, %rem3A_3622 : i32
      %mul3A_3633 = arith.constant 16 : i32
      %mul3A_3634 = arith.muli %select_n3A_3632, %mul3A_3633 : i32
      %get3A_3635 = arith.constant 52 : i32
      %get3A_3636 = arith.index_cast %select_n3A_3616 : i32 to index
      %get3A_3637 = arith.index_cast %get3A_3635 : i32 to index
      %get3A_3638 = arith.index_cast %mul3A_3634 : i32 to index
      %get3A_3639 = tpu.vector_load %arg10[%get3A_3636, %get3A_3637, %get3A_3638] {strides = array<i32>} : memref<4x64x128xf32, #tpu.memory_space<vmem>>, vector<16xf32>,
      %add3A_3640 = arith.constant 52 : i32
      %add3A_3641 = vector.broadcast %add3A_3640 : i32 to vector<16xi32>
      %add3A_3642 = arith.addi %select_n3A_779, %add3A_3641 : vector<16xi32>
      %gather3A_3643 = tpu.vector_load_idx %arg9[%add3A_783, %add3A_3642] : memref<512x128xf32, #tpu.memory_space<vmem>>[vector<16xi32>, vector<16xi32>], vector<16xf32>,
      %sub3A_3644 = arith.subf %get3A_3639, %gather3A_3643 : vector<16xf32>
      %mul3A_3645 = arith.mulf %sub3A_3644, %sub3A_3644 : vector<16xf32>
      %add3A_3646 = arith.addf %add3A_3592, %mul3A_3645 : vector<16xf32>
      %jit3A_3647 = arith.constant 8 : i32
      %div3A_3648 = arith.divsi %scan3A_732, %jit3A_3647 : i32
      %sign3A_3649 = arith.constant 0 : i32
      %sign3A_3650 = arith.cmpi sgt, %scan3A_732, %sign3A_3649 : i32
      %sign3A_3651 = arith.extui %sign3A_3650 : i1 to i32
      %sign3A_3652 = arith.constant 0 : i32
      %sign3A_3653 = arith.cmpi slt, %scan3A_732, %sign3A_3652 : i32
      %sign3A_3654 = arith.extui %sign3A_3653 : i1 to i32
      %sign3A_3655 = arith.subi %sign3A_3651, %sign3A_3654 : i32
      %sign3A_3656 = arith.constant 0 : i32
      %sign3A_3657 = arith.cmpi sgt, %jit3A_3647, %sign3A_3656 : i32
      %sign3A_3658 = arith.extui %sign3A_3657 : i1 to i32
      %sign3A_3659 = arith.constant 0 : i32
      %sign3A_3660 = arith.cmpi slt, %jit3A_3647, %sign3A_3659 : i32
      %sign3A_3661 = arith.extui %sign3A_3660 : i1 to i32
      %sign3A_3662 = arith.subi %sign3A_3658, %sign3A_3661 : i32
      %ne3A_3663 = arith.cmpi ne, %sign3A_3655, %sign3A_3662 : i32
      %rem3A_3664 = arith.remsi %scan3A_732, %jit3A_3647 : i32
      %ne3A_3665 = arith.constant 0 : i32
      %ne3A_3666 = arith.cmpi ne, %rem3A_3664, %ne3A_3665 : i32
      %and3A_3667 = arith.andi %ne3A_3663, %ne3A_3666 : i1
      %sub3A_3668 = arith.constant 1 : i32
      %sub3A_3669 = arith.subi %div3A_3648, %sub3A_3668 : i32
      %select_n3A_3670 = arith.select %and3A_3667, %sub3A_3669, %div3A_3648 : i32
      %jit3A_3671 = arith.constant 8 : i32
      %eq3A_3672 = arith.constant 0 : i32
      %eq3A_3673 = arith.cmpi eq, %jit3A_3671, %eq3A_3672 : i32
      %jit3A_3674 = arith.constant 1 : i32
      %select_n3A_3675 = arith.select %eq3A_3673, %jit3A_3674, %jit3A_3671 : i32
      %rem3A_3676 = arith.remsi %scan3A_732, %select_n3A_3675 : i32
      %ne3A_3677 = arith.constant 0 : i32
      %ne3A_3678 = arith.cmpi ne, %rem3A_3676, %ne3A_3677 : i32
      %lt3A_3679 = arith.constant 0 : i32
      %lt3A_3680 = arith.cmpi slt, %rem3A_3676, %lt3A_3679 : i32
      %lt3A_3681 = arith.constant 0 : i32
      %lt3A_3682 = arith.cmpi slt, %select_n3A_3675, %lt3A_3681 : i32
      %ne3A_3683 = arith.xori %lt3A_3680, %lt3A_3682 : i1
      %and3A_3684 = arith.andi %ne3A_3683, %ne3A_3678 : i1
      %add3A_3685 = arith.addi %rem3A_3676, %select_n3A_3675 : i32
      %select_n3A_3686 = arith.select %and3A_3684, %add3A_3685, %rem3A_3676 : i32
      %mul3A_3687 = arith.constant 16 : i32
      %mul3A_3688 = arith.muli %select_n3A_3686, %mul3A_3687 : i32
      %get3A_3689 = arith.constant 53 : i32
      %get3A_3690 = arith.index_cast %select_n3A_3670 : i32 to index
      %get3A_3691 = arith.index_cast %get3A_3689 : i32 to index
      %get3A_3692 = arith.index_cast %mul3A_3688 : i32 to index
      %get3A_3693 = tpu.vector_load %arg10[%get3A_3690, %get3A_3691, %get3A_3692] {strides = array<i32>} : memref<4x64x128xf32, #tpu.memory_space<vmem>>, vector<16xf32>,
      %add3A_3694 = arith.constant 53 : i32
      %add3A_3695 = vector.broadcast %add3A_3694 : i32 to vector<16xi32>
      %add3A_3696 = arith.addi %select_n3A_779, %add3A_3695 : vector<16xi32>
      %gather3A_3697 = tpu.vector_load_idx %arg9[%add3A_783, %add3A_3696] : memref<512x128xf32, #tpu.memory_space<vmem>>[vector<16xi32>, vector<16xi32>], vector<16xf32>,
      %sub3A_3698 = arith.subf %get3A_3693, %gather3A_3697 : vector<16xf32>
      %mul3A_3699 = arith.mulf %sub3A_3698, %sub3A_3698 : vector<16xf32>
      %add3A_3700 = arith.addf %add3A_3646, %mul3A_3699 : vector<16xf32>
      %jit3A_3701 = arith.constant 8 : i32
      %div3A_3702 = arith.divsi %scan3A_732, %jit3A_3701 : i32
      %sign3A_3703 = arith.constant 0 : i32
      %sign3A_3704 = arith.cmpi sgt, %scan3A_732, %sign3A_3703 : i32
      %sign3A_3705 = arith.extui %sign3A_3704 : i1 to i32
      %sign3A_3706 = arith.constant 0 : i32
      %sign3A_3707 = arith.cmpi slt, %scan3A_732, %sign3A_3706 : i32
      %sign3A_3708 = arith.extui %sign3A_3707 : i1 to i32
      %sign3A_3709 = arith.subi %sign3A_3705, %sign3A_3708 : i32
      %sign3A_3710 = arith.constant 0 : i32
      %sign3A_3711 = arith.cmpi sgt, %jit3A_3701, %sign3A_3710 : i32
      %sign3A_3712 = arith.extui %sign3A_3711 : i1 to i32
      %sign3A_3713 = arith.constant 0 : i32
      %sign3A_3714 = arith.cmpi slt, %jit3A_3701, %sign3A_3713 : i32
      %sign3A_3715 = arith.extui %sign3A_3714 : i1 to i32
      %sign3A_3716 = arith.subi %sign3A_3712, %sign3A_3715 : i32
      %ne3A_3717 = arith.cmpi ne, %sign3A_3709, %sign3A_3716 : i32
      %rem3A_3718 = arith.remsi %scan3A_732, %jit3A_3701 : i32
      %ne3A_3719 = arith.constant 0 : i32
      %ne3A_3720 = arith.cmpi ne, %rem3A_3718, %ne3A_3719 : i32
      %and3A_3721 = arith.andi %ne3A_3717, %ne3A_3720 : i1
      %sub3A_3722 = arith.constant 1 : i32
      %sub3A_3723 = arith.subi %div3A_3702, %sub3A_3722 : i32
      %select_n3A_3724 = arith.select %and3A_3721, %sub3A_3723, %div3A_3702 : i32
      %jit3A_3725 = arith.constant 8 : i32
      %eq3A_3726 = arith.constant 0 : i32
      %eq3A_3727 = arith.cmpi eq, %jit3A_3725, %eq3A_3726 : i32
      %jit3A_3728 = arith.constant 1 : i32
      %select_n3A_3729 = arith.select %eq3A_3727, %jit3A_3728, %jit3A_3725 : i32
      %rem3A_3730 = arith.remsi %scan3A_732, %select_n3A_3729 : i32
      %ne3A_3731 = arith.constant 0 : i32
      %ne3A_3732 = arith.cmpi ne, %rem3A_3730, %ne3A_3731 : i32
      %lt3A_3733 = arith.constant 0 : i32
      %lt3A_3734 = arith.cmpi slt, %rem3A_3730, %lt3A_3733 : i32
      %lt3A_3735 = arith.constant 0 : i32
      %lt3A_3736 = arith.cmpi slt, %select_n3A_3729, %lt3A_3735 : i32
      %ne3A_3737 = arith.xori %lt3A_3734, %lt3A_3736 : i1
      %and3A_3738 = arith.andi %ne3A_3737, %ne3A_3732 : i1
      %add3A_3739 = arith.addi %rem3A_3730, %select_n3A_3729 : i32
      %select_n3A_3740 = arith.select %and3A_3738, %add3A_3739, %rem3A_3730 : i32
      %mul3A_3741 = arith.constant 16 : i32
      %mul3A_3742 = arith.muli %select_n3A_3740, %mul3A_3741 : i32
      %get3A_3743 = arith.constant 54 : i32
      %get3A_3744 = arith.index_cast %select_n3A_3724 : i32 to index
      %get3A_3745 = arith.index_cast %get3A_3743 : i32 to index
      %get3A_3746 = arith.index_cast %mul3A_3742 : i32 to index
      %get3A_3747 = tpu.vector_load %arg10[%get3A_3744, %get3A_3745, %get3A_3746] {strides = array<i32>} : memref<4x64x128xf32, #tpu.memory_space<vmem>>, vector<16xf32>,
      %add3A_3748 = arith.constant 54 : i32
      %add3A_3749 = vector.broadcast %add3A_3748 : i32 to vector<16xi32>
      %add3A_3750 = arith.addi %select_n3A_779, %add3A_3749 : vector<16xi32>
      %gather3A_3751 = tpu.vector_load_idx %arg9[%add3A_783, %add3A_3750] : memref<512x128xf32, #tpu.memory_space<vmem>>[vector<16xi32>, vector<16xi32>], vector<16xf32>,
      %sub3A_3752 = arith.subf %get3A_3747, %gather3A_3751 : vector<16xf32>
      %mul3A_3753 = arith.mulf %sub3A_3752, %sub3A_3752 : vector<16xf32>
      %add3A_3754 = arith.addf %add3A_3700, %mul3A_3753 : vector<16xf32>
      %jit3A_3755 = arith.constant 8 : i32
      %div3A_3756 = arith.divsi %scan3A_732, %jit3A_3755 : i32
      %sign3A_3757 = arith.constant 0 : i32
      %sign3A_3758 = arith.cmpi sgt, %scan3A_732, %sign3A_3757 : i32
      %sign3A_3759 = arith.extui %sign3A_3758 : i1 to i32
      %sign3A_3760 = arith.constant 0 : i32
      %sign3A_3761 = arith.cmpi slt, %scan3A_732, %sign3A_3760 : i32
      %sign3A_3762 = arith.extui %sign3A_3761 : i1 to i32
      %sign3A_3763 = arith.subi %sign3A_3759, %sign3A_3762 : i32
      %sign3A_3764 = arith.constant 0 : i32
      %sign3A_3765 = arith.cmpi sgt, %jit3A_3755, %sign3A_3764 : i32
      %sign3A_3766 = arith.extui %sign3A_3765 : i1 to i32
      %sign3A_3767 = arith.constant 0 : i32
      %sign3A_3768 = arith.cmpi slt, %jit3A_3755, %sign3A_3767 : i32
      %sign3A_3769 = arith.extui %sign3A_3768 : i1 to i32
      %sign3A_3770 = arith.subi %sign3A_3766, %sign3A_3769 : i32
      %ne3A_3771 = arith.cmpi ne, %sign3A_3763, %sign3A_3770 : i32
      %rem3A_3772 = arith.remsi %scan3A_732, %jit3A_3755 : i32
      %ne3A_3773 = arith.constant 0 : i32
      %ne3A_3774 = arith.cmpi ne, %rem3A_3772, %ne3A_3773 : i32
      %and3A_3775 = arith.andi %ne3A_3771, %ne3A_3774 : i1
      %sub3A_3776 = arith.constant 1 : i32
      %sub3A_3777 = arith.subi %div3A_3756, %sub3A_3776 : i32
      %select_n3A_3778 = arith.select %and3A_3775, %sub3A_3777, %div3A_3756 : i32
      %jit3A_3779 = arith.constant 8 : i32
      %eq3A_3780 = arith.constant 0 : i32
      %eq3A_3781 = arith.cmpi eq, %jit3A_3779, %eq3A_3780 : i32
      %jit3A_3782 = arith.constant 1 : i32
      %select_n3A_3783 = arith.select %eq3A_3781, %jit3A_3782, %jit3A_3779 : i32
      %rem3A_3784 = arith.remsi %scan3A_732, %select_n3A_3783 : i32
      %ne3A_3785 = arith.constant 0 : i32
      %ne3A_3786 = arith.cmpi ne, %rem3A_3784, %ne3A_3785 : i32
      %lt3A_3787 = arith.constant 0 : i32
      %lt3A_3788 = arith.cmpi slt, %rem3A_3784, %lt3A_3787 : i32
      %lt3A_3789 = arith.constant 0 : i32
      %lt3A_3790 = arith.cmpi slt, %select_n3A_3783, %lt3A_3789 : i32
      %ne3A_3791 = arith.xori %lt3A_3788, %lt3A_3790 : i1
      %and3A_3792 = arith.andi %ne3A_3791, %ne3A_3786 : i1
      %add3A_3793 = arith.addi %rem3A_3784, %select_n3A_3783 : i32
      %select_n3A_3794 = arith.select %and3A_3792, %add3A_3793, %rem3A_3784 : i32
      %mul3A_3795 = arith.constant 16 : i32
      %mul3A_3796 = arith.muli %select_n3A_3794, %mul3A_3795 : i32
      %get3A_3797 = arith.constant 55 : i32
      %get3A_3798 = arith.index_cast %select_n3A_3778 : i32 to index
      %get3A_3799 = arith.index_cast %get3A_3797 : i32 to index
      %get3A_3800 = arith.index_cast %mul3A_3796 : i32 to index
      %get3A_3801 = tpu.vector_load %arg10[%get3A_3798, %get3A_3799, %get3A_3800] {strides = array<i32>} : memref<4x64x128xf32, #tpu.memory_space<vmem>>, vector<16xf32>,
      %add3A_3802 = arith.constant 55 : i32
      %add3A_3803 = vector.broadcast %add3A_3802 : i32 to vector<16xi32>
      %add3A_3804 = arith.addi %select_n3A_779, %add3A_3803 : vector<16xi32>
      %gather3A_3805 = tpu.vector_load_idx %arg9[%add3A_783, %add3A_3804] : memref<512x128xf32, #tpu.memory_space<vmem>>[vector<16xi32>, vector<16xi32>], vector<16xf32>,
      %sub3A_3806 = arith.subf %get3A_3801, %gather3A_3805 : vector<16xf32>
      %mul3A_3807 = arith.mulf %sub3A_3806, %sub3A_3806 : vector<16xf32>
      %add3A_3808 = arith.addf %add3A_3754, %mul3A_3807 : vector<16xf32>
      %jit3A_3809 = arith.constant 8 : i32
      %div3A_3810 = arith.divsi %scan3A_732, %jit3A_3809 : i32
      %sign3A_3811 = arith.constant 0 : i32
      %sign3A_3812 = arith.cmpi sgt, %scan3A_732, %sign3A_3811 : i32
      %sign3A_3813 = arith.extui %sign3A_3812 : i1 to i32
      %sign3A_3814 = arith.constant 0 : i32
      %sign3A_3815 = arith.cmpi slt, %scan3A_732, %sign3A_3814 : i32
      %sign3A_3816 = arith.extui %sign3A_3815 : i1 to i32
      %sign3A_3817 = arith.subi %sign3A_3813, %sign3A_3816 : i32
      %sign3A_3818 = arith.constant 0 : i32
      %sign3A_3819 = arith.cmpi sgt, %jit3A_3809, %sign3A_3818 : i32
      %sign3A_3820 = arith.extui %sign3A_3819 : i1 to i32
      %sign3A_3821 = arith.constant 0 : i32
      %sign3A_3822 = arith.cmpi slt, %jit3A_3809, %sign3A_3821 : i32
      %sign3A_3823 = arith.extui %sign3A_3822 : i1 to i32
      %sign3A_3824 = arith.subi %sign3A_3820, %sign3A_3823 : i32
      %ne3A_3825 = arith.cmpi ne, %sign3A_3817, %sign3A_3824 : i32
      %rem3A_3826 = arith.remsi %scan3A_732, %jit3A_3809 : i32
      %ne3A_3827 = arith.constant 0 : i32
      %ne3A_3828 = arith.cmpi ne, %rem3A_3826, %ne3A_3827 : i32
      %and3A_3829 = arith.andi %ne3A_3825, %ne3A_3828 : i1
      %sub3A_3830 = arith.constant 1 : i32
      %sub3A_3831 = arith.subi %div3A_3810, %sub3A_3830 : i32
      %select_n3A_3832 = arith.select %and3A_3829, %sub3A_3831, %div3A_3810 : i32
      %jit3A_3833 = arith.constant 8 : i32
      %eq3A_3834 = arith.constant 0 : i32
      %eq3A_3835 = arith.cmpi eq, %jit3A_3833, %eq3A_3834 : i32
      %jit3A_3836 = arith.constant 1 : i32
      %select_n3A_3837 = arith.select %eq3A_3835, %jit3A_3836, %jit3A_3833 : i32
      %rem3A_3838 = arith.remsi %scan3A_732, %select_n3A_3837 : i32
      %ne3A_3839 = arith.constant 0 : i32
      %ne3A_3840 = arith.cmpi ne, %rem3A_3838, %ne3A_3839 : i32
      %lt3A_3841 = arith.constant 0 : i32
      %lt3A_3842 = arith.cmpi slt, %rem3A_3838, %lt3A_3841 : i32
      %lt3A_3843 = arith.constant 0 : i32
      %lt3A_3844 = arith.cmpi slt, %select_n3A_3837, %lt3A_3843 : i32
      %ne3A_3845 = arith.xori %lt3A_3842, %lt3A_3844 : i1
      %and3A_3846 = arith.andi %ne3A_3845, %ne3A_3840 : i1
      %add3A_3847 = arith.addi %rem3A_3838, %select_n3A_3837 : i32
      %select_n3A_3848 = arith.select %and3A_3846, %add3A_3847, %rem3A_3838 : i32
      %mul3A_3849 = arith.constant 16 : i32
      %mul3A_3850 = arith.muli %select_n3A_3848, %mul3A_3849 : i32
      %get3A_3851 = arith.constant 56 : i32
      %get3A_3852 = arith.index_cast %select_n3A_3832 : i32 to index
      %get3A_3853 = arith.index_cast %get3A_3851 : i32 to index
      %get3A_3854 = arith.index_cast %mul3A_3850 : i32 to index
      %get3A_3855 = tpu.vector_load %arg10[%get3A_3852, %get3A_3853, %get3A_3854] {strides = array<i32>} : memref<4x64x128xf32, #tpu.memory_space<vmem>>, vector<16xf32>,
      %add3A_3856 = arith.constant 56 : i32
      %add3A_3857 = vector.broadcast %add3A_3856 : i32 to vector<16xi32>
      %add3A_3858 = arith.addi %select_n3A_779, %add3A_3857 : vector<16xi32>
      %gather3A_3859 = tpu.vector_load_idx %arg9[%add3A_783, %add3A_3858] : memref<512x128xf32, #tpu.memory_space<vmem>>[vector<16xi32>, vector<16xi32>], vector<16xf32>,
      %sub3A_3860 = arith.subf %get3A_3855, %gather3A_3859 : vector<16xf32>
      %mul3A_3861 = arith.mulf %sub3A_3860, %sub3A_3860 : vector<16xf32>
      %add3A_3862 = arith.addf %add3A_3808, %mul3A_3861 : vector<16xf32>
      %jit3A_3863 = arith.constant 8 : i32
      %div3A_3864 = arith.divsi %scan3A_732, %jit3A_3863 : i32
      %sign3A_3865 = arith.constant 0 : i32
      %sign3A_3866 = arith.cmpi sgt, %scan3A_732, %sign3A_3865 : i32
      %sign3A_3867 = arith.extui %sign3A_3866 : i1 to i32
      %sign3A_3868 = arith.constant 0 : i32
      %sign3A_3869 = arith.cmpi slt, %scan3A_732, %sign3A_3868 : i32
      %sign3A_3870 = arith.extui %sign3A_3869 : i1 to i32
      %sign3A_3871 = arith.subi %sign3A_3867, %sign3A_3870 : i32
      %sign3A_3872 = arith.constant 0 : i32
      %sign3A_3873 = arith.cmpi sgt, %jit3A_3863, %sign3A_3872 : i32
      %sign3A_3874 = arith.extui %sign3A_3873 : i1 to i32
      %sign3A_3875 = arith.constant 0 : i32
      %sign3A_3876 = arith.cmpi slt, %jit3A_3863, %sign3A_3875 : i32
      %sign3A_3877 = arith.extui %sign3A_3876 : i1 to i32
      %sign3A_3878 = arith.subi %sign3A_3874, %sign3A_3877 : i32
      %ne3A_3879 = arith.cmpi ne, %sign3A_3871, %sign3A_3878 : i32
      %rem3A_3880 = arith.remsi %scan3A_732, %jit3A_3863 : i32
      %ne3A_3881 = arith.constant 0 : i32
      %ne3A_3882 = arith.cmpi ne, %rem3A_3880, %ne3A_3881 : i32
      %and3A_3883 = arith.andi %ne3A_3879, %ne3A_3882 : i1
      %sub3A_3884 = arith.constant 1 : i32
      %sub3A_3885 = arith.subi %div3A_3864, %sub3A_3884 : i32
      %select_n3A_3886 = arith.select %and3A_3883, %sub3A_3885, %div3A_3864 : i32
      %jit3A_3887 = arith.constant 8 : i32
      %eq3A_3888 = arith.constant 0 : i32
      %eq3A_3889 = arith.cmpi eq, %jit3A_3887, %eq3A_3888 : i32
      %jit3A_3890 = arith.constant 1 : i32
      %select_n3A_3891 = arith.select %eq3A_3889, %jit3A_3890, %jit3A_3887 : i32
      %rem3A_3892 = arith.remsi %scan3A_732, %select_n3A_3891 : i32
      %ne3A_3893 = arith.constant 0 : i32
      %ne3A_3894 = arith.cmpi ne, %rem3A_3892, %ne3A_3893 : i32
      %lt3A_3895 = arith.constant 0 : i32
      %lt3A_3896 = arith.cmpi slt, %rem3A_3892, %lt3A_3895 : i32
      %lt3A_3897 = arith.constant 0 : i32
      %lt3A_3898 = arith.cmpi slt, %select_n3A_3891, %lt3A_3897 : i32
      %ne3A_3899 = arith.xori %lt3A_3896, %lt3A_3898 : i1
      %and3A_3900 = arith.andi %ne3A_3899, %ne3A_3894 : i1
      %add3A_3901 = arith.addi %rem3A_3892, %select_n3A_3891 : i32
      %select_n3A_3902 = arith.select %and3A_3900, %add3A_3901, %rem3A_3892 : i32
      %mul3A_3903 = arith.constant 16 : i32
      %mul3A_3904 = arith.muli %select_n3A_3902, %mul3A_3903 : i32
      %get3A_3905 = arith.constant 57 : i32
      %get3A_3906 = arith.index_cast %select_n3A_3886 : i32 to index
      %get3A_3907 = arith.index_cast %get3A_3905 : i32 to index
      %get3A_3908 = arith.index_cast %mul3A_3904 : i32 to index
      %get3A_3909 = tpu.vector_load %arg10[%get3A_3906, %get3A_3907, %get3A_3908] {strides = array<i32>} : memref<4x64x128xf32, #tpu.memory_space<vmem>>, vector<16xf32>,
      %add3A_3910 = arith.constant 57 : i32
      %add3A_3911 = vector.broadcast %add3A_3910 : i32 to vector<16xi32>
      %add3A_3912 = arith.addi %select_n3A_779, %add3A_3911 : vector<16xi32>
      %gather3A_3913 = tpu.vector_load_idx %arg9[%add3A_783, %add3A_3912] : memref<512x128xf32, #tpu.memory_space<vmem>>[vector<16xi32>, vector<16xi32>], vector<16xf32>,
      %sub3A_3914 = arith.subf %get3A_3909, %gather3A_3913 : vector<16xf32>
      %mul3A_3915 = arith.mulf %sub3A_3914, %sub3A_3914 : vector<16xf32>
      %add3A_3916 = arith.addf %add3A_3862, %mul3A_3915 : vector<16xf32>
      %jit3A_3917 = arith.constant 8 : i32
      %div3A_3918 = arith.divsi %scan3A_732, %jit3A_3917 : i32
      %sign3A_3919 = arith.constant 0 : i32
      %sign3A_3920 = arith.cmpi sgt, %scan3A_732, %sign3A_3919 : i32
      %sign3A_3921 = arith.extui %sign3A_3920 : i1 to i32
      %sign3A_3922 = arith.constant 0 : i32
      %sign3A_3923 = arith.cmpi slt, %scan3A_732, %sign3A_3922 : i32
      %sign3A_3924 = arith.extui %sign3A_3923 : i1 to i32
      %sign3A_3925 = arith.subi %sign3A_3921, %sign3A_3924 : i32
      %sign3A_3926 = arith.constant 0 : i32
      %sign3A_3927 = arith.cmpi sgt, %jit3A_3917, %sign3A_3926 : i32
      %sign3A_3928 = arith.extui %sign3A_3927 : i1 to i32
      %sign3A_3929 = arith.constant 0 : i32
      %sign3A_3930 = arith.cmpi slt, %jit3A_3917, %sign3A_3929 : i32
      %sign3A_3931 = arith.extui %sign3A_3930 : i1 to i32
      %sign3A_3932 = arith.subi %sign3A_3928, %sign3A_3931 : i32
      %ne3A_3933 = arith.cmpi ne, %sign3A_3925, %sign3A_3932 : i32
      %rem3A_3934 = arith.remsi %scan3A_732, %jit3A_3917 : i32
      %ne3A_3935 = arith.constant 0 : i32
      %ne3A_3936 = arith.cmpi ne, %rem3A_3934, %ne3A_3935 : i32
      %and3A_3937 = arith.andi %ne3A_3933, %ne3A_3936 : i1
      %sub3A_3938 = arith.constant 1 : i32
      %sub3A_3939 = arith.subi %div3A_3918, %sub3A_3938 : i32
      %select_n3A_3940 = arith.select %and3A_3937, %sub3A_3939, %div3A_3918 : i32
      %jit3A_3941 = arith.constant 8 : i32
      %eq3A_3942 = arith.constant 0 : i32
      %eq3A_3943 = arith.cmpi eq, %jit3A_3941, %eq3A_3942 : i32
      %jit3A_3944 = arith.constant 1 : i32
      %select_n3A_3945 = arith.select %eq3A_3943, %jit3A_3944, %jit3A_3941 : i32
      %rem3A_3946 = arith.remsi %scan3A_732, %select_n3A_3945 : i32
      %ne3A_3947 = arith.constant 0 : i32
      %ne3A_3948 = arith.cmpi ne, %rem3A_3946, %ne3A_3947 : i32
      %lt3A_3949 = arith.constant 0 : i32
      %lt3A_3950 = arith.cmpi slt, %rem3A_3946, %lt3A_3949 : i32
      %lt3A_3951 = arith.constant 0 : i32
      %lt3A_3952 = arith.cmpi slt, %select_n3A_3945, %lt3A_3951 : i32
      %ne3A_3953 = arith.xori %lt3A_3950, %lt3A_3952 : i1
      %and3A_3954 = arith.andi %ne3A_3953, %ne3A_3948 : i1
      %add3A_3955 = arith.addi %rem3A_3946, %select_n3A_3945 : i32
      %select_n3A_3956 = arith.select %and3A_3954, %add3A_3955, %rem3A_3946 : i32
      %mul3A_3957 = arith.constant 16 : i32
      %mul3A_3958 = arith.muli %select_n3A_3956, %mul3A_3957 : i32
      %get3A_3959 = arith.constant 58 : i32
      %get3A_3960 = arith.index_cast %select_n3A_3940 : i32 to index
      %get3A_3961 = arith.index_cast %get3A_3959 : i32 to index
      %get3A_3962 = arith.index_cast %mul3A_3958 : i32 to index
      %get3A_3963 = tpu.vector_load %arg10[%get3A_3960, %get3A_3961, %get3A_3962] {strides = array<i32>} : memref<4x64x128xf32, #tpu.memory_space<vmem>>, vector<16xf32>,
      %add3A_3964 = arith.constant 58 : i32
      %add3A_3965 = vector.broadcast %add3A_3964 : i32 to vector<16xi32>
      %add3A_3966 = arith.addi %select_n3A_779, %add3A_3965 : vector<16xi32>
      %gather3A_3967 = tpu.vector_load_idx %arg9[%add3A_783, %add3A_3966] : memref<512x128xf32, #tpu.memory_space<vmem>>[vector<16xi32>, vector<16xi32>], vector<16xf32>,
      %sub3A_3968 = arith.subf %get3A_3963, %gather3A_3967 : vector<16xf32>
      %mul3A_3969 = arith.mulf %sub3A_3968, %sub3A_3968 : vector<16xf32>
      %add3A_3970 = arith.addf %add3A_3916, %mul3A_3969 : vector<16xf32>
      %jit3A_3971 = arith.constant 8 : i32
      %div3A_3972 = arith.divsi %scan3A_732, %jit3A_3971 : i32
      %sign3A_3973 = arith.constant 0 : i32
      %sign3A_3974 = arith.cmpi sgt, %scan3A_732, %sign3A_3973 : i32
      %sign3A_3975 = arith.extui %sign3A_3974 : i1 to i32
      %sign3A_3976 = arith.constant 0 : i32
      %sign3A_3977 = arith.cmpi slt, %scan3A_732, %sign3A_3976 : i32
      %sign3A_3978 = arith.extui %sign3A_3977 : i1 to i32
      %sign3A_3979 = arith.subi %sign3A_3975, %sign3A_3978 : i32
      %sign3A_3980 = arith.constant 0 : i32
      %sign3A_3981 = arith.cmpi sgt, %jit3A_3971, %sign3A_3980 : i32
      %sign3A_3982 = arith.extui %sign3A_3981 : i1 to i32
      %sign3A_3983 = arith.constant 0 : i32
      %sign3A_3984 = arith.cmpi slt, %jit3A_3971, %sign3A_3983 : i32
      %sign3A_3985 = arith.extui %sign3A_3984 : i1 to i32
      %sign3A_3986 = arith.subi %sign3A_3982, %sign3A_3985 : i32
      %ne3A_3987 = arith.cmpi ne, %sign3A_3979, %sign3A_3986 : i32
      %rem3A_3988 = arith.remsi %scan3A_732, %jit3A_3971 : i32
      %ne3A_3989 = arith.constant 0 : i32
      %ne3A_3990 = arith.cmpi ne, %rem3A_3988, %ne3A_3989 : i32
      %and3A_3991 = arith.andi %ne3A_3987, %ne3A_3990 : i1
      %sub3A_3992 = arith.constant 1 : i32
      %sub3A_3993 = arith.subi %div3A_3972, %sub3A_3992 : i32
      %select_n3A_3994 = arith.select %and3A_3991, %sub3A_3993, %div3A_3972 : i32
      %jit3A_3995 = arith.constant 8 : i32
      %eq3A_3996 = arith.constant 0 : i32
      %eq3A_3997 = arith.cmpi eq, %jit3A_3995, %eq3A_3996 : i32
      %jit3A_3998 = arith.constant 1 : i32
      %select_n3A_3999 = arith.select %eq3A_3997, %jit3A_3998, %jit3A_3995 : i32
      %rem3A_4000 = arith.remsi %scan3A_732, %select_n3A_3999 : i32
      %ne3A_4001 = arith.constant 0 : i32
      %ne3A_4002 = arith.cmpi ne, %rem3A_4000, %ne3A_4001 : i32
      %lt3A_4003 = arith.constant 0 : i32
      %lt3A_4004 = arith.cmpi slt, %rem3A_4000, %lt3A_4003 : i32
      %lt3A_4005 = arith.constant 0 : i32
      %lt3A_4006 = arith.cmpi slt, %select_n3A_3999, %lt3A_4005 : i32
      %ne3A_4007 = arith.xori %lt3A_4004, %lt3A_4006 : i1
      %and3A_4008 = arith.andi %ne3A_4007, %ne3A_4002 : i1
      %add3A_4009 = arith.addi %rem3A_4000, %select_n3A_3999 : i32
      %select_n3A_4010 = arith.select %and3A_4008, %add3A_4009, %rem3A_4000 : i32
      %mul3A_4011 = arith.constant 16 : i32
      %mul3A_4012 = arith.muli %select_n3A_4010, %mul3A_4011 : i32
      %get3A_4013 = arith.constant 59 : i32
      %get3A_4014 = arith.index_cast %select_n3A_3994 : i32 to index
      %get3A_4015 = arith.index_cast %get3A_4013 : i32 to index
      %get3A_4016 = arith.index_cast %mul3A_4012 : i32 to index
      %get3A_4017 = tpu.vector_load %arg10[%get3A_4014, %get3A_4015, %get3A_4016] {strides = array<i32>} : memref<4x64x128xf32, #tpu.memory_space<vmem>>, vector<16xf32>,
      %add3A_4018 = arith.constant 59 : i32
      %add3A_4019 = vector.broadcast %add3A_4018 : i32 to vector<16xi32>
      %add3A_4020 = arith.addi %select_n3A_779, %add3A_4019 : vector<16xi32>
      %gather3A_4021 = tpu.vector_load_idx %arg9[%add3A_783, %add3A_4020] : memref<512x128xf32, #tpu.memory_space<vmem>>[vector<16xi32>, vector<16xi32>], vector<16xf32>,
      %sub3A_4022 = arith.subf %get3A_4017, %gather3A_4021 : vector<16xf32>
      %mul3A_4023 = arith.mulf %sub3A_4022, %sub3A_4022 : vector<16xf32>
      %add3A_4024 = arith.addf %add3A_3970, %mul3A_4023 : vector<16xf32>
      %jit3A_4025 = arith.constant 8 : i32
      %div3A_4026 = arith.divsi %scan3A_732, %jit3A_4025 : i32
      %sign3A_4027 = arith.constant 0 : i32
      %sign3A_4028 = arith.cmpi sgt, %scan3A_732, %sign3A_4027 : i32
      %sign3A_4029 = arith.extui %sign3A_4028 : i1 to i32
      %sign3A_4030 = arith.constant 0 : i32
      %sign3A_4031 = arith.cmpi slt, %scan3A_732, %sign3A_4030 : i32
      %sign3A_4032 = arith.extui %sign3A_4031 : i1 to i32
      %sign3A_4033 = arith.subi %sign3A_4029, %sign3A_4032 : i32
      %sign3A_4034 = arith.constant 0 : i32
      %sign3A_4035 = arith.cmpi sgt, %jit3A_4025, %sign3A_4034 : i32
      %sign3A_4036 = arith.extui %sign3A_4035 : i1 to i32
      %sign3A_4037 = arith.constant 0 : i32
      %sign3A_4038 = arith.cmpi slt, %jit3A_4025, %sign3A_4037 : i32
      %sign3A_4039 = arith.extui %sign3A_4038 : i1 to i32
      %sign3A_4040 = arith.subi %sign3A_4036, %sign3A_4039 : i32
      %ne3A_4041 = arith.cmpi ne, %sign3A_4033, %sign3A_4040 : i32
      %rem3A_4042 = arith.remsi %scan3A_732, %jit3A_4025 : i32
      %ne3A_4043 = arith.constant 0 : i32
      %ne3A_4044 = arith.cmpi ne, %rem3A_4042, %ne3A_4043 : i32
      %and3A_4045 = arith.andi %ne3A_4041, %ne3A_4044 : i1
      %sub3A_4046 = arith.constant 1 : i32
      %sub3A_4047 = arith.subi %div3A_4026, %sub3A_4046 : i32
      %select_n3A_4048 = arith.select %and3A_4045, %sub3A_4047, %div3A_4026 : i32
      %jit3A_4049 = arith.constant 8 : i32
      %eq3A_4050 = arith.constant 0 : i32
      %eq3A_4051 = arith.cmpi eq, %jit3A_4049, %eq3A_4050 : i32
      %jit3A_4052 = arith.constant 1 : i32
      %select_n3A_4053 = arith.select %eq3A_4051, %jit3A_4052, %jit3A_4049 : i32
      %rem3A_4054 = arith.remsi %scan3A_732, %select_n3A_4053 : i32
      %ne3A_4055 = arith.constant 0 : i32
      %ne3A_4056 = arith.cmpi ne, %rem3A_4054, %ne3A_4055 : i32
      %lt3A_4057 = arith.constant 0 : i32
      %lt3A_4058 = arith.cmpi slt, %rem3A_4054, %lt3A_4057 : i32
      %lt3A_4059 = arith.constant 0 : i32
      %lt3A_4060 = arith.cmpi slt, %select_n3A_4053, %lt3A_4059 : i32
      %ne3A_4061 = arith.xori %lt3A_4058, %lt3A_4060 : i1
      %and3A_4062 = arith.andi %ne3A_4061, %ne3A_4056 : i1
      %add3A_4063 = arith.addi %rem3A_4054, %select_n3A_4053 : i32
      %select_n3A_4064 = arith.select %and3A_4062, %add3A_4063, %rem3A_4054 : i32
      %mul3A_4065 = arith.constant 16 : i32
      %mul3A_4066 = arith.muli %select_n3A_4064, %mul3A_4065 : i32
      %get3A_4067 = arith.constant 60 : i32
      %get3A_4068 = arith.index_cast %select_n3A_4048 : i32 to index
      %get3A_4069 = arith.index_cast %get3A_4067 : i32 to index
      %get3A_4070 = arith.index_cast %mul3A_4066 : i32 to index
      %get3A_4071 = tpu.vector_load %arg10[%get3A_4068, %get3A_4069, %get3A_4070] {strides = array<i32>} : memref<4x64x128xf32, #tpu.memory_space<vmem>>, vector<16xf32>,
      %add3A_4072 = arith.constant 60 : i32
      %add3A_4073 = vector.broadcast %add3A_4072 : i32 to vector<16xi32>
      %add3A_4074 = arith.addi %select_n3A_779, %add3A_4073 : vector<16xi32>
      %gather3A_4075 = tpu.vector_load_idx %arg9[%add3A_783, %add3A_4074] : memref<512x128xf32, #tpu.memory_space<vmem>>[vector<16xi32>, vector<16xi32>], vector<16xf32>,
      %sub3A_4076 = arith.subf %get3A_4071, %gather3A_4075 : vector<16xf32>
      %mul3A_4077 = arith.mulf %sub3A_4076, %sub3A_4076 : vector<16xf32>
      %add3A_4078 = arith.addf %add3A_4024, %mul3A_4077 : vector<16xf32>
      %jit3A_4079 = arith.constant 8 : i32
      %div3A_4080 = arith.divsi %scan3A_732, %jit3A_4079 : i32
      %sign3A_4081 = arith.constant 0 : i32
      %sign3A_4082 = arith.cmpi sgt, %scan3A_732, %sign3A_4081 : i32
      %sign3A_4083 = arith.extui %sign3A_4082 : i1 to i32
      %sign3A_4084 = arith.constant 0 : i32
      %sign3A_4085 = arith.cmpi slt, %scan3A_732, %sign3A_4084 : i32
      %sign3A_4086 = arith.extui %sign3A_4085 : i1 to i32
      %sign3A_4087 = arith.subi %sign3A_4083, %sign3A_4086 : i32
      %sign3A_4088 = arith.constant 0 : i32
      %sign3A_4089 = arith.cmpi sgt, %jit3A_4079, %sign3A_4088 : i32
      %sign3A_4090 = arith.extui %sign3A_4089 : i1 to i32
      %sign3A_4091 = arith.constant 0 : i32
      %sign3A_4092 = arith.cmpi slt, %jit3A_4079, %sign3A_4091 : i32
      %sign3A_4093 = arith.extui %sign3A_4092 : i1 to i32
      %sign3A_4094 = arith.subi %sign3A_4090, %sign3A_4093 : i32
      %ne3A_4095 = arith.cmpi ne, %sign3A_4087, %sign3A_4094 : i32
      %rem3A_4096 = arith.remsi %scan3A_732, %jit3A_4079 : i32
      %ne3A_4097 = arith.constant 0 : i32
      %ne3A_4098 = arith.cmpi ne, %rem3A_4096, %ne3A_4097 : i32
      %and3A_4099 = arith.andi %ne3A_4095, %ne3A_4098 : i1
      %sub3A_4100 = arith.constant 1 : i32
      %sub3A_4101 = arith.subi %div3A_4080, %sub3A_4100 : i32
      %select_n3A_4102 = arith.select %and3A_4099, %sub3A_4101, %div3A_4080 : i32
      %jit3A_4103 = arith.constant 8 : i32
      %eq3A_4104 = arith.constant 0 : i32
      %eq3A_4105 = arith.cmpi eq, %jit3A_4103, %eq3A_4104 : i32
      %jit3A_4106 = arith.constant 1 : i32
      %select_n3A_4107 = arith.select %eq3A_4105, %jit3A_4106, %jit3A_4103 : i32
      %rem3A_4108 = arith.remsi %scan3A_732, %select_n3A_4107 : i32
      %ne3A_4109 = arith.constant 0 : i32
      %ne3A_4110 = arith.cmpi ne, %rem3A_4108, %ne3A_4109 : i32
      %lt3A_4111 = arith.constant 0 : i32
      %lt3A_4112 = arith.cmpi slt, %rem3A_4108, %lt3A_4111 : i32
      %lt3A_4113 = arith.constant 0 : i32
      %lt3A_4114 = arith.cmpi slt, %select_n3A_4107, %lt3A_4113 : i32
      %ne3A_4115 = arith.xori %lt3A_4112, %lt3A_4114 : i1
      %and3A_4116 = arith.andi %ne3A_4115, %ne3A_4110 : i1
      %add3A_4117 = arith.addi %rem3A_4108, %select_n3A_4107 : i32
      %select_n3A_4118 = arith.select %and3A_4116, %add3A_4117, %rem3A_4108 : i32
      %mul3A_4119 = arith.constant 16 : i32
      %mul3A_4120 = arith.muli %select_n3A_4118, %mul3A_4119 : i32
      %get3A_4121 = arith.constant 61 : i32
      %get3A_4122 = arith.index_cast %select_n3A_4102 : i32 to index
      %get3A_4123 = arith.index_cast %get3A_4121 : i32 to index
      %get3A_4124 = arith.index_cast %mul3A_4120 : i32 to index
      %get3A_4125 = tpu.vector_load %arg10[%get3A_4122, %get3A_4123, %get3A_4124] {strides = array<i32>} : memref<4x64x128xf32, #tpu.memory_space<vmem>>, vector<16xf32>,
      %add3A_4126 = arith.constant 61 : i32
      %add3A_4127 = vector.broadcast %add3A_4126 : i32 to vector<16xi32>
      %add3A_4128 = arith.addi %select_n3A_779, %add3A_4127 : vector<16xi32>
      %gather3A_4129 = tpu.vector_load_idx %arg9[%add3A_783, %add3A_4128] : memref<512x128xf32, #tpu.memory_space<vmem>>[vector<16xi32>, vector<16xi32>], vector<16xf32>,
      %sub3A_4130 = arith.subf %get3A_4125, %gather3A_4129 : vector<16xf32>
      %mul3A_4131 = arith.mulf %sub3A_4130, %sub3A_4130 : vector<16xf32>
      %add3A_4132 = arith.addf %add3A_4078, %mul3A_4131 : vector<16xf32>
      %jit3A_4133 = arith.constant 8 : i32
      %div3A_4134 = arith.divsi %scan3A_732, %jit3A_4133 : i32
      %sign3A_4135 = arith.constant 0 : i32
      %sign3A_4136 = arith.cmpi sgt, %scan3A_732, %sign3A_4135 : i32
      %sign3A_4137 = arith.extui %sign3A_4136 : i1 to i32
      %sign3A_4138 = arith.constant 0 : i32
      %sign3A_4139 = arith.cmpi slt, %scan3A_732, %sign3A_4138 : i32
      %sign3A_4140 = arith.extui %sign3A_4139 : i1 to i32
      %sign3A_4141 = arith.subi %sign3A_4137, %sign3A_4140 : i32
      %sign3A_4142 = arith.constant 0 : i32
      %sign3A_4143 = arith.cmpi sgt, %jit3A_4133, %sign3A_4142 : i32
      %sign3A_4144 = arith.extui %sign3A_4143 : i1 to i32
      %sign3A_4145 = arith.constant 0 : i32
      %sign3A_4146 = arith.cmpi slt, %jit3A_4133, %sign3A_4145 : i32
      %sign3A_4147 = arith.extui %sign3A_4146 : i1 to i32
      %sign3A_4148 = arith.subi %sign3A_4144, %sign3A_4147 : i32
      %ne3A_4149 = arith.cmpi ne, %sign3A_4141, %sign3A_4148 : i32
      %rem3A_4150 = arith.remsi %scan3A_732, %jit3A_4133 : i32
      %ne3A_4151 = arith.constant 0 : i32
      %ne3A_4152 = arith.cmpi ne, %rem3A_4150, %ne3A_4151 : i32
      %and3A_4153 = arith.andi %ne3A_4149, %ne3A_4152 : i1
      %sub3A_4154 = arith.constant 1 : i32
      %sub3A_4155 = arith.subi %div3A_4134, %sub3A_4154 : i32
      %select_n3A_4156 = arith.select %and3A_4153, %sub3A_4155, %div3A_4134 : i32
      %jit3A_4157 = arith.constant 8 : i32
      %eq3A_4158 = arith.constant 0 : i32
      %eq3A_4159 = arith.cmpi eq, %jit3A_4157, %eq3A_4158 : i32
      %jit3A_4160 = arith.constant 1 : i32
      %select_n3A_4161 = arith.select %eq3A_4159, %jit3A_4160, %jit3A_4157 : i32
      %rem3A_4162 = arith.remsi %scan3A_732, %select_n3A_4161 : i32
      %ne3A_4163 = arith.constant 0 : i32
      %ne3A_4164 = arith.cmpi ne, %rem3A_4162, %ne3A_4163 : i32
      %lt3A_4165 = arith.constant 0 : i32
      %lt3A_4166 = arith.cmpi slt, %rem3A_4162, %lt3A_4165 : i32
      %lt3A_4167 = arith.constant 0 : i32
      %lt3A_4168 = arith.cmpi slt, %select_n3A_4161, %lt3A_4167 : i32
      %ne3A_4169 = arith.xori %lt3A_4166, %lt3A_4168 : i1
      %and3A_4170 = arith.andi %ne3A_4169, %ne3A_4164 : i1
      %add3A_4171 = arith.addi %rem3A_4162, %select_n3A_4161 : i32
      %select_n3A_4172 = arith.select %and3A_4170, %add3A_4171, %rem3A_4162 : i32
      %mul3A_4173 = arith.constant 16 : i32
      %mul3A_4174 = arith.muli %select_n3A_4172, %mul3A_4173 : i32
      %get3A_4175 = arith.constant 62 : i32
      %get3A_4176 = arith.index_cast %select_n3A_4156 : i32 to index
      %get3A_4177 = arith.index_cast %get3A_4175 : i32 to index
      %get3A_4178 = arith.index_cast %mul3A_4174 : i32 to index
      %get3A_4179 = tpu.vector_load %arg10[%get3A_4176, %get3A_4177, %get3A_4178] {strides = array<i32>} : memref<4x64x128xf32, #tpu.memory_space<vmem>>, vector<16xf32>,
      %add3A_4180 = arith.constant 62 : i32
      %add3A_4181 = vector.broadcast %add3A_4180 : i32 to vector<16xi32>
      %add3A_4182 = arith.addi %select_n3A_779, %add3A_4181 : vector<16xi32>
      %gather3A_4183 = tpu.vector_load_idx %arg9[%add3A_783, %add3A_4182] : memref<512x128xf32, #tpu.memory_space<vmem>>[vector<16xi32>, vector<16xi32>], vector<16xf32>,
      %sub3A_4184 = arith.subf %get3A_4179, %gather3A_4183 : vector<16xf32>
      %mul3A_4185 = arith.mulf %sub3A_4184, %sub3A_4184 : vector<16xf32>
      %add3A_4186 = arith.addf %add3A_4132, %mul3A_4185 : vector<16xf32>
      %jit3A_4187 = arith.constant 8 : i32
      %div3A_4188 = arith.divsi %scan3A_732, %jit3A_4187 : i32
      %sign3A_4189 = arith.constant 0 : i32
      %sign3A_4190 = arith.cmpi sgt, %scan3A_732, %sign3A_4189 : i32
      %sign3A_4191 = arith.extui %sign3A_4190 : i1 to i32
      %sign3A_4192 = arith.constant 0 : i32
      %sign3A_4193 = arith.cmpi slt, %scan3A_732, %sign3A_4192 : i32
      %sign3A_4194 = arith.extui %sign3A_4193 : i1 to i32
      %sign3A_4195 = arith.subi %sign3A_4191, %sign3A_4194 : i32
      %sign3A_4196 = arith.constant 0 : i32
      %sign3A_4197 = arith.cmpi sgt, %jit3A_4187, %sign3A_4196 : i32
      %sign3A_4198 = arith.extui %sign3A_4197 : i1 to i32
      %sign3A_4199 = arith.constant 0 : i32
      %sign3A_4200 = arith.cmpi slt, %jit3A_4187, %sign3A_4199 : i32
      %sign3A_4201 = arith.extui %sign3A_4200 : i1 to i32
      %sign3A_4202 = arith.subi %sign3A_4198, %sign3A_4201 : i32
      %ne3A_4203 = arith.cmpi ne, %sign3A_4195, %sign3A_4202 : i32
      %rem3A_4204 = arith.remsi %scan3A_732, %jit3A_4187 : i32
      %ne3A_4205 = arith.constant 0 : i32
      %ne3A_4206 = arith.cmpi ne, %rem3A_4204, %ne3A_4205 : i32
      %and3A_4207 = arith.andi %ne3A_4203, %ne3A_4206 : i1
      %sub3A_4208 = arith.constant 1 : i32
      %sub3A_4209 = arith.subi %div3A_4188, %sub3A_4208 : i32
      %select_n3A_4210 = arith.select %and3A_4207, %sub3A_4209, %div3A_4188 : i32
      %jit3A_4211 = arith.constant 8 : i32
      %eq3A_4212 = arith.constant 0 : i32
      %eq3A_4213 = arith.cmpi eq, %jit3A_4211, %eq3A_4212 : i32
      %jit3A_4214 = arith.constant 1 : i32
      %select_n3A_4215 = arith.select %eq3A_4213, %jit3A_4214, %jit3A_4211 : i32
      %rem3A_4216 = arith.remsi %scan3A_732, %select_n3A_4215 : i32
      %ne3A_4217 = arith.constant 0 : i32
      %ne3A_4218 = arith.cmpi ne, %rem3A_4216, %ne3A_4217 : i32
      %lt3A_4219 = arith.constant 0 : i32
      %lt3A_4220 = arith.cmpi slt, %rem3A_4216, %lt3A_4219 : i32
      %lt3A_4221 = arith.constant 0 : i32
      %lt3A_4222 = arith.cmpi slt, %select_n3A_4215, %lt3A_4221 : i32
      %ne3A_4223 = arith.xori %lt3A_4220, %lt3A_4222 : i1
      %and3A_4224 = arith.andi %ne3A_4223, %ne3A_4218 : i1
      %add3A_4225 = arith.addi %rem3A_4216, %select_n3A_4215 : i32
      %select_n3A_4226 = arith.select %and3A_4224, %add3A_4225, %rem3A_4216 : i32
      %mul3A_4227 = arith.constant 16 : i32
      %mul3A_4228 = arith.muli %select_n3A_4226, %mul3A_4227 : i32
      %get3A_4229 = arith.constant 63 : i32
      %get3A_4230 = arith.index_cast %select_n3A_4210 : i32 to index
      %get3A_4231 = arith.index_cast %get3A_4229 : i32 to index
      %get3A_4232 = arith.index_cast %mul3A_4228 : i32 to index
      %get3A_4233 = tpu.vector_load %arg10[%get3A_4230, %get3A_4231, %get3A_4232] {strides = array<i32>} : memref<4x64x128xf32, #tpu.memory_space<vmem>>, vector<16xf32>,
      %add3A_4234 = arith.constant 63 : i32
      %add3A_4235 = vector.broadcast %add3A_4234 : i32 to vector<16xi32>
      %add3A_4236 = arith.addi %select_n3A_779, %add3A_4235 : vector<16xi32>
      %gather3A_4237 = tpu.vector_load_idx %arg9[%add3A_783, %add3A_4236] : memref<512x128xf32, #tpu.memory_space<vmem>>[vector<16xi32>, vector<16xi32>], vector<16xf32>,
      %sub3A_4238 = arith.subf %get3A_4233, %gather3A_4237 : vector<16xf32>
      %mul3A_4239 = arith.mulf %sub3A_4238, %sub3A_4238 : vector<16xf32>
      %add3A_4240 = arith.addf %add3A_4186, %mul3A_4239 : vector<16xf32>
      %jit3A_4241 = arith.constant 8 : i32
      %div3A_4242 = arith.divsi %scan3A_732, %jit3A_4241 : i32
      %sign3A_4243 = arith.constant 0 : i32
      %sign3A_4244 = arith.cmpi sgt, %scan3A_732, %sign3A_4243 : i32
      %sign3A_4245 = arith.extui %sign3A_4244 : i1 to i32
      %sign3A_4246 = arith.constant 0 : i32
      %sign3A_4247 = arith.cmpi slt, %scan3A_732, %sign3A_4246 : i32
      %sign3A_4248 = arith.extui %sign3A_4247 : i1 to i32
      %sign3A_4249 = arith.subi %sign3A_4245, %sign3A_4248 : i32
      %sign3A_4250 = arith.constant 0 : i32
      %sign3A_4251 = arith.cmpi sgt, %jit3A_4241, %sign3A_4250 : i32
      %sign3A_4252 = arith.extui %sign3A_4251 : i1 to i32
      %sign3A_4253 = arith.constant 0 : i32
      %sign3A_4254 = arith.cmpi slt, %jit3A_4241, %sign3A_4253 : i32
      %sign3A_4255 = arith.extui %sign3A_4254 : i1 to i32
      %sign3A_4256 = arith.subi %sign3A_4252, %sign3A_4255 : i32
      %ne3A_4257 = arith.cmpi ne, %sign3A_4249, %sign3A_4256 : i32
      %rem3A_4258 = arith.remsi %scan3A_732, %jit3A_4241 : i32
      %ne3A_4259 = arith.constant 0 : i32
      %ne3A_4260 = arith.cmpi ne, %rem3A_4258, %ne3A_4259 : i32
      %and3A_4261 = arith.andi %ne3A_4257, %ne3A_4260 : i1
      %sub3A_4262 = arith.constant 1 : i32
      %sub3A_4263 = arith.subi %div3A_4242, %sub3A_4262 : i32
      %select_n3A_4264 = arith.select %and3A_4261, %sub3A_4263, %div3A_4242 : i32
      %jit3A_4265 = arith.constant 8 : i32
      %eq3A_4266 = arith.constant 0 : i32
      %eq3A_4267 = arith.cmpi eq, %jit3A_4265, %eq3A_4266 : i32
      %jit3A_4268 = arith.constant 1 : i32
      %select_n3A_4269 = arith.select %eq3A_4267, %jit3A_4268, %jit3A_4265 : i32
      %rem3A_4270 = arith.remsi %scan3A_732, %select_n3A_4269 : i32
      %ne3A_4271 = arith.constant 0 : i32
      %ne3A_4272 = arith.cmpi ne, %rem3A_4270, %ne3A_4271 : i32
      %lt3A_4273 = arith.constant 0 : i32
      %lt3A_4274 = arith.cmpi slt, %rem3A_4270, %lt3A_4273 : i32
      %lt3A_4275 = arith.constant 0 : i32
      %lt3A_4276 = arith.cmpi slt, %select_n3A_4269, %lt3A_4275 : i32
      %ne3A_4277 = arith.xori %lt3A_4274, %lt3A_4276 : i1
      %and3A_4278 = arith.andi %ne3A_4277, %ne3A_4272 : i1
      %add3A_4279 = arith.addi %rem3A_4270, %select_n3A_4269 : i32
      %select_n3A_4280 = arith.select %and3A_4278, %add3A_4279, %rem3A_4270 : i32
      %mul3A_4281 = arith.constant 16 : i32
      %mul3A_4282 = arith.muli %select_n3A_4280, %mul3A_4281 : i32
      %get3A_4283 = arith.index_cast %select_n3A_4264 : i32 to index
      %get3A_4284 = arith.index_cast %mul3A_4282 : i32 to index
      %get3A_4285 = tpu.vector_load %arg11[%get3A_4283, %get3A_4284] {strides = array<i32>} : memref<4x128xf32, #tpu.memory_space<vmem>>, vector<16xf32>,
      %bitcast3A = vector.bitcast %add3A_4240 : vector<16xf32> to vector<16xi32>
      %shift_right_arithmetic3A = arith.constant 1 : i32
      %shift_right_arithmetic3A_4286 = vector.broadcast %shift_right_arithmetic3A : i32 to vector<16xi32>
      %shift_right_arithmetic3A_4287 = arith.shrsi %bitcast3A, %shift_right_arithmetic3A_4286 : vector<16xi32>
      %sub3A_4288 = arith.constant 1597463007 : i32
      %sub3A_4289 = vector.broadcast %sub3A_4288 : i32 to vector<16xi32>
      %sub3A_4290 = arith.subi %sub3A_4289, %shift_right_arithmetic3A_4287 : vector<16xi32>
      %bitcast3A_4291 = vector.bitcast %sub3A_4290 : vector<16xi32> to vector<16xf32>
      %mul3A_4292 = arith.constant 5.000000e-01 : f32
      %mul3A_4293 = vector.broadcast %mul3A_4292 : f32 to vector<16xf32>
      %mul3A_4294 = arith.mulf %mul3A_4293, %add3A_4240 : vector<16xf32>
      %mul3A_4295 = arith.mulf %mul3A_4294, %bitcast3A_4291 : vector<16xf32>
      %mul3A_4296 = arith.mulf %mul3A_4295, %bitcast3A_4291 : vector<16xf32>
      %sub3A_4297 = arith.constant 1.500000e+00 : f32
      %sub3A_4298 = vector.broadcast %sub3A_4297 : f32 to vector<16xf32>
      %sub3A_4299 = arith.subf %sub3A_4298, %mul3A_4296 : vector<16xf32>
      %mul3A_4300 = arith.mulf %bitcast3A_4291, %sub3A_4299 : vector<16xf32>
      %mul3A_4301 = arith.mulf %mul3A_4294, %mul3A_4300 : vector<16xf32>
      %mul3A_4302 = arith.mulf %mul3A_4301, %mul3A_4300 : vector<16xf32>
      %sub3A_4303 = arith.constant 1.500000e+00 : f32
      %sub3A_4304 = vector.broadcast %sub3A_4303 : f32 to vector<16xf32>
      %sub3A_4305 = arith.subf %sub3A_4304, %mul3A_4302 : vector<16xf32>
      %mul3A_4306 = arith.mulf %mul3A_4300, %sub3A_4305 : vector<16xf32>
      %mul3A_4307 = arith.mulf %mul3A_4294, %mul3A_4306 : vector<16xf32>
      %mul3A_4308 = arith.mulf %mul3A_4307, %mul3A_4306 : vector<16xf32>
      %sub3A_4309 = arith.constant 1.500000e+00 : f32
      %sub3A_4310 = vector.broadcast %sub3A_4309 : f32 to vector<16xf32>
      %sub3A_4311 = arith.subf %sub3A_4310, %mul3A_4308 : vector<16xf32>
      %mul3A_4312 = arith.mulf %mul3A_4306, %sub3A_4311 : vector<16xf32>
      %mul3A_4313 = arith.mulf %mul3A_4294, %mul3A_4312 : vector<16xf32>
      %mul3A_4314 = arith.mulf %mul3A_4313, %mul3A_4312 : vector<16xf32>
      %sub3A_4315 = arith.constant 1.500000e+00 : f32
      %sub3A_4316 = vector.broadcast %sub3A_4315 : f32 to vector<16xf32>
      %sub3A_4317 = arith.subf %sub3A_4316, %mul3A_4314 : vector<16xf32>
      %mul3A_4318 = arith.mulf %mul3A_4312, %sub3A_4317 : vector<16xf32>
      %mul3A_4319 = arith.mulf %add3A_4240, %mul3A_4318 : vector<16xf32>
      %div3A_4320 = arith.divf %mul3A_4319, %get3A_4285 : vector<16xf32>
      %add3A_4321 = arith.addf %scan3A_733, %div3A_4320 : vector<16xf32>
      scf.yield %add3A_4321 : vector<16xf32>
    }
    %scan3A_699 = arith.constant 32 : i32
    %swap3A_700 = arith.constant 0 : index
    %swap3A_701 = tpu.vector_load %arg12[%swap3A_700] {strides = array<i32>} : memref<128xf32, #tpu.memory_space<vmem>>, vector<16xf32>,
    tpu.vector_store %arg12[%swap3A_700], %scan3A_698 {strides = array<i32>} : memref<128xf32, #tpu.memory_space<vmem>>, vector<16xf32>,
    %broadcast_in_dim3A_702 = arith.constant 0.000000e+00 : f32
    %broadcast_in_dim3A_703 = vector.broadcast %broadcast_in_dim3A_702 : f32 to vector<16xf32>
    %swap3A_704 = arith.constant 16 : index
    %swap3A_705 = tpu.vector_load %arg12[%swap3A_704] {strides = array<i32>} : memref<128xf32, #tpu.memory_space<vmem>>, vector<16xf32>,
    tpu.vector_store %arg12[%swap3A_704], %broadcast_in_dim3A_703 {strides = array<i32>} : memref<128xf32, #tpu.memory_space<vmem>>, vector<16xf32>,
    %broadcast_in_dim3A_706 = arith.constant 0.000000e+00 : f32
    %broadcast_in_dim3A_707 = vector.broadcast %broadcast_in_dim3A_706 : f32 to vector<16xf32>
    %swap3A_708 = arith.constant 32 : index
    %swap3A_709 = tpu.vector_load %arg12[%swap3A_708] {strides = array<i32>} : memref<128xf32, #tpu.memory_space<vmem>>, vector<16xf32>,
    tpu.vector_store %arg12[%swap3A_708], %broadcast_in_dim3A_707 {strides = array<i32>} : memref<128xf32, #tpu.memory_space<vmem>>, vector<16xf32>,
    %broadcast_in_dim3A_710 = arith.constant 0.000000e+00 : f32
    %broadcast_in_dim3A_711 = vector.broadcast %broadcast_in_dim3A_710 : f32 to vector<16xf32>
    %swap3A_712 = arith.constant 48 : index
    %swap3A_713 = tpu.vector_load %arg12[%swap3A_712] {strides = array<i32>} : memref<128xf32, #tpu.memory_space<vmem>>, vector<16xf32>,
    tpu.vector_store %arg12[%swap3A_712], %broadcast_in_dim3A_711 {strides = array<i32>} : memref<128xf32, #tpu.memory_space<vmem>>, vector<16xf32>,
    %broadcast_in_dim3A_714 = arith.constant 0.000000e+00 : f32
    %broadcast_in_dim3A_715 = vector.broadcast %broadcast_in_dim3A_714 : f32 to vector<16xf32>
    %swap3A_716 = arith.constant 64 : index
    %swap3A_717 = tpu.vector_load %arg12[%swap3A_716] {strides = array<i32>} : memref<128xf32, #tpu.memory_space<vmem>>, vector<16xf32>,
    tpu.vector_store %arg12[%swap3A_716], %broadcast_in_dim3A_715 {strides = array<i32>} : memref<128xf32, #tpu.memory_space<vmem>>, vector<16xf32>,
    %broadcast_in_dim3A_718 = arith.constant 0.000000e+00 : f32
    %broadcast_in_dim3A_719 = vector.broadcast %broadcast_in_dim3A_718 : f32 to vector<16xf32>
    %swap3A_720 = arith.constant 80 : index
    %swap3A_721 = tpu.vector_load %arg12[%swap3A_720] {strides = array<i32>} : memref<128xf32, #tpu.memory_space<vmem>>, vector<16xf32>,
    tpu.vector_store %arg12[%swap3A_720], %broadcast_in_dim3A_719 {strides = array<i32>} : memref<128xf32, #tpu.memory_space<vmem>>, vector<16xf32>,
    %broadcast_in_dim3A_722 = arith.constant 0.000000e+00 : f32
    %broadcast_in_dim3A_723 = vector.broadcast %broadcast_in_dim3A_722 : f32 to vector<16xf32>
    %swap3A_724 = arith.constant 96 : index
    %swap3A_725 = tpu.vector_load %arg12[%swap3A_724] {strides = array<i32>} : memref<128xf32, #tpu.memory_space<vmem>>, vector<16xf32>,
    tpu.vector_store %arg12[%swap3A_724], %broadcast_in_dim3A_723 {strides = array<i32>} : memref<128xf32, #tpu.memory_space<vmem>>, vector<16xf32>,
    %broadcast_in_dim3A_726 = arith.constant 0.000000e+00 : f32
    %broadcast_in_dim3A_727 = vector.broadcast %broadcast_in_dim3A_726 : f32 to vector<16xf32>
    %swap3A_728 = arith.constant 112 : index
    %swap3A_729 = tpu.vector_load %arg12[%swap3A_728] {strides = array<i32>} : memref<128xf32, #tpu.memory_space<vmem>>, vector<16xf32>,
    tpu.vector_store %arg12[%swap3A_728], %broadcast_in_dim3A_727 {strides = array<i32>} : memref<128xf32, #tpu.memory_space<vmem>>, vector<16xf32>,
    "tpu.region"() ({
      %run_scoped3A = tpu.sem_alloc : memref<!tpu.dma_semaphore, #tpu.memory_space<semaphore_mem>>
      %dma_start3A_732 = arith.constant 0 : i32
      %dma_start3A_733 = tpu.memref_slice %arg15[%arg1, %dma_start3A_732] : memref<16x128xf32, #tpu.memory_space<vmem_shared>> -> memref<1x128xf32, #tpu.memory_space<vmem_shared>>
      %dma_start3A_734 = tpu.memref_squeeze %dma_start3A_733 : memref<1x128xf32, #tpu.memory_space<vmem_shared>> -> memref<128xf32, #tpu.memory_space<vmem_shared>>
      %dma_start3A_735 = arith.constant 0 : i32
      %dma_start3A_736 = tpu.memref_slice %arg15[%arg1, %dma_start3A_735] : memref<16x128xf32, #tpu.memory_space<vmem_shared>> -> memref<1x128xf32, #tpu.memory_space<vmem_shared>>
      %dma_start3A_737 = tpu.memref_squeeze %dma_start3A_736 : memref<1x128xf32, #tpu.memory_space<vmem_shared>> -> memref<128xf32, #tpu.memory_space<vmem_shared>>
      tpu.enqueue_dma source(%arg12 : memref<128xf32, #tpu.memory_space<vmem>>) target(%dma_start3A_737 : memref<128xf32, #tpu.memory_space<vmem_shared>>) target_semaphore(%run_scoped3A : memref<!tpu.dma_semaphore, #tpu.memory_space<semaphore_mem>>)
      %dma_wait3A_738 = arith.constant 0 : i32
      %dma_wait3A_739 = tpu.memref_slice %arg15[%arg1, %dma_wait3A_738] : memref<16x128xf32, #tpu.memory_space<vmem_shared>> -> memref<1x128xf32, #tpu.memory_space<vmem_shared>>
      %dma_wait3A_740 = tpu.memref_squeeze %dma_wait3A_739 : memref<1x128xf32, #tpu.memory_space<vmem_shared>> -> memref<128xf32, #tpu.memory_space<vmem_shared>>
      %dma_wait3A_741 = arith.constant 0 : i32
      %dma_wait3A_742 = tpu.memref_slice %arg15[%arg1, %dma_wait3A_741] : memref<16x128xf32, #tpu.memory_space<vmem_shared>> -> memref<1x128xf32, #tpu.memory_space<vmem_shared>>
      %dma_wait3A_743 = tpu.memref_squeeze %dma_wait3A_742 : memref<1x128xf32, #tpu.memory_space<vmem_shared>> -> memref<128xf32, #tpu.memory_space<vmem_shared>>
      tpu.wait_dma2 semaphore(%run_scoped3A : memref<!tpu.dma_semaphore, #tpu.memory_space<semaphore_mem>>) src(%arg12 : memref<128xf32, #tpu.memory_space<vmem>>) dst(%dma_wait3A_743 : memref<128xf32, #tpu.memory_space<vmem_shared>>)
      tpu.yield
    }) : () -> ()
    %barrier3A = arith.constant 0 : index
    tpu.barrier barrier_id(%barrier3A)
    %eq3A = arith.constant 0 : i32
    %eq3A_730 = arith.cmpi eq, %arg1, %eq3A : i32
    %convert_element_type3A = arith.extui %eq3A_730 : i1 to i32
    %cond3A = arith.constant 0 : i32
    %cond3A_731 = arith.cmpi ne, %convert_element_type3A, %cond3A : i32
    scf.if %cond3A_731 {
      "tpu.region"() ({
        %run_scoped3A = tpu.sem_alloc : memref<!tpu.dma_semaphore, #tpu.memory_space<semaphore_mem>>
        tpu.enqueue_dma source(%arg15 : memref<16x128xf32, #tpu.memory_space<vmem_shared>>) target(%arg13 : memref<16x128xf32, #tpu.memory_space<vmem>>) target_semaphore(%run_scoped3A : memref<!tpu.dma_semaphore, #tpu.memory_space<semaphore_mem>>)
        tpu.wait_dma2 semaphore(%run_scoped3A : memref<!tpu.dma_semaphore, #tpu.memory_space<semaphore_mem>>) src(%arg15 : memref<16x128xf32, #tpu.memory_space<vmem_shared>>) dst(%arg13 : memref<16x128xf32, #tpu.memory_space<vmem>>)
        tpu.yield
      }) : () -> ()
      %broadcast_in_dim3A_732 = arith.constant 0.000000e+00 : f32
      %broadcast_in_dim3A_733 = vector.broadcast %broadcast_in_dim3A_732 : f32 to vector<16xf32>
      %get3A_734 = arith.constant 0 : i32
      %get3A_735 = arith.index_cast %get3A_734 : i32 to index
      %get3A_736 = arith.constant 0 : index
      %get3A_737 = tpu.vector_load %arg13[%get3A_735, %get3A_736] {strides = array<i32>} : memref<16x128xf32, #tpu.memory_space<vmem>>, vector<16xf32>,
      %add3A_738 = arith.addf %broadcast_in_dim3A_733, %get3A_737 : vector<16xf32>
      %get3A_739 = arith.constant 1 : i32
      %get3A_740 = arith.index_cast %get3A_739 : i32 to index
      %get3A_741 = arith.constant 0 : index
      %get3A_742 = tpu.vector_load %arg13[%get3A_740, %get3A_741] {strides = array<i32>} : memref<16x128xf32, #tpu.memory_space<vmem>>, vector<16xf32>,
      %add3A_743 = arith.addf %add3A_738, %get3A_742 : vector<16xf32>
      %get3A_744 = arith.constant 2 : i32
      %get3A_745 = arith.index_cast %get3A_744 : i32 to index
      %get3A_746 = arith.constant 0 : index
      %get3A_747 = tpu.vector_load %arg13[%get3A_745, %get3A_746] {strides = array<i32>} : memref<16x128xf32, #tpu.memory_space<vmem>>, vector<16xf32>,
      %add3A_748 = arith.addf %add3A_743, %get3A_747 : vector<16xf32>
      %get3A_749 = arith.constant 3 : i32
      %get3A_750 = arith.index_cast %get3A_749 : i32 to index
      %get3A_751 = arith.constant 0 : index
      %get3A_752 = tpu.vector_load %arg13[%get3A_750, %get3A_751] {strides = array<i32>} : memref<16x128xf32, #tpu.memory_space<vmem>>, vector<16xf32>,
      %add3A_753 = arith.addf %add3A_748, %get3A_752 : vector<16xf32>
      %get3A_754 = arith.constant 4 : i32
      %get3A_755 = arith.index_cast %get3A_754 : i32 to index
      %get3A_756 = arith.constant 0 : index
      %get3A_757 = tpu.vector_load %arg13[%get3A_755, %get3A_756] {strides = array<i32>} : memref<16x128xf32, #tpu.memory_space<vmem>>, vector<16xf32>,
      %add3A_758 = arith.addf %add3A_753, %get3A_757 : vector<16xf32>
      %get3A_759 = arith.constant 5 : i32
      %get3A_760 = arith.index_cast %get3A_759 : i32 to index
      %get3A_761 = arith.constant 0 : index
      %get3A_762 = tpu.vector_load %arg13[%get3A_760, %get3A_761] {strides = array<i32>} : memref<16x128xf32, #tpu.memory_space<vmem>>, vector<16xf32>,
      %add3A_763 = arith.addf %add3A_758, %get3A_762 : vector<16xf32>
      %get3A_764 = arith.constant 6 : i32
      %get3A_765 = arith.index_cast %get3A_764 : i32 to index
      %get3A_766 = arith.constant 0 : index
      %get3A_767 = tpu.vector_load %arg13[%get3A_765, %get3A_766] {strides = array<i32>} : memref<16x128xf32, #tpu.memory_space<vmem>>, vector<16xf32>,
      %add3A_768 = arith.addf %add3A_763, %get3A_767 : vector<16xf32>
      %get3A_769 = arith.constant 7 : i32
      %get3A_770 = arith.index_cast %get3A_769 : i32 to index
      %get3A_771 = arith.constant 0 : index
      %get3A_772 = tpu.vector_load %arg13[%get3A_770, %get3A_771] {strides = array<i32>} : memref<16x128xf32, #tpu.memory_space<vmem>>, vector<16xf32>,
      %add3A_773 = arith.addf %add3A_768, %get3A_772 : vector<16xf32>
      %get3A_774 = arith.constant 8 : i32
      %get3A_775 = arith.index_cast %get3A_774 : i32 to index
      %get3A_776 = arith.constant 0 : index
      %get3A_777 = tpu.vector_load %arg13[%get3A_775, %get3A_776] {strides = array<i32>} : memref<16x128xf32, #tpu.memory_space<vmem>>, vector<16xf32>,
      %add3A_778 = arith.addf %add3A_773, %get3A_777 : vector<16xf32>
      %get3A_779 = arith.constant 9 : i32
      %get3A_780 = arith.index_cast %get3A_779 : i32 to index
      %get3A_781 = arith.constant 0 : index
      %get3A_782 = tpu.vector_load %arg13[%get3A_780, %get3A_781] {strides = array<i32>} : memref<16x128xf32, #tpu.memory_space<vmem>>, vector<16xf32>,
      %add3A_783 = arith.addf %add3A_778, %get3A_782 : vector<16xf32>
      %get3A_784 = arith.constant 10 : i32
      %get3A_785 = arith.index_cast %get3A_784 : i32 to index
      %get3A_786 = arith.constant 0 : index
      %get3A_787 = tpu.vector_load %arg13[%get3A_785, %get3A_786] {strides = array<i32>} : memref<16x128xf32, #tpu.memory_space<vmem>>, vector<16xf32>,
      %add3A_788 = arith.addf %add3A_783, %get3A_787 : vector<16xf32>
      %get3A_789 = arith.constant 11 : i32
      %get3A_790 = arith.index_cast %get3A_789 : i32 to index
      %get3A_791 = arith.constant 0 : index
      %get3A_792 = tpu.vector_load %arg13[%get3A_790, %get3A_791] {strides = array<i32>} : memref<16x128xf32, #tpu.memory_space<vmem>>, vector<16xf32>,
      %add3A_793 = arith.addf %add3A_788, %get3A_792 : vector<16xf32>
      %get3A_794 = arith.constant 12 : i32
      %get3A_795 = arith.index_cast %get3A_794 : i32 to index
      %get3A_796 = arith.constant 0 : index
      %get3A_797 = tpu.vector_load %arg13[%get3A_795, %get3A_796] {strides = array<i32>} : memref<16x128xf32, #tpu.memory_space<vmem>>, vector<16xf32>,
      %add3A_798 = arith.addf %add3A_793, %get3A_797 : vector<16xf32>
      %get3A_799 = arith.constant 13 : i32
      %get3A_800 = arith.index_cast %get3A_799 : i32 to index
      %get3A_801 = arith.constant 0 : index
      %get3A_802 = tpu.vector_load %arg13[%get3A_800, %get3A_801] {strides = array<i32>} : memref<16x128xf32, #tpu.memory_space<vmem>>, vector<16xf32>,
      %add3A_803 = arith.addf %add3A_798, %get3A_802 : vector<16xf32>
      %get3A_804 = arith.constant 14 : i32
      %get3A_805 = arith.index_cast %get3A_804 : i32 to index
      %get3A_806 = arith.constant 0 : index
      %get3A_807 = tpu.vector_load %arg13[%get3A_805, %get3A_806] {strides = array<i32>} : memref<16x128xf32, #tpu.memory_space<vmem>>, vector<16xf32>,
      %add3A_808 = arith.addf %add3A_803, %get3A_807 : vector<16xf32>
      %get3A_809 = arith.constant 15 : i32
      %get3A_810 = arith.index_cast %get3A_809 : i32 to index
      %get3A_811 = arith.constant 0 : index
      %get3A_812 = tpu.vector_load %arg13[%get3A_810, %get3A_811] {strides = array<i32>} : memref<16x128xf32, #tpu.memory_space<vmem>>, vector<16xf32>,
      %add3A_813 = arith.addf %add3A_808, %get3A_812 : vector<16xf32>
      %reduce_sum3A = arith.constant true
      %reduce_sum3A_814 = vector.broadcast %reduce_sum3A : i1 to vector<16xi1>
      %reduce_sum3A_815 = tpu.scan <sum>, %add3A_813 masked %reduce_sum3A_814 : vector<16xf32>, vector<16xi1> -> vector<16xf32>
      %reduce_sum3A_816 = vector.extract %reduce_sum3A_815[15] : f32 from vector<16xf32>
      %broadcast_in_dim3A_817 = vector.broadcast %reduce_sum3A_816 : f32 to vector<16xf32>
      %swap3A_818 = arith.constant 0 : index
      %swap3A_819 = tpu.vector_load %arg14[%swap3A_818] {strides = array<i32>} : memref<128xf32, #tpu.memory_space<vmem>>, vector<16xf32>,
      tpu.vector_store %arg14[%swap3A_818], %broadcast_in_dim3A_817 {strides = array<i32>} : memref<128xf32, #tpu.memory_space<vmem>>, vector<16xf32>,
      %broadcast_in_dim3A_820 = vector.broadcast %reduce_sum3A_816 : f32 to vector<16xf32>
      %swap3A_821 = arith.constant 16 : index
      %swap3A_822 = tpu.vector_load %arg14[%swap3A_821] {strides = array<i32>} : memref<128xf32, #tpu.memory_space<vmem>>, vector<16xf32>,
      tpu.vector_store %arg14[%swap3A_821], %broadcast_in_dim3A_820 {strides = array<i32>} : memref<128xf32, #tpu.memory_space<vmem>>, vector<16xf32>,
      %broadcast_in_dim3A_823 = vector.broadcast %reduce_sum3A_816 : f32 to vector<16xf32>
      %swap3A_824 = arith.constant 32 : index
      %swap3A_825 = tpu.vector_load %arg14[%swap3A_824] {strides = array<i32>} : memref<128xf32, #tpu.memory_space<vmem>>, vector<16xf32>,
      tpu.vector_store %arg14[%swap3A_824], %broadcast_in_dim3A_823 {strides = array<i32>} : memref<128xf32, #tpu.memory_space<vmem>>, vector<16xf32>,
      %broadcast_in_dim3A_826 = vector.broadcast %reduce_sum3A_816 : f32 to vector<16xf32>
      %swap3A_827 = arith.constant 48 : index
      %swap3A_828 = tpu.vector_load %arg14[%swap3A_827] {strides = array<i32>} : memref<128xf32, #tpu.memory_space<vmem>>, vector<16xf32>,
      tpu.vector_store %arg14[%swap3A_827], %broadcast_in_dim3A_826 {strides = array<i32>} : memref<128xf32, #tpu.memory_space<vmem>>, vector<16xf32>,
      %broadcast_in_dim3A_829 = vector.broadcast %reduce_sum3A_816 : f32 to vector<16xf32>
      %swap3A_830 = arith.constant 64 : index
      %swap3A_831 = tpu.vector_load %arg14[%swap3A_830] {strides = array<i32>} : memref<128xf32, #tpu.memory_space<vmem>>, vector<16xf32>,
      tpu.vector_store %arg14[%swap3A_830], %broadcast_in_dim3A_829 {strides = array<i32>} : memref<128xf32, #tpu.memory_space<vmem>>, vector<16xf32>,
      %broadcast_in_dim3A_832 = vector.broadcast %reduce_sum3A_816 : f32 to vector<16xf32>
      %swap3A_833 = arith.constant 80 : index
      %swap3A_834 = tpu.vector_load %arg14[%swap3A_833] {strides = array<i32>} : memref<128xf32, #tpu.memory_space<vmem>>, vector<16xf32>,
      tpu.vector_store %arg14[%swap3A_833], %broadcast_in_dim3A_832 {strides = array<i32>} : memref<128xf32, #tpu.memory_space<vmem>>, vector<16xf32>,
      %broadcast_in_dim3A_835 = vector.broadcast %reduce_sum3A_816 : f32 to vector<16xf32>
      %swap3A_836 = arith.constant 96 : index
      %swap3A_837 = tpu.vector_load %arg14[%swap3A_836] {strides = array<i32>} : memref<128xf32, #tpu.memory_space<vmem>>, vector<16xf32>,
      tpu.vector_store %arg14[%swap3A_836], %broadcast_in_dim3A_835 {strides = array<i32>} : memref<128xf32, #tpu.memory_space<vmem>>, vector<16xf32>,
      %broadcast_in_dim3A_838 = vector.broadcast %reduce_sum3A_816 : f32 to vector<16xf32>
      %swap3A_839 = arith.constant 112 : index
      %swap3A_840 = tpu.vector_load %arg14[%swap3A_839] {strides = array<i32>} : memref<128xf32, #tpu.memory_space<vmem>>, vector<16xf32>,
      tpu.vector_store %arg14[%swap3A_839], %broadcast_in_dim3A_838 {strides = array<i32>} : memref<128xf32, #tpu.memory_space<vmem>>, vector<16xf32>,
      "tpu.region"() ({
        %run_scoped3A = tpu.sem_alloc : memref<!tpu.dma_semaphore, #tpu.memory_space<semaphore_mem>>
        %dma_start3A_841 = arith.constant 0 : i32
        %dma_start3A_842 = tpu.memref_slice %arg6[%arg0, %dma_start3A_841] : memref<2x128xf32, #tpu.memory_space<hbm>> -> memref<1x128xf32, #tpu.memory_space<hbm>>
        %dma_start3A_843 = tpu.memref_squeeze %dma_start3A_842 : memref<1x128xf32, #tpu.memory_space<hbm>> -> memref<128xf32, #tpu.memory_space<hbm>>
        %dma_start3A_844 = arith.constant 0 : i32
        %dma_start3A_845 = tpu.memref_slice %arg6[%arg0, %dma_start3A_844] : memref<2x128xf32, #tpu.memory_space<hbm>> -> memref<1x128xf32, #tpu.memory_space<hbm>>
        %dma_start3A_846 = tpu.memref_squeeze %dma_start3A_845 : memref<1x128xf32, #tpu.memory_space<hbm>> -> memref<128xf32, #tpu.memory_space<hbm>>
        tpu.enqueue_dma source(%arg14 : memref<128xf32, #tpu.memory_space<vmem>>) target(%dma_start3A_846 : memref<128xf32, #tpu.memory_space<hbm>>) target_semaphore(%run_scoped3A : memref<!tpu.dma_semaphore, #tpu.memory_space<semaphore_mem>>)
        %dma_wait3A_847 = arith.constant 0 : i32
        %dma_wait3A_848 = tpu.memref_slice %arg6[%arg0, %dma_wait3A_847] : memref<2x128xf32, #tpu.memory_space<hbm>> -> memref<1x128xf32, #tpu.memory_space<hbm>>
        %dma_wait3A_849 = tpu.memref_squeeze %dma_wait3A_848 : memref<1x128xf32, #tpu.memory_space<hbm>> -> memref<128xf32, #tpu.memory_space<hbm>>
        %dma_wait3A_850 = arith.constant 0 : i32
        %dma_wait3A_851 = tpu.memref_slice %arg6[%arg0, %dma_wait3A_850] : memref<2x128xf32, #tpu.memory_space<hbm>> -> memref<1x128xf32, #tpu.memory_space<hbm>>
        %dma_wait3A_852 = tpu.memref_squeeze %dma_wait3A_851 : memref<1x128xf32, #tpu.memory_space<hbm>> -> memref<128xf32, #tpu.memory_space<hbm>>
        tpu.wait_dma2 semaphore(%run_scoped3A : memref<!tpu.dma_semaphore, #tpu.memory_space<semaphore_mem>>) src(%arg14 : memref<128xf32, #tpu.memory_space<vmem>>) dst(%dma_wait3A_852 : memref<128xf32, #tpu.memory_space<hbm>>)
        tpu.yield
      }) : () -> ()
    } else {
    }
    return
  }
}

module attributes {stable_mosaic.version = 14 : i64} {
  func.func @_pack_body(%arg0: i32, %arg1: memref<64x8192xf32, #tpu.memory_space<vmem>>, %arg2: memref<64x8192xf32, #tpu.memory_space<vmem>>, %arg3: memref<8192x128xf32, #tpu.memory_space<vmem>>) attributes {dimension_semantics = [#tpu.dimension_semantics<arbitrary>], iteration_bounds = array<i64: 7>, scalar_prefetch = 0 : i64, scratch_operands = 0 : i64, tpu.core_type = #tpu.core_type<tc>, window_params = [{transform_indices = @transform_0, window_bounds = array<i64: 64, 8192>}, {transform_indices = @transform_1, window_bounds = array<i64: 64, 8192>}, {transform_indices = @transform_2, window_bounds = array<i64: 8192, 128>}]} {
    %iota3A = tpu.iota {dimensions = array<i32: 0>} : vector<64x64xi32>
    %iota3A_0 = tpu.iota {dimensions = array<i32: 1>} : vector<64x64xi32>
    %add3A = arith.constant 0 : i32
    %add3A_1 = vector.broadcast %add3A : i32 to vector<64x64xi32>
    %add3A_2 = arith.addi %iota3A, %add3A_1 : vector<64x64xi32>
    %eq3A = arith.cmpi eq, %add3A_2, %iota3A_0 : vector<64x64xi32>
    %convert_element_type3A = arith.extui %eq3A : vector<64x64xi1> to vector<64x64xi32>
    %convert_element_type3A_3 = arith.sitofp %convert_element_type3A : vector<64x64xi32> to vector<64x64xf32>
    %get3A = arith.constant 0 : index
    %get3A_4 = arith.constant 0 : index
    %get3A_5 = vector.load %arg1[%get3A, %get3A_4] : memref<64x8192xf32, #tpu.memory_space<vmem>>, vector<64x8192xf32>
    %dot_general3A = arith.constant dense<0.000000e+00> : vector<8192x64xf32>
    %dot_general3A_6 = tpu.matmul %get3A_5, %convert_element_type3A_3, %dot_general3A {dimension_numbers = #tpu.dot_dimension_numbers<[0], [0], [1], [1], [0, 1, 1, 1], [], []>, transpose_lhs_hint = false} : vector<64x8192xf32>, vector<64x64xf32>, vector<8192x64xf32> -> vector<8192x64xf32>
    %get3A_7 = arith.constant 0 : index
    %get3A_8 = arith.constant 0 : index
    %get3A_9 = vector.load %arg2[%get3A_7, %get3A_8] : memref<64x8192xf32, #tpu.memory_space<vmem>>, vector<64x8192xf32>
    %dot_general3A_10 = arith.constant dense<0.000000e+00> : vector<8192x64xf32>
    %dot_general3A_11 = tpu.matmul %get3A_9, %convert_element_type3A_3, %dot_general3A_10 {dimension_numbers = #tpu.dot_dimension_numbers<[0], [0], [1], [1], [0, 1, 1, 1], [], []>, transpose_lhs_hint = false} : vector<64x8192xf32>, vector<64x64xf32>, vector<8192x64xf32> -> vector<8192x64xf32>
    %concatenate3A = tpu.concatenate %dot_general3A_6, %dot_general3A_11 in 1 : vector<8192x64xf32>, vector<8192x64xf32> -> vector<8192x128xf32>
    %swap3A = arith.constant 0 : index
    %swap3A_12 = arith.constant 0 : index
    %swap3A_13 = vector.load %arg3[%swap3A, %swap3A_12] : memref<8192x128xf32, #tpu.memory_space<vmem>>, vector<8192x128xf32>
    tpu.vector_store %arg3[%swap3A, %swap3A_12], %concatenate3A {strides = array<i32>} : memref<8192x128xf32, #tpu.memory_space<vmem>>, vector<8192x128xf32>,
    return
  }
  func.func @transform_0(%arg0: i32) -> (i32, i32) {
    %c0_i32 = arith.constant 0 : i32
    %c0_i32_0 = arith.constant 0 : i32
    return %c0_i32, %arg0 : i32, i32
  }
  func.func @transform_1(%arg0: i32) -> (i32, i32) {
    %add3A = arith.constant 7 : i32
    %add3A_0 = arith.addi %arg0, %add3A : i32
    %min3A = arith.constant 12 : i32
    %min3A_1 = arith.minsi %add3A_0, %min3A : i32
    %c0_i32 = arith.constant 0 : i32
    %c0_i32_2 = arith.constant 0 : i32
    return %c0_i32, %min3A_1 : i32, i32
  }
  func.func @transform_2(%arg0: i32) -> (i32, i32) {
    %c0_i32 = arith.constant 0 : i32
    %c0_i32_0 = arith.constant 0 : i32
    return %arg0, %c0_i32 : i32, i32
  }
}

</mosaic_0001>

<sc_bundles>
// kernel: _center_loss.5.cloned.1.call-start
scs
__scs_entry_jumppad:
0x0: {  	(pc) =	sbr.rel $0x88, $3  }
0x1: {  	(tag) =	ssettag $0x0;
	lr =	simm.s32 $0x1  }
0x2: {  	[smem:$0x3F9E] =	sst lr;
	_ =	strace $0xD0000000  }
0x3: {  	_ = 	snop  }
0x4: {  	_ = 	snop  }
0x5: {  	_ = 	snop  }
0x6: {  	_ = 	snop  }
0x7: {  	_ = 	snop  }
__scs_overlays_trampoline_lowered:
0x8: {  	[smem:$0x3FAD] =	sst s0  }
0x9: {  	[smem:$0x3FAE] =	sst s1  }
0xa: {  	[smem:$0x3FAF] =	sst s2  }
0xb: {  	[smem:$0x3FB0] =	sst s3  }
0xc: {  	[smem:$0x3FB1] =	sst s4  }
0xd: {  	[smem:$0x3FB2] =	sst s5  }
0xe: {  	[smem:$0x3FB3] =	sst s6  }
0xf: {  	[smem:$0x3FB4] =	sst s7  }
0x10: {  	[smem:$0x3FB5] =	sst s8  }
0x11: {  	[smem:$0x3FB6] =	sst s9;
	s0 =	simm.s32 @!p0 $0x0  }
0x12: {  	s1 =	sld [smem:$0x3F9C];
	s0 =	simm.s32 @p0 $0x1  }
0x13: {  	[smem:$0x3FB7] =	sst s0;
	s0 =	simm.s32 @!p1 $0x0  }
0x14: {  	s2 =	sld [smem:$0x3F9B];
	s0 =	simm.s32 @p1 $0x1  }
0x15: {  	[smem:$0x3FB8] =	sst s0;
	s0 =	simm.s32 @!p2 $0x0  }
0x16: {  	s3 =	sld [smem:$0x3FDB];
	s0 =	simm.s32 @p2 $0x1  }
0x17: {  	s4 =	simm.s32 $0x1BF5;
	[smem:$0x3FBA] =	sst s0  }
0x18: {  	s0 =	sld [smem:$0x3F9D];
	_ =	swait.ge [sflag:s4], $0x0  }
0x19: {  	s7 =	sld [smem:$0x3F9E]  }
0x1a: {  	s8 =	sadd.s32 $0xFFFFE003, lr  }
0x1b: {  	s9 =	sadd.s32 $0xFFFFFEF7, lr;
	s5 =	simm.s32 $0xFFFFFFFF;
	p2 =	slt.u32 s8, $0xFFFFF086  }
0x1c: {  	p1 =	slt.u32 s9, $0xF7A;
	s5 =	simm.s32 @!p2 $0x0  }
0x1d: {  	s5 =	simm.s32 @p1 $0x1;
	p0 =	seq.s32 s7, s2  }
0x1e: {  	s7 =	smul.u32 @!p0 $0xF7A, s2;
	p2 =	seq.s32 @!p0 s5, $0x0  }
0x1f: {  	s9 =	smul.u32 $0xF7A, s1;
	s8 =	simm.s32 @!p0 $0x1BF5;
	p2 =	por !p2, p0  }
0x20: {  	[sflag:s8] =	ssyncset.s32 @!p0 $0xFFFFF086;
	s6 =	sadd.s32 @!p0 s3, s7;
	s7 =	simm.s32 @!p0 $0x108  }
0x21: {  	s3 =	sadd.s32 s3, s9;
	s6 =	sadd.s32 @!p0 $0x88, s6;
	s7 =	simm.s32 @p2 $0x1082  }
0x22: {  	[simem:s7], [sflag:s8] =	dma.local @!p0 [hbm:s6], $0xF7A  }
0x23: {  	s9 =	sor.u32 $0xD0000000, s2;
	s6 =	simm.s32 $0x108;
	_ =	swait.ge @!p0 [sflag:s8], $0x0  }
0x24: {  	s3 =	sadd.s32 $0x88, s3;
	s6 =	simm.s32 @!p1 $0x1082;
	[sflag:s4] =	ssyncset.s32 $0xFFFFF086  }
0x25: {  	[simem:s6], [sflag:s4] =	dma.local [hbm:s3], $0xF7A  }
0x26: {  	[smem:$0x3F9E] =	sst s1;
	(tag) =	ssettag s2;
	_ =	strace s9  }
0x27: {  	s1 =	sld [smem:$0x3FAE]  }
0x28: {  	s2 =	sld [smem:$0x3FAF]  }
0x29: {  	s4 =	sld [smem:$0x3FB1]  }
0x2a: {  	p0 =	seq.s32 s5, $0x0;
	s5 =	sld [smem:$0x3FB2]  }
0x2b: {  	s6 =	sld [smem:$0x3FB3]  }
0x2c: {  	s7 =	sld [smem:$0x3FB4]  }
0x2d: {  	s3 =	simm.s32 $0x108;
	s8 =	sld [smem:$0x3FB5]  }
0x2e: {  	s3 =	simm.s32 @!p0 $0x1082;
	s9 =	sld [smem:$0x3FB6]  }
0x2f: {  	lr =	sadd.s32 s0, s3;
	s0 =	sld [smem:$0x3FAD]  }
0x30: {  	s3 =	sld [smem:$0x3FB0]  }
0x31: {  	[smem:$0x3FB9] =	sst s10  }
0x32: {  	s10 =	sld [smem:$0x3FB7];
	_ =	sdelay $0x3  }
0x33: {  	p0 =	seq.s32 s10, $0x1;
	s10 =	sld [smem:$0x3FB9];
	_ =	sdelay $0x3  }
0x34: {  	[smem:$0x3FB9] =	sst s10  }
0x35: {  	s10 =	sld [smem:$0x3FB8];
	_ =	sdelay $0x3  }
0x36: {  	p1 =	seq.s32 s10, $0x1;
	s10 =	sld [smem:$0x3FB9];
	_ =	sdelay $0x3  }
0x37: {  	[smem:$0x3FB9] =	sst s10  }
0x38: {  	s10 =	sld [smem:$0x3FBA]  }
0x39: {  	_ = 	snop;
	(pc) =	sbr.ind lr, $3  }
0x3a: {  	_ = 	snop  }
0x3b: {  	_ = 	snop  }
0x3c: {  	p2 =	seq.s32 s10, $0x1;
	s10 =	sld [smem:$0x3FB9]  }
0x3d: {  	_ =	shalt  }
0x3e: {  	_ =	shalt  }
0x3f: {  	_ =	shalt  }
0x40: {  	_ =	shalt  }
0x41: {  	_ =	shalt  }
0x42: {  	_ =	shalt  }
0x43: {  	_ =	shalt  }
0x44: {  	_ =	shalt  }
0x45: {  	_ =	shalt  }
0x46: {  	_ =	shalt  }
0x47: {  	_ =	shalt  }
0x48: {  	_ =	shalt  }
0x49: {  	_ =	shalt  }
0x4a: {  	_ =	shalt  }
0x4b: {  	_ =	shalt  }
0x4c: {  	_ =	shalt  }
0x4d: {  	_ =	shalt  }
0x4e: {  	_ =	shalt  }
0x4f: {  	_ =	shalt  }
0x50: {  	_ =	shalt  }
0x51: {  	_ =	shalt  }
0x52: {  	_ =	shalt  }
0x53: {  	_ =	shalt  }
0x54: {  	_ =	shalt  }
0x55: {  	_ =	shalt  }
0x56: {  	_ =	shalt  }
0x57: {  	_ =	shalt  }
0x58: {  	_ =	shalt  }
0x59: {  	_ =	shalt  }
0x5a: {  	_ =	shalt  }
0x5b: {  	_ =	shalt  }
0x5c: {  	_ =	shalt  }
0x5d: {  	_ =	shalt  }
0x5e: {  	_ =	shalt  }
0x5f: {  	_ =	shalt  }
0x60: {  	_ =	shalt  }
0x61: {  	_ =	shalt  }
0x62: {  	_ =	shalt  }
0x63: {  	_ =	shalt  }
0x64: {  	_ =	shalt  }
0x65: {  	_ =	shalt  }
0x66: {  	_ =	shalt  }
0x67: {  	_ =	shalt  }
0x68: {  	_ =	shalt  }
0x69: {  	_ =	shalt  }
0x6a: {  	_ =	shalt  }
0x6b: {  	_ =	shalt  }
0x6c: {  	_ =	shalt  }
0x6d: {  	_ =	shalt  }
0x6e: {  	_ =	shalt  }
0x6f: {  	_ =	shalt  }
0x70: {  	_ =	shalt  }
0x71: {  	_ =	shalt  }
0x72: {  	_ =	shalt  }
0x73: {  	_ =	shalt  }
0x74: {  	_ =	shalt  }
0x75: {  	_ =	shalt  }
0x76: {  	_ =	shalt  }
0x77: {  	_ =	shalt  }
0x78: {  	_ =	shalt  }
0x79: {  	_ =	shalt  }
0x7a: {  	_ =	shalt  }
0x7b: {  	_ =	shalt  }
0x7c: {  	_ =	shalt  }
0x7d: {  	_ =	shalt  }
0x7e: {  	_ =	shalt  }
0x7f: {  	_ =	shalt  }
0x80: {  	_ =	shalt  }
0x81: {  	_ =	shalt  }
0x82: {  	_ =	shalt  }
0x83: {  	_ =	shalt  }
0x84: {  	_ =	shalt  }
0x85: {  	_ =	shalt  }
0x86: {  	_ =	shalt  }
0x87: {  	_ =	shalt  }
.Lfunc_end0:
.L_simem_size_0:
called_computation_lowered:
.L_overlay_start_0:
0x88: {  	s2 =	sld [smem:$0x3FD9]  }
0x89: {  	s3 =	sld [smem:$0x3FFE];
	_ =	sdelay $0x1  }
0x8a: {  	s1 =	srdreg.scid  }
0x8b: {  	s0 =	sand.u32 $0x1, s1  }
0x8c: {  	s17 =	sshll.u32 s0, $0xA;
	s2 =	sadd.s32 s3, s2  }
0x8d: {  	s2 =	sadd.s32 s2, s17  }
0x8e: {  	[smem:$0x3FC5] =	sst s2  }
0x8f: {  	_ = 	snop  }
0x90: {  	s2 =	sld [smem:$0x3FC8];
	(tm) =	ssettm $0x1  }
0x91: {  	s18 =	sld [smem:$0x3FFB];
	_ =	sdelay $0x3  }
0x92: {  	_ =	strace s18  }
0x93: {  	s3 =	sld [smem:$0x3FFC];
	_ =	sdelay $0x3  }
0x94: {  	_ =	strace s3  }
0x95: {  	s3 =	sld [smem:$0x3FFD];
	_ =	sdelay $0x3  }
0x96: {  	_ =	strace s3  }
0x97: {  	_ =	strace $0x8FFFFFFF  }
0x98: {  	s19 =	sld [smem:$0x3FDB];
	_ =	sdelay $0x1  }
0x99: {  	s4 =	simm.s32 $_scs_section_size  }
0x9a: {  	s5 =	simm.s32 $_size__tile_overlayer_lowered;
	s6 =	simm.s32 $_tile_overlayer_lowered  }
0x9b: {  	s22 =	simm.s32 $0x1BFF;
	s21 =	sshll.u32 s6, $0x1;
	s3 =	sadd.s32 s4, s19  }
0x9c: {  	s7 =	simm.s32 $0x0;
	s20 =	sshll.u32 s5, $0x1;
	s5 =	sadd.s32 s21, s3  }
0x9d: {  	[timem:s7], [sflag:s22] =	dma.local [hbm:s5], s20  }
0x9e: {  	_ =	swait.ge [sflag:s22], s20  }
0x9f: {  	s4 =	ssub.s32 $0x0, s20;
	[sflag:s22] =	ssyncset.done $0x0  }
0xa0: {  	[sflag:s22] =	ssyncadd.s32 s4;
	_ =	sdelay $0x1  }
0xa1: {  	s23 =	simm.s32 $0x1B8B  }
0xa2: {  	_ =	swait.ge [sflag:s23], $0x1  }
0xa3: {  	[sflag:s23] =	ssyncset.done $0x0  }
0xa4: {  	s25 =	simm.s32 $0x1B8E;
	s24 =	sld [smem:$0x3FFE];
	[sflag:s23] =	ssyncadd.s32 $0xFFFFFFFF  }
0xa5: {  	s26 =	simm.s32 $execute0_lowered;
	[smem:$0x3FD2] =	sst s25  }
0xa6: {  	s5 =	sshll.u32 s26, $0x1;
	_ =	strace $0x80000046;
	[dreg:$0x1] =	wrdreg $0xFFFFFFFF  }
0xa7: {  	s28 =	simm.s32 $_size_execute0_lowered;
	s3 =	sadd.s32 s3, s5;
	[dreg:$0x0] =	wrdreg $0x0  }
0xa8: {  	s5 =	sshll.u32 s28, $0x1;
	[dreg:$0x2] =	wrdreg s3  }
0xa9: {  	[dreg:$0x3] =	wrdreg s5  }
0xaa: {  	[dreg:$0x4] =	wrdreg $0xC0  }
0xab: {  	_ =	task [dreg:s7], $0x5FFFF  }
0xac: {  	[dreg:$0x1] =	wrdreg $0xFFFFFFFF  }
0xad: {  	[dreg:$0x0] =	wrdreg $0x60  }
0xae: {  	[dreg:$0x2] =	wrdreg s2  }
0xaf: {  	[dreg:$0x3] =	wrdreg s24  }
0xb0: {  	[dreg:$0x4] =	wrdreg $0x1F000  }
0xb1: {  	[dreg:$0x5] =	wrdreg $0x9  }
0xb2: {  	_ =	task.clear_ibuf [dreg:s7], $0x6FFFF;
	_ =	strace $0x90000046  }
0xb3: {  	s29 =	simm.s32 $0x9;
	_ =	strace $0x80000048  }
0xb4: {  	_ =	swait.ge [sflag:s29], $0x1  }
0xb5: {  	[sflag:s29] =	ssyncadd.s32 $0xFFFFFFFF  }
0xb6: {  	_ =	strace $0x90000048  }
0xb7: {  	_ =	sfence  }
0xb8: {  	s30 =	sld [smem:$0x0];
	_ =	sdelay $0x2  }
0xb9: {  	s31 =	sshll.u32 s1, $0xD;
	s1 =	sshrl.u32 s1, $0x2  }
0xba: {  	s3 =	sand.u32 $0x4000, s31;
	s1 =	sadd.s32 s1, s30  }
0xbb: {  	s0 =	sor.u32 s3, s0;
	s1 =	sshll.u32 s1, $0x11  }
0xbc: {  	s0 =	sor.u32 s1, s0  }
0xbd: {  	s0 =	sadd.s32 $0x8F2B, s0  }
0xbe: {  	[sflag:s0] =	ssyncadd.remote.s32 $0x1  }
0xbf: {  	_ =	sfence.sel $0xFFFF  }
0xc0: {  	[dreg:$0x0] =	wrdreg $0xFFFFFFFF;
	(pc) =	sbr.abs _section_cstart, $3  }
0xc1: {  	[dreg:$0x1] =	wrdreg $0xFFFFFFFF  }
0xc2: {  	_ =	task.clear_ibuf [dreg:s7], $0x2FFFF;
	_ =	strace $0x9FFFFFFF  }
0xc3: {  	(tm) =	ssettm $0x7FFFFFFF  }
tec
execute0_lowered:
.L_overlay_start_1:
0x0: {  	(tag) =	ssettag $0x1  }
0x1: {  	s6 =	rddreg [dreg:$0x0]  }
0x2: {  	s4 =	rddreg [dreg:$0x1]  }
0x3: {  	s1 =	rddreg [dreg:$0x2];
	s2 =	srdreg.scid  }
0x4: {  	s0 =	rddreg [dreg:$0x3];
	s3 =	simm.s32 $0x0;
	s13 =	simm.s32 $0x2  }
0x5: {  	s14 =	simm.s32 $0x80;
	s15 =	simm.s32 $0x400;
	s16 =	simm.s32 $0x100  }
0x6: {  	s17 =	simm.s32 $0x180;
	s18 =	simm.s32 $0x200;
	s19 =	simm.s32 $0x280  }
0x7: {  	s20 =	simm.s32 $0x300;
	s21 =	simm.s32 $0x380;
	s22 =	simm.s32 $0x1  }
0x8: {  	s23 =	simm.s32 $0x1D00;
	s24 =	simm.s32 $0x1D80;
	s25 =	simm.s32 $0x1E00  }
0x9: {  	s26 =	simm.s32 $0x1E80;
	s28 =	simm.s32 $0x0;
	s5 =	sand.u32 $0x1, s2  }
0xa: {  	[smem:$0x7FF] =	sst s3;
	s2 =	stileid.u32;
	s7 =	ssub.s32 $0x2, s5  }
0xb: {  	s8 =	sshll.u32 s5, $0x6;
	s10 =	smul.u32 $0x61C0, s2;
	_ =	strace $0x80000047  }
0xc: {  	s31 =	sshll.u32 s2, $0x7;
	s9 =	sshrl.u32 s7, $0x1;
	s11 =	sadd.s32 s8, s4  }
0xd: {  	s4 =	sshll.u32 s5, $0x9;
	s6 =	sadd.s32 s6, s31;
	s12 =	ssub.s32 s7, s9  }
0xe: {  	s30 =	sshrl.u32 s10, $0x2;
	s7 =	sor.u32 $0x80, s4;
	s8 =	sor.u32 $0x100, s4  }
0xf: {  	s9 =	sor.u32 $0x180, s4;
	s10 =	sadd.s32 s31, s11;
	s5 =	sadd.s32 s30, s1  }
0x10: {  	v0 =	vimm.f32 $0.0e+00;
	v1 =	vimm.f32 $1.000000000e+00;
	s10 =	sadd.s32 $0xA00, s10;
	s11 =	smax.u32 s12, $0x1;
	s12 =	simm.s32 $0x480  }
.LBB2_1:
0x11: {  	s29 =	simm.s32 $0x40;
	s30 =	simm.s32 $0x0  }
.LBB2_2:
0x12: {  	p0 =	sne.s32 s29, $0x6180;
	[tilespmem:s30+$0x480] =	vst v0;
	s30 =	smov.u32 s29;
	s29 =	sadd.s32 $0x40, s29  }
.Ltmp0:
0x13: {  	(pc) =	sbr.rel @p0 .LBB2_2-.Ltmp0, $2  }
0x14: {  	_ =	sdelay $0x2  }
0x15: {  	s30 =	sshra.s32 s30, $0x2  }
0x16: {  	[tilespmem:s30+$0x480] =	vst v0  }
0x17: {  	[tilespmem:$0x400] =	vst v1  }
0x18: {  	[tilespmem:$0x410] =	vst v1  }
0x19: {  	[tilespmem:$0x420] =	vst v1  }
0x1a: {  	[tilespmem:$0x430] =	vst v1  }
0x1b: {  	[tilespmem:$0x440] =	vst v1  }
0x1c: {  	[tilespmem:$0x450] =	vst v1  }
0x1d: {  	[tilespmem:$0x460] =	vst v1  }
0x1e: {  	[tilespmem:$0x470] =	vst v1  }
0x1f: {  	[spmem:s5] =	stream.linear.scatter [tilespmem:s12], [sflag:$0x2], $0x1870, $0x38;
	[tilespmem:$0x3770] =	vst v63  }
0x20: {  	_ =	swait.ge [sflag:s13], $0x1870  }
0x21: {  	[sflag:s13] =	ssyncset.done $0x0  }
0x22: {  	[sflag:s13] =	ssyncadd.s32 $0xFFFFE790  }
0x23: {  	[bflag:$0x0] =	sbarrier.arrive $0xFFFF  }
0x24: {  	[tilespmem:s3], [sflag:$0x2] =	stream.linear.gather [hbm4b:s6+s3], $0x400, $0x38;
	[tilespmem:$0x3770] =	vst v63  }
0x25: {  	_ =	swait.ge [sflag:s13], $0x400  }
0x26: {  	[sflag:s13] =	ssyncset.done $0x0  }
0x27: {  	[sflag:s13] =	ssyncadd.s32 $0xFFFFFC00  }
0x28: {  	[spmem:s1] =	stream.indirect.scatter.add.f32 [tilespmem:s15], [sflag:$0x1], $0x1, s3, s14, $0xb8;
	[tilespmem:$0x3770] =	vst v63  }
0x29: {  	_ = 	snop  }
0x2a: {  	[spmem:s1] =	stream.indirect.scatter.add.f32 [tilespmem:s15], [sflag:$0x1], $0x1, s14, s14, $0xb8;
	[tilespmem:$0x3770] =	vst v63  }
0x2b: {  	_ = 	snop  }
0x2c: {  	[spmem:s1] =	stream.indirect.scatter.add.f32 [tilespmem:s15], [sflag:$0x1], $0x1, s16, s14, $0xb8;
	[tilespmem:$0x3770] =	vst v63  }
0x2d: {  	_ = 	snop  }
0x2e: {  	[spmem:s1] =	stream.indirect.scatter.add.f32 [tilespmem:s15], [sflag:$0x1], $0x1, s17, s14, $0xb8;
	[tilespmem:$0x3770] =	vst v63  }
0x2f: {  	_ = 	snop  }
0x30: {  	[spmem:s1] =	stream.indirect.scatter.add.f32 [tilespmem:s15], [sflag:$0x1], $0x1, s18, s14, $0xb8;
	[tilespmem:$0x3770] =	vst v63  }
0x31: {  	_ = 	snop  }
0x32: {  	[spmem:s1] =	stream.indirect.scatter.add.f32 [tilespmem:s15], [sflag:$0x1], $0x1, s19, s14, $0xb8;
	[tilespmem:$0x3770] =	vst v63  }
0x33: {  	_ = 	snop  }
0x34: {  	[spmem:s1] =	stream.indirect.scatter.add.f32 [tilespmem:s15], [sflag:$0x1], $0x1, s20, s14, $0xb8;
	[tilespmem:$0x3770] =	vst v63  }
0x35: {  	_ = 	snop  }
0x36: {  	[spmem:s1] =	stream.indirect.scatter.add.f32 [tilespmem:s15], [sflag:$0x1], $0x1, s21, s14, $0xb8;
	[tilespmem:$0x3770] =	vst v63  }
0x37: {  	_ =	swait.ge [sflag:s22], $0x80  }
0x38: {  	[sflag:s22] =	ssyncset.done $0x0  }
0x39: {  	[sflag:s22] =	ssyncadd.s32 $0xFFFFFF80  }
0x3a: {  	_ =	swait.ge [sflag:s22], $0x80  }
0x3b: {  	[sflag:s22] =	ssyncset.done $0x0  }
0x3c: {  	[sflag:s22] =	ssyncadd.s32 $0xFFFFFF80  }
0x3d: {  	_ =	swait.ge [sflag:s22], $0x80  }
0x3e: {  	[sflag:s22] =	ssyncset.done $0x0  }
0x3f: {  	[sflag:s22] =	ssyncadd.s32 $0xFFFFFF80  }
0x40: {  	_ =	swait.ge [sflag:s22], $0x80  }
0x41: {  	[sflag:s22] =	ssyncset.done $0x0  }
0x42: {  	[sflag:s22] =	ssyncadd.s32 $0xFFFFFF80  }
0x43: {  	_ =	swait.ge [sflag:s22], $0x80  }
0x44: {  	[sflag:s22] =	ssyncset.done $0x0  }
0x45: {  	[sflag:s22] =	ssyncadd.s32 $0xFFFFFF80  }
0x46: {  	_ =	swait.ge [sflag:s22], $0x80  }
0x47: {  	[sflag:s22] =	ssyncset.done $0x0  }
0x48: {  	[sflag:s22] =	ssyncadd.s32 $0xFFFFFF80  }
0x49: {  	_ =	swait.ge [sflag:s22], $0x80  }
0x4a: {  	[sflag:s22] =	ssyncset.done $0x0  }
0x4b: {  	[sflag:s22] =	ssyncadd.s32 $0xFFFFFF80  }
0x4c: {  	_ =	swait.ge [sflag:s22], $0x80  }
0x4d: {  	[sflag:s22] =	ssyncset.done $0x0  }
0x4e: {  	[sflag:s22] =	ssyncadd.s32 $0xFFFFFF80  }
0x4f: {  	[bflag:$0x0] =	sbarrier.arrive $0xFFFF  }
0x50: {  	[tilespmem:s23], [sflag:$0x1] =	stream.indirect.gather [spmem:s1], $0x1, s4, s14, $0xb8;
	[tilespmem:$0x3770] =	vst v63  }
0x51: {  	_ = 	snop  }
0x52: {  	[tilespmem:s24], [sflag:$0x1] =	stream.indirect.gather [spmem:s1], $0x1, s7, s14, $0xb8;
	[tilespmem:$0x3770] =	vst v63  }
0x53: {  	_ = 	snop  }
0x54: {  	[tilespmem:s25], [sflag:$0x1] =	stream.indirect.gather [spmem:s1], $0x1, s8, s14, $0xb8;
	[tilespmem:$0x3770] =	vst v63  }
0x55: {  	_ = 	snop  }
0x56: {  	[tilespmem:s26], [sflag:$0x1] =	stream.indirect.gather [spmem:s1], $0x1, s9, s14, $0xb8;
	[tilespmem:$0x3770] =	vst v63  }
0x57: {  	_ =	swait.ge [sflag:s22], $0x80  }
0x58: {  	[sflag:s22] =	ssyncset.done $0x0  }
0x59: {  	[sflag:s22] =	ssyncadd.s32 $0xFFFFFF80  }
0x5a: {  	_ =	swait.ge [sflag:s22], $0x80  }
0x5b: {  	[sflag:s22] =	ssyncset.done $0x0  }
0x5c: {  	[sflag:s22] =	ssyncadd.s32 $0xFFFFFF80  }
0x5d: {  	_ =	swait.ge [sflag:s22], $0x80  }
0x5e: {  	[sflag:s22] =	ssyncset.done $0x0  }
0x5f: {  	[sflag:s22] =	ssyncadd.s32 $0xFFFFFF80  }
0x60: {  	s28 =	sadd.s32 $0x1, s28;
	_ =	swait.ge [sflag:s22], $0x80  }
0x61: {  	p0 =	sne.s32 s28, s11;
	[sflag:s22] =	ssyncset.done $0x0  }
.Ltmp1:
0x62: {  	[sflag:s22] =	ssyncadd.s32 $0xFFFFFF80;
	(pc) =	sbr.rel @p0 .LBB2_1-.Ltmp1, $4  }
0x63: {  	[hbm4b:s10+s3] =	stream.linear.scatter [tilespmem:s23], [sflag:$0x2], $0x200, $0x38;
	[tilespmem:$0x3770] =	vst v63  }
0x64: {  	_ =	swait.ge [sflag:s13], $0x200  }
0x65: {  	[sflag:s13] =	ssyncset.done $0x0  }
0x66: {  	[sflag:s13] =	ssyncadd.s32 $0xFFFFFE00  }
0x67: {  	_ =	sfence.sel $0x180000  }
0x68: {  	[bflag:$0x0] =	sbarrier.arrive $0xFFFF  }
0x69: {  	p0 =	sne.s32 s2, $0x0;
	_ =	strace $0x90000047  }
0x6a: {  	s0 =	sadd.s32 @!p0 $0x100000, s0;
	[bflag:$0x2] =	sbarrier.arrive $0xFFFF  }
0x6b: {  	[sflag:s0] =	ssyncadd.tile.s32 @!p0 $0x1;
	_ =	shalt  }
.Lfunc_end2:
_tile_overlayer_lowered:
.L_overlay_start_2:
0x6c: {  	(tag) =	ssettag $0x2  }
0x6d: {  	s0 =	rddreg [dreg:$0x0];
	s2 =	stileid.u32  }
0x6e: {  	s1 =	rddreg [dreg:$0x1];
	p0 =	sne.s32 s2, $0x0  }
0x6f: {  	s3 =	rddreg [dreg:$0x2];
	[bflag:$0x3] =	sbarrier.arrive $0xFFFF;
	s2 =	simm.s32 @!p0 $0x1C02  }
0x70: {  	[timem:s3], [sflag:s2] =	dma.local @!p0 [hbm:s0], s1  }
0x71: {  	s0 =	simm.s32 @!p0 $0x2  }
0x72: {  	_ =	swait.ge @!p0 [sflag:s0], s1  }
0x73: {  	s1 =	ssub.s32 @!p0 $0x0, s1;
	[sflag:s0] =	ssyncset.done @!p0 $0x0  }
0x74: {  	[sflag:s0] =	ssyncadd.s32 @!p0 s1  }
0x75: {  	[bflag:$0x3] =	sbarrier.arrive $0xFFFF  }
0x76: {  	_ =	shalt  }

// kernel: _center_loss.8.cloned.1.call-start
scs
__scs_entry_jumppad:
0x0: {  	(pc) =	sbr.rel $0x88, $3  }
0x1: {  	(tag) =	ssettag $0x0;
	lr =	simm.s32 $0x1  }
0x2: {  	[smem:$0x3F9E] =	sst lr;
	_ =	strace $0xD0000000  }
0x3: {  	_ = 	snop  }
0x4: {  	_ = 	snop  }
0x5: {  	_ = 	snop  }
0x6: {  	_ = 	snop  }
0x7: {  	_ = 	snop  }
__scs_overlays_trampoline_lowered:
0x8: {  	[smem:$0x3FAD] =	sst s0  }
0x9: {  	[smem:$0x3FAE] =	sst s1  }
0xa: {  	[smem:$0x3FAF] =	sst s2  }
0xb: {  	[smem:$0x3FB0] =	sst s3  }
0xc: {  	[smem:$0x3FB1] =	sst s4  }
0xd: {  	[smem:$0x3FB2] =	sst s5  }
0xe: {  	[smem:$0x3FB3] =	sst s6  }
0xf: {  	[smem:$0x3FB4] =	sst s7  }
0x10: {  	[smem:$0x3FB5] =	sst s8  }
0x11: {  	[smem:$0x3FB6] =	sst s9;
	s0 =	simm.s32 @!p0 $0x0  }
0x12: {  	s1 =	sld [smem:$0x3F9C];
	s0 =	simm.s32 @p0 $0x1  }
0x13: {  	[smem:$0x3FB7] =	sst s0;
	s0 =	simm.s32 @!p1 $0x0  }
0x14: {  	s2 =	sld [smem:$0x3F9B];
	s0 =	simm.s32 @p1 $0x1  }
0x15: {  	[smem:$0x3FB8] =	sst s0;
	s0 =	simm.s32 @!p2 $0x0  }
0x16: {  	s3 =	sld [smem:$0x3FDB];
	s0 =	simm.s32 @p2 $0x1  }
0x17: {  	s4 =	simm.s32 $0x1BF5;
	[smem:$0x3FBA] =	sst s0  }
0x18: {  	s0 =	sld [smem:$0x3F9D];
	_ =	swait.ge [sflag:s4], $0x0  }
0x19: {  	s7 =	sld [smem:$0x3F9E]  }
0x1a: {  	s8 =	sadd.s32 $0xFFFFE003, lr  }
0x1b: {  	s9 =	sadd.s32 $0xFFFFFEF7, lr;
	s5 =	simm.s32 $0xFFFFFFFF;
	p2 =	slt.u32 s8, $0xFFFFF086  }
0x1c: {  	p1 =	slt.u32 s9, $0xF7A;
	s5 =	simm.s32 @!p2 $0x0  }
0x1d: {  	s5 =	simm.s32 @p1 $0x1;
	p0 =	seq.s32 s7, s2  }
0x1e: {  	s7 =	smul.u32 @!p0 $0xF7A, s2;
	p2 =	seq.s32 @!p0 s5, $0x0  }
0x1f: {  	s9 =	smul.u32 $0xF7A, s1;
	s8 =	simm.s32 @!p0 $0x1BF5;
	p2 =	por !p2, p0  }
0x20: {  	[sflag:s8] =	ssyncset.s32 @!p0 $0xFFFFF086;
	s6 =	sadd.s32 @!p0 s3, s7;
	s7 =	simm.s32 @!p0 $0x108  }
0x21: {  	s3 =	sadd.s32 s3, s9;
	s6 =	sadd.s32 @!p0 $0x88, s6;
	s7 =	simm.s32 @p2 $0x1082  }
0x22: {  	[simem:s7], [sflag:s8] =	dma.local @!p0 [hbm:s6], $0xF7A  }
0x23: {  	s9 =	sor.u32 $0xD0000000, s2;
	s6 =	simm.s32 $0x108;
	_ =	swait.ge @!p0 [sflag:s8], $0x0  }
0x24: {  	s3 =	sadd.s32 $0x88, s3;
	s6 =	simm.s32 @!p1 $0x1082;
	[sflag:s4] =	ssyncset.s32 $0xFFFFF086  }
0x25: {  	[simem:s6], [sflag:s4] =	dma.local [hbm:s3], $0xF7A  }
0x26: {  	[smem:$0x3F9E] =	sst s1;
	(tag) =	ssettag s2;
	_ =	strace s9  }
0x27: {  	s1 =	sld [smem:$0x3FAE]  }
0x28: {  	s2 =	sld [smem:$0x3FAF]  }
0x29: {  	s4 =	sld [smem:$0x3FB1]  }
0x2a: {  	p0 =	seq.s32 s5, $0x0;
	s5 =	sld [smem:$0x3FB2]  }
0x2b: {  	s6 =	sld [smem:$0x3FB3]  }
0x2c: {  	s7 =	sld [smem:$0x3FB4]  }
0x2d: {  	s3 =	simm.s32 $0x108;
	s8 =	sld [smem:$0x3FB5]  }
0x2e: {  	s3 =	simm.s32 @!p0 $0x1082;
	s9 =	sld [smem:$0x3FB6]  }
0x2f: {  	lr =	sadd.s32 s0, s3;
	s0 =	sld [smem:$0x3FAD]  }
0x30: {  	s3 =	sld [smem:$0x3FB0]  }
0x31: {  	[smem:$0x3FB9] =	sst s10  }
0x32: {  	s10 =	sld [smem:$0x3FB7];
	_ =	sdelay $0x3  }
0x33: {  	p0 =	seq.s32 s10, $0x1;
	s10 =	sld [smem:$0x3FB9];
	_ =	sdelay $0x3  }
0x34: {  	[smem:$0x3FB9] =	sst s10  }
0x35: {  	s10 =	sld [smem:$0x3FB8];
	_ =	sdelay $0x3  }
0x36: {  	p1 =	seq.s32 s10, $0x1;
	s10 =	sld [smem:$0x3FB9];
	_ =	sdelay $0x3  }
0x37: {  	[smem:$0x3FB9] =	sst s10  }
0x38: {  	s10 =	sld [smem:$0x3FBA]  }
0x39: {  	_ = 	snop;
	(pc) =	sbr.ind lr, $3  }
0x3a: {  	_ = 	snop  }
0x3b: {  	_ = 	snop  }
0x3c: {  	p2 =	seq.s32 s10, $0x1;
	s10 =	sld [smem:$0x3FB9]  }
0x3d: {  	_ =	shalt  }
0x3e: {  	_ =	shalt  }
0x3f: {  	_ =	shalt  }
0x40: {  	_ =	shalt  }
0x41: {  	_ =	shalt  }
0x42: {  	_ =	shalt  }
0x43: {  	_ =	shalt  }
0x44: {  	_ =	shalt  }
0x45: {  	_ =	shalt  }
0x46: {  	_ =	shalt  }
0x47: {  	_ =	shalt  }
0x48: {  	_ =	shalt  }
0x49: {  	_ =	shalt  }
0x4a: {  	_ =	shalt  }
0x4b: {  	_ =	shalt  }
0x4c: {  	_ =	shalt  }
0x4d: {  	_ =	shalt  }
0x4e: {  	_ =	shalt  }
0x4f: {  	_ =	shalt  }
0x50: {  	_ =	shalt  }
0x51: {  	_ =	shalt  }
0x52: {  	_ =	shalt  }
0x53: {  	_ =	shalt  }
0x54: {  	_ =	shalt  }
0x55: {  	_ =	shalt  }
0x56: {  	_ =	shalt  }
0x57: {  	_ =	shalt  }
0x58: {  	_ =	shalt  }
0x59: {  	_ =	shalt  }
0x5a: {  	_ =	shalt  }
0x5b: {  	_ =	shalt  }
0x5c: {  	_ =	shalt  }
0x5d: {  	_ =	shalt  }
0x5e: {  	_ =	shalt  }
0x5f: {  	_ =	shalt  }
0x60: {  	_ =	shalt  }
0x61: {  	_ =	shalt  }
0x62: {  	_ =	shalt  }
0x63: {  	_ =	shalt  }
0x64: {  	_ =	shalt  }
0x65: {  	_ =	shalt  }
0x66: {  	_ =	shalt  }
0x67: {  	_ =	shalt  }
0x68: {  	_ =	shalt  }
0x69: {  	_ =	shalt  }
0x6a: {  	_ =	shalt  }
0x6b: {  	_ =	shalt  }
0x6c: {  	_ =	shalt  }
0x6d: {  	_ =	shalt  }
0x6e: {  	_ =	shalt  }
0x6f: {  	_ =	shalt  }
0x70: {  	_ =	shalt  }
0x71: {  	_ =	shalt  }
0x72: {  	_ =	shalt  }
0x73: {  	_ =	shalt  }
0x74: {  	_ =	shalt  }
0x75: {  	_ =	shalt  }
0x76: {  	_ =	shalt  }
0x77: {  	_ =	shalt  }
0x78: {  	_ =	shalt  }
0x79: {  	_ =	shalt  }
0x7a: {  	_ =	shalt  }
0x7b: {  	_ =	shalt  }
0x7c: {  	_ =	shalt  }
0x7d: {  	_ =	shalt  }
0x7e: {  	_ =	shalt  }
0x7f: {  	_ =	shalt  }
0x80: {  	_ =	shalt  }
0x81: {  	_ =	shalt  }
0x82: {  	_ =	shalt  }
0x83: {  	_ =	shalt  }
0x84: {  	_ =	shalt  }
0x85: {  	_ =	shalt  }
0x86: {  	_ =	shalt  }
0x87: {  	_ =	shalt  }
.Lfunc_end0:
.L_simem_size_0:
called_computation.1_lowered:
.L_overlay_start_0:
0x88: {  	s2 =	sld [smem:$0x3FD9]  }
0x89: {  	s3 =	sld [smem:$0x3FFE];
	_ =	sdelay $0x1  }
0x8a: {  	s1 =	srdreg.scid  }
0x8b: {  	s0 =	sand.u32 $0x1, s1  }
0x8c: {  	s17 =	sshll.u32 s0, $0xA;
	s2 =	sadd.s32 s3, s2  }
0x8d: {  	s2 =	sadd.s32 s2, s17  }
0x8e: {  	[smem:$0x3FC5] =	sst s2  }
0x8f: {  	_ = 	snop  }
0x90: {  	s2 =	sld [smem:$0x3FC9]  }
0x91: {  	s18 =	sld [smem:$0x3FC8];
	(tm) =	ssettm $0x1  }
0x92: {  	s4 =	sld [smem:$0x3FFB];
	_ =	sdelay $0x3  }
0x93: {  	_ =	strace s4  }
0x94: {  	s4 =	sld [smem:$0x3FFC];
	_ =	sdelay $0x3  }
0x95: {  	_ =	strace s4  }
0x96: {  	s4 =	sld [smem:$0x3FFD];
	_ =	sdelay $0x3  }
0x97: {  	_ =	strace s4  }
0x98: {  	_ =	strace $0x8FFFFFFF  }
0x99: {  	s19 =	sld [smem:$0x3FDB];
	_ =	sdelay $0x1  }
0x9a: {  	s5 =	simm.s32 $_scs_section_size  }
0x9b: {  	s6 =	simm.s32 $_size__tile_overlayer_lowered;
	s7 =	simm.s32 $_tile_overlayer_lowered  }
0x9c: {  	s22 =	simm.s32 $0x1BFF;
	s21 =	sshll.u32 s7, $0x1;
	s4 =	sadd.s32 s5, s19  }
0x9d: {  	s8 =	simm.s32 $0x0;
	s20 =	sshll.u32 s6, $0x1;
	s6 =	sadd.s32 s21, s4  }
0x9e: {  	[timem:s8], [sflag:s22] =	dma.local [hbm:s6], s20  }
0x9f: {  	_ =	swait.ge [sflag:s22], s20  }
0xa0: {  	s5 =	ssub.s32 $0x0, s20;
	[sflag:s22] =	ssyncset.done $0x0  }
0xa1: {  	[sflag:s22] =	ssyncadd.s32 s5;
	_ =	sdelay $0x1  }
0xa2: {  	s23 =	simm.s32 $0x1B8B  }
0xa3: {  	_ =	swait.ge [sflag:s23], $0x1  }
0xa4: {  	[sflag:s23] =	ssyncset.done $0x0  }
0xa5: {  	s25 =	simm.s32 $0x1B8E;
	s24 =	sld [smem:$0x3FFE];
	[sflag:s23] =	ssyncadd.s32 $0xFFFFFFFF  }
0xa6: {  	s26 =	simm.s32 $execute0_lowered;
	[smem:$0x3FD2] =	sst s25  }
0xa7: {  	s6 =	sshll.u32 s26, $0x1;
	_ =	strace $0x80000049;
	[dreg:$0x1] =	wrdreg $0xFFFFFFFF  }
0xa8: {  	s28 =	simm.s32 $_size_execute0_lowered;
	s4 =	sadd.s32 s4, s6;
	[dreg:$0x0] =	wrdreg $0x0  }
0xa9: {  	s6 =	sshll.u32 s28, $0x1;
	[dreg:$0x2] =	wrdreg s4  }
0xaa: {  	[dreg:$0x3] =	wrdreg s6  }
0xab: {  	[dreg:$0x4] =	wrdreg $0xC0  }
0xac: {  	_ =	task [dreg:s8], $0x5FFFF  }
0xad: {  	[dreg:$0x1] =	wrdreg $0xFFFFFFFF  }
0xae: {  	[dreg:$0x0] =	wrdreg $0x60  }
0xaf: {  	[dreg:$0x2] =	wrdreg s2  }
0xb0: {  	[dreg:$0x3] =	wrdreg s18  }
0xb1: {  	[dreg:$0x4] =	wrdreg s24  }
0xb2: {  	[dreg:$0x5] =	wrdreg $0x18F000  }
0xb3: {  	[dreg:$0x6] =	wrdreg $0x9  }
0xb4: {  	_ =	task.clear_ibuf [dreg:s8], $0x7FFFF;
	_ =	strace $0x90000049  }
0xb5: {  	s29 =	simm.s32 $0x9;
	_ =	strace $0x8000004B  }
0xb6: {  	_ =	swait.ge [sflag:s29], $0x1  }
0xb7: {  	[sflag:s29] =	ssyncadd.s32 $0xFFFFFFFF  }
0xb8: {  	_ =	strace $0x9000004B  }
0xb9: {  	_ =	sfence  }
0xba: {  	s30 =	sld [smem:$0x0];
	_ =	sdelay $0x2  }
0xbb: {  	s31 =	sshll.u32 s1, $0xD;
	s1 =	sshrl.u32 s1, $0x2  }
0xbc: {  	s3 =	sand.u32 $0x4000, s31;
	s1 =	sadd.s32 s1, s30  }
0xbd: {  	s0 =	sor.u32 s3, s0;
	s1 =	sshll.u32 s1, $0x11  }
0xbe: {  	s0 =	sor.u32 s1, s0  }
0xbf: {  	s0 =	sadd.s32 $0x8F2B, s0  }
0xc0: {  	[sflag:s0] =	ssyncadd.remote.s32 $0x1  }
0xc1: {  	_ =	sfence.sel $0xFFFF  }
0xc2: {  	[dreg:$0x0] =	wrdreg $0xFFFFFFFF;
	(pc) =	sbr.abs _section_cstart, $3  }
0xc3: {  	[dreg:$0x1] =	wrdreg $0xFFFFFFFF  }
0xc4: {  	_ =	task.clear_ibuf [dreg:s8], $0x2FFFF;
	_ =	strace $0x9FFFFFFF  }
0xc5: {  	(tm) =	ssettm $0x7FFFFFFF  }
tec
execute0_lowered:
.L_overlay_start_1:
0x0: {  	(tag) =	ssettag $0x1  }
0x1: {  	s0 =	rddreg [dreg:$0x0]  }
0x2: {  	s5 =	rddreg [dreg:$0x1]  }
0x3: {  	s4 =	rddreg [dreg:$0x2]  }
0x4: {  	s1 =	rddreg [dreg:$0x3]  }
0x5: {  	s2 =	srdreg.scid;
	s15 =	stileid.u32;
	s13 =	simm.s32 $0x2  }
0x6: {  	s14 =	simm.s32 $0x80;
	s16 =	simm.s32 $0x400;
	s23 =	simm.s32 $0x20000  }
0x7: {  	s28 =	simm.s32 $0x16400;
	s29 =	simm.s32 $0x18400;
	s30 =	simm.s32 $0x1  }
0x8: {  	s31 =	simm.s32 $0x18600;
	s6 =	sand.u32 $0x1, s2;
	s2 =	simm.s32 $0x0  }
0x9: {  	s3 =	sshll.u32 s15, $0xA;
	s26 =	sshll.u32 s15, $0x7;
	p0 =	sne.s32 s15, $0x0  }
0xa: {  	s7 =	sshll.u32 s6, $0x9;
	[smem:$0x7FF] =	sst s2;
	s10 =	sshll.u32 s6, $0x4  }
0xb: {  	s6 =	ssub.s32 $0x2, s6;
	s7 =	sor.u32 s7, s3;
	_ =	strace $0x8000004A  }
0xc: {  	s3 =	sadd.s32 $0x1200, s4;
	s11 =	sadd.s32 s10, s4;
	s24 =	sshrl.u32 s6, $0x1  }
0xd: {  	s10 =	sadd.s32 s26, s1;
	s26 =	simm.s32 $0x14400;
	s8 =	sshrl.u32 s7, $0x3  }
0xe: {  	s25 =	ssub.s32 s6, s24;
	s11 =	sadd.s32 $0xE1200, s11;
	s9 =	sadd.s32 s8, s4  }
0xf: {  	s4 =	sadd.s32 s0, s7;
	s5 =	sadd.s32 s5, s8;
	s12 =	smax.u32 s25, $0x1  }
0x10: {  	v1 =	vlaneseq.u32;
	s25 =	simm.s32 $0x12400;
	s0 =	simm.s32 $0x0;
	s6 =	sadd.s32 $0x80, s4  }
0x11: {  	v0 =	vimm.s32 $0x0;
	v2 =	vimm.f32 $0.0e+00;
	v1 =	vmul.u32 $0x80, v1;
	s7 =	sadd.s32 $0x100, s4;
	s8 =	sadd.s32 $0x180, s4;
	s9 =	sadd.s32 $0xA00, s9  }
.LBB2_1:
0x12: {  	[tilespmem:s2], [sflag:$0x2] =	stream.linear.gather [hbm4b:s5+s2], $0x200, $0x38;
	[tilespmem:$0x18F80] =	vst v63  }
0x13: {  	_ =	swait.ge [sflag:s13], $0x200  }
0x14: {  	[sflag:s13] =	ssyncset.done $0x0  }
0x15: {  	[sflag:s13] =	ssyncadd.s32 $0xFFFFFE00  }
0x16: {  	v3 =	vld [tilespmem:$0x0]  }
0x17: {  	v4 =	vld [tilespmem:$0x10]  }
0x18: {  	v5 =	vld [tilespmem:$0x20]  }
0x19: {  	v6 =	vld [tilespmem:$0x30]  }
0x1a: {  	v7 =	vld [tilespmem:$0x40]  }
0x1b: {  	v9 =	vld [tilespmem:$0x50];
	vm0 =	vgt.s32 v3, $0xDFFF;
	v8 =	vadd.s32 $0xFFFF2000, v3  }
0x1c: {  	v10 =	vld [tilespmem:$0x60];
	vm8 =	vgt.s32 v4, $0xDFFF;
	v3 =	vsel vm0, v8, v3;
	v8 =	vadd.s32 $0xFFFF2000, v4  }
0x1d: {  	vm9 =	vgt.s32 v5, $0xDFFF;
	[tilespmem:$0x200] =	vst v3;
	v3 =	vsel vm8, v8, v4;
	v4 =	vadd.s32 $0xFFFF2000, v5;
	v8 =	vld [tilespmem:$0x70]  }
0x1e: {  	vm10 =	vgt.s32 v6, $0xDFFF;
	[tilespmem:$0x210] =	vst v3;
	v3 =	vsel vm9, v4, v5;
	v4 =	vadd.s32 $0xFFFF2000, v6;
	v5 =	vld [tilespmem:$0x80]  }
0x1f: {  	vm11 =	vgt.s32 v7, $0xDFFF;
	[tilespmem:$0x220] =	vst v3;
	v3 =	vsel vm10, v4, v6;
	v4 =	vadd.s32 $0xFFFF2000, v7;
	v6 =	vld [tilespmem:$0x90]  }
0x20: {  	vm12 =	vgt.s32 v9, $0xDFFF;
	[tilespmem:$0x230] =	vst v3;
	v3 =	vsel vm11, v4, v7;
	v4 =	vadd.s32 $0xFFFF2000, v9;
	v7 =	vld [tilespmem:$0xA0]  }
0x21: {  	vm13 =	vgt.s32 v10, $0xDFFF;
	[tilespmem:$0x240] =	vst v3;
	v3 =	vsel vm12, v4, v9;
	v4 =	vadd.s32 $0xFFFF2000, v10;
	v9 =	vld [tilespmem:$0xB0]  }
0x22: {  	[tilespmem:$0x250] =	vst v3;
	v3 =	vsel vm13, v4, v10;
	vm14 =	vgt.s32 v8, $0xDFFF;
	v4 =	vadd.s32 $0xFFFF2000, v8;
	v10 =	vld [tilespmem:$0xC0]  }
0x23: {  	[tilespmem:$0x260] =	vst v3;
	v3 =	vsel vm14, v4, v8;
	vm15 =	vgt.s32 v5, $0xDFFF;
	v4 =	vadd.s32 $0xFFFF2000, v5;
	v8 =	vld [tilespmem:$0xD0]  }
0x24: {  	[tilespmem:$0x270] =	vst v3;
	v3 =	vsel vm15, v4, v5;
	vm4 =	vgt.s32 v6, $0xDFFF;
	v4 =	vadd.s32 $0xFFFF2000, v6;
	v5 =	vld [tilespmem:$0xE0]  }
0x25: {  	[tilespmem:$0x280] =	vst v3;
	v3 =	vsel vm4, v4, v6;
	vm5 =	vgt.s32 v7, $0xDFFF;
	v4 =	vadd.s32 $0xFFFF2000, v7;
	v6 =	vld [tilespmem:$0xF0]  }
0x26: {  	[tilespmem:$0x290] =	vst v3;
	v3 =	vsel vm5, v4, v7;
	vm6 =	vgt.s32 v9, $0xDFFF;
	v4 =	vadd.s32 $0xFFFF2000, v9;
	v7 =	vld [tilespmem:$0x100]  }
0x27: {  	[tilespmem:$0x2A0] =	vst v3;
	v3 =	vsel vm6, v4, v9;
	vm7 =	vgt.s32 v10, $0xDFFF;
	v4 =	vadd.s32 $0xFFFF2000, v10;
	v9 =	vld [tilespmem:$0x110]  }
0x28: {  	[tilespmem:$0x2B0] =	vst v3;
	v3 =	vsel vm7, v4, v10;
	vm8 =	vgt.s32 v8, $0xDFFF;
	v4 =	vadd.s32 $0xFFFF2000, v8;
	v10 =	vld [tilespmem:$0x120]  }
0x29: {  	[tilespmem:$0x2C0] =	vst v3;
	v3 =	vsel vm8, v4, v8;
	vm9 =	vgt.s32 v5, $0xDFFF;
	v4 =	vadd.s32 $0xFFFF2000, v5;
	v8 =	vld [tilespmem:$0x130]  }
0x2a: {  	[tilespmem:$0x2D0] =	vst v3;
	v3 =	vsel vm9, v4, v5;
	vm10 =	vgt.s32 v6, $0xDFFF;
	v4 =	vadd.s32 $0xFFFF2000, v6;
	v5 =	vld [tilespmem:$0x140]  }
0x2b: {  	[tilespmem:$0x2E0] =	vst v3;
	v3 =	vsel vm10, v4, v6;
	vm11 =	vgt.s32 v7, $0xDFFF;
	v4 =	vadd.s32 $0xFFFF2000, v7;
	v6 =	vld [tilespmem:$0x150]  }
0x2c: {  	[tilespmem:$0x2F0] =	vst v3;
	v3 =	vsel vm11, v4, v7;
	vm12 =	vgt.s32 v9, $0xDFFF;
	v4 =	vadd.s32 $0xFFFF2000, v9;
	v7 =	vld [tilespmem:$0x160]  }
0x2d: {  	[tilespmem:$0x300] =	vst v3;
	v3 =	vsel vm12, v4, v9;
	vm13 =	vgt.s32 v10, $0xDFFF;
	v4 =	vadd.s32 $0xFFFF2000, v10;
	v9 =	vld [tilespmem:$0x170]  }
0x2e: {  	[tilespmem:$0x310] =	vst v3;
	v3 =	vsel vm13, v4, v10;
	vm14 =	vgt.s32 v8, $0xDFFF;
	v4 =	vadd.s32 $0xFFFF2000, v8;
	v10 =	vld [tilespmem:$0x180]  }
0x2f: {  	[tilespmem:$0x320] =	vst v3;
	v3 =	vsel vm14, v4, v8;
	vm15 =	vgt.s32 v5, $0xDFFF;
	v4 =	vadd.s32 $0xFFFF2000, v5;
	v8 =	vld [tilespmem:$0x190]  }
0x30: {  	[tilespmem:$0x330] =	vst v3;
	v3 =	vsel vm15, v4, v5;
	vm4 =	vgt.s32 v6, $0xDFFF;
	v4 =	vadd.s32 $0xFFFF2000, v6;
	v5 =	vld [tilespmem:$0x1A0]  }
0x31: {  	[tilespmem:$0x340] =	vst v3;
	v3 =	vsel vm4, v4, v6;
	vm5 =	vgt.s32 v7, $0xDFFF;
	v4 =	vadd.s32 $0xFFFF2000, v7;
	v6 =	vld [tilespmem:$0x1B0]  }
0x32: {  	[tilespmem:$0x350] =	vst v3;
	v3 =	vsel vm5, v4, v7;
	vm6 =	vgt.s32 v9, $0xDFFF;
	v4 =	vadd.s32 $0xFFFF2000, v9;
	v7 =	vld [tilespmem:$0x1C0]  }
0x33: {  	[tilespmem:$0x360] =	vst v3;
	v3 =	vsel vm6, v4, v9;
	vm7 =	vgt.s32 v10, $0xDFFF;
	v4 =	vadd.s32 $0xFFFF2000, v10;
	v9 =	vld [tilespmem:$0x1D0]  }
0x34: {  	[tilespmem:$0x370] =	vst v3;
	v3 =	vsel vm7, v4, v10;
	vm8 =	vgt.s32 v8, $0xDFFF;
	v4 =	vadd.s32 $0xFFFF2000, v8;
	v10 =	vld [tilespmem:$0x1E0]  }
0x35: {  	[tilespmem:$0x380] =	vst v3;
	v3 =	vsel vm8, v4, v8;
	vm9 =	vgt.s32 v5, $0xDFFF;
	v4 =	vadd.s32 $0xFFFF2000, v5;
	v8 =	vld [tilespmem:$0x1F0]  }
0x36: {  	[tilespmem:$0x390] =	vst v3;
	v3 =	vsel vm9, v4, v5;
	vm10 =	vgt.s32 v6, $0xDFFF;
	v4 =	vadd.s32 $0xFFFF2000, v6  }
0x37: {  	[tilespmem:$0x3A0] =	vst v3;
	v3 =	vsel vm10, v4, v6;
	vm11 =	vgt.s32 v7, $0xDFFF;
	v4 =	vadd.s32 $0xFFFF2000, v7  }
0x38: {  	[tilespmem:$0x3B0] =	vst v3;
	v3 =	vsel vm11, v4, v7;
	vm12 =	vgt.s32 v9, $0xDFFF;
	v4 =	vadd.s32 $0xFFFF2000, v9  }
0x39: {  	[tilespmem:$0x3C0] =	vst v3;
	v3 =	vsel vm12, v4, v9;
	vm13 =	vgt.s32 v10, $0xDFFF;
	v4 =	vadd.s32 $0xFFFF2000, v10  }
0x3a: {  	[tilespmem:$0x3D0] =	vst v3;
	v3 =	vsel vm13, v4, v10;
	vm14 =	vgt.s32 v8, $0xDFFF;
	v4 =	vadd.s32 $0xFFFF2000, v8  }
0x3b: {  	[tilespmem:$0x3E0] =	vst v3;
	v3 =	vsel vm14, v4, v8  }
0x3c: {  	s15 =	simm.s32 $0x200;
	[tilespmem:$0x3F0] =	vst v3  }
0x3d: {  	[tilespmem:s16], [sflag:$0x1] =	stream.indirect.gather [hbm4b:s3+s14], $0x80, s15, s14, $0xb8;
	[tilespmem:$0x18F80] =	vst v63  }
0x3e: {  	s21 =	simm.s32 $0x280;
	s17 =	simm.s32 $0x4400  }
0x3f: {  	[tilespmem:s17], [sflag:$0x1] =	stream.indirect.gather [hbm4b:s3+s14], $0x80, s21, s14, $0xb8;
	[tilespmem:$0x18F80] =	vst v63  }
0x40: {  	s22 =	simm.s32 $0x300;
	s24 =	simm.s32 $0x8400  }
0x41: {  	[tilespmem:s24], [sflag:$0x1] =	stream.indirect.gather [hbm4b:s3+s14], $0x80, s22, s14, $0xb8;
	[tilespmem:$0x18F80] =	vst v63  }
0x42: {  	s18 =	simm.s32 $0x380;
	s19 =	simm.s32 $0xC400  }
0x43: {  	[tilespmem:s19], [sflag:$0x1] =	stream.indirect.gather [hbm4b:s3+s14], $0x80, s18, s14, $0xb8;
	[tilespmem:$0x18F80] =	vst v63  }
0x44: {  	s20 =	simm.s32 $0x10400  }
0x45: {  	[tilespmem:s20], [sflag:$0x1] =	stream.strided.gather [hbm4b:s4+s16], $0x2000, s23, s16, $0x38;
	[tilespmem:$0x18F80] =	vst v63  }
0x46: {  	_ = 	snop  }
0x47: {  	[tilespmem:s25], [sflag:$0x1] =	stream.strided.gather [hbm4b:s6+s16], $0x2000, s23, s16, $0x38;
	[tilespmem:$0x18F80] =	vst v63  }
0x48: {  	_ = 	snop  }
0x49: {  	[tilespmem:s26], [sflag:$0x1] =	stream.strided.gather [hbm4b:s7+s16], $0x2000, s23, s16, $0x38;
	[tilespmem:$0x18F80] =	vst v63  }
0x4a: {  	_ = 	snop  }
0x4b: {  	[tilespmem:s28], [sflag:$0x1] =	stream.strided.gather [hbm4b:s8+s16], $0x2000, s23, s16, $0x38;
	[tilespmem:$0x18F80] =	vst v63  }
0x4c: {  	_ = 	snop  }
0x4d: {  	[tilespmem:s29], [sflag:$0x1] =	stream.linear.gather [hbm4b:s9+s2], $0x200, $0x38;
	[tilespmem:$0x18F80] =	vst v63  }
0x4e: {  	_ =	swait.ge [sflag:s30], $0x4000  }
0x4f: {  	[sflag:s30] =	ssyncset.done $0x0  }
0x50: {  	[sflag:s30] =	ssyncadd.s32 $0xFFFFC000  }
0x51: {  	_ =	swait.ge [sflag:s30], $0x4000  }
0x52: {  	[sflag:s30] =	ssyncset.done $0x0  }
0x53: {  	[sflag:s30] =	ssyncadd.s32 $0xFFFFC000  }
0x54: {  	_ =	swait.ge [sflag:s30], $0x4000  }
0x55: {  	[sflag:s30] =	ssyncset.done $0x0  }
0x56: {  	[sflag:s30] =	ssyncadd.s32 $0xFFFFC000  }
0x57: {  	_ =	swait.ge [sflag:s30], $0x4000  }
0x58: {  	[sflag:s30] =	ssyncset.done $0x0  }
0x59: {  	[sflag:s30] =	ssyncadd.s32 $0xFFFFC000  }
0x5a: {  	_ =	swait.ge [sflag:s30], $0x2000  }
0x5b: {  	[sflag:s30] =	ssyncset.done $0x0  }
0x5c: {  	[sflag:s30] =	ssyncadd.s32 $0xFFFFE000  }
0x5d: {  	_ =	swait.ge [sflag:s30], $0x2000  }
0x5e: {  	[sflag:s30] =	ssyncset.done $0x0  }
0x5f: {  	[sflag:s30] =	ssyncadd.s32 $0xFFFFE000  }
0x60: {  	_ =	swait.ge [sflag:s30], $0x2000  }
0x61: {  	[sflag:s30] =	ssyncset.done $0x0  }
0x62: {  	[sflag:s30] =	ssyncadd.s32 $0xFFFFE000  }
0x63: {  	_ =	swait.ge [sflag:s30], $0x2000  }
0x64: {  	[sflag:s30] =	ssyncset.done $0x0  }
0x65: {  	[sflag:s30] =	ssyncadd.s32 $0xFFFFE000  }
0x66: {  	s21 =	simm.s32 $0x0;
	_ =	swait.ge [sflag:s30], $0x200  }
0x67: {  	s15 =	sand.u32 $0xFFFFFF80, s21;
	s22 =	sand.u32 $0x70, s2;
	[sflag:s30] =	ssyncset.done $0x0  }
0x68: {  	s15 =	sor.u32 s22, s15;
	[sflag:s30] =	ssyncadd.s32 $0xFFFFFE00  }
0x69: {  	v3 =	vld [tilespmem:s15+$0x0];
	_ =	sdelay $0x3  }
0x6a: {  	v4 =	vmov s2  }
0x6b: {  	vm15 =	vgt.s32 v3, $0xDFFF;
	v3 =	vshll.u32 v4, $0x7  }
0x6c: {  	s18 =	simm.s32 $0x0;
	v4 =	vsel vm15, $0x40, v0;
	v3 =	vor.u32 v1, v3  }
0x6d: {  	s18 =	sand.u32 $0x3FFFE000, s18;
	v4 =	vor.u32 v3, v4  }
0x6e: {  	s17 =	sor.u32 s22, s18;
	v3 =	vor.u32 $0x1, v4  }
0x6f: {  	v5 =	vld [tilespmem:s17+$0x10400];
	s17 =	sadd.s32 $0x10400, s17  }
0x70: {  	v10 =	vld [tilespmem:s17+$0x80];
	v6 =	vor.u32 $0x2, v4  }
0x71: {  	v11 =	vld [tilespmem:s17+$0x100];
	v7 =	vor.u32 $0x3, v4  }
0x72: {  	v8 =	vld.idx.msk [tilespmem:v4+s16+$0x0], $0xffff  }
0x73: {  	v9 =	vor.u32 $0x4, v4;
	v3 =	vld.idx.msk [tilespmem:v3+s16+$0x0], $0xffff  }
0x74: {  	v13 =	vld [tilespmem:s17+$0x180]  }
0x75: {  	v12 =	vor.u32 $0x5, v4;
	v6 =	vld.idx.msk [tilespmem:v6+s16+$0x0], $0xffff  }
0x76: {  	v14 =	vor.u32 $0x6, v4;
	v7 =	vld.idx.msk [tilespmem:v7+s16+$0x0], $0xffff  }
0x77: {  	v15 =	vld [tilespmem:s17+$0x280]  }
0x78: {  	v5 =	vsub.f32 v5, v8;
	v8 =	vld.idx.msk [tilespmem:v9+s16+$0x0], $0xffff;
	v3 =	vsub.f32 v10, v3  }
0x79: {  	v9 =	vor.u32 $0x7, v4;
	v10 =	vld [tilespmem:s17+$0x200]  }
0x7a: {  	v12 =	vld.idx.msk [tilespmem:v12+s16+$0x0], $0xffff;
	v6 =	vsub.f32 v11, v6;
	v5 =	vmul.f32 v5, v5;
	v3 =	vmul.f32 v3, v3  }
0x7b: {  	v7 =	vsub.f32 v13, v7;
	v13 =	vld.idx.msk [tilespmem:v14+s16+$0x0], $0xffff  }
0x7c: {  	v11 =	vor.u32 $0x8, v4;
	v14 =	vld [tilespmem:s17+$0x300];
	v3 =	vadd.f32 v3, v5;
	v5 =	vmul.f32 v6, v6  }
0x7d: {  	v63 =	vld [tilespmem:s17+$0x1B00];
	v6 =	vor.u32 $0x9, v4  }
0x7e: {  	v9 =	vld.idx.msk [tilespmem:v9+s16+$0x0], $0xffff;
	v8 =	vsub.f32 v10, v8;
	v3 =	vadd.f32 v5, v3;
	v5 =	vmul.f32 v7, v7  }
0x7f: {  	v10 =	vld [tilespmem:s17+$0x380];
	v7 =	vor.u32 $0xA, v4  }
0x80: {  	v12 =	vsub.f32 v15, v12;
	v15 =	vld [tilespmem:s17+$0x400];
	v3 =	vadd.f32 v5, v3;
	v5 =	vmul.f32 v8, v8  }
0x81: {  	v11 =	vld.idx.msk [tilespmem:v11+s16+$0x0], $0xffff;
	v13 =	vsub.f32 v14, v13  }
0x82: {  	v14 =	vld [tilespmem:s17+$0x480];
	v8 =	vor.u32 $0xB, v4;
	v3 =	vadd.f32 v5, v3;
	v5 =	vmul.f32 v12, v12  }
0x83: {  	v6 =	vld.idx.msk [tilespmem:v6+s16+$0x0], $0xffff;
	v12 =	vor.u32 $0xC, v4  }
0x84: {  	v9 =	vsub.f32 v10, v9;
	v7 =	vld.idx.msk [tilespmem:v7+s16+$0x0], $0xffff;
	v3 =	vadd.f32 v5, v3;
	v5 =	vmul.f32 v13, v13  }
0x85: {  	v10 =	vor.u32 $0xD, v4;
	v13 =	vld [tilespmem:s17+$0x500]  }
0x86: {  	v11 =	vsub.f32 v15, v11;
	v15 =	vld [tilespmem:s17+$0x580];
	v3 =	vadd.f32 v5, v3;
	v5 =	vmul.f32 v9, v9  }
0x87: {  	v8 =	vld.idx.msk [tilespmem:v8+s16+$0x0], $0xffff;
	v9 =	vor.u32 $0xE, v4  }
0x88: {  	v6 =	vsub.f32 v14, v6;
	v14 =	vld [tilespmem:s17+$0x600];
	v3 =	vadd.f32 v5, v3;
	v5 =	vmul.f32 v11, v11  }
0x89: {  	v12 =	vld.idx.msk [tilespmem:v12+s16+$0x0], $0xffff;
	v11 =	vor.u32 $0xF, v4  }
0x8a: {  	v10 =	vld.idx.msk [tilespmem:v10+s16+$0x0], $0xffff;
	v7 =	vsub.f32 v13, v7;
	v3 =	vadd.f32 v5, v3;
	v5 =	vmul.f32 v6, v6  }
0x8b: {  	v13 =	vld [tilespmem:s17+$0x680];
	v6 =	vor.u32 $0x10, v4  }
0x8c: {  	v8 =	vsub.f32 v15, v8;
	v15 =	vld [tilespmem:s17+$0x700];
	v3 =	vadd.f32 v5, v3;
	v5 =	vmul.f32 v7, v7  }
0x8d: {  	v9 =	vld.idx.msk [tilespmem:v9+s16+$0x0], $0xffff;
	v7 =	vor.u32 $0x11, v4  }
0x8e: {  	v12 =	vsub.f32 v14, v12;
	v14 =	vld [tilespmem:s17+$0x780];
	v3 =	vadd.f32 v5, v3;
	v5 =	vmul.f32 v8, v8  }
0x8f: {  	v11 =	vld.idx.msk [tilespmem:v11+s16+$0x0], $0xffff;
	v8 =	vor.u32 $0x12, v4  }
0x90: {  	v10 =	vsub.f32 v13, v10;
	v13 =	vld [tilespmem:s17+$0x800];
	v3 =	vadd.f32 v5, v3;
	v5 =	vmul.f32 v12, v12  }
0x91: {  	v6 =	vld.idx.msk [tilespmem:v6+s16+$0x0], $0xffff;
	v12 =	vor.u32 $0x13, v4  }
0x92: {  	v9 =	vsub.f32 v15, v9;
	v15 =	vld [tilespmem:s17+$0x880];
	v3 =	vadd.f32 v5, v3;
	v5 =	vmul.f32 v10, v10  }
0x93: {  	v7 =	vld.idx.msk [tilespmem:v7+s16+$0x0], $0xffff;
	v10 =	vor.u32 $0x14, v4  }
0x94: {  	v11 =	vsub.f32 v14, v11;
	v8 =	vld.idx.msk [tilespmem:v8+s16+$0x0], $0xffff;
	v3 =	vadd.f32 v5, v3;
	v5 =	vmul.f32 v9, v9  }
0x95: {  	v14 =	vor.u32 $0x15, v4;
	v9 =	vld [tilespmem:s17+$0x900]  }
0x96: {  	v6 =	vsub.f32 v13, v6;
	v12 =	vld.idx.msk [tilespmem:v12+s16+$0x0], $0xffff;
	v3 =	vadd.f32 v5, v3;
	v5 =	vmul.f32 v11, v11  }
0x97: {  	v13 =	vor.u32 $0x16, v4;
	v11 =	vld [tilespmem:s17+$0x980]  }
0x98: {  	v7 =	vsub.f32 v15, v7;
	v10 =	vld.idx.msk [tilespmem:v10+s16+$0x0], $0xffff;
	v3 =	vadd.f32 v5, v3;
	v5 =	vmul.f32 v6, v6  }
0x99: {  	v15 =	vor.u32 $0x17, v4;
	v6 =	vld [tilespmem:s17+$0xA00]  }
0x9a: {  	v8 =	vsub.f32 v9, v8;
	v9 =	vld [tilespmem:s17+$0xA80];
	v3 =	vadd.f32 v5, v3;
	v5 =	vmul.f32 v7, v7  }
0x9b: {  	v7 =	vld.idx.msk [tilespmem:v14+s16+$0x0], $0xffff;
	v14 =	vor.u32 $0x18, v4  }
0x9c: {  	v11 =	vsub.f32 v11, v12;
	v12 =	vld [tilespmem:s17+$0xB00];
	v3 =	vadd.f32 v5, v3;
	v5 =	vmul.f32 v8, v8  }
0x9d: {  	v8 =	vld.idx.msk [tilespmem:v13+s16+$0x0], $0xffff;
	v13 =	vor.u32 $0x19, v4  }
0x9e: {  	v6 =	vsub.f32 v6, v10;
	v10 =	vld.idx.msk [tilespmem:v15+s16+$0x0], $0xffff;
	v3 =	vadd.f32 v5, v3;
	v5 =	vmul.f32 v11, v11  }
0x9f: {  	v15 =	vor.u32 $0x1A, v4;
	v11 =	vld [tilespmem:s17+$0xB80]  }
0xa0: {  	v3 =	vadd.f32 v5, v3;
	v5 =	vmul.f32 v6, v6;
	v6 =	vsub.f32 v9, v7;
	v7 =	vld.idx.msk [tilespmem:v14+s16+$0x0], $0xffff  }
0xa1: {  	v9 =	vld [tilespmem:s17+$0xC00];
	v14 =	vor.u32 $0x1B, v4  }
0xa2: {  	v3 =	vadd.f32 v5, v3;
	v5 =	vmul.f32 v6, v6;
	v6 =	vsub.f32 v12, v8;
	v8 =	vld.idx.msk [tilespmem:v13+s16+$0x0], $0xffff  }
0xa3: {  	v12 =	vld [tilespmem:s17+$0xC80];
	v13 =	vor.u32 $0x1C, v4  }
0xa4: {  	v3 =	vadd.f32 v5, v3;
	v5 =	vmul.f32 v6, v6;
	v6 =	vsub.f32 v11, v10;
	v10 =	vld.idx.msk [tilespmem:v15+s16+$0x0], $0xffff  }
0xa5: {  	v11 =	vld [tilespmem:s17+$0xD00];
	v15 =	vor.u32 $0x1D, v4  }
0xa6: {  	v3 =	vadd.f32 v5, v3;
	v5 =	vmul.f32 v6, v6;
	v6 =	vsub.f32 v9, v7;
	v7 =	vld.idx.msk [tilespmem:v14+s16+$0x0], $0xffff  }
0xa7: {  	v9 =	vld [tilespmem:s17+$0xD80];
	v14 =	vor.u32 $0x1E, v4  }
0xa8: {  	v3 =	vadd.f32 v5, v3;
	v5 =	vmul.f32 v6, v6;
	v6 =	vsub.f32 v12, v8;
	v8 =	vld.idx.msk [tilespmem:v13+s16+$0x0], $0xffff  }
0xa9: {  	v12 =	vld [tilespmem:s17+$0xE00];
	v13 =	vor.u32 $0x1F, v4  }
0xaa: {  	v3 =	vadd.f32 v5, v3;
	v5 =	vmul.f32 v6, v6;
	v6 =	vsub.f32 v11, v10;
	v10 =	vld.idx.msk [tilespmem:v15+s16+$0x0], $0xffff  }
0xab: {  	v11 =	vld [tilespmem:s17+$0xE80];
	v15 =	vor.u32 $0x20, v4  }
0xac: {  	v3 =	vadd.f32 v5, v3;
	v5 =	vmul.f32 v6, v6;
	v6 =	vsub.f32 v9, v7;
	v7 =	vld.idx.msk [tilespmem:v14+s16+$0x0], $0xffff  }
0xad: {  	v9 =	vld [tilespmem:s17+$0xF00];
	v14 =	vor.u32 $0x21, v4  }
0xae: {  	v3 =	vadd.f32 v5, v3;
	v5 =	vmul.f32 v6, v6;
	v6 =	vsub.f32 v12, v8;
	v8 =	vld.idx.msk [tilespmem:v13+s16+$0x0], $0xffff  }
0xaf: {  	v12 =	vld [tilespmem:s17+$0xF80];
	v13 =	vor.u32 $0x22, v4  }
0xb0: {  	v3 =	vadd.f32 v5, v3;
	v5 =	vmul.f32 v6, v6;
	v6 =	vsub.f32 v11, v10;
	v10 =	vld.idx.msk [tilespmem:v15+s16+$0x0], $0xffff  }
0xb1: {  	v11 =	vld [tilespmem:s17+$0x1000];
	v15 =	vor.u32 $0x23, v4  }
0xb2: {  	v3 =	vadd.f32 v5, v3;
	v5 =	vmul.f32 v6, v6;
	v6 =	vsub.f32 v9, v7;
	v7 =	vld.idx.msk [tilespmem:v14+s16+$0x0], $0xffff  }
0xb3: {  	v9 =	vld [tilespmem:s17+$0x1080];
	v14 =	vor.u32 $0x24, v4  }
0xb4: {  	v3 =	vadd.f32 v5, v3;
	v5 =	vmul.f32 v6, v6;
	v6 =	vsub.f32 v12, v8;
	v8 =	vld.idx.msk [tilespmem:v13+s16+$0x0], $0xffff  }
0xb5: {  	v12 =	vld [tilespmem:s17+$0x1100];
	v13 =	vor.u32 $0x25, v4  }
0xb6: {  	v3 =	vadd.f32 v5, v3;
	v5 =	vmul.f32 v6, v6;
	v6 =	vsub.f32 v11, v10;
	v10 =	vld.idx.msk [tilespmem:v15+s16+$0x0], $0xffff  }
0xb7: {  	v11 =	vld [tilespmem:s17+$0x1180];
	v15 =	vor.u32 $0x26, v4  }
0xb8: {  	v3 =	vadd.f32 v5, v3;
	v5 =	vmul.f32 v6, v6;
	v6 =	vsub.f32 v9, v7;
	v7 =	vld.idx.msk [tilespmem:v14+s16+$0x0], $0xffff  }
0xb9: {  	v9 =	vld [tilespmem:s17+$0x1200];
	v14 =	vor.u32 $0x27, v4  }
0xba: {  	v3 =	vadd.f32 v5, v3;
	v5 =	vmul.f32 v6, v6;
	v6 =	vsub.f32 v12, v8;
	v8 =	vld.idx.msk [tilespmem:v13+s16+$0x0], $0xffff  }
0xbb: {  	v12 =	vld [tilespmem:s17+$0x1280];
	v13 =	vor.u32 $0x28, v4  }
0xbc: {  	v3 =	vadd.f32 v5, v3;
	v5 =	vmul.f32 v6, v6;
	v6 =	vsub.f32 v11, v10;
	v10 =	vld.idx.msk [tilespmem:v15+s16+$0x0], $0xffff  }
0xbd: {  	v11 =	vld [tilespmem:s17+$0x1300];
	v15 =	vor.u32 $0x29, v4  }
0xbe: {  	v3 =	vadd.f32 v5, v3;
	v5 =	vmul.f32 v6, v6;
	v6 =	vsub.f32 v9, v7;
	v7 =	vld.idx.msk [tilespmem:v14+s16+$0x0], $0xffff  }
0xbf: {  	v9 =	vld [tilespmem:s17+$0x1380];
	v14 =	vor.u32 $0x2A, v4  }
0xc0: {  	v3 =	vadd.f32 v5, v3;
	v5 =	vmul.f32 v6, v6;
	v6 =	vsub.f32 v12, v8;
	v8 =	vld.idx.msk [tilespmem:v13+s16+$0x0], $0xffff  }
0xc1: {  	v12 =	vld [tilespmem:s17+$0x1400];
	v13 =	vor.u32 $0x2B, v4  }
0xc2: {  	v3 =	vadd.f32 v5, v3;
	v5 =	vmul.f32 v6, v6;
	v6 =	vsub.f32 v11, v10;
	v10 =	vld.idx.msk [tilespmem:v15+s16+$0x0], $0xffff  }
0xc3: {  	v11 =	vld [tilespmem:s17+$0x1480];
	v15 =	vor.u32 $0x2C, v4  }
0xc4: {  	v3 =	vadd.f32 v5, v3;
	v5 =	vmul.f32 v6, v6;
	v6 =	vsub.f32 v9, v7;
	v7 =	vld.idx.msk [tilespmem:v14+s16+$0x0], $0xffff  }
0xc5: {  	v9 =	vld [tilespmem:s17+$0x1500];
	v14 =	vor.u32 $0x2D, v4  }
0xc6: {  	v3 =	vadd.f32 v5, v3;
	v5 =	vmul.f32 v6, v6;
	v6 =	vsub.f32 v12, v8;
	v8 =	vld.idx.msk [tilespmem:v13+s16+$0x0], $0xffff  }
0xc7: {  	v12 =	vld [tilespmem:s17+$0x1580];
	v13 =	vor.u32 $0x2E, v4  }
0xc8: {  	v3 =	vadd.f32 v5, v3;
	v5 =	vmul.f32 v6, v6;
	v6 =	vsub.f32 v11, v10;
	v10 =	vld.idx.msk [tilespmem:v15+s16+$0x0], $0xffff  }
0xc9: {  	v11 =	vld [tilespmem:s17+$0x1600];
	v15 =	vor.u32 $0x2F, v4  }
0xca: {  	v3 =	vadd.f32 v5, v3;
	v5 =	vmul.f32 v6, v6;
	v6 =	vsub.f32 v9, v7;
	v7 =	vld.idx.msk [tilespmem:v14+s16+$0x0], $0xffff  }
0xcb: {  	v9 =	vld [tilespmem:s17+$0x1680];
	v14 =	vor.u32 $0x30, v4  }
0xcc: {  	v3 =	vadd.f32 v5, v3;
	v5 =	vmul.f32 v6, v6;
	v6 =	vsub.f32 v12, v8;
	v8 =	vld.idx.msk [tilespmem:v13+s16+$0x0], $0xffff  }
0xcd: {  	v12 =	vld [tilespmem:s17+$0x1700];
	v13 =	vor.u32 $0x31, v4  }
0xce: {  	v3 =	vadd.f32 v5, v3;
	v5 =	vmul.f32 v6, v6;
	v6 =	vsub.f32 v11, v10;
	v10 =	vld.idx.msk [tilespmem:v15+s16+$0x0], $0xffff  }
0xcf: {  	v11 =	vld [tilespmem:s17+$0x1780];
	v15 =	vor.u32 $0x32, v4  }
0xd0: {  	v3 =	vadd.f32 v5, v3;
	v5 =	vmul.f32 v6, v6;
	v6 =	vsub.f32 v9, v7;
	v7 =	vld.idx.msk [tilespmem:v14+s16+$0x0], $0xffff  }
0xd1: {  	v9 =	vld [tilespmem:s17+$0x1800];
	v14 =	vor.u32 $0x33, v4  }
0xd2: {  	v3 =	vadd.f32 v5, v3;
	v5 =	vmul.f32 v6, v6;
	v6 =	vsub.f32 v12, v8;
	v8 =	vld.idx.msk [tilespmem:v13+s16+$0x0], $0xffff  }
0xd3: {  	v12 =	vld [tilespmem:s17+$0x1880];
	v13 =	vor.u32 $0x34, v4  }
0xd4: {  	v3 =	vadd.f32 v5, v3;
	v5 =	vmul.f32 v6, v6;
	v6 =	vsub.f32 v11, v10;
	v10 =	vld.idx.msk [tilespmem:v15+s16+$0x0], $0xffff  }
0xd5: {  	v11 =	vld [tilespmem:s17+$0x1900];
	v15 =	vor.u32 $0x35, v4  }
0xd6: {  	v3 =	vadd.f32 v5, v3;
	v5 =	vmul.f32 v6, v6;
	v6 =	vsub.f32 v9, v7;
	v7 =	vld.idx.msk [tilespmem:v14+s16+$0x0], $0xffff  }
0xd7: {  	v16 =	vor.u32 $0x36, v4;
	v14 =	vld [tilespmem:s17+$0x1980]  }
0xd8: {  	v3 =	vadd.f32 v5, v3;
	v5 =	vmul.f32 v6, v6;
	v6 =	vsub.f32 v12, v8;
	v8 =	vld.idx.msk [tilespmem:v13+s16+$0x0], $0xffff  }
0xd9: {  	v12 =	vld [tilespmem:s17+$0x1A00];
	v13 =	vor.u32 $0x37, v4  }
0xda: {  	v3 =	vadd.f32 v5, v3;
	v5 =	vmul.f32 v6, v6;
	v6 =	vsub.f32 v11, v10;
	v10 =	vld.idx.msk [tilespmem:v15+s16+$0x0], $0xffff  }
0xdb: {  	v11 =	vld [tilespmem:s17+$0x1A80];
	v15 =	vor.u32 $0x38, v4  }
0xdc: {  	s24 =	simm.s32 $0x10;
	s19 =	simm.s32 $0x10;
	v18 =	vld [tilespmem:s17+$0x1B80];
	v3 =	vadd.f32 v5, v3;
	v5 =	vmul.f32 v6, v6;
	v6 =	vsub.f32 v14, v7  }
0xdd: {  	s22 =	sand.u32 $0x70, s19;
	s18 =	sand.u32 $0xFFFFFF80, s24;
	v7 =	vld.idx.msk [tilespmem:v16+s16+$0x0], $0xffff;
	v14 =	vor.u32 $0x39, v4  }
0xde: {  	s18 =	sor.u32 s22, s18;
	v13 =	vld.idx.msk [tilespmem:v13+s16+$0x0], $0xffff;
	v3 =	vadd.f32 v5, v3;
	v5 =	vmul.f32 v6, v6;
	v6 =	vsub.f32 v12, v8  }
0xdf: {  	v17 =	vor.u32 $0x3A, v4;
	v9 =	vld [tilespmem:s18+$0x0]  }
0xe0: {  	v8 =	vld.idx.msk [tilespmem:v15+s16+$0x0], $0xffff;
	v3 =	vadd.f32 v5, v3;
	v5 =	vmul.f32 v6, v6;
	v6 =	vsub.f32 v11, v10  }
0xe1: {  	v12 =	vor.u32 $0x3B, v4;
	v11 =	vld [tilespmem:s17+$0x1C00]  }
0xe2: {  	v15 =	vsub.f32 v63, v7;
	v7 =	vld [tilespmem:s17+$0x1C80];
	v3 =	vadd.f32 v5, v3;
	v5 =	vmul.f32 v6, v6  }
0xe3: {  	v10 =	vor.u32 $0x3C, v4;
	v6 =	vld.idx.msk [tilespmem:v14+s16+$0x0], $0xffff;
	v23 =	vsub.f32 v18, v13  }
0xe4: {  	s21 =	simm.s32 $0x2;
	s20 =	simm.s32 $0x1;
	v22 =	vmul.f32 v15, v15;
	v21 =	vadd.f32 v5, v3;
	v5 =	vld.idx.msk [tilespmem:v17+s16+$0x0], $0xffff;
	v3 =	vimm.f32 $0.0e+00  }
.LBB2_2:
0xe5: {  	p1 =	sne.s32 s21, $0x1F;
	v13 =	vld [tilespmem:s17+$0x1D00];
	v14 =	vor.u32 $0x3D, v4  }
0xe6: {  	v15 =	vadd.f32 v22, v21;
	v16 =	vmul.f32 v23, v23;
	v8 =	vsub.f32 v11, v8;
	v11 =	vld.idx.msk [tilespmem:v12+s16+$0x0], $0xffff  }
0xe7: {  	v18 =	vor.u32 $0x3E, v4;
	v12 =	vmov s19;
	v17 =	vld [tilespmem:s17+$0x1D80]  }
0xe8: {  	v15 =	vadd.f32 v16, v15;
	v8 =	vmul.f32 v8, v8;
	v6 =	vsub.f32 v7, v6;
	v7 =	vld.idx.msk [tilespmem:v10+s16+$0x0], $0xffff  }
0xe9: {  	vm0 =	vgt.s32 v9, $0xDFFF;
	v9 =	vshll.u32 v12, $0x7;
	v12 =	vor.u32 $0x3F, v4;
	v10 =	vld [tilespmem:s17+$0x1E00]  }
0xea: {  	v4 =	vadd.f32 v8, v15;
	v6 =	vmul.f32 v6, v6;
	v5 =	vsub.f32 v13, v5;
	v8 =	vld.idx.msk [tilespmem:v14+s16+$0x0], $0xffff  }
0xeb: {  	v9 =	vor.u32 v1, v9;
	v13 =	vsel vm0, $0x40, v0;
	v14 =	vld [tilespmem:s17+$0x1E80]  }
0xec: {  	v6 =	vadd.f32 v6, v4;
	v5 =	vmul.f32 v5, v5;
	v11 =	vsub.f32 v17, v11;
	v15 =	vld.idx.msk [tilespmem:v18+s16+$0x0], $0xffff  }
0xed: {  	v4 =	vor.u32 v9, v13;
	v9 =	vld [tilespmem:s17+$0x1F00]  }
0xee: {  	s24 =	sshll.u32 s20, $0xA;
	s20 =	smov.u32 s21;
	v5 =	vadd.f32 v5, v6;
	v6 =	vmul.f32 v11, v11;
	v7 =	vsub.f32 v10, v7;
	v10 =	vld.idx.msk [tilespmem:v12+s16+$0x0], $0xffff  }
0xef: {  	s24 =	sand.u32 $0x3FFFE000, s24;
	v11 =	vor.u32 $0x1, v4;
	v12 =	vld [tilespmem:s17+$0x1F80]  }
0xf0: {  	s22 =	sor.u32 s22, s24;
	v5 =	vadd.f32 v6, v5;
	v7 =	vmul.f32 v7, v7;
	v8 =	vsub.f32 v14, v8;
	v6 =	vld [tilespmem:s15+$0x18400];
	s15 =	smov.u32 s18  }
0xf1: {  	v16 =	vor.u32 $0x3, v4;
	s17 =	sadd.s32 $0x10400, s22;
	v14 =	vor.u32 $0x2, v4;
	v13 =	vld [tilespmem:s22+$0x10400]  }
0xf2: {  	v17 =	vld [tilespmem:s17+$0x100];
	v5 =	vadd.f32 v7, v5;
	v7 =	vmul.f32 v8, v8;
	v8 =	vsub.f32 v9, v15  }
0xf3: {  	v15 =	vor.u32 $0x4, v4;
	v9 =	vld.idx.msk [tilespmem:v4+s16+$0x0], $0xffff  }
0xf4: {  	v11 =	vld.idx.msk [tilespmem:v11+s16+$0x0], $0xffff;
	v5 =	vadd.f32 v7, v5;
	v7 =	vmul.f32 v8, v8;
	v8 =	vsub.f32 v12, v10  }
0xf5: {  	v10 =	vld [tilespmem:s17+$0x80]  }
0xf6: {  	v12 =	vld.idx.msk [tilespmem:v14+s16+$0x0], $0xffff;
	v14 =	vor.u32 $0x5, v4;
	v5 =	vadd.f32 v7, v5;
	v7 =	vmul.f32 v8, v8  }
0xf7: {  	v8 =	vld.idx.msk [tilespmem:v16+s16+$0x0], $0xffff  }
0xf8: {  	v18 =	vor.u32 $0x6, v4;
	v16 =	vld [tilespmem:s17+$0x180];
	v5 =	vadd.f32 v7, v5  }
0xf9: {  	v7 =	vsub.f32 v13, v9;
	v13 =	vor.u32 $0x7, v4;
	v9 =	vld.idx.msk [tilespmem:v15+s16+$0x0], $0xffff  }
0xfa: {  	v10 =	vsub.f32 v10, v11;
	v11 =	vld [tilespmem:s17+$0x200];
	v15 =	vshra.s32 v5, $0x1;
	v19 =	vmul.f32 $5.000000000e-01, v5  }
0xfb: {  	v20 =	vor.u32 $0x8, v4;
	v7 =	vmul.f32 v7, v7;
	v14 =	vld.idx.msk [tilespmem:v14+s16+$0x0], $0xffff;
	v15 =	vsub.s32 $0x5F3759DF, v15  }
0xfc: {  	v12 =	vsub.f32 v17, v12;
	v10 =	vmul.f32 v10, v10;
	v17 =	vld [tilespmem:s17+$0x280];
	v21 =	vmul.f32 v15, v19  }
0xfd: {  	v8 =	vsub.f32 v16, v8;
	v16 =	vld.idx.msk [tilespmem:v18+s16+$0x0], $0xffff;
	v18 =	vor.u32 $0x9, v4  }
0xfe: {  	v7 =	vadd.f32 v10, v7;
	v10 =	vmul.f32 v12, v12;
	v12 =	vld [tilespmem:s17+$0x300];
	v21 =	vmul.f32 v15, v21  }
0xff: {  	v9 =	vsub.f32 v11, v9;
	v11 =	vld.idx.msk [tilespmem:v13+s16+$0x0], $0xffff;
	v13 =	vor.u32 $0xA, v4  }
0x100: {  	v8 =	vmul.f32 v8, v8;
	v7 =	vadd.f32 v10, v7;
	v10 =	vld [tilespmem:s17+$0x380];
	v21 =	vsub.f32 $1.500000000e+00, v21  }
0x101: {  	v14 =	vsub.f32 v17, v14;
	v17 =	vld.idx.msk [tilespmem:v20+s16+$0x0], $0xffff;
	v20 =	vor.u32 $0xB, v4  }
0x102: {  	v7 =	vadd.f32 v8, v7;
	v8 =	vmul.f32 v9, v9;
	v9 =	vld [tilespmem:s17+$0x400];
	v15 =	vmul.f32 v15, v21  }
0x103: {  	v12 =	vsub.f32 v12, v16;
	v16 =	vld.idx.msk [tilespmem:v18+s16+$0x0], $0xffff;
	v18 =	vor.u32 $0xC, v4  }
0x104: {  	v7 =	vadd.f32 v8, v7;
	v8 =	vmul.f32 v14, v14;
	v14 =	vld [tilespmem:s17+$0x480];
	v21 =	vmul.f32 v15, v19  }
0x105: {  	v10 =	vsub.f32 v10, v11;
	v11 =	vld.idx.msk [tilespmem:v13+s16+$0x0], $0xffff;
	v13 =	vor.u32 $0xD, v4  }
0x106: {  	v7 =	vadd.f32 v8, v7;
	v8 =	vmul.f32 v12, v12;
	v12 =	vld [tilespmem:s17+$0x500];
	v21 =	vmul.f32 v21, v15  }
0x107: {  	v9 =	vsub.f32 v9, v17;
	v17 =	vld.idx.msk [tilespmem:v20+s16+$0x0], $0xffff;
	v20 =	vor.u32 $0xE, v4  }
0x108: {  	v7 =	vadd.f32 v8, v7;
	v8 =	vmul.f32 v10, v10;
	v10 =	vld [tilespmem:s17+$0x580];
	v21 =	vsub.f32 $1.500000000e+00, v21  }
0x109: {  	v14 =	vsub.f32 v14, v16;
	v16 =	vld.idx.msk [tilespmem:v18+s16+$0x0], $0xffff;
	v18 =	vor.u32 $0xF, v4  }
0x10a: {  	v7 =	vadd.f32 v8, v7;
	v8 =	vmul.f32 v9, v9;
	v9 =	vld [tilespmem:s17+$0x600];
	v15 =	vmul.f32 v21, v15  }
0x10b: {  	v11 =	vsub.f32 v12, v11;
	v12 =	vld.idx.msk [tilespmem:v13+s16+$0x0], $0xffff;
	v13 =	vor.u32 $0x10, v4  }
0x10c: {  	v7 =	vadd.f32 v8, v7;
	v8 =	vmul.f32 v14, v14;
	v14 =	vld [tilespmem:s17+$0x680];
	v21 =	vmul.f32 v15, v19  }
0x10d: {  	v10 =	vsub.f32 v10, v17;
	v17 =	vld.idx.msk [tilespmem:v20+s16+$0x0], $0xffff;
	v20 =	vor.u32 $0x11, v4  }
0x10e: {  	v7 =	vadd.f32 v8, v7;
	v8 =	vmul.f32 v11, v11;
	v11 =	vld [tilespmem:s17+$0x700];
	v21 =	vmul.f32 v21, v15  }
0x10f: {  	v9 =	vsub.f32 v9, v16;
	v16 =	vld.idx.msk [tilespmem:v18+s16+$0x0], $0xffff;
	v18 =	vor.u32 $0x12, v4  }
0x110: {  	v7 =	vadd.f32 v8, v7;
	v8 =	vmul.f32 v10, v10;
	v10 =	vld [tilespmem:s17+$0x780];
	v21 =	vsub.f32 $1.500000000e+00, v21  }
0x111: {  	v12 =	vsub.f32 v14, v12;
	v13 =	vld.idx.msk [tilespmem:v13+s16+$0x0], $0xffff;
	v14 =	vor.u32 $0x13, v4  }
0x112: {  	v7 =	vadd.f32 v8, v7;
	v8 =	vmul.f32 v9, v9;
	v9 =	vld [tilespmem:s17+$0x800];
	v15 =	vmul.f32 v21, v15  }
0x113: {  	v11 =	vsub.f32 v11, v17;
	v17 =	vld.idx.msk [tilespmem:v20+s16+$0x0], $0xffff;
	v20 =	vor.u32 $0x14, v4;
	(erf) = vrcp.f32 v6  }
0x114: {  	v6 =	vadd.f32 v8, v7;
	v7 =	vmul.f32 v12, v12;
	v8 =	vld [tilespmem:s17+$0x880];
	v12 =	vmul.f32 v15, v19  }
0x115: {  	v10 =	vsub.f32 v10, v16;
	v16 =	vld.idx.msk [tilespmem:v18+s16+$0x0], $0xffff  }
0x116: {  	v6 =	vadd.f32 v7, v6;
	v7 =	vmul.f32 v11, v11;
	v11 =	vld [tilespmem:s17+$0x900];
	v12 =	vmul.f32 v12, v15  }
0x117: {  	v9 =	vsub.f32 v9, v13;
	v13 =	vld.idx.msk [tilespmem:v14+s16+$0x0], $0xffff;
	v14 =	vor.u32 $0x15, v4  }
0x118: {  	s19 =	sadd.s32 $0x10, s19;
	s18 =	sshll.u32 s21, $0x4;
	v6 =	vadd.f32 v7, v6;
	v7 =	vmul.f32 v10, v10;
	v10 =	vld [tilespmem:s17+$0x980];
	v12 =	vsub.f32 $1.500000000e+00, v12  }
0x119: {  	s22 =	sand.u32 $0x70, s19;
	s18 =	sand.u32 $0xFFFFFF80, s18;
	v18 =	vor.u32 $0x16, v4;
	v8 =	vsub.f32 v8, v17;
	v17 =	vld.idx.msk [tilespmem:v20+s16+$0x0], $0xffff  }
0x11a: {  	s18 =	sor.u32 s22, s18;
	v6 =	vadd.f32 v7, v6;
	v7 =	vmul.f32 v9, v9;
	v19 =	vld [tilespmem:s17+$0xA00];
	v20 =	vmul.f32 v12, v15  }
0x11b: {  	v15 =	vor.u32 $0x17, v4;
	v9 =	vld [tilespmem:s18+$0x0];
	v11 =	vsub.f32 v11, v16  }
0x11c: {  	v6 =	vadd.f32 v7, v6;
	v7 =	vmul.f32 v8, v8;
	v8 =	vld.idx.msk [tilespmem:v14+s16+$0x0], $0xffff;
	v5 =	vmul.f32 v20, v5;
	v12 =	vpop (erf)  }
0x11d: {  	v14 =	vor.u32 $0x18, v4;
	v10 =	vsub.f32 v10, v13;
	v13 =	vld [tilespmem:s17+$0xA80]  }
0x11e: {  	v6 =	vadd.f32 v7, v6;
	v7 =	vmul.f32 v11, v11;
	v11 =	vld.idx.msk [tilespmem:v18+s16+$0x0], $0xffff;
	v5 =	vmul.f32 v5, v12  }
0x11f: {  	v12 =	vsub.f32 v19, v17;
	v16 =	vld [tilespmem:s17+$0xB00];
	v17 =	vor.u32 $0x19, v4  }
0x120: {  	v6 =	vadd.f32 v7, v6;
	v7 =	vmul.f32 v10, v10;
	v10 =	vld.idx.msk [tilespmem:v15+s16+$0x0], $0xffff;
	v3 =	vadd.f32 v5, v3  }
0x121: {  	v15 =	vor.u32 $0x1A, v4;
	v5 =	vld [tilespmem:s17+$0xB80]  }
0x122: {  	v6 =	vadd.f32 v7, v6;
	v7 =	vmul.f32 v12, v12;
	v8 =	vsub.f32 v13, v8;
	v12 =	vld.idx.msk [tilespmem:v14+s16+$0x0], $0xffff  }
0x123: {  	v14 =	vor.u32 $0x1B, v4;
	v13 =	vld [tilespmem:s17+$0xC00]  }
0x124: {  	v6 =	vadd.f32 v7, v6;
	v7 =	vmul.f32 v8, v8;
	v8 =	vsub.f32 v16, v11;
	v11 =	vld.idx.msk [tilespmem:v17+s16+$0x0], $0xffff  }
0x125: {  	v17 =	vor.u32 $0x1C, v4;
	v16 =	vld [tilespmem:s17+$0xC80]  }
0x126: {  	v6 =	vadd.f32 v7, v6;
	v7 =	vmul.f32 v8, v8;
	v5 =	vsub.f32 v5, v10;
	v8 =	vld.idx.msk [tilespmem:v15+s16+$0x0], $0xffff  }
0x127: {  	v15 =	vor.u32 $0x1D, v4;
	v10 =	vld [tilespmem:s17+$0xD00]  }
0x128: {  	v6 =	vadd.f32 v7, v6;
	v5 =	vmul.f32 v5, v5;
	v7 =	vsub.f32 v13, v12;
	v12 =	vld.idx.msk [tilespmem:v14+s16+$0x0], $0xffff  }
0x129: {  	v14 =	vor.u32 $0x1E, v4;
	v13 =	vld [tilespmem:s17+$0xD80]  }
0x12a: {  	v5 =	vadd.f32 v5, v6;
	v6 =	vmul.f32 v7, v7;
	v7 =	vsub.f32 v16, v11;
	v11 =	vld.idx.msk [tilespmem:v17+s16+$0x0], $0xffff  }
0x12b: {  	v17 =	vor.u32 $0x1F, v4;
	v16 =	vld [tilespmem:s17+$0xE00]  }
0x12c: {  	v5 =	vadd.f32 v6, v5;
	v6 =	vmul.f32 v7, v7;
	v7 =	vsub.f32 v10, v8;
	v8 =	vld.idx.msk [tilespmem:v15+s16+$0x0], $0xffff  }
0x12d: {  	v15 =	vor.u32 $0x20, v4;
	v10 =	vld [tilespmem:s17+$0xE80]  }
0x12e: {  	v5 =	vadd.f32 v6, v5;
	v6 =	vmul.f32 v7, v7;
	v7 =	vsub.f32 v13, v12;
	v12 =	vld.idx.msk [tilespmem:v14+s16+$0x0], $0xffff  }
0x12f: {  	v14 =	vor.u32 $0x21, v4;
	v13 =	vld [tilespmem:s17+$0xF00]  }
0x130: {  	v5 =	vadd.f32 v6, v5;
	v6 =	vmul.f32 v7, v7;
	v7 =	vsub.f32 v16, v11;
	v11 =	vld.idx.msk [tilespmem:v17+s16+$0x0], $0xffff  }
0x131: {  	v17 =	vor.u32 $0x22, v4;
	v16 =	vld [tilespmem:s17+$0xF80]  }
0x132: {  	v5 =	vadd.f32 v6, v5;
	v6 =	vmul.f32 v7, v7;
	v7 =	vsub.f32 v10, v8;
	v8 =	vld.idx.msk [tilespmem:v15+s16+$0x0], $0xffff  }
0x133: {  	v15 =	vor.u32 $0x23, v4;
	v10 =	vld [tilespmem:s17+$0x1000]  }
0x134: {  	v5 =	vadd.f32 v6, v5;
	v6 =	vmul.f32 v7, v7;
	v7 =	vsub.f32 v13, v12;
	v12 =	vld.idx.msk [tilespmem:v14+s16+$0x0], $0xffff  }
0x135: {  	v14 =	vor.u32 $0x24, v4;
	v13 =	vld [tilespmem:s17+$0x1080]  }
0x136: {  	v5 =	vadd.f32 v6, v5;
	v6 =	vmul.f32 v7, v7;
	v7 =	vsub.f32 v16, v11;
	v11 =	vld.idx.msk [tilespmem:v17+s16+$0x0], $0xffff  }
0x137: {  	v17 =	vor.u32 $0x25, v4;
	v16 =	vld [tilespmem:s17+$0x1100]  }
0x138: {  	v5 =	vadd.f32 v6, v5;
	v6 =	vmul.f32 v7, v7;
	v7 =	vsub.f32 v10, v8;
	v8 =	vld.idx.msk [tilespmem:v15+s16+$0x0], $0xffff  }
0x139: {  	v15 =	vor.u32 $0x26, v4;
	v10 =	vld [tilespmem:s17+$0x1180]  }
0x13a: {  	v5 =	vadd.f32 v6, v5;
	v6 =	vmul.f32 v7, v7;
	v7 =	vsub.f32 v13, v12;
	v12 =	vld.idx.msk [tilespmem:v14+s16+$0x0], $0xffff  }
0x13b: {  	v14 =	vor.u32 $0x27, v4;
	v13 =	vld [tilespmem:s17+$0x1200]  }
0x13c: {  	v5 =	vadd.f32 v6, v5;
	v6 =	vmul.f32 v7, v7;
	v7 =	vsub.f32 v16, v11;
	v11 =	vld.idx.msk [tilespmem:v17+s16+$0x0], $0xffff  }
0x13d: {  	v17 =	vor.u32 $0x28, v4;
	v16 =	vld [tilespmem:s17+$0x1280]  }
0x13e: {  	v5 =	vadd.f32 v6, v5;
	v6 =	vmul.f32 v7, v7;
	v7 =	vsub.f32 v10, v8;
	v8 =	vld.idx.msk [tilespmem:v15+s16+$0x0], $0xffff  }
0x13f: {  	v15 =	vor.u32 $0x29, v4;
	v10 =	vld [tilespmem:s17+$0x1300]  }
0x140: {  	v5 =	vadd.f32 v6, v5;
	v6 =	vmul.f32 v7, v7;
	v7 =	vsub.f32 v13, v12;
	v12 =	vld.idx.msk [tilespmem:v14+s16+$0x0], $0xffff  }
0x141: {  	v14 =	vor.u32 $0x2A, v4;
	v13 =	vld [tilespmem:s17+$0x1380]  }
0x142: {  	v5 =	vadd.f32 v6, v5;
	v6 =	vmul.f32 v7, v7;
	v7 =	vsub.f32 v16, v11;
	v11 =	vld.idx.msk [tilespmem:v17+s16+$0x0], $0xffff  }
0x143: {  	v17 =	vor.u32 $0x2B, v4;
	v16 =	vld [tilespmem:s17+$0x1400]  }
0x144: {  	v5 =	vadd.f32 v6, v5;
	v6 =	vmul.f32 v7, v7;
	v7 =	vsub.f32 v10, v8;
	v8 =	vld.idx.msk [tilespmem:v15+s16+$0x0], $0xffff  }
0x145: {  	v15 =	vor.u32 $0x2C, v4;
	v10 =	vld [tilespmem:s17+$0x1480]  }
0x146: {  	v5 =	vadd.f32 v6, v5;
	v6 =	vmul.f32 v7, v7;
	v7 =	vsub.f32 v13, v12;
	v12 =	vld.idx.msk [tilespmem:v14+s16+$0x0], $0xffff  }
0x147: {  	v14 =	vor.u32 $0x2D, v4;
	v13 =	vld [tilespmem:s17+$0x1500]  }
0x148: {  	v5 =	vadd.f32 v6, v5;
	v6 =	vmul.f32 v7, v7;
	v7 =	vsub.f32 v16, v11;
	v11 =	vld.idx.msk [tilespmem:v17+s16+$0x0], $0xffff  }
0x149: {  	v17 =	vor.u32 $0x2E, v4;
	v16 =	vld [tilespmem:s17+$0x1580]  }
0x14a: {  	v5 =	vadd.f32 v6, v5;
	v6 =	vmul.f32 v7, v7;
	v7 =	vsub.f32 v10, v8;
	v8 =	vld.idx.msk [tilespmem:v15+s16+$0x0], $0xffff  }
0x14b: {  	v15 =	vor.u32 $0x2F, v4;
	v10 =	vld [tilespmem:s17+$0x1600]  }
0x14c: {  	v5 =	vadd.f32 v6, v5;
	v6 =	vmul.f32 v7, v7;
	v7 =	vsub.f32 v13, v12;
	v12 =	vld.idx.msk [tilespmem:v14+s16+$0x0], $0xffff  }
0x14d: {  	v14 =	vor.u32 $0x30, v4;
	v13 =	vld [tilespmem:s17+$0x1680]  }
0x14e: {  	v5 =	vadd.f32 v6, v5;
	v6 =	vmul.f32 v7, v7;
	v7 =	vsub.f32 v16, v11;
	v11 =	vld.idx.msk [tilespmem:v17+s16+$0x0], $0xffff  }
0x14f: {  	v17 =	vor.u32 $0x31, v4;
	v16 =	vld [tilespmem:s17+$0x1700]  }
0x150: {  	v5 =	vadd.f32 v6, v5;
	v6 =	vmul.f32 v7, v7;
	v7 =	vsub.f32 v10, v8;
	v8 =	vld.idx.msk [tilespmem:v15+s16+$0x0], $0xffff  }
0x151: {  	v15 =	vor.u32 $0x32, v4;
	v10 =	vld [tilespmem:s17+$0x1780]  }
0x152: {  	v5 =	vadd.f32 v6, v5;
	v6 =	vmul.f32 v7, v7;
	v7 =	vsub.f32 v13, v12;
	v12 =	vld.idx.msk [tilespmem:v14+s16+$0x0], $0xffff  }
0x153: {  	v14 =	vor.u32 $0x33, v4;
	v13 =	vld [tilespmem:s17+$0x1800]  }
0x154: {  	v5 =	vadd.f32 v6, v5;
	v6 =	vmul.f32 v7, v7;
	v7 =	vsub.f32 v16, v11;
	v11 =	vld.idx.msk [tilespmem:v17+s16+$0x0], $0xffff  }
0x155: {  	v17 =	vor.u32 $0x34, v4;
	v16 =	vld [tilespmem:s17+$0x1880]  }
0x156: {  	v5 =	vadd.f32 v6, v5;
	v6 =	vmul.f32 v7, v7;
	v7 =	vsub.f32 v10, v8;
	v8 =	vld.idx.msk [tilespmem:v15+s16+$0x0], $0xffff  }
0x157: {  	v15 =	vor.u32 $0x35, v4;
	v10 =	vld [tilespmem:s17+$0x1900]  }
0x158: {  	v5 =	vadd.f32 v6, v5;
	v6 =	vmul.f32 v7, v7;
	v7 =	vsub.f32 v13, v12;
	v12 =	vld.idx.msk [tilespmem:v14+s16+$0x0], $0xffff  }
0x159: {  	v14 =	vor.u32 $0x36, v4;
	v13 =	vld [tilespmem:s17+$0x1980]  }
0x15a: {  	v5 =	vadd.f32 v6, v5;
	v6 =	vmul.f32 v7, v7;
	v7 =	vsub.f32 v16, v11;
	v11 =	vld.idx.msk [tilespmem:v17+s16+$0x0], $0xffff  }
0x15b: {  	v17 =	vor.u32 $0x37, v4;
	v16 =	vld [tilespmem:s17+$0x1A00]  }
0x15c: {  	v5 =	vadd.f32 v6, v5;
	v6 =	vmul.f32 v7, v7;
	v7 =	vsub.f32 v10, v8;
	v8 =	vld.idx.msk [tilespmem:v15+s16+$0x0], $0xffff  }
0x15d: {  	v15 =	vor.u32 $0x38, v4;
	v10 =	vld [tilespmem:s17+$0x1A80]  }
0x15e: {  	v5 =	vadd.f32 v6, v5;
	v6 =	vmul.f32 v7, v7;
	v7 =	vsub.f32 v13, v12;
	v13 =	vld.idx.msk [tilespmem:v14+s16+$0x0], $0xffff  }
0x15f: {  	v18 =	vor.u32 $0x39, v4;
	v14 =	vld [tilespmem:s17+$0x1B00]  }
0x160: {  	v5 =	vadd.f32 v6, v5;
	v6 =	vmul.f32 v7, v7;
	v7 =	vsub.f32 v16, v11;
	v16 =	vld.idx.msk [tilespmem:v17+s16+$0x0], $0xffff  }
0x161: {  	v19 =	vor.u32 $0x3A, v4;
	v17 =	vld [tilespmem:s17+$0x1B80]  }
.Ltmp0:
0x162: {  	v5 =	vadd.f32 v6, v5;
	v6 =	vmul.f32 v7, v7;
	v7 =	vsub.f32 v10, v8;
	v8 =	vld.idx.msk [tilespmem:v15+s16+$0x0], $0xffff;
	(pc) =	sbr.rel @p1 .LBB2_2-.Ltmp0, $4  }
0x163: {  	v12 =	vor.u32 $0x3B, v4;
	v11 =	vld [tilespmem:s17+$0x1C00]  }
0x164: {  	v5 =	vadd.f32 v6, v5;
	v15 =	vmul.f32 v7, v7;
	v13 =	vsub.f32 v14, v13;
	v6 =	vld.idx.msk [tilespmem:v18+s16+$0x0], $0xffff  }
0x165: {  	v10 =	vor.u32 $0x3C, v4;
	v7 =	vld [tilespmem:s17+$0x1C80]  }
0x166: {  	s21 =	sadd.s32 $0x1, s21;
	v21 =	vadd.f32 v15, v5;
	v22 =	vmul.f32 v13, v13;
	v23 =	vsub.f32 v17, v16;
	v5 =	vld.idx.msk [tilespmem:v19+s16+$0x0], $0xffff  }
0x167: {  	_ =	sdelay $0x2  }
0x168: {  	v19 =	vld [tilespmem:s17+$0x1D00]  }
0x169: {  	v17 =	vld.idx.msk [tilespmem:v12+s16+$0x0], $0xffff  }
0x16a: {  	v18 =	vld [tilespmem:s17+$0x1D80]  }
0x16b: {  	v14 =	vld.idx.msk [tilespmem:v10+s16+$0x0], $0xffff  }
0x16c: {  	v16 =	vld [tilespmem:s17+$0x1E00]  }
0x16d: {  	v15 =	vld [tilespmem:s17+$0x1E80];
	s21 =	sshll.u32 s20, $0xA  }
0x16e: {  	v41 =	vmov s19;
	v12 =	vld [tilespmem:s17+$0x1F00];
	s19 =	sand.u32 $0x3FFFE000, s21  }
0x16f: {  	vm0 =	vgt.s32 v9, $0xDFFF;
	v10 =	vld [tilespmem:s17+$0x1F80];
	v43 =	vshll.u32 v41, $0x7;
	s24 =	sor.u32 s22, s19  }
0x170: {  	v44 =	vsel vm0, $0x40, v0;
	v20 =	vor.u32 v1, v43;
	v25 =	vld [tilespmem:s24+$0x10400];
	s17 =	sadd.s32 $0x10400, s24  }
0x171: {  	v20 =	vor.u32 v20, v44;
	v30 =	vld [tilespmem:s17+$0x80]  }
0x172: {  	v24 =	vor.u32 $0x1, v20;
	v31 =	vld [tilespmem:s17+$0x100]  }
0x173: {  	v33 =	vld [tilespmem:s17+$0x180]  }
0x174: {  	v26 =	vor.u32 $0x2, v20;
	v47 =	vld [tilespmem:s17+$0x200]  }
0x175: {  	v35 =	vld [tilespmem:s17+$0x280]  }
0x176: {  	v27 =	vor.u32 $0x3, v20;
	v28 =	vld.idx.msk [tilespmem:v20+s16+$0x0], $0xffff  }
0x177: {  	v24 =	vld.idx.msk [tilespmem:v24+s16+$0x0], $0xffff  }
0x178: {  	v29 =	vor.u32 $0x4, v20;
	v52 =	vld [tilespmem:s17+$0x300]  }
0x179: {  	v26 =	vld.idx.msk [tilespmem:v26+s16+$0x0], $0xffff  }
0x17a: {  	v32 =	vor.u32 $0x5, v20;
	v55 =	vld [tilespmem:s17+$0x380]  }
0x17b: {  	v27 =	vld.idx.msk [tilespmem:v27+s16+$0x0], $0xffff  }
0x17c: {  	v34 =	vor.u32 $0x6, v20;
	v58 =	vld [tilespmem:s17+$0x400];
	v25 =	vsub.f32 v25, v28;
	v24 =	vsub.f32 v30, v24  }
0x17d: {  	v46 =	vor.u32 $0x7, v20;
	v45 =	vld.idx.msk [tilespmem:v29+s16+$0x0], $0xffff  }
0x17e: {  	v61 =	vld [tilespmem:s17+$0x480];
	v26 =	vsub.f32 v31, v26;
	v25 =	vmul.f32 v25, v25;
	v24 =	vmul.f32 v24, v24  }
0x17f: {  	v13 =	vor.u32 $0x3D, v4;
	v48 =	vor.u32 $0x8, v20;
	v32 =	vld.idx.msk [tilespmem:v32+s16+$0x0], $0xffff  }
0x180: {  	v36 =	vld [tilespmem:s17+$0x500];
	v27 =	vsub.f32 v33, v27;
	v50 =	vmul.f32 v26, v26;
	v24 =	vadd.f32 v24, v25  }
0x181: {  	v40 =	vor.u32 $0x3E, v4;
	v51 =	vor.u32 $0x9, v20;
	v49 =	vld.idx.msk [tilespmem:v34+s16+$0x0], $0xffff  }
0x182: {  	v39 =	vld [tilespmem:s17+$0x580];
	v28 =	vsub.f32 v47, v45;
	v53 =	vmul.f32 v27, v27;
	v24 =	vadd.f32 v50, v24  }
0x183: {  	v42 =	vor.u32 $0x3F, v4;
	v54 =	vor.u32 $0xA, v20;
	v29 =	vld.idx.msk [tilespmem:v46+s16+$0x0], $0xffff  }
0x184: {  	v13 =	vld.idx.msk [tilespmem:v13+s16+$0x0], $0xffff;
	v32 =	vsub.f32 v35, v32;
	v56 =	vmul.f32 v28, v28;
	v24 =	vadd.f32 v53, v24  }
0x185: {  	v57 =	vor.u32 $0xB, v20;
	v31 =	vld.idx.msk [tilespmem:v48+s16+$0x0], $0xffff  }
0x186: {  	v9 =	vld.idx.msk [tilespmem:v40+s16+$0x0], $0xffff;
	v33 =	vsub.f32 v52, v49;
	v59 =	vmul.f32 v32, v32;
	v24 =	vadd.f32 v56, v24  }
0x187: {  	v60 =	vor.u32 $0xC, v20;
	v63 =	vor.u32 $0xD, v20;
	v26 =	vld.idx.msk [tilespmem:v51+s16+$0x0], $0xffff  }
0x188: {  	v4 =	vld.idx.msk [tilespmem:v42+s16+$0x0], $0xffff;
	v29 =	vsub.f32 v55, v29;
	v62 =	vmul.f32 v33, v33;
	v24 =	vadd.f32 v59, v24  }
0x189: {  	v27 =	vld.idx.msk [tilespmem:v54+s16+$0x0], $0xffff  }
0x18a: {  	v42 =	vld [tilespmem:s17+$0x600];
	v37 =	vmul.f32 v29, v29;
	v31 =	vsub.f32 v58, v31;
	v24 =	vadd.f32 v62, v24  }
0x18b: {  	v38 =	vor.u32 $0xE, v20;
	v28 =	vld.idx.msk [tilespmem:v57+s16+$0x0], $0xffff  }
0x18c: {  	v30 =	vld.idx.msk [tilespmem:v63+s16+$0x0], $0xffff;
	v26 =	vsub.f32 v61, v26;
	v40 =	vmul.f32 v31, v31;
	v24 =	vadd.f32 v37, v24  }
0x18d: {  	v41 =	vor.u32 $0xF, v20;
	v32 =	vld.idx.msk [tilespmem:v60+s16+$0x0], $0xffff  }
0x18e: {  	v45 =	vld [tilespmem:s17+$0x680];
	v27 =	vsub.f32 v36, v27;
	v43 =	vmul.f32 v26, v26;
	v24 =	vadd.f32 v40, v24  }
0x18f: {  	v44 =	vor.u32 $0x10, v20;
	v48 =	vld [tilespmem:s17+$0x700]  }
0x190: {  	v29 =	vld.idx.msk [tilespmem:v38+s16+$0x0], $0xffff;
	v28 =	vsub.f32 v39, v28;
	v46 =	vmul.f32 v27, v27;
	v24 =	vadd.f32 v43, v24  }
0x191: {  	v47 =	vor.u32 $0x11, v20;
	v51 =	vld [tilespmem:s17+$0x780];
	v50 =	vor.u32 $0x12, v20  }
0x192: {  	v54 =	vld [tilespmem:s17+$0x800];
	v32 =	vsub.f32 v42, v32;
	v49 =	vmul.f32 v28, v28;
	v24 =	vadd.f32 v46, v24  }
0x193: {  	v30 =	vsub.f32 v45, v30;
	v31 =	vld.idx.msk [tilespmem:v41+s16+$0x0], $0xffff  }
0x194: {  	v57 =	vld [tilespmem:s17+$0x880];
	v53 =	vor.u32 $0x13, v20;
	v52 =	vmul.f32 v32, v32;
	v24 =	vadd.f32 v49, v24  }
0x195: {  	v29 =	vsub.f32 v48, v29;
	v26 =	vld.idx.msk [tilespmem:v44+s16+$0x0], $0xffff  }
0x196: {  	v55 =	vmul.f32 v30, v30;
	v27 =	vld.idx.msk [tilespmem:v47+s16+$0x0], $0xffff;
	v56 =	vor.u32 $0x14, v20;
	v24 =	vadd.f32 v52, v24  }
0x197: {  	v28 =	vld.idx.msk [tilespmem:v50+s16+$0x0], $0xffff  }
0x198: {  	v58 =	vmul.f32 v29, v29;
	v31 =	vsub.f32 v51, v31;
	v59 =	vld [tilespmem:s17+$0x900];
	v24 =	vadd.f32 v55, v24  }
0x199: {  	v60 =	vor.u32 $0x15, v20;
	v32 =	vld.idx.msk [tilespmem:v53+s16+$0x0], $0xffff  }
0x19a: {  	v26 =	vsub.f32 v54, v26;
	v61 =	vmul.f32 v31, v31;
	v62 =	vld [tilespmem:s17+$0x980];
	v24 =	vadd.f32 v58, v24  }
0x19b: {  	v63 =	vor.u32 $0x16, v20;
	v38 =	vor.u32 $0x17, v20;
	v30 =	vld.idx.msk [tilespmem:v56+s16+$0x0], $0xffff  }
0x19c: {  	v27 =	vsub.f32 v57, v27;
	v36 =	vmul.f32 v26, v26;
	v37 =	vld [tilespmem:s17+$0xA00];
	v24 =	vadd.f32 v61, v24  }
0x19d: {  	v45 =	vld [tilespmem:s17+$0xB00];
	v42 =	vor.u32 $0x18, v20  }
0x19e: {  	v41 =	vld [tilespmem:s17+$0xA80];
	v39 =	vmul.f32 v27, v27;
	v28 =	vsub.f32 v59, v28;
	v24 =	vadd.f32 v36, v24  }
0x19f: {  	v50 =	vor.u32 $0x1A, v20;
	v40 =	vld.idx.msk [tilespmem:v60+s16+$0x0], $0xffff  }
0x1a0: {  	v44 =	vld.idx.msk [tilespmem:v63+s16+$0x0], $0xffff;
	v31 =	vsub.f32 v62, v32;
	v43 =	vmul.f32 v28, v28;
	v24 =	vadd.f32 v39, v24  }
0x1a1: {  	v48 =	vld.idx.msk [tilespmem:v38+s16+$0x0], $0xffff;
	v26 =	vsub.f32 v37, v30  }
0x1a2: {  	v53 =	vld.idx.msk [tilespmem:v42+s16+$0x0], $0xffff;
	v47 =	vmul.f32 v31, v31;
	v46 =	vor.u32 $0x19, v20;
	v24 =	vadd.f32 v43, v24  }
0x1a3: {  	v60 =	vor.u32 $0x1C, v20;
	v49 =	vld [tilespmem:s17+$0xB80]  }
0x1a4: {  	v54 =	vld [tilespmem:s17+$0xC00];
	v51 =	vmul.f32 v26, v26;
	v52 =	vsub.f32 v41, v40;
	v24 =	vadd.f32 v47, v24  }
0x1a5: {  	v57 =	vsub.f32 v45, v44;
	v63 =	vld.idx.msk [tilespmem:v50+s16+$0x0], $0xffff  }
0x1a6: {  	v59 =	vld [tilespmem:s17+$0xC80];
	v55 =	vor.u32 $0x1B, v20;
	v56 =	vmul.f32 v52, v52;
	v24 =	vadd.f32 v51, v24  }
0x1a7: {  	v37 =	vor.u32 $0x1D, v20;
	v58 =	vld.idx.msk [tilespmem:v46+s16+$0x0], $0xffff  }
0x1a8: {  	v45 =	vld.idx.msk [tilespmem:v60+s16+$0x0], $0xffff;
	v62 =	vsub.f32 v49, v48;
	v61 =	vmul.f32 v57, v57;
	v24 =	vadd.f32 v56, v24  }
0x1a9: {  	v42 =	vor.u32 $0x1E, v20;
	v36 =	vld [tilespmem:s17+$0xD00]  }
0x1aa: {  	v41 =	vld [tilespmem:s17+$0xD80];
	v38 =	vmul.f32 v62, v62;
	v39 =	vsub.f32 v54, v53;
	v24 =	vadd.f32 v61, v24  }
0x1ab: {  	v52 =	vor.u32 $0x20, v20;
	v40 =	vld.idx.msk [tilespmem:v55+s16+$0x0], $0xffff  }
0x1ac: {  	v50 =	vld.idx.msk [tilespmem:v37+s16+$0x0], $0xffff;
	v44 =	vsub.f32 v59, v58;
	v43 =	vmul.f32 v39, v39;
	v24 =	vadd.f32 v38, v24  }
0x1ad: {  	v46 =	vld [tilespmem:s17+$0xE00];
	v47 =	vor.u32 $0x1F, v20  }
0x1ae: {  	v55 =	vld.idx.msk [tilespmem:v42+s16+$0x0], $0xffff;
	v48 =	vmul.f32 v44, v44;
	v49 =	vsub.f32 v36, v63;
	v24 =	vadd.f32 v43, v24  }
0x1af: {  	v57 =	vor.u32 $0x21, v20;
	v51 =	vld [tilespmem:s17+$0xE80]  }
0x1b0: {  	v37 =	vld.idx.msk [tilespmem:v52+s16+$0x0], $0xffff;
	v54 =	vsub.f32 v41, v40;
	v53 =	vmul.f32 v49, v49;
	v24 =	vadd.f32 v48, v24  }
0x1b1: {  	v44 =	vor.u32 $0x24, v20;
	v56 =	vld [tilespmem:s17+$0xF00]  }
0x1b2: {  	v59 =	vsub.f32 v46, v45;
	v58 =	vmul.f32 v54, v54;
	v60 =	vld.idx.msk [tilespmem:v47+s16+$0x0], $0xffff;
	v24 =	vadd.f32 v53, v24  }
0x1b3: {  	v62 =	vor.u32 $0x22, v20;
	v61 =	vld [tilespmem:s17+$0xF80]  }
0x1b4: {  	v42 =	vld.idx.msk [tilespmem:v57+s16+$0x0], $0xffff;
	v63 =	vmul.f32 v59, v59;
	v36 =	vsub.f32 v51, v50;
	v24 =	vadd.f32 v58, v24  }
0x1b5: {  	v39 =	vor.u32 $0x23, v20;
	v38 =	vld [tilespmem:s17+$0x1000]  }
0x1b6: {  	v57 =	vld.idx.msk [tilespmem:v44+s16+$0x0], $0xffff;
	v40 =	vmul.f32 v36, v36;
	v41 =	vsub.f32 v56, v55;
	v24 =	vadd.f32 v63, v24  }
0x1b7: {  	v59 =	vor.u32 $0x27, v20;
	v43 =	vld [tilespmem:s17+$0x1080]  }
0x1b8: {  	v47 =	vld.idx.msk [tilespmem:v62+s16+$0x0], $0xffff;
	v45 =	vmul.f32 v41, v41;
	v46 =	vsub.f32 v61, v60;
	v24 =	vadd.f32 v40, v24  }
0x1b9: {  	v49 =	vor.u32 $0x25, v20;
	v48 =	vld [tilespmem:s17+$0x1100]  }
0x1ba: {  	v52 =	vld.idx.msk [tilespmem:v39+s16+$0x0], $0xffff;
	v50 =	vmul.f32 v46, v46;
	v51 =	vsub.f32 v38, v37;
	v24 =	vadd.f32 v45, v24  }
0x1bb: {  	v54 =	vor.u32 $0x26, v20;
	v53 =	vld [tilespmem:s17+$0x1180]  }
0x1bc: {  	v44 =	vld.idx.msk [tilespmem:v59+s16+$0x0], $0xffff;
	v55 =	vmul.f32 v51, v51;
	v56 =	vsub.f32 v43, v42;
	v24 =	vadd.f32 v50, v24  }
0x1bd: {  	v36 =	vor.u32 $0x28, v20;
	v58 =	vld [tilespmem:s17+$0x1200]  }
0x1be: {  	v62 =	vld.idx.msk [tilespmem:v49+s16+$0x0], $0xffff;
	v60 =	vmul.f32 v56, v56;
	v61 =	vsub.f32 v48, v47;
	v24 =	vadd.f32 v55, v24  }
0x1bf: {  	v41 =	vor.u32 $0x29, v20;
	v63 =	vld [tilespmem:s17+$0x1280]  }
0x1c0: {  	v39 =	vld.idx.msk [tilespmem:v54+s16+$0x0], $0xffff;
	v37 =	vmul.f32 v61, v61;
	v38 =	vsub.f32 v53, v52;
	v24 =	vadd.f32 v60, v24  }
0x1c1: {  	v46 =	vor.u32 $0x2A, v20;
	v40 =	vld [tilespmem:s17+$0x1300]  }
0x1c2: {  	v49 =	vld.idx.msk [tilespmem:v36+s16+$0x0], $0xffff;
	v42 =	vmul.f32 v38, v38;
	v43 =	vsub.f32 v58, v57;
	v24 =	vadd.f32 v37, v24  }
0x1c3: {  	v51 =	vor.u32 $0x2B, v20;
	v45 =	vld [tilespmem:s17+$0x1380]  }
0x1c4: {  	v54 =	vld.idx.msk [tilespmem:v41+s16+$0x0], $0xffff;
	v47 =	vmul.f32 v43, v43;
	v48 =	vsub.f32 v63, v62;
	v24 =	vadd.f32 v42, v24  }
0x1c5: {  	v56 =	vor.u32 $0x2C, v20;
	v50 =	vld [tilespmem:s17+$0x1400]  }
0x1c6: {  	v59 =	vld.idx.msk [tilespmem:v46+s16+$0x0], $0xffff;
	v52 =	vmul.f32 v48, v48;
	v53 =	vsub.f32 v40, v39;
	v24 =	vadd.f32 v47, v24  }
0x1c7: {  	v61 =	vor.u32 $0x2D, v20;
	v55 =	vld [tilespmem:s17+$0x1480]  }
0x1c8: {  	v36 =	vld.idx.msk [tilespmem:v51+s16+$0x0], $0xffff;
	v57 =	vmul.f32 v53, v53;
	v58 =	vsub.f32 v45, v44;
	v24 =	vadd.f32 v52, v24  }
0x1c9: {  	v38 =	vor.u32 $0x2E, v20;
	v60 =	vld [tilespmem:s17+$0x1500]  }
0x1ca: {  	v41 =	vld.idx.msk [tilespmem:v56+s16+$0x0], $0xffff;
	v62 =	vmul.f32 v58, v58;
	v63 =	vsub.f32 v50, v49;
	v24 =	vadd.f32 v57, v24  }
0x1cb: {  	v43 =	vor.u32 $0x2F, v20;
	v37 =	vld [tilespmem:s17+$0x1580]  }
0x1cc: {  	v46 =	vld.idx.msk [tilespmem:v61+s16+$0x0], $0xffff;
	v39 =	vmul.f32 v63, v63;
	v40 =	vsub.f32 v55, v54;
	v24 =	vadd.f32 v62, v24  }
0x1cd: {  	v48 =	vor.u32 $0x30, v20;
	v42 =	vld [tilespmem:s17+$0x1600]  }
0x1ce: {  	v51 =	vld.idx.msk [tilespmem:v38+s16+$0x0], $0xffff;
	v44 =	vmul.f32 v40, v40;
	v45 =	vsub.f32 v60, v59;
	v24 =	vadd.f32 v39, v24  }
0x1cf: {  	v53 =	vor.u32 $0x31, v20;
	v47 =	vld [tilespmem:s17+$0x1680]  }
0x1d0: {  	v56 =	vld.idx.msk [tilespmem:v43+s16+$0x0], $0xffff;
	v49 =	vmul.f32 v45, v45;
	v50 =	vsub.f32 v37, v36;
	v24 =	vadd.f32 v44, v24  }
0x1d1: {  	v58 =	vor.u32 $0x32, v20;
	v52 =	vld [tilespmem:s17+$0x1700]  }
0x1d2: {  	v61 =	vld.idx.msk [tilespmem:v48+s16+$0x0], $0xffff;
	v54 =	vmul.f32 v50, v50;
	v55 =	vsub.f32 v42, v41;
	v24 =	vadd.f32 v49, v24  }
0x1d3: {  	v63 =	vor.u32 $0x33, v20;
	v57 =	vld [tilespmem:s17+$0x1780]  }
0x1d4: {  	v38 =	vld.idx.msk [tilespmem:v53+s16+$0x0], $0xffff;
	v59 =	vmul.f32 v55, v55;
	v60 =	vsub.f32 v47, v46;
	v24 =	vadd.f32 v54, v24  }
0x1d5: {  	v40 =	vor.u32 $0x34, v20;
	v62 =	vld [tilespmem:s17+$0x1800]  }
0x1d6: {  	v43 =	vld.idx.msk [tilespmem:v58+s16+$0x0], $0xffff;
	v36 =	vmul.f32 v60, v60;
	v37 =	vsub.f32 v52, v51;
	v24 =	vadd.f32 v59, v24  }
0x1d7: {  	v45 =	vor.u32 $0x35, v20;
	v39 =	vld [tilespmem:s17+$0x1880]  }
0x1d8: {  	v48 =	vld.idx.msk [tilespmem:v63+s16+$0x0], $0xffff;
	v41 =	vmul.f32 v37, v37;
	v42 =	vsub.f32 v57, v56;
	v24 =	vadd.f32 v36, v24  }
0x1d9: {  	v50 =	vor.u32 $0x36, v20;
	v44 =	vld [tilespmem:s17+$0x1900]  }
0x1da: {  	v53 =	vld.idx.msk [tilespmem:v40+s16+$0x0], $0xffff;
	v46 =	vmul.f32 v42, v42;
	v47 =	vsub.f32 v62, v61;
	v24 =	vadd.f32 v41, v24  }
0x1db: {  	v55 =	vor.u32 $0x37, v20;
	v49 =	vld [tilespmem:s17+$0x1980]  }
0x1dc: {  	v58 =	vld.idx.msk [tilespmem:v45+s16+$0x0], $0xffff;
	v51 =	vmul.f32 v47, v47;
	v52 =	vsub.f32 v39, v38;
	v24 =	vadd.f32 v46, v24  }
0x1dd: {  	v60 =	vor.u32 $0x38, v20;
	v54 =	vld [tilespmem:s17+$0x1A00]  }
0x1de: {  	v63 =	vld.idx.msk [tilespmem:v50+s16+$0x0], $0xffff;
	v56 =	vmul.f32 v52, v52;
	v57 =	vsub.f32 v44, v43;
	v24 =	vadd.f32 v51, v24  }
0x1df: {  	v59 =	vld [tilespmem:s17+$0x1A80]  }
0x1e0: {  	v40 =	vld.idx.msk [tilespmem:v55+s16+$0x0], $0xffff;
	v61 =	vmul.f32 v57, v57;
	v62 =	vsub.f32 v49, v48;
	v24 =	vadd.f32 v56, v24  }
0x1e1: {  	v37 =	vor.u32 $0x39, v20;
	v36 =	vld [tilespmem:s17+$0x1B00]  }
0x1e2: {  	v42 =	vld [tilespmem:s17+$0x1B80];
	v38 =	vmul.f32 v62, v62;
	v39 =	vsub.f32 v54, v53;
	v24 =	vadd.f32 v61, v24  }
0x1e3: {  	v21 =	vadd.f32 v22, v21;
	v8 =	vsub.f32 v11, v8;
	v45 =	vld.idx.msk [tilespmem:v60+s16+$0x0], $0xffff;
	v43 =	vor.u32 $0x3A, v20  }
0x1e4: {  	v47 =	vld [tilespmem:s17+$0x1C00];
	v44 =	vsub.f32 v59, v58;
	v26 =	vmul.f32 v39, v39;
	v24 =	vadd.f32 v38, v24  }
0x1e5: {  	v8 =	vmul.f32 v8, v8;
	v6 =	vsub.f32 v7, v6;
	v27 =	vld [tilespmem:s17+$0x1F00];
	v48 =	vor.u32 $0x3B, v20  }
0x1e6: {  	v50 =	vld.idx.msk [tilespmem:v37+s16+$0x0], $0xffff;
	v25 =	vmul.f32 v44, v44;
	v49 =	vsub.f32 v36, v63;
	v24 =	vadd.f32 v26, v24  }
0x1e7: {  	v5 =	vsub.f32 v19, v5;
	v52 =	vor.u32 $0x3C, v20;
	v41 =	vmul.f32 v23, v23;
	v51 =	vld [tilespmem:s17+$0x1C80]  }
0x1e8: {  	v55 =	vld [tilespmem:s17+$0x1D00];
	v23 =	vsub.f32 v42, v40;
	v53 =	vmul.f32 v49, v49;
	v24 =	vadd.f32 v25, v24  }
0x1e9: {  	v6 =	vmul.f32 v6, v6;
	v54 =	vld.idx.msk [tilespmem:v43+s16+$0x0], $0xffff;
	v46 =	vadd.f32 v41, v21;
	v21 =	vsub.f32 v47, v45  }
0x1ea: {  	v57 =	vld [tilespmem:s17+$0x1D80];
	v23 =	vmul.f32 v23, v23;
	v56 =	vor.u32 $0x3D, v20;
	v24 =	vadd.f32 v53, v24  }
0x1eb: {  	v17 =	vsub.f32 v18, v17;
	v58 =	vor.u32 $0x3E, v20;
	v22 =	vld.idx.msk [tilespmem:v48+s16+$0x0], $0xffff;
	v8 =	vadd.f32 v8, v46  }
0x1ec: {  	v60 =	vld [tilespmem:s17+$0x1E00];
	v21 =	vmul.f32 v21, v21;
	v7 =	vsub.f32 v51, v50;
	v23 =	vadd.f32 v23, v24  }
0x1ed: {  	v5 =	vmul.f32 v5, v5;
	v59 =	vld.idx.msk [tilespmem:v52+s16+$0x0], $0xffff;
	v6 =	vadd.f32 v6, v8;
	v20 =	vor.u32 $0x3F, v20  }
0x1ee: {  	v63 =	vld [tilespmem:s17+$0x1E80];
	v11 =	vsub.f32 v55, v54;
	v7 =	vmul.f32 v7, v7;
	v21 =	vadd.f32 v21, v23  }
0x1ef: {  	v14 =	vsub.f32 v16, v14;
	v62 =	vmul.f32 v17, v17;
	v5 =	vadd.f32 v5, v6;
	v61 =	vld.idx.msk [tilespmem:v56+s16+$0x0], $0xffff  }
0x1f0: {  	v31 =	vld [tilespmem:s17+$0x1F80];
	v8 =	vsub.f32 v57, v22;
	v11 =	vmul.f32 v11, v11;
	v7 =	vadd.f32 v7, v21  }
0x1f1: {  	v13 =	vsub.f32 v15, v13;
	v5 =	vadd.f32 v62, v5;
	v26 =	vmul.f32 v14, v14;
	v25 =	vld.idx.msk [tilespmem:v58+s16+$0x0], $0xffff  }
0x1f2: {  	v28 =	vsub.f32 v60, v59;
	v8 =	vmul.f32 v8, v8;
	v29 =	vld.idx.msk [tilespmem:v20+s16+$0x0], $0xffff;
	v7 =	vadd.f32 v11, v7  }
0x1f3: {  	v9 =	vsub.f32 v12, v9;
	v30 =	vmul.f32 v13, v13;
	v5 =	vadd.f32 v26, v5  }
0x1f4: {  	v32 =	vmul.f32 v28, v28;
	v33 =	vsub.f32 v63, v61;
	v7 =	vadd.f32 v8, v7  }
0x1f5: {  	v4 =	vsub.f32 v10, v4;
	v34 =	vmul.f32 v9, v9;
	v5 =	vadd.f32 v30, v5  }
0x1f6: {  	v35 =	vmul.f32 v33, v33;
	v36 =	vsub.f32 v27, v25;
	v7 =	vadd.f32 v32, v7  }
0x1f7: {  	v4 =	vmul.f32 v4, v4;
	v39 =	vsub.f32 v31, v29  }
0x1f8: {  	v5 =	vadd.f32 v34, v5;
	v38 =	vmul.f32 v36, v36;
	v37 =	vadd.f32 v35, v7;
	_ =	sdelay $0x1  }
0x1f9: {  	v41 =	vmul.f32 v39, v39;
	v4 =	vadd.f32 v4, v5;
	v40 =	vadd.f32 v38, v37;
	_ =	sdelay $0x1  }
0x1fa: {  	v42 =	vshra.s32 v4, $0x1;
	v43 =	vmul.f32 $5.000000000e-01, v4;
	v5 =	vadd.f32 v41, v40  }
0x1fb: {  	v7 =	vsub.s32 $0x5F3759DF, v42  }
0x1fc: {  	v44 =	vmul.f32 v7, v43;
	v45 =	vshra.s32 v5, $0x1;
	v46 =	vmul.f32 $5.000000000e-01, v5  }
0x1fd: {  	v9 =	vsub.s32 $0x5F3759DF, v45  }
0x1fe: {  	v6 =	vmul.f32 v7, v44;
	v47 =	vmul.f32 v9, v46;
	_ =	sdelay $0x1  }
0x1ff: {  	v6 =	vsub.f32 $1.500000000e+00, v6;
	v11 =	vmul.f32 v9, v47;
	_ =	sdelay $0x1  }
0x200: {  	v6 =	vmul.f32 v7, v6;
	v48 =	vsub.f32 $1.500000000e+00, v11;
	_ =	sdelay $0x1  }
0x201: {  	v49 =	vmul.f32 v6, v43;
	v7 =	vmul.f32 v9, v48;
	_ =	sdelay $0x1  }
0x202: {  	v50 =	vmul.f32 v49, v6;
	v51 =	vmul.f32 v7, v46;
	_ =	sdelay $0x1  }
0x203: {  	v9 =	vsub.f32 $1.500000000e+00, v50;
	v11 =	vmul.f32 v51, v7;
	_ =	sdelay $0x1  }
0x204: {  	v6 =	vmul.f32 v9, v6;
	v52 =	vsub.f32 $1.500000000e+00, v11;
	_ =	sdelay $0x1  }
0x205: {  	v53 =	vmul.f32 v6, v43;
	v7 =	vmul.f32 v52, v7;
	_ =	sdelay $0x1  }
0x206: {  	v56 =	vld [tilespmem:s15+$0x18400];
	v54 =	vmul.f32 v53, v6;
	v55 =	vmul.f32 v7, v46;
	_ =	sdelay $0x1  }
0x207: {  	v57 =	vld [tilespmem:s18+$0x18400];
	v9 =	vsub.f32 $1.500000000e+00, v54;
	v11 =	vmul.f32 v55, v7;
	_ =	sdelay $0x1  }
0x208: {  	v6 =	vmul.f32 v9, v6;
	v11 =	vsub.f32 $1.500000000e+00, v11  }
0x209: {  	(erf) = vrcp.f32 v56  }
0x20a: {  	v8 =	vmul.f32 v6, v43;
	v7 =	vmul.f32 v11, v7  }
0x20b: {  	(erf) = vrcp.f32 v57  }
0x20c: {  	v8 =	vmul.f32 v8, v6;
	v58 =	vmul.f32 v7, v46;
	_ =	sdelay $0x1  }
0x20d: {  	v8 =	vsub.f32 $1.500000000e+00, v8;
	v9 =	vmul.f32 v58, v7;
	_ =	sdelay $0x1  }
0x20e: {  	v6 =	vmul.f32 v8, v6;
	v59 =	vsub.f32 $1.500000000e+00, v9;
	_ =	sdelay $0x1  }
0x20f: {  	v4 =	vmul.f32 v6, v4;
	v60 =	vmul.f32 v59, v7  }
0x210: {  	[tilespmem:$0x18610] =	vst v2;
	v61 =	vpop (erf)  }
0x211: {  	[tilespmem:$0x18620] =	vst v2;
	v4 =	vmul.f32 v4, v61;
	v5 =	vmul.f32 v60, v5  }
0x212: {  	[tilespmem:$0x18630] =	vst v2;
	v62 =	vpop (erf)  }
0x213: {  	[tilespmem:$0x18640] =	vst v2;
	v3 =	vadd.f32 v4, v3;
	v63 =	vmul.f32 v5, v62  }
0x214: {  	[tilespmem:$0x18650] =	vst v2  }
0x215: {  	[tilespmem:$0x18660] =	vst v2;
	v3 =	vadd.f32 v63, v3  }
0x216: {  	[tilespmem:$0x18670] =	vst v2  }
0x217: {  	[tilespmem:$0x18600] =	vst v3  }
0x218: {  	[spmem:s10] =	stream.linear.scatter [tilespmem:s31], [sflag:$0x2], $0x80, $0x38;
	[tilespmem:$0x18F80] =	vst v63  }
0x219: {  	_ =	swait.ge [sflag:s13], $0x80  }
0x21a: {  	[sflag:s13] =	ssyncset.done $0x0  }
0x21b: {  	[sflag:s13] =	ssyncadd.s32 $0xFFFFFF80  }
0x21c: {  	s15 =	simm.s32 @!p0 $0x18680;
	[bflag:$0x0] =	sbarrier.arrive $0xFFFF  }
0x21d: {  	[tilespmem:s15], [sflag:$0x2] =	stream.linear.gather @!p0 [spmem:s1], $0x800, $0x38;
	[tilespmem:$0x18F80] =	vst v63  }
0x21e: {  	s15 =	simm.s32 @!p0 $0x2  }
0x21f: {  	_ =	swait.ge @!p0 [sflag:s15], $0x800  }
0x220: {  	[sflag:s15] =	ssyncset.done @!p0 $0x0  }
0x221: {  	[sflag:s15] =	ssyncadd.s32 @!p0 $0xFFFFF800  }
0x222: {  	v3 =	vld @!p0 [tilespmem:$0x18680];
	_ =	sdelay $0x1  }
0x223: {  	v4 =	vld @!p0 [tilespmem:$0x18700];
	_ =	sdelay $0x1  }
0x224: {  	v5 =	vld @!p0 [tilespmem:$0x18780]  }
0x225: {  	v3 =	vadd.f32 @!p0 $0.0e+00, v3  }
0x226: {  	v6 =	vld @!p0 [tilespmem:$0x18800]  }
0x227: {  	v3 =	vadd.f32 @!p0 v4, v3  }
0x228: {  	v4 =	vld @!p0 [tilespmem:$0x18880]  }
0x229: {  	v3 =	vadd.f32 @!p0 v5, v3  }
0x22a: {  	v5 =	vld @!p0 [tilespmem:$0x18900]  }
0x22b: {  	v3 =	vadd.f32 @!p0 v6, v3  }
0x22c: {  	v6 =	vld @!p0 [tilespmem:$0x18980]  }
0x22d: {  	v3 =	vadd.f32 @!p0 v4, v3  }
0x22e: {  	v4 =	vld @!p0 [tilespmem:$0x18A00]  }
0x22f: {  	v3 =	vadd.f32 @!p0 v5, v3  }
0x230: {  	v5 =	vld @!p0 [tilespmem:$0x18A80]  }
0x231: {  	v3 =	vadd.f32 @!p0 v6, v3  }
0x232: {  	v6 =	vld @!p0 [tilespmem:$0x18B00]  }
0x233: {  	v3 =	vadd.f32 @!p0 v4, v3  }
0x234: {  	v4 =	vld @!p0 [tilespmem:$0x18B80]  }
0x235: {  	v3 =	vadd.f32 @!p0 v5, v3  }
0x236: {  	v5 =	vld @!p0 [tilespmem:$0x18C00]  }
0x237: {  	v3 =	vadd.f32 @!p0 v6, v3  }
0x238: {  	v6 =	vld @!p0 [tilespmem:$0x18C80]  }
0x239: {  	v3 =	vadd.f32 @!p0 v4, v3  }
0x23a: {  	v4 =	vld @!p0 [tilespmem:$0x18D00]  }
0x23b: {  	v3 =	vadd.f32 @!p0 v5, v3  }
0x23c: {  	v5 =	vld @!p0 [tilespmem:$0x18D80]  }
0x23d: {  	v3 =	vadd.f32 @!p0 v6, v3  }
0x23e: {  	v6 =	vld @!p0 [tilespmem:$0x18E00]  }
0x23f: {  	v3 =	vadd.f32 @!p0 v4, v3;
	_ =	sdelay $0x1  }
0x240: {  	v3 =	vadd.f32 @!p0 v5, v3;
	_ =	sdelay $0x1  }
0x241: {  	v3 =	vadd.f32 @!p0 v6, v3;
	_ =	sdelay $0x1  }
0x242: {  	(xrf2) =	vadd.scan.msk.f32 @!p0 $0xffff, v3;
	_ =	sdelay $0x9  }
0x243: {  	v3, _, _ =	vpop @!p0 (xrf2)  }
0x244: {  	v3 =	vbroadcast @!p0 v3, $0xF;
	_ =	sdelay $0x1  }
0x245: {  	[tilespmem:$0x18E80] =	vst @!p0 v3  }
0x246: {  	[tilespmem:$0x18E90] =	vst @!p0 v3  }
0x247: {  	[tilespmem:$0x18EA0] =	vst @!p0 v3  }
0x248: {  	[tilespmem:$0x18EB0] =	vst @!p0 v3  }
0x249: {  	[tilespmem:$0x18EC0] =	vst @!p0 v3  }
0x24a: {  	s0 =	sadd.s32 $0x1, s0;
	[tilespmem:$0x18ED0] =	vst @!p0 v3  }
0x24b: {  	p1 =	sne.s32 s0, s12;
	[tilespmem:$0x18EE0] =	vst @!p0 v3  }
.Ltmp1:
0x24c: {  	s17 =	simm.s32 @!p0 $0x0;
	s18 =	simm.s32 @!p0 $0x18E80;
	[tilespmem:$0x18EF0] =	vst @!p0 v3;
	(pc) =	sbr.rel @p1 .LBB2_1-.Ltmp1, $4  }
0x24d: {  	[hbm4b:s11+s17] =	stream.linear.scatter @!p0 [tilespmem:s18], [sflag:$0x2], $0x80, $0x38;
	[tilespmem:$0x18F80] =	vst v63  }
0x24e: {  	_ =	swait.ge @!p0 [sflag:s15], $0x80  }
0x24f: {  	[sflag:s15] =	ssyncset.done @!p0 $0x0  }
0x250: {  	[sflag:s15] =	ssyncadd.s32 @!p0 $0xFFFFFF80  }
0x251: {  	_ =	sfence.sel $0x180000  }
0x252: {  	[bflag:$0x0] =	sbarrier.arrive $0xFFFF  }
0x253: {  	_ =	strace $0x9000004A  }
0x254: {  	[bflag:$0x2] =	sbarrier.arrive $0xFFFF  }
0x255: {  	s0 =	rddreg [dreg:$0x4]  }
0x256: {  	s0 =	sadd.s32 @!p0 $0x100000, s0  }
0x257: {  	[sflag:s0] =	ssyncadd.tile.s32 @!p0 $0x1;
	_ =	shalt  }
.Lfunc_end2:
_tile_overlayer_lowered:
.L_overlay_start_2:
0x258: {  	(tag) =	ssettag $0x2  }
0x259: {  	s0 =	rddreg [dreg:$0x0];
	s2 =	stileid.u32  }
0x25a: {  	s1 =	rddreg [dreg:$0x1];
	p0 =	sne.s32 s2, $0x0  }
0x25b: {  	s3 =	rddreg [dreg:$0x2];
	[bflag:$0x3] =	sbarrier.arrive $0xFFFF;
	s2 =	simm.s32 @!p0 $0x1C02  }
0x25c: {  	[timem:s3], [sflag:s2] =	dma.local @!p0 [hbm:s0], s1  }
0x25d: {  	s0 =	simm.s32 @!p0 $0x2  }
0x25e: {  	_ =	swait.ge @!p0 [sflag:s0], s1  }
0x25f: {  	s1 =	ssub.s32 @!p0 $0x0, s1;
	[sflag:s0] =	ssyncset.done @!p0 $0x0  }
0x260: {  	[sflag:s0] =	ssyncadd.s32 @!p0 s1  }
0x261: {  	[bflag:$0x3] =	sbarrier.arrive $0xFFFF  }
0x262: {  	_ =	shalt  }

</sc_bundles>
